<compile_context>
chip_gen: v7x
topology: tpu7x:2x2x1
jax: 0.10.2.dev20260603
libtpu: 0.0.44.dev20260713+nightly
codegen_flags: <defaults>
</compile_context>

<pallas_src>
import functools

import jax
import jax.numpy as jnp
from jax import lax
from jax.experimental import pallas as pl
from jax.experimental.pallas import tpu as pltpu
from jax.experimental.pallas import tpu_sc as plsc

D_MODEL = 64
R_CHUNK = 4
NBUF = 2
SPLITS = ((0, 128), (128, 72))


def _gather_impl(x, emb_weight):
    B, L = x.shape
    info = plsc.get_sparse_core_info()
    NC, NS = info.num_cores, info.num_subcores
    NW = NC * NS
    rows_per_w = B // NW
    n_chunks = rows_per_w // R_CHUNK
    assert n_chunks % NBUF == 0
    mesh = plsc.VectorSubcoreMesh(core_axis_name="c", subcore_axis_name="s")

    @functools.partial(
        pl.kernel,
        mesh=mesh,
        out_type=jax.ShapeDtypeStruct((B, L, D_MODEL), jnp.float32),
        scratch_types=[
            pltpu.VMEM((NBUF, R_CHUNK, L), jnp.int32),
            pltpu.VMEM((NBUF, R_CHUNK, L, D_MODEL), jnp.float32),
            pltpu.SemaphoreType.DMA,
            pltpu.SemaphoreType.DMA,
            pltpu.SemaphoreType.DMA,
        ],
        compiler_params=pltpu.CompilerParams(use_tc_tiling_on_sc=False),
    )
    def k(x_hbm, tab_hbm, out_hbm, idx_v, rows_v, isem, gsem, osem):
        wid = lax.axis_index("s") * NC + lax.axis_index("c")
        base = wid * rows_per_w

        def issue_idx(i, b):
            pltpu.async_copy(
                x_hbm.at[pl.ds(base + i * R_CHUNK, R_CHUNK)],
                idx_v.at[b], isem)

        def wait_idx(b):
            pltpu.make_async_copy(
                x_hbm.at[pl.ds(0, R_CHUNK)], idx_v.at[b], isem).wait()

        def issue_gathers(b):
            for r in range(R_CHUNK):
                for (o, ln) in SPLITS:
                    pltpu.async_copy(
                        tab_hbm.at[idx_v.at[b, r, pl.ds(o, ln)]],
                        rows_v.at[b, r, pl.ds(o, ln)],
                        gsem,
                    )

        def wait_gathers(b):
            for r in range(R_CHUNK):
                for (o, ln) in SPLITS:
                    pltpu.make_async_copy(
                        out_hbm.at[0, pl.ds(o, ln)],
                        rows_v.at[b, r, pl.ds(o, ln)],
                        gsem,
                    ).wait()

        def issue_out(i, b):
            pltpu.async_copy(
                rows_v.at[b],
                out_hbm.at[pl.ds(base + i * R_CHUNK, R_CHUNK)], osem)

        def wait_out(b):
            pltpu.make_async_copy(
                rows_v.at[b],
                out_hbm.at[pl.ds(0, R_CHUNK)], osem).wait()

        for b in range(NBUF):
            issue_idx(b, b)

        def pair_body(t, carry):
            for b in range(NBUF):
                i = t * NBUF + b

                @pl.when(i >= NBUF)
                def _():
                    wait_out(b)

                wait_idx(b)
                issue_gathers(b)
                wait_gathers(b)
                issue_out(i, b)

                @pl.when(i + NBUF < n_chunks)
                def _():
                    issue_idx(i + NBUF, b)
            return carry

        lax.fori_loop(0, n_chunks // NBUF, pair_body, 0)

        for b in range(NBUF):
            wait_out(b)

    return k(x, emb_weight)




TAB_CHUNK = 320


def _pack_pairs(emb_weight):
    V = emb_weight.shape[0]
    info = plsc.get_sparse_core_info()
    NC, NS = info.num_cores, info.num_subcores
    NW = NC * NS
    n_chunks = V // TAB_CHUNK
    rounds = (n_chunks + NW - 1) // NW
    assert rounds % NBUF == 0
    mesh = plsc.VectorSubcoreMesh(core_axis_name="c", subcore_axis_name="s")

    @functools.partial(
        pl.kernel,
        mesh=mesh,
        out_type=jax.ShapeDtypeStruct((V // 2, 128), jnp.float32),
        scratch_types=[
            pltpu.VMEM((NBUF, TAB_CHUNK, D_MODEL), jnp.float32),
            pltpu.VMEM((NBUF, TAB_CHUNK // 2, 2 * D_MODEL), jnp.float32),
            pltpu.SemaphoreType.DMA,
            pltpu.SemaphoreType.DMA,
        ],
        compiler_params=pltpu.CompilerParams(
            use_tc_tiling_on_sc=True, needs_layout_passes=False),
    )
    def k(tab_hbm, tabp_hbm, v64, v128, rsem, wsem):
        wid = lax.axis_index("s") * NC + lax.axis_index("c")

        def chunk_of(j):
            return wid + j * NW

        def issue_read(j, b):
            c = chunk_of(j)

            @pl.when(c < n_chunks)
            def _():
                pltpu.async_copy(
                    tab_hbm.at[pl.ds(pl.multiple_of(c * TAB_CHUNK, 8),
                                     TAB_CHUNK)],
                    v64.at[b], rsem)

        def wait_read(j, b):
            @pl.when(chunk_of(j) < n_chunks)
            def _():
                pltpu.make_async_copy(
                    tab_hbm.at[pl.ds(0, TAB_CHUNK)], v64.at[b], rsem).wait()

        def repack(j, b):
            @pl.when(chunk_of(j) < n_chunks)
            def _():
                lane = lax.iota(jnp.int32, 16)
                cols = [lane + 16 * j4 for j4 in range(4)]

                def body(g, carry):
                    k0 = pl.multiple_of(g * 4, 4)
                    for dk in range(4):
                        kk = k0 + dk
                        krow = jnp.full((16,), kk, jnp.int32)
                        for half in range(2):
                            rows = jnp.full((16,), 2 * kk + half, jnp.int32)
                            for j4 in range(4):
                                val = plsc.load_gather(
                                    v64.at[b], [rows, cols[j4]])
                                plsc.store_scatter(
                                    v128.at[b],
                                    [krow, cols[j4] + 64 * half], val)
                    return carry

                lax.fori_loop(0, TAB_CHUNK // 8, body, 0)

        def issue_write(j, b):
            c = chunk_of(j)

            @pl.when(c < n_chunks)
            def _():
                pltpu.async_copy(
                    v128.at[b],
                    tabp_hbm.at[pl.ds(
                        pl.multiple_of(c * (TAB_CHUNK // 2), 8),
                        TAB_CHUNK // 2)],
                    wsem)

        def wait_write(j, b):
            @pl.when(chunk_of(j) < n_chunks)
            def _():
                pltpu.make_async_copy(
                    v128.at[b],
                    tabp_hbm.at[pl.ds(0, TAB_CHUNK // 2)], wsem).wait()

        for b in range(NBUF):
            issue_read(b, b)

        def pair_body(t, carry):
            for b in range(NBUF):
                j = t * NBUF + b

                @pl.when(j >= NBUF)
                def _():
                    wait_write(j - NBUF, b)

                wait_read(j, b)
                repack(j, b)
                issue_write(j, b)

                @pl.when(j + NBUF < rounds)
                def _():
                    issue_read(j + NBUF, b)
            return carry

        lax.fori_loop(0, rounds // NBUF, pair_body, 0)

        for b in range(NBUF):
            wait_write(rounds - NBUF + b, b)

    return k(emb_weight)


def kernel(x, emb_weight):
    tabp = _pack_pairs(emb_weight)
    tab_lin = tabp.reshape(emb_weight.shape[0], D_MODEL)
    return _gather_impl(x.astype(jnp.int32), tab_lin)

# --- scband reference (transcript-rebuilt; emitter-appended) ---
"""Pipeline reference for scband-mirror-shadow-embedding-66039417143814 (READ-ONLY COPY).

The authoritative reference and input builder live on the scoring server;
editing this copy changes nothing except your own understanding.
"""

import jax, jax.numpy as jnp
import numpy as np

VOCAB = 1000000
D_MODEL = 64
B = 4096
L = 200

def setup_inputs(seed: int = 0) -> dict:
    key = jax.random.key(seed)
    k_idx, k_emb = jax.random.split(key)
    x = jax.random.randint(k_idx, (B, L), 0, VOCAB, dtype=jnp.int64 if jax.config.jax_enable_x64 else jnp.int32)
    emb_weight = jax.random.normal(k_emb, (VOCAB, D_MODEL), dtype=jnp.float32)
    return {"x": x, "emb_weight": emb_weight}

def reference(x, emb_weight):
    # MirrorShadowEmbedding.forward with to_shadow_space=False (default):
    # a plain embedding lookup (gather) of shape (B, L, d_model).
    embed = jnp.take(emb_weight, x, axis=0)
    return embed

if __name__ == "__main__":
    import jax
    _d = setup_inputs()
    print(jax.jit(kernel)(*tuple(_d.values())))

</pallas_src>

<mosaic_0001>
#map = affine_map<(d0, d1) -> (0, 0)>
module attributes {stable_mosaic.version = 14 : i64} {
  func.func @k(%arg0: i32, %arg1: i32, %arg2: memref<1000000x64xf32, #tpu.memory_space<hbm>>, %arg3: memref<500000x128xf32, #tpu.memory_space<hbm>>, %arg4: memref<2x320x64xf32, #tpu.memory_space<vmem>>, %arg5: memref<2x160x128xf32, #tpu.memory_space<vmem>>, %arg6: memref<!tpu.dma_semaphore, #tpu.memory_space<semaphore_mem>>, %arg7: memref<!tpu.dma_semaphore, #tpu.memory_space<semaphore_mem>>) attributes {dimension_semantics = [#tpu.dimension_semantics<core_parallel>, #tpu.dimension_semantics<subcore_parallel>], iteration_bounds = array<i64: 2, 16>, scalar_prefetch = 0 : i64, scratch_operands = 4 : i64, tpu.core_type = #tpu.core_type<sc_vector_subcore>, window_params = [{transform_indices = #map}, {transform_indices = #map}]} {
    %mul3A = arith.constant 2 : i32
    %mul3A_0 = arith.muli %arg1, %mul3A : i32
    %add3A = arith.addi %mul3A_0, %arg0 : i32
    %add3A_1 = arith.constant 0 : i32
    %add3A_2 = arith.addi %add3A, %add3A_1 : i32
    %lt3A = arith.constant 3125 : i32
    %lt3A_3 = arith.cmpi slt, %add3A_2, %lt3A : i32
    %convert_element_type3A = arith.extui %lt3A_3 : i1 to i32
    %cond3A = arith.constant 0 : i32
    %cond3A_4 = arith.cmpi ne, %convert_element_type3A, %cond3A : i32
    scf.if %cond3A_4 {
      %mul3A_31 = arith.constant 320 : i32
      %mul3A_32 = arith.muli %add3A_2, %mul3A_31 : i32
      %multiple_of3A = tpu.assume_multiple %mul3A_32, 8 : i32
      %dma_start3A = arith.constant 0 : i32
      %dma_start3A_33 = arith.constant 0 : i32
      %dma_start3A_34 = arith.constant 0 : i32
      %dma_start3A_35 = tpu.memref_slice %arg4[%dma_start3A, %dma_start3A_33, %dma_start3A_34] : memref<2x320x64xf32, #tpu.memory_space<vmem>> -> memref<1x320x64xf32, #tpu.memory_space<vmem>>
      %dma_start3A_36 = tpu.memref_squeeze %dma_start3A_35 : memref<1x320x64xf32, #tpu.memory_space<vmem>> -> memref<320x64xf32, #tpu.memory_space<vmem>>
      %dma_start3A_37 = arith.constant 0 : i32
      %dma_start3A_38 = tpu.memref_slice %arg2[%multiple_of3A, %dma_start3A_37] : memref<1000000x64xf32, #tpu.memory_space<hbm>> -> memref<320x64xf32, #tpu.memory_space<hbm>>
      %dma_start3A_39 = arith.constant 0 : i32
      %dma_start3A_40 = arith.constant 0 : i32
      %dma_start3A_41 = tpu.memref_slice %arg4[%dma_start3A, %dma_start3A_39, %dma_start3A_40] : memref<2x320x64xf32, #tpu.memory_space<vmem>> -> memref<1x320x64xf32, #tpu.memory_space<vmem>>
      %dma_start3A_42 = tpu.memref_squeeze %dma_start3A_41 : memref<1x320x64xf32, #tpu.memory_space<vmem>> -> memref<320x64xf32, #tpu.memory_space<vmem>>
      %dma_start3A_43 = arith.constant 0 : i32
      %dma_start3A_44 = tpu.memref_slice %arg2[%multiple_of3A, %dma_start3A_43] : memref<1000000x64xf32, #tpu.memory_space<hbm>> -> memref<320x64xf32, #tpu.memory_space<hbm>>
      tpu.enqueue_dma source(%dma_start3A_44 : memref<320x64xf32, #tpu.memory_space<hbm>>) target(%dma_start3A_42 : memref<320x64xf32, #tpu.memory_space<vmem>>) target_semaphore(%arg6 : memref<!tpu.dma_semaphore, #tpu.memory_space<semaphore_mem>>)
    } else {
    }
    %add3A_5 = arith.constant 32 : i32
    %add3A_6 = arith.addi %add3A, %add3A_5 : i32
    %lt3A_7 = arith.constant 3125 : i32
    %lt3A_8 = arith.cmpi slt, %add3A_6, %lt3A_7 : i32
    %convert_element_type3A_9 = arith.extui %lt3A_8 : i1 to i32
    %cond3A_10 = arith.constant 0 : i32
    %cond3A_11 = arith.cmpi ne, %convert_element_type3A_9, %cond3A_10 : i32
    scf.if %cond3A_11 {
      %mul3A_31 = arith.constant 320 : i32
      %mul3A_32 = arith.muli %add3A_6, %mul3A_31 : i32
      %multiple_of3A = tpu.assume_multiple %mul3A_32, 8 : i32
      %dma_start3A = arith.constant 1 : i32
      %dma_start3A_33 = arith.constant 0 : i32
      %dma_start3A_34 = arith.constant 0 : i32
      %dma_start3A_35 = tpu.memref_slice %arg4[%dma_start3A, %dma_start3A_33, %dma_start3A_34] : memref<2x320x64xf32, #tpu.memory_space<vmem>> -> memref<1x320x64xf32, #tpu.memory_space<vmem>>
      %dma_start3A_36 = tpu.memref_squeeze %dma_start3A_35 : memref<1x320x64xf32, #tpu.memory_space<vmem>> -> memref<320x64xf32, #tpu.memory_space<vmem>>
      %dma_start3A_37 = arith.constant 0 : i32
      %dma_start3A_38 = tpu.memref_slice %arg2[%multiple_of3A, %dma_start3A_37] : memref<1000000x64xf32, #tpu.memory_space<hbm>> -> memref<320x64xf32, #tpu.memory_space<hbm>>
      %dma_start3A_39 = arith.constant 0 : i32
      %dma_start3A_40 = arith.constant 0 : i32
      %dma_start3A_41 = tpu.memref_slice %arg4[%dma_start3A, %dma_start3A_39, %dma_start3A_40] : memref<2x320x64xf32, #tpu.memory_space<vmem>> -> memref<1x320x64xf32, #tpu.memory_space<vmem>>
      %dma_start3A_42 = tpu.memref_squeeze %dma_start3A_41 : memref<1x320x64xf32, #tpu.memory_space<vmem>> -> memref<320x64xf32, #tpu.memory_space<vmem>>
      %dma_start3A_43 = arith.constant 0 : i32
      %dma_start3A_44 = tpu.memref_slice %arg2[%multiple_of3A, %dma_start3A_43] : memref<1000000x64xf32, #tpu.memory_space<hbm>> -> memref<320x64xf32, #tpu.memory_space<hbm>>
      tpu.enqueue_dma source(%dma_start3A_44 : memref<320x64xf32, #tpu.memory_space<hbm>>) target(%dma_start3A_42 : memref<320x64xf32, #tpu.memory_space<vmem>>) target_semaphore(%arg6 : memref<!tpu.dma_semaphore, #tpu.memory_space<semaphore_mem>>)
    } else {
    }
    %scan3A = arith.constant 0 : i32
    %scan3A_12 = arith.constant 0 : i32
    %scan3A_13 = arith.constant 49 : i32
    %scan3A_14 = arith.addi %scan3A_12, %scan3A_13 : i32
    %scan3A_15 = arith.constant 1 : i32
    scf.for %scan3A_31 = %scan3A_12 to %scan3A_14 step %scan3A_15  : i32 {
      %mul3A_32 = arith.constant 2 : i32
      %mul3A_33 = arith.muli %scan3A_31, %mul3A_32 : i32
      %add3A_34 = arith.constant 0 : i32
      %add3A_35 = arith.addi %mul3A_33, %add3A_34 : i32
      %ge3A = arith.constant 2 : i32
      %ge3A_36 = arith.cmpi sge, %add3A_35, %ge3A : i32
      %convert_element_type3A_37 = arith.extui %ge3A_36 : i1 to i32
      %cond3A_38 = arith.constant 0 : i32
      %cond3A_39 = arith.cmpi ne, %convert_element_type3A_37, %cond3A_38 : i32
      scf.if %cond3A_39 {
        %sub3A = arith.constant 2 : i32
        %sub3A_111 = arith.subi %add3A_35, %sub3A : i32
        %mul3A_112 = arith.constant 32 : i32
        %mul3A_113 = arith.muli %sub3A_111, %mul3A_112 : i32
        %add3A_114 = arith.addi %add3A, %mul3A_113 : i32
        %lt3A_115 = arith.constant 3125 : i32
        %lt3A_116 = arith.cmpi slt, %add3A_114, %lt3A_115 : i32
        %convert_element_type3A_117 = arith.extui %lt3A_116 : i1 to i32
        %cond3A_118 = arith.constant 0 : i32
        %cond3A_119 = arith.cmpi ne, %convert_element_type3A_117, %cond3A_118 : i32
        scf.if %cond3A_119 {
          %dma_wait3A = arith.constant 0 : i32
          %dma_wait3A_120 = arith.constant 0 : i32
          %dma_wait3A_121 = arith.constant 0 : i32
          %dma_wait3A_122 = tpu.memref_slice %arg5[%dma_wait3A, %dma_wait3A_120, %dma_wait3A_121] : memref<2x160x128xf32, #tpu.memory_space<vmem>> -> memref<1x160x128xf32, #tpu.memory_space<vmem>>
          %dma_wait3A_123 = tpu.memref_squeeze %dma_wait3A_122 : memref<1x160x128xf32, #tpu.memory_space<vmem>> -> memref<160x128xf32, #tpu.memory_space<vmem>>
          %dma_wait3A_124 = arith.constant 0 : i32
          %dma_wait3A_125 = arith.constant 0 : i32
          %dma_wait3A_126 = tpu.memref_slice %arg3[%dma_wait3A_124, %dma_wait3A_125] : memref<500000x128xf32, #tpu.memory_space<hbm>> -> memref<160x128xf32, #tpu.memory_space<hbm>>
          %dma_wait3A_127 = arith.constant 0 : i32
          %dma_wait3A_128 = arith.constant 0 : i32
          %dma_wait3A_129 = tpu.memref_slice %arg3[%dma_wait3A_127, %dma_wait3A_128] : memref<500000x128xf32, #tpu.memory_space<hbm>> -> memref<160x128xf32, #tpu.memory_space<hbm>>
          %dma_wait3A_130 = arith.constant 0 : i32
          %dma_wait3A_131 = arith.constant 0 : i32
          %dma_wait3A_132 = tpu.memref_slice %arg5[%dma_wait3A, %dma_wait3A_130, %dma_wait3A_131] : memref<2x160x128xf32, #tpu.memory_space<vmem>> -> memref<1x160x128xf32, #tpu.memory_space<vmem>>
          %dma_wait3A_133 = tpu.memref_squeeze %dma_wait3A_132 : memref<1x160x128xf32, #tpu.memory_space<vmem>> -> memref<160x128xf32, #tpu.memory_space<vmem>>
          tpu.wait_dma2 semaphore(%arg7 : memref<!tpu.dma_semaphore, #tpu.memory_space<semaphore_mem>>) src(%dma_wait3A_133 : memref<160x128xf32, #tpu.memory_space<vmem>>) dst(%dma_wait3A_129 : memref<160x128xf32, #tpu.memory_space<hbm>>)
        } else {
        }
      } else {
      }
      %mul3A_40 = arith.constant 32 : i32
      %mul3A_41 = arith.muli %add3A_35, %mul3A_40 : i32
      %add3A_42 = arith.addi %add3A, %mul3A_41 : i32
      %lt3A_43 = arith.constant 3125 : i32
      %lt3A_44 = arith.cmpi slt, %add3A_42, %lt3A_43 : i32
      %convert_element_type3A_45 = arith.extui %lt3A_44 : i1 to i32
      %cond3A_46 = arith.constant 0 : i32
      %cond3A_47 = arith.cmpi ne, %convert_element_type3A_45, %cond3A_46 : i32
      scf.if %cond3A_47 {
        %dma_wait3A = arith.constant 0 : i32
        %dma_wait3A_111 = arith.constant 0 : i32
        %dma_wait3A_112 = arith.constant 0 : i32
        %dma_wait3A_113 = tpu.memref_slice %arg4[%dma_wait3A, %dma_wait3A_111, %dma_wait3A_112] : memref<2x320x64xf32, #tpu.memory_space<vmem>> -> memref<1x320x64xf32, #tpu.memory_space<vmem>>
        %dma_wait3A_114 = tpu.memref_squeeze %dma_wait3A_113 : memref<1x320x64xf32, #tpu.memory_space<vmem>> -> memref<320x64xf32, #tpu.memory_space<vmem>>
        %dma_wait3A_115 = arith.constant 0 : i32
        %dma_wait3A_116 = arith.constant 0 : i32
        %dma_wait3A_117 = tpu.memref_slice %arg2[%dma_wait3A_115, %dma_wait3A_116] : memref<1000000x64xf32, #tpu.memory_space<hbm>> -> memref<320x64xf32, #tpu.memory_space<hbm>>
        %dma_wait3A_118 = arith.constant 0 : i32
        %dma_wait3A_119 = arith.constant 0 : i32
        %dma_wait3A_120 = tpu.memref_slice %arg4[%dma_wait3A, %dma_wait3A_118, %dma_wait3A_119] : memref<2x320x64xf32, #tpu.memory_space<vmem>> -> memref<1x320x64xf32, #tpu.memory_space<vmem>>
        %dma_wait3A_121 = tpu.memref_squeeze %dma_wait3A_120 : memref<1x320x64xf32, #tpu.memory_space<vmem>> -> memref<320x64xf32, #tpu.memory_space<vmem>>
        %dma_wait3A_122 = arith.constant 0 : i32
        %dma_wait3A_123 = arith.constant 0 : i32
        %dma_wait3A_124 = tpu.memref_slice %arg2[%dma_wait3A_122, %dma_wait3A_123] : memref<1000000x64xf32, #tpu.memory_space<hbm>> -> memref<320x64xf32, #tpu.memory_space<hbm>>
        tpu.wait_dma2 semaphore(%arg6 : memref<!tpu.dma_semaphore, #tpu.memory_space<semaphore_mem>>) src(%dma_wait3A_124 : memref<320x64xf32, #tpu.memory_space<hbm>>) dst(%dma_wait3A_121 : memref<320x64xf32, #tpu.memory_space<vmem>>)
      } else {
      }
      %mul3A_48 = arith.constant 32 : i32
      %mul3A_49 = arith.muli %add3A_35, %mul3A_48 : i32
      %add3A_50 = arith.addi %add3A, %mul3A_49 : i32
      %lt3A_51 = arith.constant 3125 : i32
      %lt3A_52 = arith.cmpi slt, %add3A_50, %lt3A_51 : i32
      %convert_element_type3A_53 = arith.extui %lt3A_52 : i1 to i32
      %cond3A_54 = arith.constant 0 : i32
      %cond3A_55 = arith.cmpi ne, %convert_element_type3A_53, %cond3A_54 : i32
      scf.if %cond3A_55 {
        %iota3A = tpu.iota {dimensions = array<i32: 0>} : vector<16xi32>
        %add3A_111 = arith.constant 0 : i32
        %add3A_112 = vector.broadcast %add3A_111 : i32 to vector<16xi32>
        %add3A_113 = arith.addi %iota3A, %add3A_112 : vector<16xi32>
        %add3A_114 = arith.constant 16 : i32
        %add3A_115 = vector.broadcast %add3A_114 : i32 to vector<16xi32>
        %add3A_116 = arith.addi %iota3A, %add3A_115 : vector<16xi32>
        %add3A_117 = arith.constant 32 : i32
        %add3A_118 = vector.broadcast %add3A_117 : i32 to vector<16xi32>
        %add3A_119 = arith.addi %iota3A, %add3A_118 : vector<16xi32>
        %add3A_120 = arith.constant 48 : i32
        %add3A_121 = vector.broadcast %add3A_120 : i32 to vector<16xi32>
        %add3A_122 = arith.addi %iota3A, %add3A_121 : vector<16xi32>
        %scan3A_123 = arith.constant 0 : i32
        %scan3A_124 = arith.constant 0 : i32
        %scan3A_125 = arith.constant 40 : i32
        %scan3A_126 = arith.addi %scan3A_124, %scan3A_125 : i32
        %scan3A_127 = arith.constant 1 : i32
        scf.for %scan3A_129 = %scan3A_124 to %scan3A_126 step %scan3A_127  : i32 {
          %mul3A_130 = arith.constant 4 : i32
          %mul3A_131 = arith.muli %scan3A_129, %mul3A_130 : i32
          %multiple_of3A = tpu.assume_multiple %mul3A_131, 4 : i32
          %add3A_132 = arith.constant 0 : i32
          %add3A_133 = arith.addi %multiple_of3A, %add3A_132 : i32
          %broadcast_in_dim3A = vector.broadcast %add3A_133 : i32 to vector<16xi32>
          %mul3A_134 = arith.constant 2 : i32
          %mul3A_135 = arith.muli %mul3A_134, %add3A_133 : i32
          %add3A_136 = arith.constant 0 : i32
          %add3A_137 = arith.addi %mul3A_135, %add3A_136 : i32
          %broadcast_in_dim3A_138 = vector.broadcast %add3A_137 : i32 to vector<16xi32>
          %gather3A = arith.constant 0 : i32
          %gather3A_139 = arith.constant 0 : i32
          %gather3A_140 = arith.constant 0 : i32
          %gather3A_141 = tpu.memref_slice %arg4[%gather3A, %gather3A_139, %gather3A_140] : memref<2x320x64xf32, #tpu.memory_space<vmem>> -> memref<1x320x64xf32, #tpu.memory_space<vmem>>
          %gather3A_142 = tpu.memref_squeeze %gather3A_141 : memref<1x320x64xf32, #tpu.memory_space<vmem>> -> memref<320x64xf32, #tpu.memory_space<vmem>>
          %gather3A_143 = tpu.vector_load_idx %gather3A_142[%broadcast_in_dim3A_138, %add3A_113] : memref<320x64xf32, #tpu.memory_space<vmem>>[vector<16xi32>, vector<16xi32>], vector<16xf32>,
          %add3A_144 = arith.constant 0 : i32
          %add3A_145 = vector.broadcast %add3A_144 : i32 to vector<16xi32>
          %add3A_146 = arith.addi %add3A_113, %add3A_145 : vector<16xi32>
          %scatter3A = arith.constant 0 : i32
          %scatter3A_147 = arith.constant 0 : i32
          %scatter3A_148 = arith.constant 0 : i32
          %scatter3A_149 = tpu.memref_slice %arg5[%scatter3A, %scatter3A_147, %scatter3A_148] : memref<2x160x128xf32, #tpu.memory_space<vmem>> -> memref<1x160x128xf32, #tpu.memory_space<vmem>>
          %scatter3A_150 = tpu.memref_squeeze %scatter3A_149 : memref<1x160x128xf32, #tpu.memory_space<vmem>> -> memref<160x128xf32, #tpu.memory_space<vmem>>
          tpu.vector_store_idx %scatter3A_150[%broadcast_in_dim3A, %add3A_146], %gather3A_143 : memref<160x128xf32, #tpu.memory_space<vmem>>[vector<16xi32>, vector<16xi32>], vector<16xf32>,
          %gather3A_151 = arith.constant 0 : i32
          %gather3A_152 = arith.constant 0 : i32
          %gather3A_153 = arith.constant 0 : i32
          %gather3A_154 = tpu.memref_slice %arg4[%gather3A_151, %gather3A_152, %gather3A_153] : memref<2x320x64xf32, #tpu.memory_space<vmem>> -> memref<1x320x64xf32, #tpu.memory_space<vmem>>
          %gather3A_155 = tpu.memref_squeeze %gather3A_154 : memref<1x320x64xf32, #tpu.memory_space<vmem>> -> memref<320x64xf32, #tpu.memory_space<vmem>>
          %gather3A_156 = tpu.vector_load_idx %gather3A_155[%broadcast_in_dim3A_138, %add3A_116] : memref<320x64xf32, #tpu.memory_space<vmem>>[vector<16xi32>, vector<16xi32>], vector<16xf32>,
          %add3A_157 = arith.constant 0 : i32
          %add3A_158 = vector.broadcast %add3A_157 : i32 to vector<16xi32>
          %add3A_159 = arith.addi %add3A_116, %add3A_158 : vector<16xi32>
          %scatter3A_160 = arith.constant 0 : i32
          %scatter3A_161 = arith.constant 0 : i32
          %scatter3A_162 = arith.constant 0 : i32
          %scatter3A_163 = tpu.memref_slice %arg5[%scatter3A_160, %scatter3A_161, %scatter3A_162] : memref<2x160x128xf32, #tpu.memory_space<vmem>> -> memref<1x160x128xf32, #tpu.memory_space<vmem>>
          %scatter3A_164 = tpu.memref_squeeze %scatter3A_163 : memref<1x160x128xf32, #tpu.memory_space<vmem>> -> memref<160x128xf32, #tpu.memory_space<vmem>>
          tpu.vector_store_idx %scatter3A_164[%broadcast_in_dim3A, %add3A_159], %gather3A_156 : memref<160x128xf32, #tpu.memory_space<vmem>>[vector<16xi32>, vector<16xi32>], vector<16xf32>,
          %gather3A_165 = arith.constant 0 : i32
          %gather3A_166 = arith.constant 0 : i32
          %gather3A_167 = arith.constant 0 : i32
          %gather3A_168 = tpu.memref_slice %arg4[%gather3A_165, %gather3A_166, %gather3A_167] : memref<2x320x64xf32, #tpu.memory_space<vmem>> -> memref<1x320x64xf32, #tpu.memory_space<vmem>>
          %gather3A_169 = tpu.memref_squeeze %gather3A_168 : memref<1x320x64xf32, #tpu.memory_space<vmem>> -> memref<320x64xf32, #tpu.memory_space<vmem>>
          %gather3A_170 = tpu.vector_load_idx %gather3A_169[%broadcast_in_dim3A_138, %add3A_119] : memref<320x64xf32, #tpu.memory_space<vmem>>[vector<16xi32>, vector<16xi32>], vector<16xf32>,
          %add3A_171 = arith.constant 0 : i32
          %add3A_172 = vector.broadcast %add3A_171 : i32 to vector<16xi32>
          %add3A_173 = arith.addi %add3A_119, %add3A_172 : vector<16xi32>
          %scatter3A_174 = arith.constant 0 : i32
          %scatter3A_175 = arith.constant 0 : i32
          %scatter3A_176 = arith.constant 0 : i32
          %scatter3A_177 = tpu.memref_slice %arg5[%scatter3A_174, %scatter3A_175, %scatter3A_176] : memref<2x160x128xf32, #tpu.memory_space<vmem>> -> memref<1x160x128xf32, #tpu.memory_space<vmem>>
          %scatter3A_178 = tpu.memref_squeeze %scatter3A_177 : memref<1x160x128xf32, #tpu.memory_space<vmem>> -> memref<160x128xf32, #tpu.memory_space<vmem>>
          tpu.vector_store_idx %scatter3A_178[%broadcast_in_dim3A, %add3A_173], %gather3A_170 : memref<160x128xf32, #tpu.memory_space<vmem>>[vector<16xi32>, vector<16xi32>], vector<16xf32>,
          %gather3A_179 = arith.constant 0 : i32
          %gather3A_180 = arith.constant 0 : i32
          %gather3A_181 = arith.constant 0 : i32
          %gather3A_182 = tpu.memref_slice %arg4[%gather3A_179, %gather3A_180, %gather3A_181] : memref<2x320x64xf32, #tpu.memory_space<vmem>> -> memref<1x320x64xf32, #tpu.memory_space<vmem>>
          %gather3A_183 = tpu.memref_squeeze %gather3A_182 : memref<1x320x64xf32, #tpu.memory_space<vmem>> -> memref<320x64xf32, #tpu.memory_space<vmem>>
          %gather3A_184 = tpu.vector_load_idx %gather3A_183[%broadcast_in_dim3A_138, %add3A_122] : memref<320x64xf32, #tpu.memory_space<vmem>>[vector<16xi32>, vector<16xi32>], vector<16xf32>,
          %add3A_185 = arith.constant 0 : i32
          %add3A_186 = vector.broadcast %add3A_185 : i32 to vector<16xi32>
          %add3A_187 = arith.addi %add3A_122, %add3A_186 : vector<16xi32>
          %scatter3A_188 = arith.constant 0 : i32
          %scatter3A_189 = arith.constant 0 : i32
          %scatter3A_190 = arith.constant 0 : i32
          %scatter3A_191 = tpu.memref_slice %arg5[%scatter3A_188, %scatter3A_189, %scatter3A_190] : memref<2x160x128xf32, #tpu.memory_space<vmem>> -> memref<1x160x128xf32, #tpu.memory_space<vmem>>
          %scatter3A_192 = tpu.memref_squeeze %scatter3A_191 : memref<1x160x128xf32, #tpu.memory_space<vmem>> -> memref<160x128xf32, #tpu.memory_space<vmem>>
          tpu.vector_store_idx %scatter3A_192[%broadcast_in_dim3A, %add3A_187], %gather3A_184 : memref<160x128xf32, #tpu.memory_space<vmem>>[vector<16xi32>, vector<16xi32>], vector<16xf32>,
          %mul3A_193 = arith.constant 2 : i32
          %mul3A_194 = arith.muli %mul3A_193, %add3A_133 : i32
          %add3A_195 = arith.constant 1 : i32
          %add3A_196 = arith.addi %mul3A_194, %add3A_195 : i32
          %broadcast_in_dim3A_197 = vector.broadcast %add3A_196 : i32 to vector<16xi32>
          %gather3A_198 = arith.constant 0 : i32
          %gather3A_199 = arith.constant 0 : i32
          %gather3A_200 = arith.constant 0 : i32
          %gather3A_201 = tpu.memref_slice %arg4[%gather3A_198, %gather3A_199, %gather3A_200] : memref<2x320x64xf32, #tpu.memory_space<vmem>> -> memref<1x320x64xf32, #tpu.memory_space<vmem>>
          %gather3A_202 = tpu.memref_squeeze %gather3A_201 : memref<1x320x64xf32, #tpu.memory_space<vmem>> -> memref<320x64xf32, #tpu.memory_space<vmem>>
          %gather3A_203 = tpu.vector_load_idx %gather3A_202[%broadcast_in_dim3A_197, %add3A_113] : memref<320x64xf32, #tpu.memory_space<vmem>>[vector<16xi32>, vector<16xi32>], vector<16xf32>,
          %add3A_204 = arith.constant 64 : i32
          %add3A_205 = vector.broadcast %add3A_204 : i32 to vector<16xi32>
          %add3A_206 = arith.addi %add3A_113, %add3A_205 : vector<16xi32>
          %scatter3A_207 = arith.constant 0 : i32
          %scatter3A_208 = arith.constant 0 : i32
          %scatter3A_209 = arith.constant 0 : i32
          %scatter3A_210 = tpu.memref_slice %arg5[%scatter3A_207, %scatter3A_208, %scatter3A_209] : memref<2x160x128xf32, #tpu.memory_space<vmem>> -> memref<1x160x128xf32, #tpu.memory_space<vmem>>
          %scatter3A_211 = tpu.memref_squeeze %scatter3A_210 : memref<1x160x128xf32, #tpu.memory_space<vmem>> -> memref<160x128xf32, #tpu.memory_space<vmem>>
          tpu.vector_store_idx %scatter3A_211[%broadcast_in_dim3A, %add3A_206], %gather3A_203 : memref<160x128xf32, #tpu.memory_space<vmem>>[vector<16xi32>, vector<16xi32>], vector<16xf32>,
          %gather3A_212 = arith.constant 0 : i32
          %gather3A_213 = arith.constant 0 : i32
          %gather3A_214 = arith.constant 0 : i32
          %gather3A_215 = tpu.memref_slice %arg4[%gather3A_212, %gather3A_213, %gather3A_214] : memref<2x320x64xf32, #tpu.memory_space<vmem>> -> memref<1x320x64xf32, #tpu.memory_space<vmem>>
          %gather3A_216 = tpu.memref_squeeze %gather3A_215 : memref<1x320x64xf32, #tpu.memory_space<vmem>> -> memref<320x64xf32, #tpu.memory_space<vmem>>
          %gather3A_217 = tpu.vector_load_idx %gather3A_216[%broadcast_in_dim3A_197, %add3A_116] : memref<320x64xf32, #tpu.memory_space<vmem>>[vector<16xi32>, vector<16xi32>], vector<16xf32>,
          %add3A_218 = arith.constant 64 : i32
          %add3A_219 = vector.broadcast %add3A_218 : i32 to vector<16xi32>
          %add3A_220 = arith.addi %add3A_116, %add3A_219 : vector<16xi32>
          %scatter3A_221 = arith.constant 0 : i32
          %scatter3A_222 = arith.constant 0 : i32
          %scatter3A_223 = arith.constant 0 : i32
          %scatter3A_224 = tpu.memref_slice %arg5[%scatter3A_221, %scatter3A_222, %scatter3A_223] : memref<2x160x128xf32, #tpu.memory_space<vmem>> -> memref<1x160x128xf32, #tpu.memory_space<vmem>>
          %scatter3A_225 = tpu.memref_squeeze %scatter3A_224 : memref<1x160x128xf32, #tpu.memory_space<vmem>> -> memref<160x128xf32, #tpu.memory_space<vmem>>
          tpu.vector_store_idx %scatter3A_225[%broadcast_in_dim3A, %add3A_220], %gather3A_217 : memref<160x128xf32, #tpu.memory_space<vmem>>[vector<16xi32>, vector<16xi32>], vector<16xf32>,
          %gather3A_226 = arith.constant 0 : i32
          %gather3A_227 = arith.constant 0 : i32
          %gather3A_228 = arith.constant 0 : i32
          %gather3A_229 = tpu.memref_slice %arg4[%gather3A_226, %gather3A_227, %gather3A_228] : memref<2x320x64xf32, #tpu.memory_space<vmem>> -> memref<1x320x64xf32, #tpu.memory_space<vmem>>
          %gather3A_230 = tpu.memref_squeeze %gather3A_229 : memref<1x320x64xf32, #tpu.memory_space<vmem>> -> memref<320x64xf32, #tpu.memory_space<vmem>>
          %gather3A_231 = tpu.vector_load_idx %gather3A_230[%broadcast_in_dim3A_197, %add3A_119] : memref<320x64xf32, #tpu.memory_space<vmem>>[vector<16xi32>, vector<16xi32>], vector<16xf32>,
          %add3A_232 = arith.constant 64 : i32
          %add3A_233 = vector.broadcast %add3A_232 : i32 to vector<16xi32>
          %add3A_234 = arith.addi %add3A_119, %add3A_233 : vector<16xi32>
          %scatter3A_235 = arith.constant 0 : i32
          %scatter3A_236 = arith.constant 0 : i32
          %scatter3A_237 = arith.constant 0 : i32
          %scatter3A_238 = tpu.memref_slice %arg5[%scatter3A_235, %scatter3A_236, %scatter3A_237] : memref<2x160x128xf32, #tpu.memory_space<vmem>> -> memref<1x160x128xf32, #tpu.memory_space<vmem>>
          %scatter3A_239 = tpu.memref_squeeze %scatter3A_238 : memref<1x160x128xf32, #tpu.memory_space<vmem>> -> memref<160x128xf32, #tpu.memory_space<vmem>>
          tpu.vector_store_idx %scatter3A_239[%broadcast_in_dim3A, %add3A_234], %gather3A_231 : memref<160x128xf32, #tpu.memory_space<vmem>>[vector<16xi32>, vector<16xi32>], vector<16xf32>,
          %gather3A_240 = arith.constant 0 : i32
          %gather3A_241 = arith.constant 0 : i32
          %gather3A_242 = arith.constant 0 : i32
          %gather3A_243 = tpu.memref_slice %arg4[%gather3A_240, %gather3A_241, %gather3A_242] : memref<2x320x64xf32, #tpu.memory_space<vmem>> -> memref<1x320x64xf32, #tpu.memory_space<vmem>>
          %gather3A_244 = tpu.memref_squeeze %gather3A_243 : memref<1x320x64xf32, #tpu.memory_space<vmem>> -> memref<320x64xf32, #tpu.memory_space<vmem>>
          %gather3A_245 = tpu.vector_load_idx %gather3A_244[%broadcast_in_dim3A_197, %add3A_122] : memref<320x64xf32, #tpu.memory_space<vmem>>[vector<16xi32>, vector<16xi32>], vector<16xf32>,
          %add3A_246 = arith.constant 64 : i32
          %add3A_247 = vector.broadcast %add3A_246 : i32 to vector<16xi32>
          %add3A_248 = arith.addi %add3A_122, %add3A_247 : vector<16xi32>
          %scatter3A_249 = arith.constant 0 : i32
          %scatter3A_250 = arith.constant 0 : i32
          %scatter3A_251 = arith.constant 0 : i32
          %scatter3A_252 = tpu.memref_slice %arg5[%scatter3A_249, %scatter3A_250, %scatter3A_251] : memref<2x160x128xf32, #tpu.memory_space<vmem>> -> memref<1x160x128xf32, #tpu.memory_space<vmem>>
          %scatter3A_253 = tpu.memref_squeeze %scatter3A_252 : memref<1x160x128xf32, #tpu.memory_space<vmem>> -> memref<160x128xf32, #tpu.memory_space<vmem>>
          tpu.vector_store_idx %scatter3A_253[%broadcast_in_dim3A, %add3A_248], %gather3A_245 : memref<160x128xf32, #tpu.memory_space<vmem>>[vector<16xi32>, vector<16xi32>], vector<16xf32>,
          %add3A_254 = arith.constant 1 : i32
          %add3A_255 = arith.addi %multiple_of3A, %add3A_254 : i32
          %broadcast_in_dim3A_256 = vector.broadcast %add3A_255 : i32 to vector<16xi32>
          %mul3A_257 = arith.constant 2 : i32
          %mul3A_258 = arith.muli %mul3A_257, %add3A_255 : i32
          %add3A_259 = arith.constant 0 : i32
          %add3A_260 = arith.addi %mul3A_258, %add3A_259 : i32
          %broadcast_in_dim3A_261 = vector.broadcast %add3A_260 : i32 to vector<16xi32>
          %gather3A_262 = arith.constant 0 : i32
          %gather3A_263 = arith.constant 0 : i32
          %gather3A_264 = arith.constant 0 : i32
          %gather3A_265 = tpu.memref_slice %arg4[%gather3A_262, %gather3A_263, %gather3A_264] : memref<2x320x64xf32, #tpu.memory_space<vmem>> -> memref<1x320x64xf32, #tpu.memory_space<vmem>>
          %gather3A_266 = tpu.memref_squeeze %gather3A_265 : memref<1x320x64xf32, #tpu.memory_space<vmem>> -> memref<320x64xf32, #tpu.memory_space<vmem>>
          %gather3A_267 = tpu.vector_load_idx %gather3A_266[%broadcast_in_dim3A_261, %add3A_113] : memref<320x64xf32, #tpu.memory_space<vmem>>[vector<16xi32>, vector<16xi32>], vector<16xf32>,
          %add3A_268 = arith.constant 0 : i32
          %add3A_269 = vector.broadcast %add3A_268 : i32 to vector<16xi32>
          %add3A_270 = arith.addi %add3A_113, %add3A_269 : vector<16xi32>
          %scatter3A_271 = arith.constant 0 : i32
          %scatter3A_272 = arith.constant 0 : i32
          %scatter3A_273 = arith.constant 0 : i32
          %scatter3A_274 = tpu.memref_slice %arg5[%scatter3A_271, %scatter3A_272, %scatter3A_273] : memref<2x160x128xf32, #tpu.memory_space<vmem>> -> memref<1x160x128xf32, #tpu.memory_space<vmem>>
          %scatter3A_275 = tpu.memref_squeeze %scatter3A_274 : memref<1x160x128xf32, #tpu.memory_space<vmem>> -> memref<160x128xf32, #tpu.memory_space<vmem>>
          tpu.vector_store_idx %scatter3A_275[%broadcast_in_dim3A_256, %add3A_270], %gather3A_267 : memref<160x128xf32, #tpu.memory_space<vmem>>[vector<16xi32>, vector<16xi32>], vector<16xf32>,
          %gather3A_276 = arith.constant 0 : i32
          %gather3A_277 = arith.constant 0 : i32
          %gather3A_278 = arith.constant 0 : i32
          %gather3A_279 = tpu.memref_slice %arg4[%gather3A_276, %gather3A_277, %gather3A_278] : memref<2x320x64xf32, #tpu.memory_space<vmem>> -> memref<1x320x64xf32, #tpu.memory_space<vmem>>
          %gather3A_280 = tpu.memref_squeeze %gather3A_279 : memref<1x320x64xf32, #tpu.memory_space<vmem>> -> memref<320x64xf32, #tpu.memory_space<vmem>>
          %gather3A_281 = tpu.vector_load_idx %gather3A_280[%broadcast_in_dim3A_261, %add3A_116] : memref<320x64xf32, #tpu.memory_space<vmem>>[vector<16xi32>, vector<16xi32>], vector<16xf32>,
          %add3A_282 = arith.constant 0 : i32
          %add3A_283 = vector.broadcast %add3A_282 : i32 to vector<16xi32>
          %add3A_284 = arith.addi %add3A_116, %add3A_283 : vector<16xi32>
          %scatter3A_285 = arith.constant 0 : i32
          %scatter3A_286 = arith.constant 0 : i32
          %scatter3A_287 = arith.constant 0 : i32
          %scatter3A_288 = tpu.memref_slice %arg5[%scatter3A_285, %scatter3A_286, %scatter3A_287] : memref<2x160x128xf32, #tpu.memory_space<vmem>> -> memref<1x160x128xf32, #tpu.memory_space<vmem>>
          %scatter3A_289 = tpu.memref_squeeze %scatter3A_288 : memref<1x160x128xf32, #tpu.memory_space<vmem>> -> memref<160x128xf32, #tpu.memory_space<vmem>>
          tpu.vector_store_idx %scatter3A_289[%broadcast_in_dim3A_256, %add3A_284], %gather3A_281 : memref<160x128xf32, #tpu.memory_space<vmem>>[vector<16xi32>, vector<16xi32>], vector<16xf32>,
          %gather3A_290 = arith.constant 0 : i32
          %gather3A_291 = arith.constant 0 : i32
          %gather3A_292 = arith.constant 0 : i32
          %gather3A_293 = tpu.memref_slice %arg4[%gather3A_290, %gather3A_291, %gather3A_292] : memref<2x320x64xf32, #tpu.memory_space<vmem>> -> memref<1x320x64xf32, #tpu.memory_space<vmem>>
          %gather3A_294 = tpu.memref_squeeze %gather3A_293 : memref<1x320x64xf32, #tpu.memory_space<vmem>> -> memref<320x64xf32, #tpu.memory_space<vmem>>
          %gather3A_295 = tpu.vector_load_idx %gather3A_294[%broadcast_in_dim3A_261, %add3A_119] : memref<320x64xf32, #tpu.memory_space<vmem>>[vector<16xi32>, vector<16xi32>], vector<16xf32>,
          %add3A_296 = arith.constant 0 : i32
          %add3A_297 = vector.broadcast %add3A_296 : i32 to vector<16xi32>
          %add3A_298 = arith.addi %add3A_119, %add3A_297 : vector<16xi32>
          %scatter3A_299 = arith.constant 0 : i32
          %scatter3A_300 = arith.constant 0 : i32
          %scatter3A_301 = arith.constant 0 : i32
          %scatter3A_302 = tpu.memref_slice %arg5[%scatter3A_299, %scatter3A_300, %scatter3A_301] : memref<2x160x128xf32, #tpu.memory_space<vmem>> -> memref<1x160x128xf32, #tpu.memory_space<vmem>>
          %scatter3A_303 = tpu.memref_squeeze %scatter3A_302 : memref<1x160x128xf32, #tpu.memory_space<vmem>> -> memref<160x128xf32, #tpu.memory_space<vmem>>
          tpu.vector_store_idx %scatter3A_303[%broadcast_in_dim3A_256, %add3A_298], %gather3A_295 : memref<160x128xf32, #tpu.memory_space<vmem>>[vector<16xi32>, vector<16xi32>], vector<16xf32>,
          %gather3A_304 = arith.constant 0 : i32
          %gather3A_305 = arith.constant 0 : i32
          %gather3A_306 = arith.constant 0 : i32
          %gather3A_307 = tpu.memref_slice %arg4[%gather3A_304, %gather3A_305, %gather3A_306] : memref<2x320x64xf32, #tpu.memory_space<vmem>> -> memref<1x320x64xf32, #tpu.memory_space<vmem>>
          %gather3A_308 = tpu.memref_squeeze %gather3A_307 : memref<1x320x64xf32, #tpu.memory_space<vmem>> -> memref<320x64xf32, #tpu.memory_space<vmem>>
          %gather3A_309 = tpu.vector_load_idx %gather3A_308[%broadcast_in_dim3A_261, %add3A_122] : memref<320x64xf32, #tpu.memory_space<vmem>>[vector<16xi32>, vector<16xi32>], vector<16xf32>,
          %add3A_310 = arith.constant 0 : i32
          %add3A_311 = vector.broadcast %add3A_310 : i32 to vector<16xi32>
          %add3A_312 = arith.addi %add3A_122, %add3A_311 : vector<16xi32>
          %scatter3A_313 = arith.constant 0 : i32
          %scatter3A_314 = arith.constant 0 : i32
          %scatter3A_315 = arith.constant 0 : i32
          %scatter3A_316 = tpu.memref_slice %arg5[%scatter3A_313, %scatter3A_314, %scatter3A_315] : memref<2x160x128xf32, #tpu.memory_space<vmem>> -> memref<1x160x128xf32, #tpu.memory_space<vmem>>
          %scatter3A_317 = tpu.memref_squeeze %scatter3A_316 : memref<1x160x128xf32, #tpu.memory_space<vmem>> -> memref<160x128xf32, #tpu.memory_space<vmem>>
          tpu.vector_store_idx %scatter3A_317[%broadcast_in_dim3A_256, %add3A_312], %gather3A_309 : memref<160x128xf32, #tpu.memory_space<vmem>>[vector<16xi32>, vector<16xi32>], vector<16xf32>,
          %mul3A_318 = arith.constant 2 : i32
          %mul3A_319 = arith.muli %mul3A_318, %add3A_255 : i32
          %add3A_320 = arith.constant 1 : i32
          %add3A_321 = arith.addi %mul3A_319, %add3A_320 : i32
          %broadcast_in_dim3A_322 = vector.broadcast %add3A_321 : i32 to vector<16xi32>
          %gather3A_323 = arith.constant 0 : i32
          %gather3A_324 = arith.constant 0 : i32
          %gather3A_325 = arith.constant 0 : i32
          %gather3A_326 = tpu.memref_slice %arg4[%gather3A_323, %gather3A_324, %gather3A_325] : memref<2x320x64xf32, #tpu.memory_space<vmem>> -> memref<1x320x64xf32, #tpu.memory_space<vmem>>
          %gather3A_327 = tpu.memref_squeeze %gather3A_326 : memref<1x320x64xf32, #tpu.memory_space<vmem>> -> memref<320x64xf32, #tpu.memory_space<vmem>>
          %gather3A_328 = tpu.vector_load_idx %gather3A_327[%broadcast_in_dim3A_322, %add3A_113] : memref<320x64xf32, #tpu.memory_space<vmem>>[vector<16xi32>, vector<16xi32>], vector<16xf32>,
          %add3A_329 = arith.constant 64 : i32
          %add3A_330 = vector.broadcast %add3A_329 : i32 to vector<16xi32>
          %add3A_331 = arith.addi %add3A_113, %add3A_330 : vector<16xi32>
          %scatter3A_332 = arith.constant 0 : i32
          %scatter3A_333 = arith.constant 0 : i32
          %scatter3A_334 = arith.constant 0 : i32
          %scatter3A_335 = tpu.memref_slice %arg5[%scatter3A_332, %scatter3A_333, %scatter3A_334] : memref<2x160x128xf32, #tpu.memory_space<vmem>> -> memref<1x160x128xf32, #tpu.memory_space<vmem>>
          %scatter3A_336 = tpu.memref_squeeze %scatter3A_335 : memref<1x160x128xf32, #tpu.memory_space<vmem>> -> memref<160x128xf32, #tpu.memory_space<vmem>>
          tpu.vector_store_idx %scatter3A_336[%broadcast_in_dim3A_256, %add3A_331], %gather3A_328 : memref<160x128xf32, #tpu.memory_space<vmem>>[vector<16xi32>, vector<16xi32>], vector<16xf32>,
          %gather3A_337 = arith.constant 0 : i32
          %gather3A_338 = arith.constant 0 : i32
          %gather3A_339 = arith.constant 0 : i32
          %gather3A_340 = tpu.memref_slice %arg4[%gather3A_337, %gather3A_338, %gather3A_339] : memref<2x320x64xf32, #tpu.memory_space<vmem>> -> memref<1x320x64xf32, #tpu.memory_space<vmem>>
          %gather3A_341 = tpu.memref_squeeze %gather3A_340 : memref<1x320x64xf32, #tpu.memory_space<vmem>> -> memref<320x64xf32, #tpu.memory_space<vmem>>
          %gather3A_342 = tpu.vector_load_idx %gather3A_341[%broadcast_in_dim3A_322, %add3A_116] : memref<320x64xf32, #tpu.memory_space<vmem>>[vector<16xi32>, vector<16xi32>], vector<16xf32>,
          %add3A_343 = arith.constant 64 : i32
          %add3A_344 = vector.broadcast %add3A_343 : i32 to vector<16xi32>
          %add3A_345 = arith.addi %add3A_116, %add3A_344 : vector<16xi32>
          %scatter3A_346 = arith.constant 0 : i32
          %scatter3A_347 = arith.constant 0 : i32
          %scatter3A_348 = arith.constant 0 : i32
          %scatter3A_349 = tpu.memref_slice %arg5[%scatter3A_346, %scatter3A_347, %scatter3A_348] : memref<2x160x128xf32, #tpu.memory_space<vmem>> -> memref<1x160x128xf32, #tpu.memory_space<vmem>>
          %scatter3A_350 = tpu.memref_squeeze %scatter3A_349 : memref<1x160x128xf32, #tpu.memory_space<vmem>> -> memref<160x128xf32, #tpu.memory_space<vmem>>
          tpu.vector_store_idx %scatter3A_350[%broadcast_in_dim3A_256, %add3A_345], %gather3A_342 : memref<160x128xf32, #tpu.memory_space<vmem>>[vector<16xi32>, vector<16xi32>], vector<16xf32>,
          %gather3A_351 = arith.constant 0 : i32
          %gather3A_352 = arith.constant 0 : i32
          %gather3A_353 = arith.constant 0 : i32
          %gather3A_354 = tpu.memref_slice %arg4[%gather3A_351, %gather3A_352, %gather3A_353] : memref<2x320x64xf32, #tpu.memory_space<vmem>> -> memref<1x320x64xf32, #tpu.memory_space<vmem>>
          %gather3A_355 = tpu.memref_squeeze %gather3A_354 : memref<1x320x64xf32, #tpu.memory_space<vmem>> -> memref<320x64xf32, #tpu.memory_space<vmem>>
          %gather3A_356 = tpu.vector_load_idx %gather3A_355[%broadcast_in_dim3A_322, %add3A_119] : memref<320x64xf32, #tpu.memory_space<vmem>>[vector<16xi32>, vector<16xi32>], vector<16xf32>,
          %add3A_357 = arith.constant 64 : i32
          %add3A_358 = vector.broadcast %add3A_357 : i32 to vector<16xi32>
          %add3A_359 = arith.addi %add3A_119, %add3A_358 : vector<16xi32>
          %scatter3A_360 = arith.constant 0 : i32
          %scatter3A_361 = arith.constant 0 : i32
          %scatter3A_362 = arith.constant 0 : i32
          %scatter3A_363 = tpu.memref_slice %arg5[%scatter3A_360, %scatter3A_361, %scatter3A_362] : memref<2x160x128xf32, #tpu.memory_space<vmem>> -> memref<1x160x128xf32, #tpu.memory_space<vmem>>
          %scatter3A_364 = tpu.memref_squeeze %scatter3A_363 : memref<1x160x128xf32, #tpu.memory_space<vmem>> -> memref<160x128xf32, #tpu.memory_space<vmem>>
          tpu.vector_store_idx %scatter3A_364[%broadcast_in_dim3A_256, %add3A_359], %gather3A_356 : memref<160x128xf32, #tpu.memory_space<vmem>>[vector<16xi32>, vector<16xi32>], vector<16xf32>,
          %gather3A_365 = arith.constant 0 : i32
          %gather3A_366 = arith.constant 0 : i32
          %gather3A_367 = arith.constant 0 : i32
          %gather3A_368 = tpu.memref_slice %arg4[%gather3A_365, %gather3A_366, %gather3A_367] : memref<2x320x64xf32, #tpu.memory_space<vmem>> -> memref<1x320x64xf32, #tpu.memory_space<vmem>>
          %gather3A_369 = tpu.memref_squeeze %gather3A_368 : memref<1x320x64xf32, #tpu.memory_space<vmem>> -> memref<320x64xf32, #tpu.memory_space<vmem>>
          %gather3A_370 = tpu.vector_load_idx %gather3A_369[%broadcast_in_dim3A_322, %add3A_122] : memref<320x64xf32, #tpu.memory_space<vmem>>[vector<16xi32>, vector<16xi32>], vector<16xf32>,
          %add3A_371 = arith.constant 64 : i32
          %add3A_372 = vector.broadcast %add3A_371 : i32 to vector<16xi32>
          %add3A_373 = arith.addi %add3A_122, %add3A_372 : vector<16xi32>
          %scatter3A_374 = arith.constant 0 : i32
          %scatter3A_375 = arith.constant 0 : i32
          %scatter3A_376 = arith.constant 0 : i32
          %scatter3A_377 = tpu.memref_slice %arg5[%scatter3A_374, %scatter3A_375, %scatter3A_376] : memref<2x160x128xf32, #tpu.memory_space<vmem>> -> memref<1x160x128xf32, #tpu.memory_space<vmem>>
          %scatter3A_378 = tpu.memref_squeeze %scatter3A_377 : memref<1x160x128xf32, #tpu.memory_space<vmem>> -> memref<160x128xf32, #tpu.memory_space<vmem>>
          tpu.vector_store_idx %scatter3A_378[%broadcast_in_dim3A_256, %add3A_373], %gather3A_370 : memref<160x128xf32, #tpu.memory_space<vmem>>[vector<16xi32>, vector<16xi32>], vector<16xf32>,
          %add3A_379 = arith.constant 2 : i32
          %add3A_380 = arith.addi %multiple_of3A, %add3A_379 : i32
          %broadcast_in_dim3A_381 = vector.broadcast %add3A_380 : i32 to vector<16xi32>
          %mul3A_382 = arith.constant 2 : i32
          %mul3A_383 = arith.muli %mul3A_382, %add3A_380 : i32
          %add3A_384 = arith.constant 0 : i32
          %add3A_385 = arith.addi %mul3A_383, %add3A_384 : i32
          %broadcast_in_dim3A_386 = vector.broadcast %add3A_385 : i32 to vector<16xi32>
          %gather3A_387 = arith.constant 0 : i32
          %gather3A_388 = arith.constant 0 : i32
          %gather3A_389 = arith.constant 0 : i32
          %gather3A_390 = tpu.memref_slice %arg4[%gather3A_387, %gather3A_388, %gather3A_389] : memref<2x320x64xf32, #tpu.memory_space<vmem>> -> memref<1x320x64xf32, #tpu.memory_space<vmem>>
          %gather3A_391 = tpu.memref_squeeze %gather3A_390 : memref<1x320x64xf32, #tpu.memory_space<vmem>> -> memref<320x64xf32, #tpu.memory_space<vmem>>
          %gather3A_392 = tpu.vector_load_idx %gather3A_391[%broadcast_in_dim3A_386, %add3A_113] : memref<320x64xf32, #tpu.memory_space<vmem>>[vector<16xi32>, vector<16xi32>], vector<16xf32>,
          %add3A_393 = arith.constant 0 : i32
          %add3A_394 = vector.broadcast %add3A_393 : i32 to vector<16xi32>
          %add3A_395 = arith.addi %add3A_113, %add3A_394 : vector<16xi32>
          %scatter3A_396 = arith.constant 0 : i32
          %scatter3A_397 = arith.constant 0 : i32
          %scatter3A_398 = arith.constant 0 : i32
          %scatter3A_399 = tpu.memref_slice %arg5[%scatter3A_396, %scatter3A_397, %scatter3A_398] : memref<2x160x128xf32, #tpu.memory_space<vmem>> -> memref<1x160x128xf32, #tpu.memory_space<vmem>>
          %scatter3A_400 = tpu.memref_squeeze %scatter3A_399 : memref<1x160x128xf32, #tpu.memory_space<vmem>> -> memref<160x128xf32, #tpu.memory_space<vmem>>
          tpu.vector_store_idx %scatter3A_400[%broadcast_in_dim3A_381, %add3A_395], %gather3A_392 : memref<160x128xf32, #tpu.memory_space<vmem>>[vector<16xi32>, vector<16xi32>], vector<16xf32>,
          %gather3A_401 = arith.constant 0 : i32
          %gather3A_402 = arith.constant 0 : i32
          %gather3A_403 = arith.constant 0 : i32
          %gather3A_404 = tpu.memref_slice %arg4[%gather3A_401, %gather3A_402, %gather3A_403] : memref<2x320x64xf32, #tpu.memory_space<vmem>> -> memref<1x320x64xf32, #tpu.memory_space<vmem>>
          %gather3A_405 = tpu.memref_squeeze %gather3A_404 : memref<1x320x64xf32, #tpu.memory_space<vmem>> -> memref<320x64xf32, #tpu.memory_space<vmem>>
          %gather3A_406 = tpu.vector_load_idx %gather3A_405[%broadcast_in_dim3A_386, %add3A_116] : memref<320x64xf32, #tpu.memory_space<vmem>>[vector<16xi32>, vector<16xi32>], vector<16xf32>,
          %add3A_407 = arith.constant 0 : i32
          %add3A_408 = vector.broadcast %add3A_407 : i32 to vector<16xi32>
          %add3A_409 = arith.addi %add3A_116, %add3A_408 : vector<16xi32>
          %scatter3A_410 = arith.constant 0 : i32
          %scatter3A_411 = arith.constant 0 : i32
          %scatter3A_412 = arith.constant 0 : i32
          %scatter3A_413 = tpu.memref_slice %arg5[%scatter3A_410, %scatter3A_411, %scatter3A_412] : memref<2x160x128xf32, #tpu.memory_space<vmem>> -> memref<1x160x128xf32, #tpu.memory_space<vmem>>
          %scatter3A_414 = tpu.memref_squeeze %scatter3A_413 : memref<1x160x128xf32, #tpu.memory_space<vmem>> -> memref<160x128xf32, #tpu.memory_space<vmem>>
          tpu.vector_store_idx %scatter3A_414[%broadcast_in_dim3A_381, %add3A_409], %gather3A_406 : memref<160x128xf32, #tpu.memory_space<vmem>>[vector<16xi32>, vector<16xi32>], vector<16xf32>,
          %gather3A_415 = arith.constant 0 : i32
          %gather3A_416 = arith.constant 0 : i32
          %gather3A_417 = arith.constant 0 : i32
          %gather3A_418 = tpu.memref_slice %arg4[%gather3A_415, %gather3A_416, %gather3A_417] : memref<2x320x64xf32, #tpu.memory_space<vmem>> -> memref<1x320x64xf32, #tpu.memory_space<vmem>>
          %gather3A_419 = tpu.memref_squeeze %gather3A_418 : memref<1x320x64xf32, #tpu.memory_space<vmem>> -> memref<320x64xf32, #tpu.memory_space<vmem>>
          %gather3A_420 = tpu.vector_load_idx %gather3A_419[%broadcast_in_dim3A_386, %add3A_119] : memref<320x64xf32, #tpu.memory_space<vmem>>[vector<16xi32>, vector<16xi32>], vector<16xf32>,
          %add3A_421 = arith.constant 0 : i32
          %add3A_422 = vector.broadcast %add3A_421 : i32 to vector<16xi32>
          %add3A_423 = arith.addi %add3A_119, %add3A_422 : vector<16xi32>
          %scatter3A_424 = arith.constant 0 : i32
          %scatter3A_425 = arith.constant 0 : i32
          %scatter3A_426 = arith.constant 0 : i32
          %scatter3A_427 = tpu.memref_slice %arg5[%scatter3A_424, %scatter3A_425, %scatter3A_426] : memref<2x160x128xf32, #tpu.memory_space<vmem>> -> memref<1x160x128xf32, #tpu.memory_space<vmem>>
          %scatter3A_428 = tpu.memref_squeeze %scatter3A_427 : memref<1x160x128xf32, #tpu.memory_space<vmem>> -> memref<160x128xf32, #tpu.memory_space<vmem>>
          tpu.vector_store_idx %scatter3A_428[%broadcast_in_dim3A_381, %add3A_423], %gather3A_420 : memref<160x128xf32, #tpu.memory_space<vmem>>[vector<16xi32>, vector<16xi32>], vector<16xf32>,
          %gather3A_429 = arith.constant 0 : i32
          %gather3A_430 = arith.constant 0 : i32
          %gather3A_431 = arith.constant 0 : i32
          %gather3A_432 = tpu.memref_slice %arg4[%gather3A_429, %gather3A_430, %gather3A_431] : memref<2x320x64xf32, #tpu.memory_space<vmem>> -> memref<1x320x64xf32, #tpu.memory_space<vmem>>
          %gather3A_433 = tpu.memref_squeeze %gather3A_432 : memref<1x320x64xf32, #tpu.memory_space<vmem>> -> memref<320x64xf32, #tpu.memory_space<vmem>>
          %gather3A_434 = tpu.vector_load_idx %gather3A_433[%broadcast_in_dim3A_386, %add3A_122] : memref<320x64xf32, #tpu.memory_space<vmem>>[vector<16xi32>, vector<16xi32>], vector<16xf32>,
          %add3A_435 = arith.constant 0 : i32
          %add3A_436 = vector.broadcast %add3A_435 : i32 to vector<16xi32>
          %add3A_437 = arith.addi %add3A_122, %add3A_436 : vector<16xi32>
          %scatter3A_438 = arith.constant 0 : i32
          %scatter3A_439 = arith.constant 0 : i32
          %scatter3A_440 = arith.constant 0 : i32
          %scatter3A_441 = tpu.memref_slice %arg5[%scatter3A_438, %scatter3A_439, %scatter3A_440] : memref<2x160x128xf32, #tpu.memory_space<vmem>> -> memref<1x160x128xf32, #tpu.memory_space<vmem>>
          %scatter3A_442 = tpu.memref_squeeze %scatter3A_441 : memref<1x160x128xf32, #tpu.memory_space<vmem>> -> memref<160x128xf32, #tpu.memory_space<vmem>>
          tpu.vector_store_idx %scatter3A_442[%broadcast_in_dim3A_381, %add3A_437], %gather3A_434 : memref<160x128xf32, #tpu.memory_space<vmem>>[vector<16xi32>, vector<16xi32>], vector<16xf32>,
          %mul3A_443 = arith.constant 2 : i32
          %mul3A_444 = arith.muli %mul3A_443, %add3A_380 : i32
          %add3A_445 = arith.constant 1 : i32
          %add3A_446 = arith.addi %mul3A_444, %add3A_445 : i32
          %broadcast_in_dim3A_447 = vector.broadcast %add3A_446 : i32 to vector<16xi32>
          %gather3A_448 = arith.constant 0 : i32
          %gather3A_449 = arith.constant 0 : i32
          %gather3A_450 = arith.constant 0 : i32
          %gather3A_451 = tpu.memref_slice %arg4[%gather3A_448, %gather3A_449, %gather3A_450] : memref<2x320x64xf32, #tpu.memory_space<vmem>> -> memref<1x320x64xf32, #tpu.memory_space<vmem>>
          %gather3A_452 = tpu.memref_squeeze %gather3A_451 : memref<1x320x64xf32, #tpu.memory_space<vmem>> -> memref<320x64xf32, #tpu.memory_space<vmem>>
          %gather3A_453 = tpu.vector_load_idx %gather3A_452[%broadcast_in_dim3A_447, %add3A_113] : memref<320x64xf32, #tpu.memory_space<vmem>>[vector<16xi32>, vector<16xi32>], vector<16xf32>,
          %add3A_454 = arith.constant 64 : i32
          %add3A_455 = vector.broadcast %add3A_454 : i32 to vector<16xi32>
          %add3A_456 = arith.addi %add3A_113, %add3A_455 : vector<16xi32>
          %scatter3A_457 = arith.constant 0 : i32
          %scatter3A_458 = arith.constant 0 : i32
          %scatter3A_459 = arith.constant 0 : i32
          %scatter3A_460 = tpu.memref_slice %arg5[%scatter3A_457, %scatter3A_458, %scatter3A_459] : memref<2x160x128xf32, #tpu.memory_space<vmem>> -> memref<1x160x128xf32, #tpu.memory_space<vmem>>
          %scatter3A_461 = tpu.memref_squeeze %scatter3A_460 : memref<1x160x128xf32, #tpu.memory_space<vmem>> -> memref<160x128xf32, #tpu.memory_space<vmem>>
          tpu.vector_store_idx %scatter3A_461[%broadcast_in_dim3A_381, %add3A_456], %gather3A_453 : memref<160x128xf32, #tpu.memory_space<vmem>>[vector<16xi32>, vector<16xi32>], vector<16xf32>,
          %gather3A_462 = arith.constant 0 : i32
          %gather3A_463 = arith.constant 0 : i32
          %gather3A_464 = arith.constant 0 : i32
          %gather3A_465 = tpu.memref_slice %arg4[%gather3A_462, %gather3A_463, %gather3A_464] : memref<2x320x64xf32, #tpu.memory_space<vmem>> -> memref<1x320x64xf32, #tpu.memory_space<vmem>>
          %gather3A_466 = tpu.memref_squeeze %gather3A_465 : memref<1x320x64xf32, #tpu.memory_space<vmem>> -> memref<320x64xf32, #tpu.memory_space<vmem>>
          %gather3A_467 = tpu.vector_load_idx %gather3A_466[%broadcast_in_dim3A_447, %add3A_116] : memref<320x64xf32, #tpu.memory_space<vmem>>[vector<16xi32>, vector<16xi32>], vector<16xf32>,
          %add3A_468 = arith.constant 64 : i32
          %add3A_469 = vector.broadcast %add3A_468 : i32 to vector<16xi32>
          %add3A_470 = arith.addi %add3A_116, %add3A_469 : vector<16xi32>
          %scatter3A_471 = arith.constant 0 : i32
          %scatter3A_472 = arith.constant 0 : i32
          %scatter3A_473 = arith.constant 0 : i32
          %scatter3A_474 = tpu.memref_slice %arg5[%scatter3A_471, %scatter3A_472, %scatter3A_473] : memref<2x160x128xf32, #tpu.memory_space<vmem>> -> memref<1x160x128xf32, #tpu.memory_space<vmem>>
          %scatter3A_475 = tpu.memref_squeeze %scatter3A_474 : memref<1x160x128xf32, #tpu.memory_space<vmem>> -> memref<160x128xf32, #tpu.memory_space<vmem>>
          tpu.vector_store_idx %scatter3A_475[%broadcast_in_dim3A_381, %add3A_470], %gather3A_467 : memref<160x128xf32, #tpu.memory_space<vmem>>[vector<16xi32>, vector<16xi32>], vector<16xf32>,
          %gather3A_476 = arith.constant 0 : i32
          %gather3A_477 = arith.constant 0 : i32
          %gather3A_478 = arith.constant 0 : i32
          %gather3A_479 = tpu.memref_slice %arg4[%gather3A_476, %gather3A_477, %gather3A_478] : memref<2x320x64xf32, #tpu.memory_space<vmem>> -> memref<1x320x64xf32, #tpu.memory_space<vmem>>
          %gather3A_480 = tpu.memref_squeeze %gather3A_479 : memref<1x320x64xf32, #tpu.memory_space<vmem>> -> memref<320x64xf32, #tpu.memory_space<vmem>>
          %gather3A_481 = tpu.vector_load_idx %gather3A_480[%broadcast_in_dim3A_447, %add3A_119] : memref<320x64xf32, #tpu.memory_space<vmem>>[vector<16xi32>, vector<16xi32>], vector<16xf32>,
          %add3A_482 = arith.constant 64 : i32
          %add3A_483 = vector.broadcast %add3A_482 : i32 to vector<16xi32>
          %add3A_484 = arith.addi %add3A_119, %add3A_483 : vector<16xi32>
          %scatter3A_485 = arith.constant 0 : i32
          %scatter3A_486 = arith.constant 0 : i32
          %scatter3A_487 = arith.constant 0 : i32
          %scatter3A_488 = tpu.memref_slice %arg5[%scatter3A_485, %scatter3A_486, %scatter3A_487] : memref<2x160x128xf32, #tpu.memory_space<vmem>> -> memref<1x160x128xf32, #tpu.memory_space<vmem>>
          %scatter3A_489 = tpu.memref_squeeze %scatter3A_488 : memref<1x160x128xf32, #tpu.memory_space<vmem>> -> memref<160x128xf32, #tpu.memory_space<vmem>>
          tpu.vector_store_idx %scatter3A_489[%broadcast_in_dim3A_381, %add3A_484], %gather3A_481 : memref<160x128xf32, #tpu.memory_space<vmem>>[vector<16xi32>, vector<16xi32>], vector<16xf32>,
          %gather3A_490 = arith.constant 0 : i32
          %gather3A_491 = arith.constant 0 : i32
          %gather3A_492 = arith.constant 0 : i32
          %gather3A_493 = tpu.memref_slice %arg4[%gather3A_490, %gather3A_491, %gather3A_492] : memref<2x320x64xf32, #tpu.memory_space<vmem>> -> memref<1x320x64xf32, #tpu.memory_space<vmem>>
          %gather3A_494 = tpu.memref_squeeze %gather3A_493 : memref<1x320x64xf32, #tpu.memory_space<vmem>> -> memref<320x64xf32, #tpu.memory_space<vmem>>
          %gather3A_495 = tpu.vector_load_idx %gather3A_494[%broadcast_in_dim3A_447, %add3A_122] : memref<320x64xf32, #tpu.memory_space<vmem>>[vector<16xi32>, vector<16xi32>], vector<16xf32>,
          %add3A_496 = arith.constant 64 : i32
          %add3A_497 = vector.broadcast %add3A_496 : i32 to vector<16xi32>
          %add3A_498 = arith.addi %add3A_122, %add3A_497 : vector<16xi32>
          %scatter3A_499 = arith.constant 0 : i32
          %scatter3A_500 = arith.constant 0 : i32
          %scatter3A_501 = arith.constant 0 : i32
          %scatter3A_502 = tpu.memref_slice %arg5[%scatter3A_499, %scatter3A_500, %scatter3A_501] : memref<2x160x128xf32, #tpu.memory_space<vmem>> -> memref<1x160x128xf32, #tpu.memory_space<vmem>>
          %scatter3A_503 = tpu.memref_squeeze %scatter3A_502 : memref<1x160x128xf32, #tpu.memory_space<vmem>> -> memref<160x128xf32, #tpu.memory_space<vmem>>
          tpu.vector_store_idx %scatter3A_503[%broadcast_in_dim3A_381, %add3A_498], %gather3A_495 : memref<160x128xf32, #tpu.memory_space<vmem>>[vector<16xi32>, vector<16xi32>], vector<16xf32>,
          %add3A_504 = arith.constant 3 : i32
          %add3A_505 = arith.addi %multiple_of3A, %add3A_504 : i32
          %broadcast_in_dim3A_506 = vector.broadcast %add3A_505 : i32 to vector<16xi32>
          %mul3A_507 = arith.constant 2 : i32
          %mul3A_508 = arith.muli %mul3A_507, %add3A_505 : i32
          %add3A_509 = arith.constant 0 : i32
          %add3A_510 = arith.addi %mul3A_508, %add3A_509 : i32
          %broadcast_in_dim3A_511 = vector.broadcast %add3A_510 : i32 to vector<16xi32>
          %gather3A_512 = arith.constant 0 : i32
          %gather3A_513 = arith.constant 0 : i32
          %gather3A_514 = arith.constant 0 : i32
          %gather3A_515 = tpu.memref_slice %arg4[%gather3A_512, %gather3A_513, %gather3A_514] : memref<2x320x64xf32, #tpu.memory_space<vmem>> -> memref<1x320x64xf32, #tpu.memory_space<vmem>>
          %gather3A_516 = tpu.memref_squeeze %gather3A_515 : memref<1x320x64xf32, #tpu.memory_space<vmem>> -> memref<320x64xf32, #tpu.memory_space<vmem>>
          %gather3A_517 = tpu.vector_load_idx %gather3A_516[%broadcast_in_dim3A_511, %add3A_113] : memref<320x64xf32, #tpu.memory_space<vmem>>[vector<16xi32>, vector<16xi32>], vector<16xf32>,
          %add3A_518 = arith.constant 0 : i32
          %add3A_519 = vector.broadcast %add3A_518 : i32 to vector<16xi32>
          %add3A_520 = arith.addi %add3A_113, %add3A_519 : vector<16xi32>
          %scatter3A_521 = arith.constant 0 : i32
          %scatter3A_522 = arith.constant 0 : i32
          %scatter3A_523 = arith.constant 0 : i32
          %scatter3A_524 = tpu.memref_slice %arg5[%scatter3A_521, %scatter3A_522, %scatter3A_523] : memref<2x160x128xf32, #tpu.memory_space<vmem>> -> memref<1x160x128xf32, #tpu.memory_space<vmem>>
          %scatter3A_525 = tpu.memref_squeeze %scatter3A_524 : memref<1x160x128xf32, #tpu.memory_space<vmem>> -> memref<160x128xf32, #tpu.memory_space<vmem>>
          tpu.vector_store_idx %scatter3A_525[%broadcast_in_dim3A_506, %add3A_520], %gather3A_517 : memref<160x128xf32, #tpu.memory_space<vmem>>[vector<16xi32>, vector<16xi32>], vector<16xf32>,
          %gather3A_526 = arith.constant 0 : i32
          %gather3A_527 = arith.constant 0 : i32
          %gather3A_528 = arith.constant 0 : i32
          %gather3A_529 = tpu.memref_slice %arg4[%gather3A_526, %gather3A_527, %gather3A_528] : memref<2x320x64xf32, #tpu.memory_space<vmem>> -> memref<1x320x64xf32, #tpu.memory_space<vmem>>
          %gather3A_530 = tpu.memref_squeeze %gather3A_529 : memref<1x320x64xf32, #tpu.memory_space<vmem>> -> memref<320x64xf32, #tpu.memory_space<vmem>>
          %gather3A_531 = tpu.vector_load_idx %gather3A_530[%broadcast_in_dim3A_511, %add3A_116] : memref<320x64xf32, #tpu.memory_space<vmem>>[vector<16xi32>, vector<16xi32>], vector<16xf32>,
          %add3A_532 = arith.constant 0 : i32
          %add3A_533 = vector.broadcast %add3A_532 : i32 to vector<16xi32>
          %add3A_534 = arith.addi %add3A_116, %add3A_533 : vector<16xi32>
          %scatter3A_535 = arith.constant 0 : i32
          %scatter3A_536 = arith.constant 0 : i32
          %scatter3A_537 = arith.constant 0 : i32
          %scatter3A_538 = tpu.memref_slice %arg5[%scatter3A_535, %scatter3A_536, %scatter3A_537] : memref<2x160x128xf32, #tpu.memory_space<vmem>> -> memref<1x160x128xf32, #tpu.memory_space<vmem>>
          %scatter3A_539 = tpu.memref_squeeze %scatter3A_538 : memref<1x160x128xf32, #tpu.memory_space<vmem>> -> memref<160x128xf32, #tpu.memory_space<vmem>>
          tpu.vector_store_idx %scatter3A_539[%broadcast_in_dim3A_506, %add3A_534], %gather3A_531 : memref<160x128xf32, #tpu.memory_space<vmem>>[vector<16xi32>, vector<16xi32>], vector<16xf32>,
          %gather3A_540 = arith.constant 0 : i32
          %gather3A_541 = arith.constant 0 : i32
          %gather3A_542 = arith.constant 0 : i32
          %gather3A_543 = tpu.memref_slice %arg4[%gather3A_540, %gather3A_541, %gather3A_542] : memref<2x320x64xf32, #tpu.memory_space<vmem>> -> memref<1x320x64xf32, #tpu.memory_space<vmem>>
          %gather3A_544 = tpu.memref_squeeze %gather3A_543 : memref<1x320x64xf32, #tpu.memory_space<vmem>> -> memref<320x64xf32, #tpu.memory_space<vmem>>
          %gather3A_545 = tpu.vector_load_idx %gather3A_544[%broadcast_in_dim3A_511, %add3A_119] : memref<320x64xf32, #tpu.memory_space<vmem>>[vector<16xi32>, vector<16xi32>], vector<16xf32>,
          %add3A_546 = arith.constant 0 : i32
          %add3A_547 = vector.broadcast %add3A_546 : i32 to vector<16xi32>
          %add3A_548 = arith.addi %add3A_119, %add3A_547 : vector<16xi32>
          %scatter3A_549 = arith.constant 0 : i32
          %scatter3A_550 = arith.constant 0 : i32
          %scatter3A_551 = arith.constant 0 : i32
          %scatter3A_552 = tpu.memref_slice %arg5[%scatter3A_549, %scatter3A_550, %scatter3A_551] : memref<2x160x128xf32, #tpu.memory_space<vmem>> -> memref<1x160x128xf32, #tpu.memory_space<vmem>>
          %scatter3A_553 = tpu.memref_squeeze %scatter3A_552 : memref<1x160x128xf32, #tpu.memory_space<vmem>> -> memref<160x128xf32, #tpu.memory_space<vmem>>
          tpu.vector_store_idx %scatter3A_553[%broadcast_in_dim3A_506, %add3A_548], %gather3A_545 : memref<160x128xf32, #tpu.memory_space<vmem>>[vector<16xi32>, vector<16xi32>], vector<16xf32>,
          %gather3A_554 = arith.constant 0 : i32
          %gather3A_555 = arith.constant 0 : i32
          %gather3A_556 = arith.constant 0 : i32
          %gather3A_557 = tpu.memref_slice %arg4[%gather3A_554, %gather3A_555, %gather3A_556] : memref<2x320x64xf32, #tpu.memory_space<vmem>> -> memref<1x320x64xf32, #tpu.memory_space<vmem>>
          %gather3A_558 = tpu.memref_squeeze %gather3A_557 : memref<1x320x64xf32, #tpu.memory_space<vmem>> -> memref<320x64xf32, #tpu.memory_space<vmem>>
          %gather3A_559 = tpu.vector_load_idx %gather3A_558[%broadcast_in_dim3A_511, %add3A_122] : memref<320x64xf32, #tpu.memory_space<vmem>>[vector<16xi32>, vector<16xi32>], vector<16xf32>,
          %add3A_560 = arith.constant 0 : i32
          %add3A_561 = vector.broadcast %add3A_560 : i32 to vector<16xi32>
          %add3A_562 = arith.addi %add3A_122, %add3A_561 : vector<16xi32>
          %scatter3A_563 = arith.constant 0 : i32
          %scatter3A_564 = arith.constant 0 : i32
          %scatter3A_565 = arith.constant 0 : i32
          %scatter3A_566 = tpu.memref_slice %arg5[%scatter3A_563, %scatter3A_564, %scatter3A_565] : memref<2x160x128xf32, #tpu.memory_space<vmem>> -> memref<1x160x128xf32, #tpu.memory_space<vmem>>
          %scatter3A_567 = tpu.memref_squeeze %scatter3A_566 : memref<1x160x128xf32, #tpu.memory_space<vmem>> -> memref<160x128xf32, #tpu.memory_space<vmem>>
          tpu.vector_store_idx %scatter3A_567[%broadcast_in_dim3A_506, %add3A_562], %gather3A_559 : memref<160x128xf32, #tpu.memory_space<vmem>>[vector<16xi32>, vector<16xi32>], vector<16xf32>,
          %mul3A_568 = arith.constant 2 : i32
          %mul3A_569 = arith.muli %mul3A_568, %add3A_505 : i32
          %add3A_570 = arith.constant 1 : i32
          %add3A_571 = arith.addi %mul3A_569, %add3A_570 : i32
          %broadcast_in_dim3A_572 = vector.broadcast %add3A_571 : i32 to vector<16xi32>
          %gather3A_573 = arith.constant 0 : i32
          %gather3A_574 = arith.constant 0 : i32
          %gather3A_575 = arith.constant 0 : i32
          %gather3A_576 = tpu.memref_slice %arg4[%gather3A_573, %gather3A_574, %gather3A_575] : memref<2x320x64xf32, #tpu.memory_space<vmem>> -> memref<1x320x64xf32, #tpu.memory_space<vmem>>
          %gather3A_577 = tpu.memref_squeeze %gather3A_576 : memref<1x320x64xf32, #tpu.memory_space<vmem>> -> memref<320x64xf32, #tpu.memory_space<vmem>>
          %gather3A_578 = tpu.vector_load_idx %gather3A_577[%broadcast_in_dim3A_572, %add3A_113] : memref<320x64xf32, #tpu.memory_space<vmem>>[vector<16xi32>, vector<16xi32>], vector<16xf32>,
          %add3A_579 = arith.constant 64 : i32
          %add3A_580 = vector.broadcast %add3A_579 : i32 to vector<16xi32>
          %add3A_581 = arith.addi %add3A_113, %add3A_580 : vector<16xi32>
          %scatter3A_582 = arith.constant 0 : i32
          %scatter3A_583 = arith.constant 0 : i32
          %scatter3A_584 = arith.constant 0 : i32
          %scatter3A_585 = tpu.memref_slice %arg5[%scatter3A_582, %scatter3A_583, %scatter3A_584] : memref<2x160x128xf32, #tpu.memory_space<vmem>> -> memref<1x160x128xf32, #tpu.memory_space<vmem>>
          %scatter3A_586 = tpu.memref_squeeze %scatter3A_585 : memref<1x160x128xf32, #tpu.memory_space<vmem>> -> memref<160x128xf32, #tpu.memory_space<vmem>>
          tpu.vector_store_idx %scatter3A_586[%broadcast_in_dim3A_506, %add3A_581], %gather3A_578 : memref<160x128xf32, #tpu.memory_space<vmem>>[vector<16xi32>, vector<16xi32>], vector<16xf32>,
          %gather3A_587 = arith.constant 0 : i32
          %gather3A_588 = arith.constant 0 : i32
          %gather3A_589 = arith.constant 0 : i32
          %gather3A_590 = tpu.memref_slice %arg4[%gather3A_587, %gather3A_588, %gather3A_589] : memref<2x320x64xf32, #tpu.memory_space<vmem>> -> memref<1x320x64xf32, #tpu.memory_space<vmem>>
          %gather3A_591 = tpu.memref_squeeze %gather3A_590 : memref<1x320x64xf32, #tpu.memory_space<vmem>> -> memref<320x64xf32, #tpu.memory_space<vmem>>
          %gather3A_592 = tpu.vector_load_idx %gather3A_591[%broadcast_in_dim3A_572, %add3A_116] : memref<320x64xf32, #tpu.memory_space<vmem>>[vector<16xi32>, vector<16xi32>], vector<16xf32>,
          %add3A_593 = arith.constant 64 : i32
          %add3A_594 = vector.broadcast %add3A_593 : i32 to vector<16xi32>
          %add3A_595 = arith.addi %add3A_116, %add3A_594 : vector<16xi32>
          %scatter3A_596 = arith.constant 0 : i32
          %scatter3A_597 = arith.constant 0 : i32
          %scatter3A_598 = arith.constant 0 : i32
          %scatter3A_599 = tpu.memref_slice %arg5[%scatter3A_596, %scatter3A_597, %scatter3A_598] : memref<2x160x128xf32, #tpu.memory_space<vmem>> -> memref<1x160x128xf32, #tpu.memory_space<vmem>>
          %scatter3A_600 = tpu.memref_squeeze %scatter3A_599 : memref<1x160x128xf32, #tpu.memory_space<vmem>> -> memref<160x128xf32, #tpu.memory_space<vmem>>
          tpu.vector_store_idx %scatter3A_600[%broadcast_in_dim3A_506, %add3A_595], %gather3A_592 : memref<160x128xf32, #tpu.memory_space<vmem>>[vector<16xi32>, vector<16xi32>], vector<16xf32>,
          %gather3A_601 = arith.constant 0 : i32
          %gather3A_602 = arith.constant 0 : i32
          %gather3A_603 = arith.constant 0 : i32
          %gather3A_604 = tpu.memref_slice %arg4[%gather3A_601, %gather3A_602, %gather3A_603] : memref<2x320x64xf32, #tpu.memory_space<vmem>> -> memref<1x320x64xf32, #tpu.memory_space<vmem>>
          %gather3A_605 = tpu.memref_squeeze %gather3A_604 : memref<1x320x64xf32, #tpu.memory_space<vmem>> -> memref<320x64xf32, #tpu.memory_space<vmem>>
          %gather3A_606 = tpu.vector_load_idx %gather3A_605[%broadcast_in_dim3A_572, %add3A_119] : memref<320x64xf32, #tpu.memory_space<vmem>>[vector<16xi32>, vector<16xi32>], vector<16xf32>,
          %add3A_607 = arith.constant 64 : i32
          %add3A_608 = vector.broadcast %add3A_607 : i32 to vector<16xi32>
          %add3A_609 = arith.addi %add3A_119, %add3A_608 : vector<16xi32>
          %scatter3A_610 = arith.constant 0 : i32
          %scatter3A_611 = arith.constant 0 : i32
          %scatter3A_612 = arith.constant 0 : i32
          %scatter3A_613 = tpu.memref_slice %arg5[%scatter3A_610, %scatter3A_611, %scatter3A_612] : memref<2x160x128xf32, #tpu.memory_space<vmem>> -> memref<1x160x128xf32, #tpu.memory_space<vmem>>
          %scatter3A_614 = tpu.memref_squeeze %scatter3A_613 : memref<1x160x128xf32, #tpu.memory_space<vmem>> -> memref<160x128xf32, #tpu.memory_space<vmem>>
          tpu.vector_store_idx %scatter3A_614[%broadcast_in_dim3A_506, %add3A_609], %gather3A_606 : memref<160x128xf32, #tpu.memory_space<vmem>>[vector<16xi32>, vector<16xi32>], vector<16xf32>,
          %gather3A_615 = arith.constant 0 : i32
          %gather3A_616 = arith.constant 0 : i32
          %gather3A_617 = arith.constant 0 : i32
          %gather3A_618 = tpu.memref_slice %arg4[%gather3A_615, %gather3A_616, %gather3A_617] : memref<2x320x64xf32, #tpu.memory_space<vmem>> -> memref<1x320x64xf32, #tpu.memory_space<vmem>>
          %gather3A_619 = tpu.memref_squeeze %gather3A_618 : memref<1x320x64xf32, #tpu.memory_space<vmem>> -> memref<320x64xf32, #tpu.memory_space<vmem>>
          %gather3A_620 = tpu.vector_load_idx %gather3A_619[%broadcast_in_dim3A_572, %add3A_122] : memref<320x64xf32, #tpu.memory_space<vmem>>[vector<16xi32>, vector<16xi32>], vector<16xf32>,
          %add3A_621 = arith.constant 64 : i32
          %add3A_622 = vector.broadcast %add3A_621 : i32 to vector<16xi32>
          %add3A_623 = arith.addi %add3A_122, %add3A_622 : vector<16xi32>
          %scatter3A_624 = arith.constant 0 : i32
          %scatter3A_625 = arith.constant 0 : i32
          %scatter3A_626 = arith.constant 0 : i32
          %scatter3A_627 = tpu.memref_slice %arg5[%scatter3A_624, %scatter3A_625, %scatter3A_626] : memref<2x160x128xf32, #tpu.memory_space<vmem>> -> memref<1x160x128xf32, #tpu.memory_space<vmem>>
          %scatter3A_628 = tpu.memref_squeeze %scatter3A_627 : memref<1x160x128xf32, #tpu.memory_space<vmem>> -> memref<160x128xf32, #tpu.memory_space<vmem>>
          tpu.vector_store_idx %scatter3A_628[%broadcast_in_dim3A_506, %add3A_623], %gather3A_620 : memref<160x128xf32, #tpu.memory_space<vmem>>[vector<16xi32>, vector<16xi32>], vector<16xf32>,
        }
        %scan3A_128 = arith.constant 40 : i32
      } else {
      }
      %mul3A_56 = arith.constant 32 : i32
      %mul3A_57 = arith.muli %add3A_35, %mul3A_56 : i32
      %add3A_58 = arith.addi %add3A, %mul3A_57 : i32
      %lt3A_59 = arith.constant 3125 : i32
      %lt3A_60 = arith.cmpi slt, %add3A_58, %lt3A_59 : i32
      %convert_element_type3A_61 = arith.extui %lt3A_60 : i1 to i32
      %cond3A_62 = arith.constant 0 : i32
      %cond3A_63 = arith.cmpi ne, %convert_element_type3A_61, %cond3A_62 : i32
      scf.if %cond3A_63 {
        %mul3A_111 = arith.constant 160 : i32
        %mul3A_112 = arith.muli %add3A_58, %mul3A_111 : i32
        %multiple_of3A = tpu.assume_multiple %mul3A_112, 8 : i32
        %dma_start3A = arith.constant 0 : i32
        %dma_start3A_113 = arith.constant 0 : i32
        %dma_start3A_114 = arith.constant 0 : i32
        %dma_start3A_115 = tpu.memref_slice %arg5[%dma_start3A, %dma_start3A_113, %dma_start3A_114] : memref<2x160x128xf32, #tpu.memory_space<vmem>> -> memref<1x160x128xf32, #tpu.memory_space<vmem>>
        %dma_start3A_116 = tpu.memref_squeeze %dma_start3A_115 : memref<1x160x128xf32, #tpu.memory_space<vmem>> -> memref<160x128xf32, #tpu.memory_space<vmem>>
        %dma_start3A_117 = arith.constant 0 : i32
        %dma_start3A_118 = tpu.memref_slice %arg3[%multiple_of3A, %dma_start3A_117] : memref<500000x128xf32, #tpu.memory_space<hbm>> -> memref<160x128xf32, #tpu.memory_space<hbm>>
        %dma_start3A_119 = arith.constant 0 : i32
        %dma_start3A_120 = tpu.memref_slice %arg3[%multiple_of3A, %dma_start3A_119] : memref<500000x128xf32, #tpu.memory_space<hbm>> -> memref<160x128xf32, #tpu.memory_space<hbm>>
        %dma_start3A_121 = arith.constant 0 : i32
        %dma_start3A_122 = arith.constant 0 : i32
        %dma_start3A_123 = tpu.memref_slice %arg5[%dma_start3A, %dma_start3A_121, %dma_start3A_122] : memref<2x160x128xf32, #tpu.memory_space<vmem>> -> memref<1x160x128xf32, #tpu.memory_space<vmem>>
        %dma_start3A_124 = tpu.memref_squeeze %dma_start3A_123 : memref<1x160x128xf32, #tpu.memory_space<vmem>> -> memref<160x128xf32, #tpu.memory_space<vmem>>
        tpu.enqueue_dma source(%dma_start3A_124 : memref<160x128xf32, #tpu.memory_space<vmem>>) target(%dma_start3A_120 : memref<160x128xf32, #tpu.memory_space<hbm>>) target_semaphore(%arg7 : memref<!tpu.dma_semaphore, #tpu.memory_space<semaphore_mem>>)
      } else {
      }
      %add3A_64 = arith.constant 2 : i32
      %add3A_65 = arith.addi %add3A_35, %add3A_64 : i32
      %lt3A_66 = arith.constant 98 : i32
      %lt3A_67 = arith.cmpi slt, %add3A_65, %lt3A_66 : i32
      %convert_element_type3A_68 = arith.extui %lt3A_67 : i1 to i32
      %cond3A_69 = arith.constant 0 : i32
      %cond3A_70 = arith.cmpi ne, %convert_element_type3A_68, %cond3A_69 : i32
      scf.if %cond3A_70 {
        %add3A_111 = arith.constant 2 : i32
        %add3A_112 = arith.addi %add3A_35, %add3A_111 : i32
        %mul3A_113 = arith.constant 32 : i32
        %mul3A_114 = arith.muli %add3A_112, %mul3A_113 : i32
        %add3A_115 = arith.addi %add3A, %mul3A_114 : i32
        %lt3A_116 = arith.constant 3125 : i32
        %lt3A_117 = arith.cmpi slt, %add3A_115, %lt3A_116 : i32
        %convert_element_type3A_118 = arith.extui %lt3A_117 : i1 to i32
        %cond3A_119 = arith.constant 0 : i32
        %cond3A_120 = arith.cmpi ne, %convert_element_type3A_118, %cond3A_119 : i32
        scf.if %cond3A_120 {
          %mul3A_121 = arith.constant 320 : i32
          %mul3A_122 = arith.muli %add3A_115, %mul3A_121 : i32
          %multiple_of3A = tpu.assume_multiple %mul3A_122, 8 : i32
          %dma_start3A = arith.constant 0 : i32
          %dma_start3A_123 = arith.constant 0 : i32
          %dma_start3A_124 = arith.constant 0 : i32
          %dma_start3A_125 = tpu.memref_slice %arg4[%dma_start3A, %dma_start3A_123, %dma_start3A_124] : memref<2x320x64xf32, #tpu.memory_space<vmem>> -> memref<1x320x64xf32, #tpu.memory_space<vmem>>
          %dma_start3A_126 = tpu.memref_squeeze %dma_start3A_125 : memref<1x320x64xf32, #tpu.memory_space<vmem>> -> memref<320x64xf32, #tpu.memory_space<vmem>>
          %dma_start3A_127 = arith.constant 0 : i32
          %dma_start3A_128 = tpu.memref_slice %arg2[%multiple_of3A, %dma_start3A_127] : memref<1000000x64xf32, #tpu.memory_space<hbm>> -> memref<320x64xf32, #tpu.memory_space<hbm>>
          %dma_start3A_129 = arith.constant 0 : i32
          %dma_start3A_130 = arith.constant 0 : i32
          %dma_start3A_131 = tpu.memref_slice %arg4[%dma_start3A, %dma_start3A_129, %dma_start3A_130] : memref<2x320x64xf32, #tpu.memory_space<vmem>> -> memref<1x320x64xf32, #tpu.memory_space<vmem>>
          %dma_start3A_132 = tpu.memref_squeeze %dma_start3A_131 : memref<1x320x64xf32, #tpu.memory_space<vmem>> -> memref<320x64xf32, #tpu.memory_space<vmem>>
          %dma_start3A_133 = arith.constant 0 : i32
          %dma_start3A_134 = tpu.memref_slice %arg2[%multiple_of3A, %dma_start3A_133] : memref<1000000x64xf32, #tpu.memory_space<hbm>> -> memref<320x64xf32, #tpu.memory_space<hbm>>
          tpu.enqueue_dma source(%dma_start3A_134 : memref<320x64xf32, #tpu.memory_space<hbm>>) target(%dma_start3A_132 : memref<320x64xf32, #tpu.memory_space<vmem>>) target_semaphore(%arg6 : memref<!tpu.dma_semaphore, #tpu.memory_space<semaphore_mem>>)
        } else {
        }
      } else {
      }
      %mul3A_71 = arith.constant 2 : i32
      %mul3A_72 = arith.muli %scan3A_31, %mul3A_71 : i32
      %add3A_73 = arith.constant 1 : i32
      %add3A_74 = arith.addi %mul3A_72, %add3A_73 : i32
      %ge3A_75 = arith.constant 2 : i32
      %ge3A_76 = arith.cmpi sge, %add3A_74, %ge3A_75 : i32
      %convert_element_type3A_77 = arith.extui %ge3A_76 : i1 to i32
      %cond3A_78 = arith.constant 0 : i32
      %cond3A_79 = arith.cmpi ne, %convert_element_type3A_77, %cond3A_78 : i32
      scf.if %cond3A_79 {
        %sub3A = arith.constant 2 : i32
        %sub3A_111 = arith.subi %add3A_74, %sub3A : i32
        %mul3A_112 = arith.constant 32 : i32
        %mul3A_113 = arith.muli %sub3A_111, %mul3A_112 : i32
        %add3A_114 = arith.addi %add3A, %mul3A_113 : i32
        %lt3A_115 = arith.constant 3125 : i32
        %lt3A_116 = arith.cmpi slt, %add3A_114, %lt3A_115 : i32
        %convert_element_type3A_117 = arith.extui %lt3A_116 : i1 to i32
        %cond3A_118 = arith.constant 0 : i32
        %cond3A_119 = arith.cmpi ne, %convert_element_type3A_117, %cond3A_118 : i32
        scf.if %cond3A_119 {
          %dma_wait3A = arith.constant 1 : i32
          %dma_wait3A_120 = arith.constant 0 : i32
          %dma_wait3A_121 = arith.constant 0 : i32
          %dma_wait3A_122 = tpu.memref_slice %arg5[%dma_wait3A, %dma_wait3A_120, %dma_wait3A_121] : memref<2x160x128xf32, #tpu.memory_space<vmem>> -> memref<1x160x128xf32, #tpu.memory_space<vmem>>
          %dma_wait3A_123 = tpu.memref_squeeze %dma_wait3A_122 : memref<1x160x128xf32, #tpu.memory_space<vmem>> -> memref<160x128xf32, #tpu.memory_space<vmem>>
          %dma_wait3A_124 = arith.constant 0 : i32
          %dma_wait3A_125 = arith.constant 0 : i32
          %dma_wait3A_126 = tpu.memref_slice %arg3[%dma_wait3A_124, %dma_wait3A_125] : memref<500000x128xf32, #tpu.memory_space<hbm>> -> memref<160x128xf32, #tpu.memory_space<hbm>>
          %dma_wait3A_127 = arith.constant 0 : i32
          %dma_wait3A_128 = arith.constant 0 : i32
          %dma_wait3A_129 = tpu.memref_slice %arg3[%dma_wait3A_127, %dma_wait3A_128] : memref<500000x128xf32, #tpu.memory_space<hbm>> -> memref<160x128xf32, #tpu.memory_space<hbm>>
          %dma_wait3A_130 = arith.constant 0 : i32
          %dma_wait3A_131 = arith.constant 0 : i32
          %dma_wait3A_132 = tpu.memref_slice %arg5[%dma_wait3A, %dma_wait3A_130, %dma_wait3A_131] : memref<2x160x128xf32, #tpu.memory_space<vmem>> -> memref<1x160x128xf32, #tpu.memory_space<vmem>>
          %dma_wait3A_133 = tpu.memref_squeeze %dma_wait3A_132 : memref<1x160x128xf32, #tpu.memory_space<vmem>> -> memref<160x128xf32, #tpu.memory_space<vmem>>
          tpu.wait_dma2 semaphore(%arg7 : memref<!tpu.dma_semaphore, #tpu.memory_space<semaphore_mem>>) src(%dma_wait3A_133 : memref<160x128xf32, #tpu.memory_space<vmem>>) dst(%dma_wait3A_129 : memref<160x128xf32, #tpu.memory_space<hbm>>)
        } else {
        }
      } else {
      }
      %mul3A_80 = arith.constant 32 : i32
      %mul3A_81 = arith.muli %add3A_74, %mul3A_80 : i32
      %add3A_82 = arith.addi %add3A, %mul3A_81 : i32
      %lt3A_83 = arith.constant 3125 : i32
      %lt3A_84 = arith.cmpi slt, %add3A_82, %lt3A_83 : i32
      %convert_element_type3A_85 = arith.extui %lt3A_84 : i1 to i32
      %cond3A_86 = arith.constant 0 : i32
      %cond3A_87 = arith.cmpi ne, %convert_element_type3A_85, %cond3A_86 : i32
      scf.if %cond3A_87 {
        %dma_wait3A = arith.constant 1 : i32
        %dma_wait3A_111 = arith.constant 0 : i32
        %dma_wait3A_112 = arith.constant 0 : i32
        %dma_wait3A_113 = tpu.memref_slice %arg4[%dma_wait3A, %dma_wait3A_111, %dma_wait3A_112] : memref<2x320x64xf32, #tpu.memory_space<vmem>> -> memref<1x320x64xf32, #tpu.memory_space<vmem>>
        %dma_wait3A_114 = tpu.memref_squeeze %dma_wait3A_113 : memref<1x320x64xf32, #tpu.memory_space<vmem>> -> memref<320x64xf32, #tpu.memory_space<vmem>>
        %dma_wait3A_115 = arith.constant 0 : i32
        %dma_wait3A_116 = arith.constant 0 : i32
        %dma_wait3A_117 = tpu.memref_slice %arg2[%dma_wait3A_115, %dma_wait3A_116] : memref<1000000x64xf32, #tpu.memory_space<hbm>> -> memref<320x64xf32, #tpu.memory_space<hbm>>
        %dma_wait3A_118 = arith.constant 0 : i32
        %dma_wait3A_119 = arith.constant 0 : i32
        %dma_wait3A_120 = tpu.memref_slice %arg4[%dma_wait3A, %dma_wait3A_118, %dma_wait3A_119] : memref<2x320x64xf32, #tpu.memory_space<vmem>> -> memref<1x320x64xf32, #tpu.memory_space<vmem>>
        %dma_wait3A_121 = tpu.memref_squeeze %dma_wait3A_120 : memref<1x320x64xf32, #tpu.memory_space<vmem>> -> memref<320x64xf32, #tpu.memory_space<vmem>>
        %dma_wait3A_122 = arith.constant 0 : i32
        %dma_wait3A_123 = arith.constant 0 : i32
        %dma_wait3A_124 = tpu.memref_slice %arg2[%dma_wait3A_122, %dma_wait3A_123] : memref<1000000x64xf32, #tpu.memory_space<hbm>> -> memref<320x64xf32, #tpu.memory_space<hbm>>
        tpu.wait_dma2 semaphore(%arg6 : memref<!tpu.dma_semaphore, #tpu.memory_space<semaphore_mem>>) src(%dma_wait3A_124 : memref<320x64xf32, #tpu.memory_space<hbm>>) dst(%dma_wait3A_121 : memref<320x64xf32, #tpu.memory_space<vmem>>)
      } else {
      }
      %mul3A_88 = arith.constant 32 : i32
      %mul3A_89 = arith.muli %add3A_74, %mul3A_88 : i32
      %add3A_90 = arith.addi %add3A, %mul3A_89 : i32
      %lt3A_91 = arith.constant 3125 : i32
      %lt3A_92 = arith.cmpi slt, %add3A_90, %lt3A_91 : i32
      %convert_element_type3A_93 = arith.extui %lt3A_92 : i1 to i32
      %cond3A_94 = arith.constant 0 : i32
      %cond3A_95 = arith.cmpi ne, %convert_element_type3A_93, %cond3A_94 : i32
      scf.if %cond3A_95 {
        %iota3A = tpu.iota {dimensions = array<i32: 0>} : vector<16xi32>
        %add3A_111 = arith.constant 0 : i32
        %add3A_112 = vector.broadcast %add3A_111 : i32 to vector<16xi32>
        %add3A_113 = arith.addi %iota3A, %add3A_112 : vector<16xi32>
        %add3A_114 = arith.constant 16 : i32
        %add3A_115 = vector.broadcast %add3A_114 : i32 to vector<16xi32>
        %add3A_116 = arith.addi %iota3A, %add3A_115 : vector<16xi32>
        %add3A_117 = arith.constant 32 : i32
        %add3A_118 = vector.broadcast %add3A_117 : i32 to vector<16xi32>
        %add3A_119 = arith.addi %iota3A, %add3A_118 : vector<16xi32>
        %add3A_120 = arith.constant 48 : i32
        %add3A_121 = vector.broadcast %add3A_120 : i32 to vector<16xi32>
        %add3A_122 = arith.addi %iota3A, %add3A_121 : vector<16xi32>
        %scan3A_123 = arith.constant 0 : i32
        %scan3A_124 = arith.constant 0 : i32
        %scan3A_125 = arith.constant 40 : i32
        %scan3A_126 = arith.addi %scan3A_124, %scan3A_125 : i32
        %scan3A_127 = arith.constant 1 : i32
        scf.for %scan3A_129 = %scan3A_124 to %scan3A_126 step %scan3A_127  : i32 {
          %mul3A_130 = arith.constant 4 : i32
          %mul3A_131 = arith.muli %scan3A_129, %mul3A_130 : i32
          %multiple_of3A = tpu.assume_multiple %mul3A_131, 4 : i32
          %add3A_132 = arith.constant 0 : i32
          %add3A_133 = arith.addi %multiple_of3A, %add3A_132 : i32
          %broadcast_in_dim3A = vector.broadcast %add3A_133 : i32 to vector<16xi32>
          %mul3A_134 = arith.constant 2 : i32
          %mul3A_135 = arith.muli %mul3A_134, %add3A_133 : i32
          %add3A_136 = arith.constant 0 : i32
          %add3A_137 = arith.addi %mul3A_135, %add3A_136 : i32
          %broadcast_in_dim3A_138 = vector.broadcast %add3A_137 : i32 to vector<16xi32>
          %gather3A = arith.constant 1 : i32
          %gather3A_139 = arith.constant 0 : i32
          %gather3A_140 = arith.constant 0 : i32
          %gather3A_141 = tpu.memref_slice %arg4[%gather3A, %gather3A_139, %gather3A_140] : memref<2x320x64xf32, #tpu.memory_space<vmem>> -> memref<1x320x64xf32, #tpu.memory_space<vmem>>
          %gather3A_142 = tpu.memref_squeeze %gather3A_141 : memref<1x320x64xf32, #tpu.memory_space<vmem>> -> memref<320x64xf32, #tpu.memory_space<vmem>>
          %gather3A_143 = tpu.vector_load_idx %gather3A_142[%broadcast_in_dim3A_138, %add3A_113] : memref<320x64xf32, #tpu.memory_space<vmem>>[vector<16xi32>, vector<16xi32>], vector<16xf32>,
          %add3A_144 = arith.constant 0 : i32
          %add3A_145 = vector.broadcast %add3A_144 : i32 to vector<16xi32>
          %add3A_146 = arith.addi %add3A_113, %add3A_145 : vector<16xi32>
          %scatter3A = arith.constant 1 : i32
          %scatter3A_147 = arith.constant 0 : i32
          %scatter3A_148 = arith.constant 0 : i32
          %scatter3A_149 = tpu.memref_slice %arg5[%scatter3A, %scatter3A_147, %scatter3A_148] : memref<2x160x128xf32, #tpu.memory_space<vmem>> -> memref<1x160x128xf32, #tpu.memory_space<vmem>>
          %scatter3A_150 = tpu.memref_squeeze %scatter3A_149 : memref<1x160x128xf32, #tpu.memory_space<vmem>> -> memref<160x128xf32, #tpu.memory_space<vmem>>
          tpu.vector_store_idx %scatter3A_150[%broadcast_in_dim3A, %add3A_146], %gather3A_143 : memref<160x128xf32, #tpu.memory_space<vmem>>[vector<16xi32>, vector<16xi32>], vector<16xf32>,
          %gather3A_151 = arith.constant 1 : i32
          %gather3A_152 = arith.constant 0 : i32
          %gather3A_153 = arith.constant 0 : i32
          %gather3A_154 = tpu.memref_slice %arg4[%gather3A_151, %gather3A_152, %gather3A_153] : memref<2x320x64xf32, #tpu.memory_space<vmem>> -> memref<1x320x64xf32, #tpu.memory_space<vmem>>
          %gather3A_155 = tpu.memref_squeeze %gather3A_154 : memref<1x320x64xf32, #tpu.memory_space<vmem>> -> memref<320x64xf32, #tpu.memory_space<vmem>>
          %gather3A_156 = tpu.vector_load_idx %gather3A_155[%broadcast_in_dim3A_138, %add3A_116] : memref<320x64xf32, #tpu.memory_space<vmem>>[vector<16xi32>, vector<16xi32>], vector<16xf32>,
          %add3A_157 = arith.constant 0 : i32
          %add3A_158 = vector.broadcast %add3A_157 : i32 to vector<16xi32>
          %add3A_159 = arith.addi %add3A_116, %add3A_158 : vector<16xi32>
          %scatter3A_160 = arith.constant 1 : i32
          %scatter3A_161 = arith.constant 0 : i32
          %scatter3A_162 = arith.constant 0 : i32
          %scatter3A_163 = tpu.memref_slice %arg5[%scatter3A_160, %scatter3A_161, %scatter3A_162] : memref<2x160x128xf32, #tpu.memory_space<vmem>> -> memref<1x160x128xf32, #tpu.memory_space<vmem>>
          %scatter3A_164 = tpu.memref_squeeze %scatter3A_163 : memref<1x160x128xf32, #tpu.memory_space<vmem>> -> memref<160x128xf32, #tpu.memory_space<vmem>>
          tpu.vector_store_idx %scatter3A_164[%broadcast_in_dim3A, %add3A_159], %gather3A_156 : memref<160x128xf32, #tpu.memory_space<vmem>>[vector<16xi32>, vector<16xi32>], vector<16xf32>,
          %gather3A_165 = arith.constant 1 : i32
          %gather3A_166 = arith.constant 0 : i32
          %gather3A_167 = arith.constant 0 : i32
          %gather3A_168 = tpu.memref_slice %arg4[%gather3A_165, %gather3A_166, %gather3A_167] : memref<2x320x64xf32, #tpu.memory_space<vmem>> -> memref<1x320x64xf32, #tpu.memory_space<vmem>>
          %gather3A_169 = tpu.memref_squeeze %gather3A_168 : memref<1x320x64xf32, #tpu.memory_space<vmem>> -> memref<320x64xf32, #tpu.memory_space<vmem>>
          %gather3A_170 = tpu.vector_load_idx %gather3A_169[%broadcast_in_dim3A_138, %add3A_119] : memref<320x64xf32, #tpu.memory_space<vmem>>[vector<16xi32>, vector<16xi32>], vector<16xf32>,
          %add3A_171 = arith.constant 0 : i32
          %add3A_172 = vector.broadcast %add3A_171 : i32 to vector<16xi32>
          %add3A_173 = arith.addi %add3A_119, %add3A_172 : vector<16xi32>
          %scatter3A_174 = arith.constant 1 : i32
          %scatter3A_175 = arith.constant 0 : i32
          %scatter3A_176 = arith.constant 0 : i32
          %scatter3A_177 = tpu.memref_slice %arg5[%scatter3A_174, %scatter3A_175, %scatter3A_176] : memref<2x160x128xf32, #tpu.memory_space<vmem>> -> memref<1x160x128xf32, #tpu.memory_space<vmem>>
          %scatter3A_178 = tpu.memref_squeeze %scatter3A_177 : memref<1x160x128xf32, #tpu.memory_space<vmem>> -> memref<160x128xf32, #tpu.memory_space<vmem>>
          tpu.vector_store_idx %scatter3A_178[%broadcast_in_dim3A, %add3A_173], %gather3A_170 : memref<160x128xf32, #tpu.memory_space<vmem>>[vector<16xi32>, vector<16xi32>], vector<16xf32>,
          %gather3A_179 = arith.constant 1 : i32
          %gather3A_180 = arith.constant 0 : i32
          %gather3A_181 = arith.constant 0 : i32
          %gather3A_182 = tpu.memref_slice %arg4[%gather3A_179, %gather3A_180, %gather3A_181] : memref<2x320x64xf32, #tpu.memory_space<vmem>> -> memref<1x320x64xf32, #tpu.memory_space<vmem>>
          %gather3A_183 = tpu.memref_squeeze %gather3A_182 : memref<1x320x64xf32, #tpu.memory_space<vmem>> -> memref<320x64xf32, #tpu.memory_space<vmem>>
          %gather3A_184 = tpu.vector_load_idx %gather3A_183[%broadcast_in_dim3A_138, %add3A_122] : memref<320x64xf32, #tpu.memory_space<vmem>>[vector<16xi32>, vector<16xi32>], vector<16xf32>,
          %add3A_185 = arith.constant 0 : i32
          %add3A_186 = vector.broadcast %add3A_185 : i32 to vector<16xi32>
          %add3A_187 = arith.addi %add3A_122, %add3A_186 : vector<16xi32>
          %scatter3A_188 = arith.constant 1 : i32
          %scatter3A_189 = arith.constant 0 : i32
          %scatter3A_190 = arith.constant 0 : i32
          %scatter3A_191 = tpu.memref_slice %arg5[%scatter3A_188, %scatter3A_189, %scatter3A_190] : memref<2x160x128xf32, #tpu.memory_space<vmem>> -> memref<1x160x128xf32, #tpu.memory_space<vmem>>
          %scatter3A_192 = tpu.memref_squeeze %scatter3A_191 : memref<1x160x128xf32, #tpu.memory_space<vmem>> -> memref<160x128xf32, #tpu.memory_space<vmem>>
          tpu.vector_store_idx %scatter3A_192[%broadcast_in_dim3A, %add3A_187], %gather3A_184 : memref<160x128xf32, #tpu.memory_space<vmem>>[vector<16xi32>, vector<16xi32>], vector<16xf32>,
          %mul3A_193 = arith.constant 2 : i32
          %mul3A_194 = arith.muli %mul3A_193, %add3A_133 : i32
          %add3A_195 = arith.constant 1 : i32
          %add3A_196 = arith.addi %mul3A_194, %add3A_195 : i32
          %broadcast_in_dim3A_197 = vector.broadcast %add3A_196 : i32 to vector<16xi32>
          %gather3A_198 = arith.constant 1 : i32
          %gather3A_199 = arith.constant 0 : i32
          %gather3A_200 = arith.constant 0 : i32
          %gather3A_201 = tpu.memref_slice %arg4[%gather3A_198, %gather3A_199, %gather3A_200] : memref<2x320x64xf32, #tpu.memory_space<vmem>> -> memref<1x320x64xf32, #tpu.memory_space<vmem>>
          %gather3A_202 = tpu.memref_squeeze %gather3A_201 : memref<1x320x64xf32, #tpu.memory_space<vmem>> -> memref<320x64xf32, #tpu.memory_space<vmem>>
          %gather3A_203 = tpu.vector_load_idx %gather3A_202[%broadcast_in_dim3A_197, %add3A_113] : memref<320x64xf32, #tpu.memory_space<vmem>>[vector<16xi32>, vector<16xi32>], vector<16xf32>,
          %add3A_204 = arith.constant 64 : i32
          %add3A_205 = vector.broadcast %add3A_204 : i32 to vector<16xi32>
          %add3A_206 = arith.addi %add3A_113, %add3A_205 : vector<16xi32>
          %scatter3A_207 = arith.constant 1 : i32
          %scatter3A_208 = arith.constant 0 : i32
          %scatter3A_209 = arith.constant 0 : i32
          %scatter3A_210 = tpu.memref_slice %arg5[%scatter3A_207, %scatter3A_208, %scatter3A_209] : memref<2x160x128xf32, #tpu.memory_space<vmem>> -> memref<1x160x128xf32, #tpu.memory_space<vmem>>
          %scatter3A_211 = tpu.memref_squeeze %scatter3A_210 : memref<1x160x128xf32, #tpu.memory_space<vmem>> -> memref<160x128xf32, #tpu.memory_space<vmem>>
          tpu.vector_store_idx %scatter3A_211[%broadcast_in_dim3A, %add3A_206], %gather3A_203 : memref<160x128xf32, #tpu.memory_space<vmem>>[vector<16xi32>, vector<16xi32>], vector<16xf32>,
          %gather3A_212 = arith.constant 1 : i32
          %gather3A_213 = arith.constant 0 : i32
          %gather3A_214 = arith.constant 0 : i32
          %gather3A_215 = tpu.memref_slice %arg4[%gather3A_212, %gather3A_213, %gather3A_214] : memref<2x320x64xf32, #tpu.memory_space<vmem>> -> memref<1x320x64xf32, #tpu.memory_space<vmem>>
          %gather3A_216 = tpu.memref_squeeze %gather3A_215 : memref<1x320x64xf32, #tpu.memory_space<vmem>> -> memref<320x64xf32, #tpu.memory_space<vmem>>
          %gather3A_217 = tpu.vector_load_idx %gather3A_216[%broadcast_in_dim3A_197, %add3A_116] : memref<320x64xf32, #tpu.memory_space<vmem>>[vector<16xi32>, vector<16xi32>], vector<16xf32>,
          %add3A_218 = arith.constant 64 : i32
          %add3A_219 = vector.broadcast %add3A_218 : i32 to vector<16xi32>
          %add3A_220 = arith.addi %add3A_116, %add3A_219 : vector<16xi32>
          %scatter3A_221 = arith.constant 1 : i32
          %scatter3A_222 = arith.constant 0 : i32
          %scatter3A_223 = arith.constant 0 : i32
          %scatter3A_224 = tpu.memref_slice %arg5[%scatter3A_221, %scatter3A_222, %scatter3A_223] : memref<2x160x128xf32, #tpu.memory_space<vmem>> -> memref<1x160x128xf32, #tpu.memory_space<vmem>>
          %scatter3A_225 = tpu.memref_squeeze %scatter3A_224 : memref<1x160x128xf32, #tpu.memory_space<vmem>> -> memref<160x128xf32, #tpu.memory_space<vmem>>
          tpu.vector_store_idx %scatter3A_225[%broadcast_in_dim3A, %add3A_220], %gather3A_217 : memref<160x128xf32, #tpu.memory_space<vmem>>[vector<16xi32>, vector<16xi32>], vector<16xf32>,
          %gather3A_226 = arith.constant 1 : i32
          %gather3A_227 = arith.constant 0 : i32
          %gather3A_228 = arith.constant 0 : i32
          %gather3A_229 = tpu.memref_slice %arg4[%gather3A_226, %gather3A_227, %gather3A_228] : memref<2x320x64xf32, #tpu.memory_space<vmem>> -> memref<1x320x64xf32, #tpu.memory_space<vmem>>
          %gather3A_230 = tpu.memref_squeeze %gather3A_229 : memref<1x320x64xf32, #tpu.memory_space<vmem>> -> memref<320x64xf32, #tpu.memory_space<vmem>>
          %gather3A_231 = tpu.vector_load_idx %gather3A_230[%broadcast_in_dim3A_197, %add3A_119] : memref<320x64xf32, #tpu.memory_space<vmem>>[vector<16xi32>, vector<16xi32>], vector<16xf32>,
          %add3A_232 = arith.constant 64 : i32
          %add3A_233 = vector.broadcast %add3A_232 : i32 to vector<16xi32>
          %add3A_234 = arith.addi %add3A_119, %add3A_233 : vector<16xi32>
          %scatter3A_235 = arith.constant 1 : i32
          %scatter3A_236 = arith.constant 0 : i32
          %scatter3A_237 = arith.constant 0 : i32
          %scatter3A_238 = tpu.memref_slice %arg5[%scatter3A_235, %scatter3A_236, %scatter3A_237] : memref<2x160x128xf32, #tpu.memory_space<vmem>> -> memref<1x160x128xf32, #tpu.memory_space<vmem>>
          %scatter3A_239 = tpu.memref_squeeze %scatter3A_238 : memref<1x160x128xf32, #tpu.memory_space<vmem>> -> memref<160x128xf32, #tpu.memory_space<vmem>>
          tpu.vector_store_idx %scatter3A_239[%broadcast_in_dim3A, %add3A_234], %gather3A_231 : memref<160x128xf32, #tpu.memory_space<vmem>>[vector<16xi32>, vector<16xi32>], vector<16xf32>,
          %gather3A_240 = arith.constant 1 : i32
          %gather3A_241 = arith.constant 0 : i32
          %gather3A_242 = arith.constant 0 : i32
          %gather3A_243 = tpu.memref_slice %arg4[%gather3A_240, %gather3A_241, %gather3A_242] : memref<2x320x64xf32, #tpu.memory_space<vmem>> -> memref<1x320x64xf32, #tpu.memory_space<vmem>>
          %gather3A_244 = tpu.memref_squeeze %gather3A_243 : memref<1x320x64xf32, #tpu.memory_space<vmem>> -> memref<320x64xf32, #tpu.memory_space<vmem>>
          %gather3A_245 = tpu.vector_load_idx %gather3A_244[%broadcast_in_dim3A_197, %add3A_122] : memref<320x64xf32, #tpu.memory_space<vmem>>[vector<16xi32>, vector<16xi32>], vector<16xf32>,
          %add3A_246 = arith.constant 64 : i32
          %add3A_247 = vector.broadcast %add3A_246 : i32 to vector<16xi32>
          %add3A_248 = arith.addi %add3A_122, %add3A_247 : vector<16xi32>
          %scatter3A_249 = arith.constant 1 : i32
          %scatter3A_250 = arith.constant 0 : i32
          %scatter3A_251 = arith.constant 0 : i32
          %scatter3A_252 = tpu.memref_slice %arg5[%scatter3A_249, %scatter3A_250, %scatter3A_251] : memref<2x160x128xf32, #tpu.memory_space<vmem>> -> memref<1x160x128xf32, #tpu.memory_space<vmem>>
          %scatter3A_253 = tpu.memref_squeeze %scatter3A_252 : memref<1x160x128xf32, #tpu.memory_space<vmem>> -> memref<160x128xf32, #tpu.memory_space<vmem>>
          tpu.vector_store_idx %scatter3A_253[%broadcast_in_dim3A, %add3A_248], %gather3A_245 : memref<160x128xf32, #tpu.memory_space<vmem>>[vector<16xi32>, vector<16xi32>], vector<16xf32>,
          %add3A_254 = arith.constant 1 : i32
          %add3A_255 = arith.addi %multiple_of3A, %add3A_254 : i32
          %broadcast_in_dim3A_256 = vector.broadcast %add3A_255 : i32 to vector<16xi32>
          %mul3A_257 = arith.constant 2 : i32
          %mul3A_258 = arith.muli %mul3A_257, %add3A_255 : i32
          %add3A_259 = arith.constant 0 : i32
          %add3A_260 = arith.addi %mul3A_258, %add3A_259 : i32
          %broadcast_in_dim3A_261 = vector.broadcast %add3A_260 : i32 to vector<16xi32>
          %gather3A_262 = arith.constant 1 : i32
          %gather3A_263 = arith.constant 0 : i32
          %gather3A_264 = arith.constant 0 : i32
          %gather3A_265 = tpu.memref_slice %arg4[%gather3A_262, %gather3A_263, %gather3A_264] : memref<2x320x64xf32, #tpu.memory_space<vmem>> -> memref<1x320x64xf32, #tpu.memory_space<vmem>>
          %gather3A_266 = tpu.memref_squeeze %gather3A_265 : memref<1x320x64xf32, #tpu.memory_space<vmem>> -> memref<320x64xf32, #tpu.memory_space<vmem>>
          %gather3A_267 = tpu.vector_load_idx %gather3A_266[%broadcast_in_dim3A_261, %add3A_113] : memref<320x64xf32, #tpu.memory_space<vmem>>[vector<16xi32>, vector<16xi32>], vector<16xf32>,
          %add3A_268 = arith.constant 0 : i32
          %add3A_269 = vector.broadcast %add3A_268 : i32 to vector<16xi32>
          %add3A_270 = arith.addi %add3A_113, %add3A_269 : vector<16xi32>
          %scatter3A_271 = arith.constant 1 : i32
          %scatter3A_272 = arith.constant 0 : i32
          %scatter3A_273 = arith.constant 0 : i32
          %scatter3A_274 = tpu.memref_slice %arg5[%scatter3A_271, %scatter3A_272, %scatter3A_273] : memref<2x160x128xf32, #tpu.memory_space<vmem>> -> memref<1x160x128xf32, #tpu.memory_space<vmem>>
          %scatter3A_275 = tpu.memref_squeeze %scatter3A_274 : memref<1x160x128xf32, #tpu.memory_space<vmem>> -> memref<160x128xf32, #tpu.memory_space<vmem>>
          tpu.vector_store_idx %scatter3A_275[%broadcast_in_dim3A_256, %add3A_270], %gather3A_267 : memref<160x128xf32, #tpu.memory_space<vmem>>[vector<16xi32>, vector<16xi32>], vector<16xf32>,
          %gather3A_276 = arith.constant 1 : i32
          %gather3A_277 = arith.constant 0 : i32
          %gather3A_278 = arith.constant 0 : i32
          %gather3A_279 = tpu.memref_slice %arg4[%gather3A_276, %gather3A_277, %gather3A_278] : memref<2x320x64xf32, #tpu.memory_space<vmem>> -> memref<1x320x64xf32, #tpu.memory_space<vmem>>
          %gather3A_280 = tpu.memref_squeeze %gather3A_279 : memref<1x320x64xf32, #tpu.memory_space<vmem>> -> memref<320x64xf32, #tpu.memory_space<vmem>>
          %gather3A_281 = tpu.vector_load_idx %gather3A_280[%broadcast_in_dim3A_261, %add3A_116] : memref<320x64xf32, #tpu.memory_space<vmem>>[vector<16xi32>, vector<16xi32>], vector<16xf32>,
          %add3A_282 = arith.constant 0 : i32
          %add3A_283 = vector.broadcast %add3A_282 : i32 to vector<16xi32>
          %add3A_284 = arith.addi %add3A_116, %add3A_283 : vector<16xi32>
          %scatter3A_285 = arith.constant 1 : i32
          %scatter3A_286 = arith.constant 0 : i32
          %scatter3A_287 = arith.constant 0 : i32
          %scatter3A_288 = tpu.memref_slice %arg5[%scatter3A_285, %scatter3A_286, %scatter3A_287] : memref<2x160x128xf32, #tpu.memory_space<vmem>> -> memref<1x160x128xf32, #tpu.memory_space<vmem>>
          %scatter3A_289 = tpu.memref_squeeze %scatter3A_288 : memref<1x160x128xf32, #tpu.memory_space<vmem>> -> memref<160x128xf32, #tpu.memory_space<vmem>>
          tpu.vector_store_idx %scatter3A_289[%broadcast_in_dim3A_256, %add3A_284], %gather3A_281 : memref<160x128xf32, #tpu.memory_space<vmem>>[vector<16xi32>, vector<16xi32>], vector<16xf32>,
          %gather3A_290 = arith.constant 1 : i32
          %gather3A_291 = arith.constant 0 : i32
          %gather3A_292 = arith.constant 0 : i32
          %gather3A_293 = tpu.memref_slice %arg4[%gather3A_290, %gather3A_291, %gather3A_292] : memref<2x320x64xf32, #tpu.memory_space<vmem>> -> memref<1x320x64xf32, #tpu.memory_space<vmem>>
          %gather3A_294 = tpu.memref_squeeze %gather3A_293 : memref<1x320x64xf32, #tpu.memory_space<vmem>> -> memref<320x64xf32, #tpu.memory_space<vmem>>
          %gather3A_295 = tpu.vector_load_idx %gather3A_294[%broadcast_in_dim3A_261, %add3A_119] : memref<320x64xf32, #tpu.memory_space<vmem>>[vector<16xi32>, vector<16xi32>], vector<16xf32>,
          %add3A_296 = arith.constant 0 : i32
          %add3A_297 = vector.broadcast %add3A_296 : i32 to vector<16xi32>
          %add3A_298 = arith.addi %add3A_119, %add3A_297 : vector<16xi32>
          %scatter3A_299 = arith.constant 1 : i32
          %scatter3A_300 = arith.constant 0 : i32
          %scatter3A_301 = arith.constant 0 : i32
          %scatter3A_302 = tpu.memref_slice %arg5[%scatter3A_299, %scatter3A_300, %scatter3A_301] : memref<2x160x128xf32, #tpu.memory_space<vmem>> -> memref<1x160x128xf32, #tpu.memory_space<vmem>>
          %scatter3A_303 = tpu.memref_squeeze %scatter3A_302 : memref<1x160x128xf32, #tpu.memory_space<vmem>> -> memref<160x128xf32, #tpu.memory_space<vmem>>
          tpu.vector_store_idx %scatter3A_303[%broadcast_in_dim3A_256, %add3A_298], %gather3A_295 : memref<160x128xf32, #tpu.memory_space<vmem>>[vector<16xi32>, vector<16xi32>], vector<16xf32>,
          %gather3A_304 = arith.constant 1 : i32
          %gather3A_305 = arith.constant 0 : i32
          %gather3A_306 = arith.constant 0 : i32
          %gather3A_307 = tpu.memref_slice %arg4[%gather3A_304, %gather3A_305, %gather3A_306] : memref<2x320x64xf32, #tpu.memory_space<vmem>> -> memref<1x320x64xf32, #tpu.memory_space<vmem>>
          %gather3A_308 = tpu.memref_squeeze %gather3A_307 : memref<1x320x64xf32, #tpu.memory_space<vmem>> -> memref<320x64xf32, #tpu.memory_space<vmem>>
          %gather3A_309 = tpu.vector_load_idx %gather3A_308[%broadcast_in_dim3A_261, %add3A_122] : memref<320x64xf32, #tpu.memory_space<vmem>>[vector<16xi32>, vector<16xi32>], vector<16xf32>,
          %add3A_310 = arith.constant 0 : i32
          %add3A_311 = vector.broadcast %add3A_310 : i32 to vector<16xi32>
          %add3A_312 = arith.addi %add3A_122, %add3A_311 : vector<16xi32>
          %scatter3A_313 = arith.constant 1 : i32
          %scatter3A_314 = arith.constant 0 : i32
          %scatter3A_315 = arith.constant 0 : i32
          %scatter3A_316 = tpu.memref_slice %arg5[%scatter3A_313, %scatter3A_314, %scatter3A_315] : memref<2x160x128xf32, #tpu.memory_space<vmem>> -> memref<1x160x128xf32, #tpu.memory_space<vmem>>
          %scatter3A_317 = tpu.memref_squeeze %scatter3A_316 : memref<1x160x128xf32, #tpu.memory_space<vmem>> -> memref<160x128xf32, #tpu.memory_space<vmem>>
          tpu.vector_store_idx %scatter3A_317[%broadcast_in_dim3A_256, %add3A_312], %gather3A_309 : memref<160x128xf32, #tpu.memory_space<vmem>>[vector<16xi32>, vector<16xi32>], vector<16xf32>,
          %mul3A_318 = arith.constant 2 : i32
          %mul3A_319 = arith.muli %mul3A_318, %add3A_255 : i32
          %add3A_320 = arith.constant 1 : i32
          %add3A_321 = arith.addi %mul3A_319, %add3A_320 : i32
          %broadcast_in_dim3A_322 = vector.broadcast %add3A_321 : i32 to vector<16xi32>
          %gather3A_323 = arith.constant 1 : i32
          %gather3A_324 = arith.constant 0 : i32
          %gather3A_325 = arith.constant 0 : i32
          %gather3A_326 = tpu.memref_slice %arg4[%gather3A_323, %gather3A_324, %gather3A_325] : memref<2x320x64xf32, #tpu.memory_space<vmem>> -> memref<1x320x64xf32, #tpu.memory_space<vmem>>
          %gather3A_327 = tpu.memref_squeeze %gather3A_326 : memref<1x320x64xf32, #tpu.memory_space<vmem>> -> memref<320x64xf32, #tpu.memory_space<vmem>>
          %gather3A_328 = tpu.vector_load_idx %gather3A_327[%broadcast_in_dim3A_322, %add3A_113] : memref<320x64xf32, #tpu.memory_space<vmem>>[vector<16xi32>, vector<16xi32>], vector<16xf32>,
          %add3A_329 = arith.constant 64 : i32
          %add3A_330 = vector.broadcast %add3A_329 : i32 to vector<16xi32>
          %add3A_331 = arith.addi %add3A_113, %add3A_330 : vector<16xi32>
          %scatter3A_332 = arith.constant 1 : i32
          %scatter3A_333 = arith.constant 0 : i32
          %scatter3A_334 = arith.constant 0 : i32
          %scatter3A_335 = tpu.memref_slice %arg5[%scatter3A_332, %scatter3A_333, %scatter3A_334] : memref<2x160x128xf32, #tpu.memory_space<vmem>> -> memref<1x160x128xf32, #tpu.memory_space<vmem>>
          %scatter3A_336 = tpu.memref_squeeze %scatter3A_335 : memref<1x160x128xf32, #tpu.memory_space<vmem>> -> memref<160x128xf32, #tpu.memory_space<vmem>>
          tpu.vector_store_idx %scatter3A_336[%broadcast_in_dim3A_256, %add3A_331], %gather3A_328 : memref<160x128xf32, #tpu.memory_space<vmem>>[vector<16xi32>, vector<16xi32>], vector<16xf32>,
          %gather3A_337 = arith.constant 1 : i32
          %gather3A_338 = arith.constant 0 : i32
          %gather3A_339 = arith.constant 0 : i32
          %gather3A_340 = tpu.memref_slice %arg4[%gather3A_337, %gather3A_338, %gather3A_339] : memref<2x320x64xf32, #tpu.memory_space<vmem>> -> memref<1x320x64xf32, #tpu.memory_space<vmem>>
          %gather3A_341 = tpu.memref_squeeze %gather3A_340 : memref<1x320x64xf32, #tpu.memory_space<vmem>> -> memref<320x64xf32, #tpu.memory_space<vmem>>
          %gather3A_342 = tpu.vector_load_idx %gather3A_341[%broadcast_in_dim3A_322, %add3A_116] : memref<320x64xf32, #tpu.memory_space<vmem>>[vector<16xi32>, vector<16xi32>], vector<16xf32>,
          %add3A_343 = arith.constant 64 : i32
          %add3A_344 = vector.broadcast %add3A_343 : i32 to vector<16xi32>
          %add3A_345 = arith.addi %add3A_116, %add3A_344 : vector<16xi32>
          %scatter3A_346 = arith.constant 1 : i32
          %scatter3A_347 = arith.constant 0 : i32
          %scatter3A_348 = arith.constant 0 : i32
          %scatter3A_349 = tpu.memref_slice %arg5[%scatter3A_346, %scatter3A_347, %scatter3A_348] : memref<2x160x128xf32, #tpu.memory_space<vmem>> -> memref<1x160x128xf32, #tpu.memory_space<vmem>>
          %scatter3A_350 = tpu.memref_squeeze %scatter3A_349 : memref<1x160x128xf32, #tpu.memory_space<vmem>> -> memref<160x128xf32, #tpu.memory_space<vmem>>
          tpu.vector_store_idx %scatter3A_350[%broadcast_in_dim3A_256, %add3A_345], %gather3A_342 : memref<160x128xf32, #tpu.memory_space<vmem>>[vector<16xi32>, vector<16xi32>], vector<16xf32>,
          %gather3A_351 = arith.constant 1 : i32
          %gather3A_352 = arith.constant 0 : i32
          %gather3A_353 = arith.constant 0 : i32
          %gather3A_354 = tpu.memref_slice %arg4[%gather3A_351, %gather3A_352, %gather3A_353] : memref<2x320x64xf32, #tpu.memory_space<vmem>> -> memref<1x320x64xf32, #tpu.memory_space<vmem>>
          %gather3A_355 = tpu.memref_squeeze %gather3A_354 : memref<1x320x64xf32, #tpu.memory_space<vmem>> -> memref<320x64xf32, #tpu.memory_space<vmem>>
          %gather3A_356 = tpu.vector_load_idx %gather3A_355[%broadcast_in_dim3A_322, %add3A_119] : memref<320x64xf32, #tpu.memory_space<vmem>>[vector<16xi32>, vector<16xi32>], vector<16xf32>,
          %add3A_357 = arith.constant 64 : i32
          %add3A_358 = vector.broadcast %add3A_357 : i32 to vector<16xi32>
          %add3A_359 = arith.addi %add3A_119, %add3A_358 : vector<16xi32>
          %scatter3A_360 = arith.constant 1 : i32
          %scatter3A_361 = arith.constant 0 : i32
          %scatter3A_362 = arith.constant 0 : i32
          %scatter3A_363 = tpu.memref_slice %arg5[%scatter3A_360, %scatter3A_361, %scatter3A_362] : memref<2x160x128xf32, #tpu.memory_space<vmem>> -> memref<1x160x128xf32, #tpu.memory_space<vmem>>
          %scatter3A_364 = tpu.memref_squeeze %scatter3A_363 : memref<1x160x128xf32, #tpu.memory_space<vmem>> -> memref<160x128xf32, #tpu.memory_space<vmem>>
          tpu.vector_store_idx %scatter3A_364[%broadcast_in_dim3A_256, %add3A_359], %gather3A_356 : memref<160x128xf32, #tpu.memory_space<vmem>>[vector<16xi32>, vector<16xi32>], vector<16xf32>,
          %gather3A_365 = arith.constant 1 : i32
          %gather3A_366 = arith.constant 0 : i32
          %gather3A_367 = arith.constant 0 : i32
          %gather3A_368 = tpu.memref_slice %arg4[%gather3A_365, %gather3A_366, %gather3A_367] : memref<2x320x64xf32, #tpu.memory_space<vmem>> -> memref<1x320x64xf32, #tpu.memory_space<vmem>>
          %gather3A_369 = tpu.memref_squeeze %gather3A_368 : memref<1x320x64xf32, #tpu.memory_space<vmem>> -> memref<320x64xf32, #tpu.memory_space<vmem>>
          %gather3A_370 = tpu.vector_load_idx %gather3A_369[%broadcast_in_dim3A_322, %add3A_122] : memref<320x64xf32, #tpu.memory_space<vmem>>[vector<16xi32>, vector<16xi32>], vector<16xf32>,
          %add3A_371 = arith.constant 64 : i32
          %add3A_372 = vector.broadcast %add3A_371 : i32 to vector<16xi32>
          %add3A_373 = arith.addi %add3A_122, %add3A_372 : vector<16xi32>
          %scatter3A_374 = arith.constant 1 : i32
          %scatter3A_375 = arith.constant 0 : i32
          %scatter3A_376 = arith.constant 0 : i32
          %scatter3A_377 = tpu.memref_slice %arg5[%scatter3A_374, %scatter3A_375, %scatter3A_376] : memref<2x160x128xf32, #tpu.memory_space<vmem>> -> memref<1x160x128xf32, #tpu.memory_space<vmem>>
          %scatter3A_378 = tpu.memref_squeeze %scatter3A_377 : memref<1x160x128xf32, #tpu.memory_space<vmem>> -> memref<160x128xf32, #tpu.memory_space<vmem>>
          tpu.vector_store_idx %scatter3A_378[%broadcast_in_dim3A_256, %add3A_373], %gather3A_370 : memref<160x128xf32, #tpu.memory_space<vmem>>[vector<16xi32>, vector<16xi32>], vector<16xf32>,
          %add3A_379 = arith.constant 2 : i32
          %add3A_380 = arith.addi %multiple_of3A, %add3A_379 : i32
          %broadcast_in_dim3A_381 = vector.broadcast %add3A_380 : i32 to vector<16xi32>
          %mul3A_382 = arith.constant 2 : i32
          %mul3A_383 = arith.muli %mul3A_382, %add3A_380 : i32
          %add3A_384 = arith.constant 0 : i32
          %add3A_385 = arith.addi %mul3A_383, %add3A_384 : i32
          %broadcast_in_dim3A_386 = vector.broadcast %add3A_385 : i32 to vector<16xi32>
          %gather3A_387 = arith.constant 1 : i32
          %gather3A_388 = arith.constant 0 : i32
          %gather3A_389 = arith.constant 0 : i32
          %gather3A_390 = tpu.memref_slice %arg4[%gather3A_387, %gather3A_388, %gather3A_389] : memref<2x320x64xf32, #tpu.memory_space<vmem>> -> memref<1x320x64xf32, #tpu.memory_space<vmem>>
          %gather3A_391 = tpu.memref_squeeze %gather3A_390 : memref<1x320x64xf32, #tpu.memory_space<vmem>> -> memref<320x64xf32, #tpu.memory_space<vmem>>
          %gather3A_392 = tpu.vector_load_idx %gather3A_391[%broadcast_in_dim3A_386, %add3A_113] : memref<320x64xf32, #tpu.memory_space<vmem>>[vector<16xi32>, vector<16xi32>], vector<16xf32>,
          %add3A_393 = arith.constant 0 : i32
          %add3A_394 = vector.broadcast %add3A_393 : i32 to vector<16xi32>
          %add3A_395 = arith.addi %add3A_113, %add3A_394 : vector<16xi32>
          %scatter3A_396 = arith.constant 1 : i32
          %scatter3A_397 = arith.constant 0 : i32
          %scatter3A_398 = arith.constant 0 : i32
          %scatter3A_399 = tpu.memref_slice %arg5[%scatter3A_396, %scatter3A_397, %scatter3A_398] : memref<2x160x128xf32, #tpu.memory_space<vmem>> -> memref<1x160x128xf32, #tpu.memory_space<vmem>>
          %scatter3A_400 = tpu.memref_squeeze %scatter3A_399 : memref<1x160x128xf32, #tpu.memory_space<vmem>> -> memref<160x128xf32, #tpu.memory_space<vmem>>
          tpu.vector_store_idx %scatter3A_400[%broadcast_in_dim3A_381, %add3A_395], %gather3A_392 : memref<160x128xf32, #tpu.memory_space<vmem>>[vector<16xi32>, vector<16xi32>], vector<16xf32>,
          %gather3A_401 = arith.constant 1 : i32
          %gather3A_402 = arith.constant 0 : i32
          %gather3A_403 = arith.constant 0 : i32
          %gather3A_404 = tpu.memref_slice %arg4[%gather3A_401, %gather3A_402, %gather3A_403] : memref<2x320x64xf32, #tpu.memory_space<vmem>> -> memref<1x320x64xf32, #tpu.memory_space<vmem>>
          %gather3A_405 = tpu.memref_squeeze %gather3A_404 : memref<1x320x64xf32, #tpu.memory_space<vmem>> -> memref<320x64xf32, #tpu.memory_space<vmem>>
          %gather3A_406 = tpu.vector_load_idx %gather3A_405[%broadcast_in_dim3A_386, %add3A_116] : memref<320x64xf32, #tpu.memory_space<vmem>>[vector<16xi32>, vector<16xi32>], vector<16xf32>,
          %add3A_407 = arith.constant 0 : i32
          %add3A_408 = vector.broadcast %add3A_407 : i32 to vector<16xi32>
          %add3A_409 = arith.addi %add3A_116, %add3A_408 : vector<16xi32>
          %scatter3A_410 = arith.constant 1 : i32
          %scatter3A_411 = arith.constant 0 : i32
          %scatter3A_412 = arith.constant 0 : i32
          %scatter3A_413 = tpu.memref_slice %arg5[%scatter3A_410, %scatter3A_411, %scatter3A_412] : memref<2x160x128xf32, #tpu.memory_space<vmem>> -> memref<1x160x128xf32, #tpu.memory_space<vmem>>
          %scatter3A_414 = tpu.memref_squeeze %scatter3A_413 : memref<1x160x128xf32, #tpu.memory_space<vmem>> -> memref<160x128xf32, #tpu.memory_space<vmem>>
          tpu.vector_store_idx %scatter3A_414[%broadcast_in_dim3A_381, %add3A_409], %gather3A_406 : memref<160x128xf32, #tpu.memory_space<vmem>>[vector<16xi32>, vector<16xi32>], vector<16xf32>,
          %gather3A_415 = arith.constant 1 : i32
          %gather3A_416 = arith.constant 0 : i32
          %gather3A_417 = arith.constant 0 : i32
          %gather3A_418 = tpu.memref_slice %arg4[%gather3A_415, %gather3A_416, %gather3A_417] : memref<2x320x64xf32, #tpu.memory_space<vmem>> -> memref<1x320x64xf32, #tpu.memory_space<vmem>>
          %gather3A_419 = tpu.memref_squeeze %gather3A_418 : memref<1x320x64xf32, #tpu.memory_space<vmem>> -> memref<320x64xf32, #tpu.memory_space<vmem>>
          %gather3A_420 = tpu.vector_load_idx %gather3A_419[%broadcast_in_dim3A_386, %add3A_119] : memref<320x64xf32, #tpu.memory_space<vmem>>[vector<16xi32>, vector<16xi32>], vector<16xf32>,
          %add3A_421 = arith.constant 0 : i32
          %add3A_422 = vector.broadcast %add3A_421 : i32 to vector<16xi32>
          %add3A_423 = arith.addi %add3A_119, %add3A_422 : vector<16xi32>
          %scatter3A_424 = arith.constant 1 : i32
          %scatter3A_425 = arith.constant 0 : i32
          %scatter3A_426 = arith.constant 0 : i32
          %scatter3A_427 = tpu.memref_slice %arg5[%scatter3A_424, %scatter3A_425, %scatter3A_426] : memref<2x160x128xf32, #tpu.memory_space<vmem>> -> memref<1x160x128xf32, #tpu.memory_space<vmem>>
          %scatter3A_428 = tpu.memref_squeeze %scatter3A_427 : memref<1x160x128xf32, #tpu.memory_space<vmem>> -> memref<160x128xf32, #tpu.memory_space<vmem>>
          tpu.vector_store_idx %scatter3A_428[%broadcast_in_dim3A_381, %add3A_423], %gather3A_420 : memref<160x128xf32, #tpu.memory_space<vmem>>[vector<16xi32>, vector<16xi32>], vector<16xf32>,
          %gather3A_429 = arith.constant 1 : i32
          %gather3A_430 = arith.constant 0 : i32
          %gather3A_431 = arith.constant 0 : i32
          %gather3A_432 = tpu.memref_slice %arg4[%gather3A_429, %gather3A_430, %gather3A_431] : memref<2x320x64xf32, #tpu.memory_space<vmem>> -> memref<1x320x64xf32, #tpu.memory_space<vmem>>
          %gather3A_433 = tpu.memref_squeeze %gather3A_432 : memref<1x320x64xf32, #tpu.memory_space<vmem>> -> memref<320x64xf32, #tpu.memory_space<vmem>>
          %gather3A_434 = tpu.vector_load_idx %gather3A_433[%broadcast_in_dim3A_386, %add3A_122] : memref<320x64xf32, #tpu.memory_space<vmem>>[vector<16xi32>, vector<16xi32>], vector<16xf32>,
          %add3A_435 = arith.constant 0 : i32
          %add3A_436 = vector.broadcast %add3A_435 : i32 to vector<16xi32>
          %add3A_437 = arith.addi %add3A_122, %add3A_436 : vector<16xi32>
          %scatter3A_438 = arith.constant 1 : i32
          %scatter3A_439 = arith.constant 0 : i32
          %scatter3A_440 = arith.constant 0 : i32
          %scatter3A_441 = tpu.memref_slice %arg5[%scatter3A_438, %scatter3A_439, %scatter3A_440] : memref<2x160x128xf32, #tpu.memory_space<vmem>> -> memref<1x160x128xf32, #tpu.memory_space<vmem>>
          %scatter3A_442 = tpu.memref_squeeze %scatter3A_441 : memref<1x160x128xf32, #tpu.memory_space<vmem>> -> memref<160x128xf32, #tpu.memory_space<vmem>>
          tpu.vector_store_idx %scatter3A_442[%broadcast_in_dim3A_381, %add3A_437], %gather3A_434 : memref<160x128xf32, #tpu.memory_space<vmem>>[vector<16xi32>, vector<16xi32>], vector<16xf32>,
          %mul3A_443 = arith.constant 2 : i32
          %mul3A_444 = arith.muli %mul3A_443, %add3A_380 : i32
          %add3A_445 = arith.constant 1 : i32
          %add3A_446 = arith.addi %mul3A_444, %add3A_445 : i32
          %broadcast_in_dim3A_447 = vector.broadcast %add3A_446 : i32 to vector<16xi32>
          %gather3A_448 = arith.constant 1 : i32
          %gather3A_449 = arith.constant 0 : i32
          %gather3A_450 = arith.constant 0 : i32
          %gather3A_451 = tpu.memref_slice %arg4[%gather3A_448, %gather3A_449, %gather3A_450] : memref<2x320x64xf32, #tpu.memory_space<vmem>> -> memref<1x320x64xf32, #tpu.memory_space<vmem>>
          %gather3A_452 = tpu.memref_squeeze %gather3A_451 : memref<1x320x64xf32, #tpu.memory_space<vmem>> -> memref<320x64xf32, #tpu.memory_space<vmem>>
          %gather3A_453 = tpu.vector_load_idx %gather3A_452[%broadcast_in_dim3A_447, %add3A_113] : memref<320x64xf32, #tpu.memory_space<vmem>>[vector<16xi32>, vector<16xi32>], vector<16xf32>,
          %add3A_454 = arith.constant 64 : i32
          %add3A_455 = vector.broadcast %add3A_454 : i32 to vector<16xi32>
          %add3A_456 = arith.addi %add3A_113, %add3A_455 : vector<16xi32>
          %scatter3A_457 = arith.constant 1 : i32
          %scatter3A_458 = arith.constant 0 : i32
          %scatter3A_459 = arith.constant 0 : i32
          %scatter3A_460 = tpu.memref_slice %arg5[%scatter3A_457, %scatter3A_458, %scatter3A_459] : memref<2x160x128xf32, #tpu.memory_space<vmem>> -> memref<1x160x128xf32, #tpu.memory_space<vmem>>
          %scatter3A_461 = tpu.memref_squeeze %scatter3A_460 : memref<1x160x128xf32, #tpu.memory_space<vmem>> -> memref<160x128xf32, #tpu.memory_space<vmem>>
          tpu.vector_store_idx %scatter3A_461[%broadcast_in_dim3A_381, %add3A_456], %gather3A_453 : memref<160x128xf32, #tpu.memory_space<vmem>>[vector<16xi32>, vector<16xi32>], vector<16xf32>,
          %gather3A_462 = arith.constant 1 : i32
          %gather3A_463 = arith.constant 0 : i32
          %gather3A_464 = arith.constant 0 : i32
          %gather3A_465 = tpu.memref_slice %arg4[%gather3A_462, %gather3A_463, %gather3A_464] : memref<2x320x64xf32, #tpu.memory_space<vmem>> -> memref<1x320x64xf32, #tpu.memory_space<vmem>>
          %gather3A_466 = tpu.memref_squeeze %gather3A_465 : memref<1x320x64xf32, #tpu.memory_space<vmem>> -> memref<320x64xf32, #tpu.memory_space<vmem>>
          %gather3A_467 = tpu.vector_load_idx %gather3A_466[%broadcast_in_dim3A_447, %add3A_116] : memref<320x64xf32, #tpu.memory_space<vmem>>[vector<16xi32>, vector<16xi32>], vector<16xf32>,
          %add3A_468 = arith.constant 64 : i32
          %add3A_469 = vector.broadcast %add3A_468 : i32 to vector<16xi32>
          %add3A_470 = arith.addi %add3A_116, %add3A_469 : vector<16xi32>
          %scatter3A_471 = arith.constant 1 : i32
          %scatter3A_472 = arith.constant 0 : i32
          %scatter3A_473 = arith.constant 0 : i32
          %scatter3A_474 = tpu.memref_slice %arg5[%scatter3A_471, %scatter3A_472, %scatter3A_473] : memref<2x160x128xf32, #tpu.memory_space<vmem>> -> memref<1x160x128xf32, #tpu.memory_space<vmem>>
          %scatter3A_475 = tpu.memref_squeeze %scatter3A_474 : memref<1x160x128xf32, #tpu.memory_space<vmem>> -> memref<160x128xf32, #tpu.memory_space<vmem>>
          tpu.vector_store_idx %scatter3A_475[%broadcast_in_dim3A_381, %add3A_470], %gather3A_467 : memref<160x128xf32, #tpu.memory_space<vmem>>[vector<16xi32>, vector<16xi32>], vector<16xf32>,
          %gather3A_476 = arith.constant 1 : i32
          %gather3A_477 = arith.constant 0 : i32
          %gather3A_478 = arith.constant 0 : i32
          %gather3A_479 = tpu.memref_slice %arg4[%gather3A_476, %gather3A_477, %gather3A_478] : memref<2x320x64xf32, #tpu.memory_space<vmem>> -> memref<1x320x64xf32, #tpu.memory_space<vmem>>
          %gather3A_480 = tpu.memref_squeeze %gather3A_479 : memref<1x320x64xf32, #tpu.memory_space<vmem>> -> memref<320x64xf32, #tpu.memory_space<vmem>>
          %gather3A_481 = tpu.vector_load_idx %gather3A_480[%broadcast_in_dim3A_447, %add3A_119] : memref<320x64xf32, #tpu.memory_space<vmem>>[vector<16xi32>, vector<16xi32>], vector<16xf32>,
          %add3A_482 = arith.constant 64 : i32
          %add3A_483 = vector.broadcast %add3A_482 : i32 to vector<16xi32>
          %add3A_484 = arith.addi %add3A_119, %add3A_483 : vector<16xi32>
          %scatter3A_485 = arith.constant 1 : i32
          %scatter3A_486 = arith.constant 0 : i32
          %scatter3A_487 = arith.constant 0 : i32
          %scatter3A_488 = tpu.memref_slice %arg5[%scatter3A_485, %scatter3A_486, %scatter3A_487] : memref<2x160x128xf32, #tpu.memory_space<vmem>> -> memref<1x160x128xf32, #tpu.memory_space<vmem>>
          %scatter3A_489 = tpu.memref_squeeze %scatter3A_488 : memref<1x160x128xf32, #tpu.memory_space<vmem>> -> memref<160x128xf32, #tpu.memory_space<vmem>>
          tpu.vector_store_idx %scatter3A_489[%broadcast_in_dim3A_381, %add3A_484], %gather3A_481 : memref<160x128xf32, #tpu.memory_space<vmem>>[vector<16xi32>, vector<16xi32>], vector<16xf32>,
          %gather3A_490 = arith.constant 1 : i32
          %gather3A_491 = arith.constant 0 : i32
          %gather3A_492 = arith.constant 0 : i32
          %gather3A_493 = tpu.memref_slice %arg4[%gather3A_490, %gather3A_491, %gather3A_492] : memref<2x320x64xf32, #tpu.memory_space<vmem>> -> memref<1x320x64xf32, #tpu.memory_space<vmem>>
          %gather3A_494 = tpu.memref_squeeze %gather3A_493 : memref<1x320x64xf32, #tpu.memory_space<vmem>> -> memref<320x64xf32, #tpu.memory_space<vmem>>
          %gather3A_495 = tpu.vector_load_idx %gather3A_494[%broadcast_in_dim3A_447, %add3A_122] : memref<320x64xf32, #tpu.memory_space<vmem>>[vector<16xi32>, vector<16xi32>], vector<16xf32>,
          %add3A_496 = arith.constant 64 : i32
          %add3A_497 = vector.broadcast %add3A_496 : i32 to vector<16xi32>
          %add3A_498 = arith.addi %add3A_122, %add3A_497 : vector<16xi32>
          %scatter3A_499 = arith.constant 1 : i32
          %scatter3A_500 = arith.constant 0 : i32
          %scatter3A_501 = arith.constant 0 : i32
          %scatter3A_502 = tpu.memref_slice %arg5[%scatter3A_499, %scatter3A_500, %scatter3A_501] : memref<2x160x128xf32, #tpu.memory_space<vmem>> -> memref<1x160x128xf32, #tpu.memory_space<vmem>>
          %scatter3A_503 = tpu.memref_squeeze %scatter3A_502 : memref<1x160x128xf32, #tpu.memory_space<vmem>> -> memref<160x128xf32, #tpu.memory_space<vmem>>
          tpu.vector_store_idx %scatter3A_503[%broadcast_in_dim3A_381, %add3A_498], %gather3A_495 : memref<160x128xf32, #tpu.memory_space<vmem>>[vector<16xi32>, vector<16xi32>], vector<16xf32>,
          %add3A_504 = arith.constant 3 : i32
          %add3A_505 = arith.addi %multiple_of3A, %add3A_504 : i32
          %broadcast_in_dim3A_506 = vector.broadcast %add3A_505 : i32 to vector<16xi32>
          %mul3A_507 = arith.constant 2 : i32
          %mul3A_508 = arith.muli %mul3A_507, %add3A_505 : i32
          %add3A_509 = arith.constant 0 : i32
          %add3A_510 = arith.addi %mul3A_508, %add3A_509 : i32
          %broadcast_in_dim3A_511 = vector.broadcast %add3A_510 : i32 to vector<16xi32>
          %gather3A_512 = arith.constant 1 : i32
          %gather3A_513 = arith.constant 0 : i32
          %gather3A_514 = arith.constant 0 : i32
          %gather3A_515 = tpu.memref_slice %arg4[%gather3A_512, %gather3A_513, %gather3A_514] : memref<2x320x64xf32, #tpu.memory_space<vmem>> -> memref<1x320x64xf32, #tpu.memory_space<vmem>>
          %gather3A_516 = tpu.memref_squeeze %gather3A_515 : memref<1x320x64xf32, #tpu.memory_space<vmem>> -> memref<320x64xf32, #tpu.memory_space<vmem>>
          %gather3A_517 = tpu.vector_load_idx %gather3A_516[%broadcast_in_dim3A_511, %add3A_113] : memref<320x64xf32, #tpu.memory_space<vmem>>[vector<16xi32>, vector<16xi32>], vector<16xf32>,
          %add3A_518 = arith.constant 0 : i32
          %add3A_519 = vector.broadcast %add3A_518 : i32 to vector<16xi32>
          %add3A_520 = arith.addi %add3A_113, %add3A_519 : vector<16xi32>
          %scatter3A_521 = arith.constant 1 : i32
          %scatter3A_522 = arith.constant 0 : i32
          %scatter3A_523 = arith.constant 0 : i32
          %scatter3A_524 = tpu.memref_slice %arg5[%scatter3A_521, %scatter3A_522, %scatter3A_523] : memref<2x160x128xf32, #tpu.memory_space<vmem>> -> memref<1x160x128xf32, #tpu.memory_space<vmem>>
          %scatter3A_525 = tpu.memref_squeeze %scatter3A_524 : memref<1x160x128xf32, #tpu.memory_space<vmem>> -> memref<160x128xf32, #tpu.memory_space<vmem>>
          tpu.vector_store_idx %scatter3A_525[%broadcast_in_dim3A_506, %add3A_520], %gather3A_517 : memref<160x128xf32, #tpu.memory_space<vmem>>[vector<16xi32>, vector<16xi32>], vector<16xf32>,
          %gather3A_526 = arith.constant 1 : i32
          %gather3A_527 = arith.constant 0 : i32
          %gather3A_528 = arith.constant 0 : i32
          %gather3A_529 = tpu.memref_slice %arg4[%gather3A_526, %gather3A_527, %gather3A_528] : memref<2x320x64xf32, #tpu.memory_space<vmem>> -> memref<1x320x64xf32, #tpu.memory_space<vmem>>
          %gather3A_530 = tpu.memref_squeeze %gather3A_529 : memref<1x320x64xf32, #tpu.memory_space<vmem>> -> memref<320x64xf32, #tpu.memory_space<vmem>>
          %gather3A_531 = tpu.vector_load_idx %gather3A_530[%broadcast_in_dim3A_511, %add3A_116] : memref<320x64xf32, #tpu.memory_space<vmem>>[vector<16xi32>, vector<16xi32>], vector<16xf32>,
          %add3A_532 = arith.constant 0 : i32
          %add3A_533 = vector.broadcast %add3A_532 : i32 to vector<16xi32>
          %add3A_534 = arith.addi %add3A_116, %add3A_533 : vector<16xi32>
          %scatter3A_535 = arith.constant 1 : i32
          %scatter3A_536 = arith.constant 0 : i32
          %scatter3A_537 = arith.constant 0 : i32
          %scatter3A_538 = tpu.memref_slice %arg5[%scatter3A_535, %scatter3A_536, %scatter3A_537] : memref<2x160x128xf32, #tpu.memory_space<vmem>> -> memref<1x160x128xf32, #tpu.memory_space<vmem>>
          %scatter3A_539 = tpu.memref_squeeze %scatter3A_538 : memref<1x160x128xf32, #tpu.memory_space<vmem>> -> memref<160x128xf32, #tpu.memory_space<vmem>>
          tpu.vector_store_idx %scatter3A_539[%broadcast_in_dim3A_506, %add3A_534], %gather3A_531 : memref<160x128xf32, #tpu.memory_space<vmem>>[vector<16xi32>, vector<16xi32>], vector<16xf32>,
          %gather3A_540 = arith.constant 1 : i32
          %gather3A_541 = arith.constant 0 : i32
          %gather3A_542 = arith.constant 0 : i32
          %gather3A_543 = tpu.memref_slice %arg4[%gather3A_540, %gather3A_541, %gather3A_542] : memref<2x320x64xf32, #tpu.memory_space<vmem>> -> memref<1x320x64xf32, #tpu.memory_space<vmem>>
          %gather3A_544 = tpu.memref_squeeze %gather3A_543 : memref<1x320x64xf32, #tpu.memory_space<vmem>> -> memref<320x64xf32, #tpu.memory_space<vmem>>
          %gather3A_545 = tpu.vector_load_idx %gather3A_544[%broadcast_in_dim3A_511, %add3A_119] : memref<320x64xf32, #tpu.memory_space<vmem>>[vector<16xi32>, vector<16xi32>], vector<16xf32>,
          %add3A_546 = arith.constant 0 : i32
          %add3A_547 = vector.broadcast %add3A_546 : i32 to vector<16xi32>
          %add3A_548 = arith.addi %add3A_119, %add3A_547 : vector<16xi32>
          %scatter3A_549 = arith.constant 1 : i32
          %scatter3A_550 = arith.constant 0 : i32
          %scatter3A_551 = arith.constant 0 : i32
          %scatter3A_552 = tpu.memref_slice %arg5[%scatter3A_549, %scatter3A_550, %scatter3A_551] : memref<2x160x128xf32, #tpu.memory_space<vmem>> -> memref<1x160x128xf32, #tpu.memory_space<vmem>>
          %scatter3A_553 = tpu.memref_squeeze %scatter3A_552 : memref<1x160x128xf32, #tpu.memory_space<vmem>> -> memref<160x128xf32, #tpu.memory_space<vmem>>
          tpu.vector_store_idx %scatter3A_553[%broadcast_in_dim3A_506, %add3A_548], %gather3A_545 : memref<160x128xf32, #tpu.memory_space<vmem>>[vector<16xi32>, vector<16xi32>], vector<16xf32>,
          %gather3A_554 = arith.constant 1 : i32
          %gather3A_555 = arith.constant 0 : i32
          %gather3A_556 = arith.constant 0 : i32
          %gather3A_557 = tpu.memref_slice %arg4[%gather3A_554, %gather3A_555, %gather3A_556] : memref<2x320x64xf32, #tpu.memory_space<vmem>> -> memref<1x320x64xf32, #tpu.memory_space<vmem>>
          %gather3A_558 = tpu.memref_squeeze %gather3A_557 : memref<1x320x64xf32, #tpu.memory_space<vmem>> -> memref<320x64xf32, #tpu.memory_space<vmem>>
          %gather3A_559 = tpu.vector_load_idx %gather3A_558[%broadcast_in_dim3A_511, %add3A_122] : memref<320x64xf32, #tpu.memory_space<vmem>>[vector<16xi32>, vector<16xi32>], vector<16xf32>,
          %add3A_560 = arith.constant 0 : i32
          %add3A_561 = vector.broadcast %add3A_560 : i32 to vector<16xi32>
          %add3A_562 = arith.addi %add3A_122, %add3A_561 : vector<16xi32>
          %scatter3A_563 = arith.constant 1 : i32
          %scatter3A_564 = arith.constant 0 : i32
          %scatter3A_565 = arith.constant 0 : i32
          %scatter3A_566 = tpu.memref_slice %arg5[%scatter3A_563, %scatter3A_564, %scatter3A_565] : memref<2x160x128xf32, #tpu.memory_space<vmem>> -> memref<1x160x128xf32, #tpu.memory_space<vmem>>
          %scatter3A_567 = tpu.memref_squeeze %scatter3A_566 : memref<1x160x128xf32, #tpu.memory_space<vmem>> -> memref<160x128xf32, #tpu.memory_space<vmem>>
          tpu.vector_store_idx %scatter3A_567[%broadcast_in_dim3A_506, %add3A_562], %gather3A_559 : memref<160x128xf32, #tpu.memory_space<vmem>>[vector<16xi32>, vector<16xi32>], vector<16xf32>,
          %mul3A_568 = arith.constant 2 : i32
          %mul3A_569 = arith.muli %mul3A_568, %add3A_505 : i32
          %add3A_570 = arith.constant 1 : i32
          %add3A_571 = arith.addi %mul3A_569, %add3A_570 : i32
          %broadcast_in_dim3A_572 = vector.broadcast %add3A_571 : i32 to vector<16xi32>
          %gather3A_573 = arith.constant 1 : i32
          %gather3A_574 = arith.constant 0 : i32
          %gather3A_575 = arith.constant 0 : i32
          %gather3A_576 = tpu.memref_slice %arg4[%gather3A_573, %gather3A_574, %gather3A_575] : memref<2x320x64xf32, #tpu.memory_space<vmem>> -> memref<1x320x64xf32, #tpu.memory_space<vmem>>
          %gather3A_577 = tpu.memref_squeeze %gather3A_576 : memref<1x320x64xf32, #tpu.memory_space<vmem>> -> memref<320x64xf32, #tpu.memory_space<vmem>>
          %gather3A_578 = tpu.vector_load_idx %gather3A_577[%broadcast_in_dim3A_572, %add3A_113] : memref<320x64xf32, #tpu.memory_space<vmem>>[vector<16xi32>, vector<16xi32>], vector<16xf32>,
          %add3A_579 = arith.constant 64 : i32
          %add3A_580 = vector.broadcast %add3A_579 : i32 to vector<16xi32>
          %add3A_581 = arith.addi %add3A_113, %add3A_580 : vector<16xi32>
          %scatter3A_582 = arith.constant 1 : i32
          %scatter3A_583 = arith.constant 0 : i32
          %scatter3A_584 = arith.constant 0 : i32
          %scatter3A_585 = tpu.memref_slice %arg5[%scatter3A_582, %scatter3A_583, %scatter3A_584] : memref<2x160x128xf32, #tpu.memory_space<vmem>> -> memref<1x160x128xf32, #tpu.memory_space<vmem>>
          %scatter3A_586 = tpu.memref_squeeze %scatter3A_585 : memref<1x160x128xf32, #tpu.memory_space<vmem>> -> memref<160x128xf32, #tpu.memory_space<vmem>>
          tpu.vector_store_idx %scatter3A_586[%broadcast_in_dim3A_506, %add3A_581], %gather3A_578 : memref<160x128xf32, #tpu.memory_space<vmem>>[vector<16xi32>, vector<16xi32>], vector<16xf32>,
          %gather3A_587 = arith.constant 1 : i32
          %gather3A_588 = arith.constant 0 : i32
          %gather3A_589 = arith.constant 0 : i32
          %gather3A_590 = tpu.memref_slice %arg4[%gather3A_587, %gather3A_588, %gather3A_589] : memref<2x320x64xf32, #tpu.memory_space<vmem>> -> memref<1x320x64xf32, #tpu.memory_space<vmem>>
          %gather3A_591 = tpu.memref_squeeze %gather3A_590 : memref<1x320x64xf32, #tpu.memory_space<vmem>> -> memref<320x64xf32, #tpu.memory_space<vmem>>
          %gather3A_592 = tpu.vector_load_idx %gather3A_591[%broadcast_in_dim3A_572, %add3A_116] : memref<320x64xf32, #tpu.memory_space<vmem>>[vector<16xi32>, vector<16xi32>], vector<16xf32>,
          %add3A_593 = arith.constant 64 : i32
          %add3A_594 = vector.broadcast %add3A_593 : i32 to vector<16xi32>
          %add3A_595 = arith.addi %add3A_116, %add3A_594 : vector<16xi32>
          %scatter3A_596 = arith.constant 1 : i32
          %scatter3A_597 = arith.constant 0 : i32
          %scatter3A_598 = arith.constant 0 : i32
          %scatter3A_599 = tpu.memref_slice %arg5[%scatter3A_596, %scatter3A_597, %scatter3A_598] : memref<2x160x128xf32, #tpu.memory_space<vmem>> -> memref<1x160x128xf32, #tpu.memory_space<vmem>>
          %scatter3A_600 = tpu.memref_squeeze %scatter3A_599 : memref<1x160x128xf32, #tpu.memory_space<vmem>> -> memref<160x128xf32, #tpu.memory_space<vmem>>
          tpu.vector_store_idx %scatter3A_600[%broadcast_in_dim3A_506, %add3A_595], %gather3A_592 : memref<160x128xf32, #tpu.memory_space<vmem>>[vector<16xi32>, vector<16xi32>], vector<16xf32>,
          %gather3A_601 = arith.constant 1 : i32
          %gather3A_602 = arith.constant 0 : i32
          %gather3A_603 = arith.constant 0 : i32
          %gather3A_604 = tpu.memref_slice %arg4[%gather3A_601, %gather3A_602, %gather3A_603] : memref<2x320x64xf32, #tpu.memory_space<vmem>> -> memref<1x320x64xf32, #tpu.memory_space<vmem>>
          %gather3A_605 = tpu.memref_squeeze %gather3A_604 : memref<1x320x64xf32, #tpu.memory_space<vmem>> -> memref<320x64xf32, #tpu.memory_space<vmem>>
          %gather3A_606 = tpu.vector_load_idx %gather3A_605[%broadcast_in_dim3A_572, %add3A_119] : memref<320x64xf32, #tpu.memory_space<vmem>>[vector<16xi32>, vector<16xi32>], vector<16xf32>,
          %add3A_607 = arith.constant 64 : i32
          %add3A_608 = vector.broadcast %add3A_607 : i32 to vector<16xi32>
          %add3A_609 = arith.addi %add3A_119, %add3A_608 : vector<16xi32>
          %scatter3A_610 = arith.constant 1 : i32
          %scatter3A_611 = arith.constant 0 : i32
          %scatter3A_612 = arith.constant 0 : i32
          %scatter3A_613 = tpu.memref_slice %arg5[%scatter3A_610, %scatter3A_611, %scatter3A_612] : memref<2x160x128xf32, #tpu.memory_space<vmem>> -> memref<1x160x128xf32, #tpu.memory_space<vmem>>
          %scatter3A_614 = tpu.memref_squeeze %scatter3A_613 : memref<1x160x128xf32, #tpu.memory_space<vmem>> -> memref<160x128xf32, #tpu.memory_space<vmem>>
          tpu.vector_store_idx %scatter3A_614[%broadcast_in_dim3A_506, %add3A_609], %gather3A_606 : memref<160x128xf32, #tpu.memory_space<vmem>>[vector<16xi32>, vector<16xi32>], vector<16xf32>,
          %gather3A_615 = arith.constant 1 : i32
          %gather3A_616 = arith.constant 0 : i32
          %gather3A_617 = arith.constant 0 : i32
          %gather3A_618 = tpu.memref_slice %arg4[%gather3A_615, %gather3A_616, %gather3A_617] : memref<2x320x64xf32, #tpu.memory_space<vmem>> -> memref<1x320x64xf32, #tpu.memory_space<vmem>>
          %gather3A_619 = tpu.memref_squeeze %gather3A_618 : memref<1x320x64xf32, #tpu.memory_space<vmem>> -> memref<320x64xf32, #tpu.memory_space<vmem>>
          %gather3A_620 = tpu.vector_load_idx %gather3A_619[%broadcast_in_dim3A_572, %add3A_122] : memref<320x64xf32, #tpu.memory_space<vmem>>[vector<16xi32>, vector<16xi32>], vector<16xf32>,
          %add3A_621 = arith.constant 64 : i32
          %add3A_622 = vector.broadcast %add3A_621 : i32 to vector<16xi32>
          %add3A_623 = arith.addi %add3A_122, %add3A_622 : vector<16xi32>
          %scatter3A_624 = arith.constant 1 : i32
          %scatter3A_625 = arith.constant 0 : i32
          %scatter3A_626 = arith.constant 0 : i32
          %scatter3A_627 = tpu.memref_slice %arg5[%scatter3A_624, %scatter3A_625, %scatter3A_626] : memref<2x160x128xf32, #tpu.memory_space<vmem>> -> memref<1x160x128xf32, #tpu.memory_space<vmem>>
          %scatter3A_628 = tpu.memref_squeeze %scatter3A_627 : memref<1x160x128xf32, #tpu.memory_space<vmem>> -> memref<160x128xf32, #tpu.memory_space<vmem>>
          tpu.vector_store_idx %scatter3A_628[%broadcast_in_dim3A_506, %add3A_623], %gather3A_620 : memref<160x128xf32, #tpu.memory_space<vmem>>[vector<16xi32>, vector<16xi32>], vector<16xf32>,
        }
        %scan3A_128 = arith.constant 40 : i32
      } else {
      }
      %mul3A_96 = arith.constant 32 : i32
      %mul3A_97 = arith.muli %add3A_74, %mul3A_96 : i32
      %add3A_98 = arith.addi %add3A, %mul3A_97 : i32
      %lt3A_99 = arith.constant 3125 : i32
      %lt3A_100 = arith.cmpi slt, %add3A_98, %lt3A_99 : i32
      %convert_element_type3A_101 = arith.extui %lt3A_100 : i1 to i32
      %cond3A_102 = arith.constant 0 : i32
      %cond3A_103 = arith.cmpi ne, %convert_element_type3A_101, %cond3A_102 : i32
      scf.if %cond3A_103 {
        %mul3A_111 = arith.constant 160 : i32
        %mul3A_112 = arith.muli %add3A_98, %mul3A_111 : i32
        %multiple_of3A = tpu.assume_multiple %mul3A_112, 8 : i32
        %dma_start3A = arith.constant 1 : i32
        %dma_start3A_113 = arith.constant 0 : i32
        %dma_start3A_114 = arith.constant 0 : i32
        %dma_start3A_115 = tpu.memref_slice %arg5[%dma_start3A, %dma_start3A_113, %dma_start3A_114] : memref<2x160x128xf32, #tpu.memory_space<vmem>> -> memref<1x160x128xf32, #tpu.memory_space<vmem>>
        %dma_start3A_116 = tpu.memref_squeeze %dma_start3A_115 : memref<1x160x128xf32, #tpu.memory_space<vmem>> -> memref<160x128xf32, #tpu.memory_space<vmem>>
        %dma_start3A_117 = arith.constant 0 : i32
        %dma_start3A_118 = tpu.memref_slice %arg3[%multiple_of3A, %dma_start3A_117] : memref<500000x128xf32, #tpu.memory_space<hbm>> -> memref<160x128xf32, #tpu.memory_space<hbm>>
        %dma_start3A_119 = arith.constant 0 : i32
        %dma_start3A_120 = tpu.memref_slice %arg3[%multiple_of3A, %dma_start3A_119] : memref<500000x128xf32, #tpu.memory_space<hbm>> -> memref<160x128xf32, #tpu.memory_space<hbm>>
        %dma_start3A_121 = arith.constant 0 : i32
        %dma_start3A_122 = arith.constant 0 : i32
        %dma_start3A_123 = tpu.memref_slice %arg5[%dma_start3A, %dma_start3A_121, %dma_start3A_122] : memref<2x160x128xf32, #tpu.memory_space<vmem>> -> memref<1x160x128xf32, #tpu.memory_space<vmem>>
        %dma_start3A_124 = tpu.memref_squeeze %dma_start3A_123 : memref<1x160x128xf32, #tpu.memory_space<vmem>> -> memref<160x128xf32, #tpu.memory_space<vmem>>
        tpu.enqueue_dma source(%dma_start3A_124 : memref<160x128xf32, #tpu.memory_space<vmem>>) target(%dma_start3A_120 : memref<160x128xf32, #tpu.memory_space<hbm>>) target_semaphore(%arg7 : memref<!tpu.dma_semaphore, #tpu.memory_space<semaphore_mem>>)
      } else {
      }
      %add3A_104 = arith.constant 2 : i32
      %add3A_105 = arith.addi %add3A_74, %add3A_104 : i32
      %lt3A_106 = arith.constant 98 : i32
      %lt3A_107 = arith.cmpi slt, %add3A_105, %lt3A_106 : i32
      %convert_element_type3A_108 = arith.extui %lt3A_107 : i1 to i32
      %cond3A_109 = arith.constant 0 : i32
      %cond3A_110 = arith.cmpi ne, %convert_element_type3A_108, %cond3A_109 : i32
      scf.if %cond3A_110 {
        %add3A_111 = arith.constant 2 : i32
        %add3A_112 = arith.addi %add3A_74, %add3A_111 : i32
        %mul3A_113 = arith.constant 32 : i32
        %mul3A_114 = arith.muli %add3A_112, %mul3A_113 : i32
        %add3A_115 = arith.addi %add3A, %mul3A_114 : i32
        %lt3A_116 = arith.constant 3125 : i32
        %lt3A_117 = arith.cmpi slt, %add3A_115, %lt3A_116 : i32
        %convert_element_type3A_118 = arith.extui %lt3A_117 : i1 to i32
        %cond3A_119 = arith.constant 0 : i32
        %cond3A_120 = arith.cmpi ne, %convert_element_type3A_118, %cond3A_119 : i32
        scf.if %cond3A_120 {
          %mul3A_121 = arith.constant 320 : i32
          %mul3A_122 = arith.muli %add3A_115, %mul3A_121 : i32
          %multiple_of3A = tpu.assume_multiple %mul3A_122, 8 : i32
          %dma_start3A = arith.constant 1 : i32
          %dma_start3A_123 = arith.constant 0 : i32
          %dma_start3A_124 = arith.constant 0 : i32
          %dma_start3A_125 = tpu.memref_slice %arg4[%dma_start3A, %dma_start3A_123, %dma_start3A_124] : memref<2x320x64xf32, #tpu.memory_space<vmem>> -> memref<1x320x64xf32, #tpu.memory_space<vmem>>
          %dma_start3A_126 = tpu.memref_squeeze %dma_start3A_125 : memref<1x320x64xf32, #tpu.memory_space<vmem>> -> memref<320x64xf32, #tpu.memory_space<vmem>>
          %dma_start3A_127 = arith.constant 0 : i32
          %dma_start3A_128 = tpu.memref_slice %arg2[%multiple_of3A, %dma_start3A_127] : memref<1000000x64xf32, #tpu.memory_space<hbm>> -> memref<320x64xf32, #tpu.memory_space<hbm>>
          %dma_start3A_129 = arith.constant 0 : i32
          %dma_start3A_130 = arith.constant 0 : i32
          %dma_start3A_131 = tpu.memref_slice %arg4[%dma_start3A, %dma_start3A_129, %dma_start3A_130] : memref<2x320x64xf32, #tpu.memory_space<vmem>> -> memref<1x320x64xf32, #tpu.memory_space<vmem>>
          %dma_start3A_132 = tpu.memref_squeeze %dma_start3A_131 : memref<1x320x64xf32, #tpu.memory_space<vmem>> -> memref<320x64xf32, #tpu.memory_space<vmem>>
          %dma_start3A_133 = arith.constant 0 : i32
          %dma_start3A_134 = tpu.memref_slice %arg2[%multiple_of3A, %dma_start3A_133] : memref<1000000x64xf32, #tpu.memory_space<hbm>> -> memref<320x64xf32, #tpu.memory_space<hbm>>
          tpu.enqueue_dma source(%dma_start3A_134 : memref<320x64xf32, #tpu.memory_space<hbm>>) target(%dma_start3A_132 : memref<320x64xf32, #tpu.memory_space<vmem>>) target_semaphore(%arg6 : memref<!tpu.dma_semaphore, #tpu.memory_space<semaphore_mem>>)
        } else {
        }
      } else {
      }
    }
    %scan3A_16 = arith.constant 49 : i32
    %add3A_17 = arith.constant 3072 : i32
    %add3A_18 = arith.addi %add3A, %add3A_17 : i32
    %lt3A_19 = arith.constant 3125 : i32
    %lt3A_20 = arith.cmpi slt, %add3A_18, %lt3A_19 : i32
    %convert_element_type3A_21 = arith.extui %lt3A_20 : i1 to i32
    %cond3A_22 = arith.constant 0 : i32
    %cond3A_23 = arith.cmpi ne, %convert_element_type3A_21, %cond3A_22 : i32
    scf.if %cond3A_23 {
      %dma_wait3A = arith.constant 0 : i32
      %dma_wait3A_31 = arith.constant 0 : i32
      %dma_wait3A_32 = arith.constant 0 : i32
      %dma_wait3A_33 = tpu.memref_slice %arg5[%dma_wait3A, %dma_wait3A_31, %dma_wait3A_32] : memref<2x160x128xf32, #tpu.memory_space<vmem>> -> memref<1x160x128xf32, #tpu.memory_space<vmem>>
      %dma_wait3A_34 = tpu.memref_squeeze %dma_wait3A_33 : memref<1x160x128xf32, #tpu.memory_space<vmem>> -> memref<160x128xf32, #tpu.memory_space<vmem>>
      %dma_wait3A_35 = arith.constant 0 : i32
      %dma_wait3A_36 = arith.constant 0 : i32
      %dma_wait3A_37 = tpu.memref_slice %arg3[%dma_wait3A_35, %dma_wait3A_36] : memref<500000x128xf32, #tpu.memory_space<hbm>> -> memref<160x128xf32, #tpu.memory_space<hbm>>
      %dma_wait3A_38 = arith.constant 0 : i32
      %dma_wait3A_39 = arith.constant 0 : i32
      %dma_wait3A_40 = tpu.memref_slice %arg3[%dma_wait3A_38, %dma_wait3A_39] : memref<500000x128xf32, #tpu.memory_space<hbm>> -> memref<160x128xf32, #tpu.memory_space<hbm>>
      %dma_wait3A_41 = arith.constant 0 : i32
      %dma_wait3A_42 = arith.constant 0 : i32
      %dma_wait3A_43 = tpu.memref_slice %arg5[%dma_wait3A, %dma_wait3A_41, %dma_wait3A_42] : memref<2x160x128xf32, #tpu.memory_space<vmem>> -> memref<1x160x128xf32, #tpu.memory_space<vmem>>
      %dma_wait3A_44 = tpu.memref_squeeze %dma_wait3A_43 : memref<1x160x128xf32, #tpu.memory_space<vmem>> -> memref<160x128xf32, #tpu.memory_space<vmem>>
      tpu.wait_dma2 semaphore(%arg7 : memref<!tpu.dma_semaphore, #tpu.memory_space<semaphore_mem>>) src(%dma_wait3A_44 : memref<160x128xf32, #tpu.memory_space<vmem>>) dst(%dma_wait3A_40 : memref<160x128xf32, #tpu.memory_space<hbm>>)
    } else {
    }
    %add3A_24 = arith.constant 3104 : i32
    %add3A_25 = arith.addi %add3A, %add3A_24 : i32
    %lt3A_26 = arith.constant 3125 : i32
    %lt3A_27 = arith.cmpi slt, %add3A_25, %lt3A_26 : i32
    %convert_element_type3A_28 = arith.extui %lt3A_27 : i1 to i32
    %cond3A_29 = arith.constant 0 : i32
    %cond3A_30 = arith.cmpi ne, %convert_element_type3A_28, %cond3A_29 : i32
    scf.if %cond3A_30 {
      %dma_wait3A = arith.constant 1 : i32
      %dma_wait3A_31 = arith.constant 0 : i32
      %dma_wait3A_32 = arith.constant 0 : i32
      %dma_wait3A_33 = tpu.memref_slice %arg5[%dma_wait3A, %dma_wait3A_31, %dma_wait3A_32] : memref<2x160x128xf32, #tpu.memory_space<vmem>> -> memref<1x160x128xf32, #tpu.memory_space<vmem>>
      %dma_wait3A_34 = tpu.memref_squeeze %dma_wait3A_33 : memref<1x160x128xf32, #tpu.memory_space<vmem>> -> memref<160x128xf32, #tpu.memory_space<vmem>>
      %dma_wait3A_35 = arith.constant 0 : i32
      %dma_wait3A_36 = arith.constant 0 : i32
      %dma_wait3A_37 = tpu.memref_slice %arg3[%dma_wait3A_35, %dma_wait3A_36] : memref<500000x128xf32, #tpu.memory_space<hbm>> -> memref<160x128xf32, #tpu.memory_space<hbm>>
      %dma_wait3A_38 = arith.constant 0 : i32
      %dma_wait3A_39 = arith.constant 0 : i32
      %dma_wait3A_40 = tpu.memref_slice %arg3[%dma_wait3A_38, %dma_wait3A_39] : memref<500000x128xf32, #tpu.memory_space<hbm>> -> memref<160x128xf32, #tpu.memory_space<hbm>>
      %dma_wait3A_41 = arith.constant 0 : i32
      %dma_wait3A_42 = arith.constant 0 : i32
      %dma_wait3A_43 = tpu.memref_slice %arg5[%dma_wait3A, %dma_wait3A_41, %dma_wait3A_42] : memref<2x160x128xf32, #tpu.memory_space<vmem>> -> memref<1x160x128xf32, #tpu.memory_space<vmem>>
      %dma_wait3A_44 = tpu.memref_squeeze %dma_wait3A_43 : memref<1x160x128xf32, #tpu.memory_space<vmem>> -> memref<160x128xf32, #tpu.memory_space<vmem>>
      tpu.wait_dma2 semaphore(%arg7 : memref<!tpu.dma_semaphore, #tpu.memory_space<semaphore_mem>>) src(%dma_wait3A_44 : memref<160x128xf32, #tpu.memory_space<vmem>>) dst(%dma_wait3A_40 : memref<160x128xf32, #tpu.memory_space<hbm>>)
    } else {
    }
    return
  }
}

#map = affine_map<(d0, d1) -> (0, 0)>
#map1 = affine_map<(d0, d1) -> (0, 0, 0)>
module attributes {stable_mosaic.version = 14 : i64} {
  func.func @k(%arg0: i32, %arg1: i32, %arg2: memref<4096x200xi32, #tpu.memory_space<hbm>>, %arg3: memref<1000000x64xf32, #tpu.memory_space<hbm>>, %arg4: memref<4096x200x64xf32, #tpu.memory_space<hbm>>, %arg5: memref<2x4x200xi32, #tpu.memory_space<vmem>>, %arg6: memref<2x4x200x64xf32, #tpu.memory_space<vmem>>, %arg7: memref<!tpu.dma_semaphore, #tpu.memory_space<semaphore_mem>>, %arg8: memref<!tpu.dma_semaphore, #tpu.memory_space<semaphore_mem>>, %arg9: memref<!tpu.dma_semaphore, #tpu.memory_space<semaphore_mem>>) attributes {dimension_semantics = [#tpu.dimension_semantics<core_parallel>, #tpu.dimension_semantics<subcore_parallel>], iteration_bounds = array<i64: 2, 16>, scalar_prefetch = 0 : i64, scratch_operands = 5 : i64, tpu.core_type = #tpu.core_type<sc_vector_subcore>, window_params = [{transform_indices = #map}, {transform_indices = #map}, {transform_indices = #map1}]} {
    %mul3A = arith.constant 2 : i32
    %mul3A_0 = arith.muli %arg1, %mul3A : i32
    %add3A = arith.addi %mul3A_0, %arg0 : i32
    %mul3A_1 = arith.constant 128 : i32
    %mul3A_2 = arith.muli %add3A, %mul3A_1 : i32
    %add3A_3 = arith.constant 0 : i32
    %add3A_4 = arith.addi %mul3A_2, %add3A_3 : i32
    %dma_start3A = arith.constant 0 : i32
    %dma_start3A_5 = arith.constant 0 : i32
    %dma_start3A_6 = arith.constant 0 : i32
    %dma_start3A_7 = tpu.memref_slice %arg5[%dma_start3A, %dma_start3A_5, %dma_start3A_6] : memref<2x4x200xi32, #tpu.memory_space<vmem>> -> memref<1x4x200xi32, #tpu.memory_space<vmem>>
    %dma_start3A_8 = tpu.memref_squeeze %dma_start3A_7 : memref<1x4x200xi32, #tpu.memory_space<vmem>> -> memref<4x200xi32, #tpu.memory_space<vmem>>
    %dma_start3A_9 = arith.constant 0 : i32
    %dma_start3A_10 = tpu.memref_slice %arg2[%add3A_4, %dma_start3A_9] : memref<4096x200xi32, #tpu.memory_space<hbm>> -> memref<4x200xi32, #tpu.memory_space<hbm>>
    %dma_start3A_11 = arith.constant 0 : i32
    %dma_start3A_12 = arith.constant 0 : i32
    %dma_start3A_13 = tpu.memref_slice %arg5[%dma_start3A, %dma_start3A_11, %dma_start3A_12] : memref<2x4x200xi32, #tpu.memory_space<vmem>> -> memref<1x4x200xi32, #tpu.memory_space<vmem>>
    %dma_start3A_14 = tpu.memref_squeeze %dma_start3A_13 : memref<1x4x200xi32, #tpu.memory_space<vmem>> -> memref<4x200xi32, #tpu.memory_space<vmem>>
    %dma_start3A_15 = arith.constant 0 : i32
    %dma_start3A_16 = tpu.memref_slice %arg2[%add3A_4, %dma_start3A_15] : memref<4096x200xi32, #tpu.memory_space<hbm>> -> memref<4x200xi32, #tpu.memory_space<hbm>>
    tpu.enqueue_dma source(%dma_start3A_16 : memref<4x200xi32, #tpu.memory_space<hbm>>) target(%dma_start3A_14 : memref<4x200xi32, #tpu.memory_space<vmem>>) target_semaphore(%arg7 : memref<!tpu.dma_semaphore, #tpu.memory_space<semaphore_mem>>)
    %add3A_17 = arith.constant 4 : i32
    %add3A_18 = arith.addi %mul3A_2, %add3A_17 : i32
    %dma_start3A_19 = arith.constant 1 : i32
    %dma_start3A_20 = arith.constant 0 : i32
    %dma_start3A_21 = arith.constant 0 : i32
    %dma_start3A_22 = tpu.memref_slice %arg5[%dma_start3A_19, %dma_start3A_20, %dma_start3A_21] : memref<2x4x200xi32, #tpu.memory_space<vmem>> -> memref<1x4x200xi32, #tpu.memory_space<vmem>>
    %dma_start3A_23 = tpu.memref_squeeze %dma_start3A_22 : memref<1x4x200xi32, #tpu.memory_space<vmem>> -> memref<4x200xi32, #tpu.memory_space<vmem>>
    %dma_start3A_24 = arith.constant 0 : i32
    %dma_start3A_25 = tpu.memref_slice %arg2[%add3A_18, %dma_start3A_24] : memref<4096x200xi32, #tpu.memory_space<hbm>> -> memref<4x200xi32, #tpu.memory_space<hbm>>
    %dma_start3A_26 = arith.constant 0 : i32
    %dma_start3A_27 = arith.constant 0 : i32
    %dma_start3A_28 = tpu.memref_slice %arg5[%dma_start3A_19, %dma_start3A_26, %dma_start3A_27] : memref<2x4x200xi32, #tpu.memory_space<vmem>> -> memref<1x4x200xi32, #tpu.memory_space<vmem>>
    %dma_start3A_29 = tpu.memref_squeeze %dma_start3A_28 : memref<1x4x200xi32, #tpu.memory_space<vmem>> -> memref<4x200xi32, #tpu.memory_space<vmem>>
    %dma_start3A_30 = arith.constant 0 : i32
    %dma_start3A_31 = tpu.memref_slice %arg2[%add3A_18, %dma_start3A_30] : memref<4096x200xi32, #tpu.memory_space<hbm>> -> memref<4x200xi32, #tpu.memory_space<hbm>>
    tpu.enqueue_dma source(%dma_start3A_31 : memref<4x200xi32, #tpu.memory_space<hbm>>) target(%dma_start3A_29 : memref<4x200xi32, #tpu.memory_space<vmem>>) target_semaphore(%arg7 : memref<!tpu.dma_semaphore, #tpu.memory_space<semaphore_mem>>)
    %scan3A = arith.constant 0 : i32
    %scan3A_32 = arith.constant 0 : i32
    %scan3A_33 = arith.constant 16 : i32
    %scan3A_34 = arith.addi %scan3A_32, %scan3A_33 : i32
    %scan3A_35 = arith.constant 1 : i32
    scf.for %scan3A_74 = %scan3A_32 to %scan3A_34 step %scan3A_35  : i32 {
      %mul3A_75 = arith.constant 2 : i32
      %mul3A_76 = arith.muli %scan3A_74, %mul3A_75 : i32
      %add3A_77 = arith.constant 0 : i32
      %add3A_78 = arith.addi %mul3A_76, %add3A_77 : i32
      %ge3A = arith.constant 2 : i32
      %ge3A_79 = arith.cmpi sge, %add3A_78, %ge3A : i32
      %convert_element_type3A = arith.extui %ge3A_79 : i1 to i32
      %cond3A = arith.constant 0 : i32
      %cond3A_80 = arith.cmpi ne, %convert_element_type3A, %cond3A : i32
      scf.if %cond3A_80 {
        %dma_wait3A_701 = arith.constant 0 : i32
        %dma_wait3A_702 = arith.constant 0 : i32
        %dma_wait3A_703 = arith.constant 0 : i32
        %dma_wait3A_704 = arith.constant 0 : i32
        %dma_wait3A_705 = tpu.memref_slice %arg6[%dma_wait3A_701, %dma_wait3A_702, %dma_wait3A_703, %dma_wait3A_704] : memref<2x4x200x64xf32, #tpu.memory_space<vmem>> -> memref<1x4x200x64xf32, #tpu.memory_space<vmem>>
        %dma_wait3A_706 = tpu.memref_squeeze %dma_wait3A_705 : memref<1x4x200x64xf32, #tpu.memory_space<vmem>> -> memref<4x200x64xf32, #tpu.memory_space<vmem>>
        %dma_wait3A_707 = arith.constant 0 : i32
        %dma_wait3A_708 = arith.constant 0 : i32
        %dma_wait3A_709 = arith.constant 0 : i32
        %dma_wait3A_710 = tpu.memref_slice %arg4[%dma_wait3A_707, %dma_wait3A_708, %dma_wait3A_709] : memref<4096x200x64xf32, #tpu.memory_space<hbm>> -> memref<4x200x64xf32, #tpu.memory_space<hbm>>
        %dma_wait3A_711 = arith.constant 0 : i32
        %dma_wait3A_712 = arith.constant 0 : i32
        %dma_wait3A_713 = arith.constant 0 : i32
        %dma_wait3A_714 = tpu.memref_slice %arg4[%dma_wait3A_711, %dma_wait3A_712, %dma_wait3A_713] : memref<4096x200x64xf32, #tpu.memory_space<hbm>> -> memref<4x200x64xf32, #tpu.memory_space<hbm>>
        %dma_wait3A_715 = arith.constant 0 : i32
        %dma_wait3A_716 = arith.constant 0 : i32
        %dma_wait3A_717 = arith.constant 0 : i32
        %dma_wait3A_718 = tpu.memref_slice %arg6[%dma_wait3A_701, %dma_wait3A_715, %dma_wait3A_716, %dma_wait3A_717] : memref<2x4x200x64xf32, #tpu.memory_space<vmem>> -> memref<1x4x200x64xf32, #tpu.memory_space<vmem>>
        %dma_wait3A_719 = tpu.memref_squeeze %dma_wait3A_718 : memref<1x4x200x64xf32, #tpu.memory_space<vmem>> -> memref<4x200x64xf32, #tpu.memory_space<vmem>>
        tpu.wait_dma2 semaphore(%arg9 : memref<!tpu.dma_semaphore, #tpu.memory_space<semaphore_mem>>) src(%dma_wait3A_719 : memref<4x200x64xf32, #tpu.memory_space<vmem>>) dst(%dma_wait3A_714 : memref<4x200x64xf32, #tpu.memory_space<hbm>>)
      } else {
      }
      %dma_wait3A_81 = arith.constant 0 : i32
      %dma_wait3A_82 = arith.constant 0 : i32
      %dma_wait3A_83 = arith.constant 0 : i32
      %dma_wait3A_84 = tpu.memref_slice %arg5[%dma_wait3A_81, %dma_wait3A_82, %dma_wait3A_83] : memref<2x4x200xi32, #tpu.memory_space<vmem>> -> memref<1x4x200xi32, #tpu.memory_space<vmem>>
      %dma_wait3A_85 = tpu.memref_squeeze %dma_wait3A_84 : memref<1x4x200xi32, #tpu.memory_space<vmem>> -> memref<4x200xi32, #tpu.memory_space<vmem>>
      %dma_wait3A_86 = arith.constant 0 : i32
      %dma_wait3A_87 = arith.constant 0 : i32
      %dma_wait3A_88 = tpu.memref_slice %arg2[%dma_wait3A_86, %dma_wait3A_87] : memref<4096x200xi32, #tpu.memory_space<hbm>> -> memref<4x200xi32, #tpu.memory_space<hbm>>
      %dma_wait3A_89 = arith.constant 0 : i32
      %dma_wait3A_90 = arith.constant 0 : i32
      %dma_wait3A_91 = tpu.memref_slice %arg5[%dma_wait3A_81, %dma_wait3A_89, %dma_wait3A_90] : memref<2x4x200xi32, #tpu.memory_space<vmem>> -> memref<1x4x200xi32, #tpu.memory_space<vmem>>
      %dma_wait3A_92 = tpu.memref_squeeze %dma_wait3A_91 : memref<1x4x200xi32, #tpu.memory_space<vmem>> -> memref<4x200xi32, #tpu.memory_space<vmem>>
      %dma_wait3A_93 = arith.constant 0 : i32
      %dma_wait3A_94 = arith.constant 0 : i32
      %dma_wait3A_95 = tpu.memref_slice %arg2[%dma_wait3A_93, %dma_wait3A_94] : memref<4096x200xi32, #tpu.memory_space<hbm>> -> memref<4x200xi32, #tpu.memory_space<hbm>>
      tpu.wait_dma2 semaphore(%arg7 : memref<!tpu.dma_semaphore, #tpu.memory_space<semaphore_mem>>) src(%dma_wait3A_95 : memref<4x200xi32, #tpu.memory_space<hbm>>) dst(%dma_wait3A_92 : memref<4x200xi32, #tpu.memory_space<vmem>>)
      %dma_start3A_96 = arith.constant 0 : i32
      %dma_start3A_97 = arith.constant 0 : i32
      %dma_start3A_98 = arith.constant 0 : i32
      %dma_start3A_99 = arith.constant 0 : i32
      %dma_start3A_100 = arith.constant 0 : i32
      %dma_start3A_101 = arith.constant 0 : i32
      %dma_start3A_102 = tpu.memref_slice %arg6[%dma_start3A_98, %dma_start3A_99, %dma_start3A_100, %dma_start3A_101] : memref<2x4x200x64xf32, #tpu.memory_space<vmem>> -> memref<1x1x128x64xf32, #tpu.memory_space<vmem>>
      %dma_start3A_103 = tpu.memref_squeeze %dma_start3A_102 : memref<1x1x128x64xf32, #tpu.memory_space<vmem>> -> memref<128x64xf32, #tpu.memory_space<vmem>>
      %dma_start3A_104 = arith.constant 0 : i32
      %dma_start3A_105 = tpu.memref_slice %arg5[%dma_start3A_96, %dma_start3A_97, %dma_start3A_104] : memref<2x4x200xi32, #tpu.memory_space<vmem>> -> memref<1x1x128xi32, #tpu.memory_space<vmem>>
      %dma_start3A_106 = tpu.memref_squeeze %dma_start3A_105 : memref<1x1x128xi32, #tpu.memory_space<vmem>> -> memref<128xi32, #tpu.memory_space<vmem>>
      %dma_start3A_107 = arith.constant 0 : i32
      %dma_start3A_108 = arith.constant 0 : i32
      %dma_start3A_109 = tpu.memref_slice %arg3[%dma_start3A_107, %dma_start3A_108] : memref<1000000x64xf32, #tpu.memory_space<hbm>> -> memref<1000000x64xf32, #tpu.memory_space<hbm>>
      tpu.enqueue_indirect_dma source(%dma_start3A_109 : memref<1000000x64xf32, #tpu.memory_space<hbm>>) target(%dma_start3A_103 : memref<128x64xf32, #tpu.memory_space<vmem>>) offsets(%dma_start3A_106 : memref<128xi32, #tpu.memory_space<vmem>>) semaphore(%arg8 : memref<!tpu.dma_semaphore, #tpu.memory_space<semaphore_mem>>)
      %dma_start3A_110 = arith.constant 0 : i32
      %dma_start3A_111 = arith.constant 0 : i32
      %dma_start3A_112 = arith.constant 0 : i32
      %dma_start3A_113 = arith.constant 0 : i32
      %dma_start3A_114 = arith.constant 128 : i32
      %dma_start3A_115 = arith.constant 0 : i32
      %dma_start3A_116 = tpu.memref_slice %arg6[%dma_start3A_112, %dma_start3A_113, %dma_start3A_114, %dma_start3A_115] : memref<2x4x200x64xf32, #tpu.memory_space<vmem>> -> memref<1x1x72x64xf32, #tpu.memory_space<vmem>>
      %dma_start3A_117 = tpu.memref_squeeze %dma_start3A_116 : memref<1x1x72x64xf32, #tpu.memory_space<vmem>> -> memref<72x64xf32, #tpu.memory_space<vmem>>
      %dma_start3A_118 = arith.constant 128 : i32
      %dma_start3A_119 = tpu.memref_slice %arg5[%dma_start3A_110, %dma_start3A_111, %dma_start3A_118] : memref<2x4x200xi32, #tpu.memory_space<vmem>> -> memref<1x1x72xi32, #tpu.memory_space<vmem>>
      %dma_start3A_120 = tpu.memref_squeeze %dma_start3A_119 : memref<1x1x72xi32, #tpu.memory_space<vmem>> -> memref<72xi32, #tpu.memory_space<vmem>>
      %dma_start3A_121 = arith.constant 0 : i32
      %dma_start3A_122 = arith.constant 0 : i32
      %dma_start3A_123 = tpu.memref_slice %arg3[%dma_start3A_121, %dma_start3A_122] : memref<1000000x64xf32, #tpu.memory_space<hbm>> -> memref<1000000x64xf32, #tpu.memory_space<hbm>>
      tpu.enqueue_indirect_dma source(%dma_start3A_123 : memref<1000000x64xf32, #tpu.memory_space<hbm>>) target(%dma_start3A_117 : memref<72x64xf32, #tpu.memory_space<vmem>>) offsets(%dma_start3A_120 : memref<72xi32, #tpu.memory_space<vmem>>) semaphore(%arg8 : memref<!tpu.dma_semaphore, #tpu.memory_space<semaphore_mem>>)
      %dma_start3A_124 = arith.constant 0 : i32
      %dma_start3A_125 = arith.constant 1 : i32
      %dma_start3A_126 = arith.constant 0 : i32
      %dma_start3A_127 = arith.constant 1 : i32
      %dma_start3A_128 = arith.constant 0 : i32
      %dma_start3A_129 = arith.constant 0 : i32
      %dma_start3A_130 = tpu.memref_slice %arg6[%dma_start3A_126, %dma_start3A_127, %dma_start3A_128, %dma_start3A_129] : memref<2x4x200x64xf32, #tpu.memory_space<vmem>> -> memref<1x1x128x64xf32, #tpu.memory_space<vmem>>
      %dma_start3A_131 = tpu.memref_squeeze %dma_start3A_130 : memref<1x1x128x64xf32, #tpu.memory_space<vmem>> -> memref<128x64xf32, #tpu.memory_space<vmem>>
      %dma_start3A_132 = arith.constant 0 : i32
      %dma_start3A_133 = tpu.memref_slice %arg5[%dma_start3A_124, %dma_start3A_125, %dma_start3A_132] : memref<2x4x200xi32, #tpu.memory_space<vmem>> -> memref<1x1x128xi32, #tpu.memory_space<vmem>>
      %dma_start3A_134 = tpu.memref_squeeze %dma_start3A_133 : memref<1x1x128xi32, #tpu.memory_space<vmem>> -> memref<128xi32, #tpu.memory_space<vmem>>
      %dma_start3A_135 = arith.constant 0 : i32
      %dma_start3A_136 = arith.constant 0 : i32
      %dma_start3A_137 = tpu.memref_slice %arg3[%dma_start3A_135, %dma_start3A_136] : memref<1000000x64xf32, #tpu.memory_space<hbm>> -> memref<1000000x64xf32, #tpu.memory_space<hbm>>
      tpu.enqueue_indirect_dma source(%dma_start3A_137 : memref<1000000x64xf32, #tpu.memory_space<hbm>>) target(%dma_start3A_131 : memref<128x64xf32, #tpu.memory_space<vmem>>) offsets(%dma_start3A_134 : memref<128xi32, #tpu.memory_space<vmem>>) semaphore(%arg8 : memref<!tpu.dma_semaphore, #tpu.memory_space<semaphore_mem>>)
      %dma_start3A_138 = arith.constant 0 : i32
      %dma_start3A_139 = arith.constant 1 : i32
      %dma_start3A_140 = arith.constant 0 : i32
      %dma_start3A_141 = arith.constant 1 : i32
      %dma_start3A_142 = arith.constant 128 : i32
      %dma_start3A_143 = arith.constant 0 : i32
      %dma_start3A_144 = tpu.memref_slice %arg6[%dma_start3A_140, %dma_start3A_141, %dma_start3A_142, %dma_start3A_143] : memref<2x4x200x64xf32, #tpu.memory_space<vmem>> -> memref<1x1x72x64xf32, #tpu.memory_space<vmem>>
      %dma_start3A_145 = tpu.memref_squeeze %dma_start3A_144 : memref<1x1x72x64xf32, #tpu.memory_space<vmem>> -> memref<72x64xf32, #tpu.memory_space<vmem>>
      %dma_start3A_146 = arith.constant 128 : i32
      %dma_start3A_147 = tpu.memref_slice %arg5[%dma_start3A_138, %dma_start3A_139, %dma_start3A_146] : memref<2x4x200xi32, #tpu.memory_space<vmem>> -> memref<1x1x72xi32, #tpu.memory_space<vmem>>
      %dma_start3A_148 = tpu.memref_squeeze %dma_start3A_147 : memref<1x1x72xi32, #tpu.memory_space<vmem>> -> memref<72xi32, #tpu.memory_space<vmem>>
      %dma_start3A_149 = arith.constant 0 : i32
      %dma_start3A_150 = arith.constant 0 : i32
      %dma_start3A_151 = tpu.memref_slice %arg3[%dma_start3A_149, %dma_start3A_150] : memref<1000000x64xf32, #tpu.memory_space<hbm>> -> memref<1000000x64xf32, #tpu.memory_space<hbm>>
      tpu.enqueue_indirect_dma source(%dma_start3A_151 : memref<1000000x64xf32, #tpu.memory_space<hbm>>) target(%dma_start3A_145 : memref<72x64xf32, #tpu.memory_space<vmem>>) offsets(%dma_start3A_148 : memref<72xi32, #tpu.memory_space<vmem>>) semaphore(%arg8 : memref<!tpu.dma_semaphore, #tpu.memory_space<semaphore_mem>>)
      %dma_start3A_152 = arith.constant 0 : i32
      %dma_start3A_153 = arith.constant 2 : i32
      %dma_start3A_154 = arith.constant 0 : i32
      %dma_start3A_155 = arith.constant 2 : i32
      %dma_start3A_156 = arith.constant 0 : i32
      %dma_start3A_157 = arith.constant 0 : i32
      %dma_start3A_158 = tpu.memref_slice %arg6[%dma_start3A_154, %dma_start3A_155, %dma_start3A_156, %dma_start3A_157] : memref<2x4x200x64xf32, #tpu.memory_space<vmem>> -> memref<1x1x128x64xf32, #tpu.memory_space<vmem>>
      %dma_start3A_159 = tpu.memref_squeeze %dma_start3A_158 : memref<1x1x128x64xf32, #tpu.memory_space<vmem>> -> memref<128x64xf32, #tpu.memory_space<vmem>>
      %dma_start3A_160 = arith.constant 0 : i32
      %dma_start3A_161 = tpu.memref_slice %arg5[%dma_start3A_152, %dma_start3A_153, %dma_start3A_160] : memref<2x4x200xi32, #tpu.memory_space<vmem>> -> memref<1x1x128xi32, #tpu.memory_space<vmem>>
      %dma_start3A_162 = tpu.memref_squeeze %dma_start3A_161 : memref<1x1x128xi32, #tpu.memory_space<vmem>> -> memref<128xi32, #tpu.memory_space<vmem>>
      %dma_start3A_163 = arith.constant 0 : i32
      %dma_start3A_164 = arith.constant 0 : i32
      %dma_start3A_165 = tpu.memref_slice %arg3[%dma_start3A_163, %dma_start3A_164] : memref<1000000x64xf32, #tpu.memory_space<hbm>> -> memref<1000000x64xf32, #tpu.memory_space<hbm>>
      tpu.enqueue_indirect_dma source(%dma_start3A_165 : memref<1000000x64xf32, #tpu.memory_space<hbm>>) target(%dma_start3A_159 : memref<128x64xf32, #tpu.memory_space<vmem>>) offsets(%dma_start3A_162 : memref<128xi32, #tpu.memory_space<vmem>>) semaphore(%arg8 : memref<!tpu.dma_semaphore, #tpu.memory_space<semaphore_mem>>)
      %dma_start3A_166 = arith.constant 0 : i32
      %dma_start3A_167 = arith.constant 2 : i32
      %dma_start3A_168 = arith.constant 0 : i32
      %dma_start3A_169 = arith.constant 2 : i32
      %dma_start3A_170 = arith.constant 128 : i32
      %dma_start3A_171 = arith.constant 0 : i32
      %dma_start3A_172 = tpu.memref_slice %arg6[%dma_start3A_168, %dma_start3A_169, %dma_start3A_170, %dma_start3A_171] : memref<2x4x200x64xf32, #tpu.memory_space<vmem>> -> memref<1x1x72x64xf32, #tpu.memory_space<vmem>>
      %dma_start3A_173 = tpu.memref_squeeze %dma_start3A_172 : memref<1x1x72x64xf32, #tpu.memory_space<vmem>> -> memref<72x64xf32, #tpu.memory_space<vmem>>
      %dma_start3A_174 = arith.constant 128 : i32
      %dma_start3A_175 = tpu.memref_slice %arg5[%dma_start3A_166, %dma_start3A_167, %dma_start3A_174] : memref<2x4x200xi32, #tpu.memory_space<vmem>> -> memref<1x1x72xi32, #tpu.memory_space<vmem>>
      %dma_start3A_176 = tpu.memref_squeeze %dma_start3A_175 : memref<1x1x72xi32, #tpu.memory_space<vmem>> -> memref<72xi32, #tpu.memory_space<vmem>>
      %dma_start3A_177 = arith.constant 0 : i32
      %dma_start3A_178 = arith.constant 0 : i32
      %dma_start3A_179 = tpu.memref_slice %arg3[%dma_start3A_177, %dma_start3A_178] : memref<1000000x64xf32, #tpu.memory_space<hbm>> -> memref<1000000x64xf32, #tpu.memory_space<hbm>>
      tpu.enqueue_indirect_dma source(%dma_start3A_179 : memref<1000000x64xf32, #tpu.memory_space<hbm>>) target(%dma_start3A_173 : memref<72x64xf32, #tpu.memory_space<vmem>>) offsets(%dma_start3A_176 : memref<72xi32, #tpu.memory_space<vmem>>) semaphore(%arg8 : memref<!tpu.dma_semaphore, #tpu.memory_space<semaphore_mem>>)
      %dma_start3A_180 = arith.constant 0 : i32
      %dma_start3A_181 = arith.constant 3 : i32
      %dma_start3A_182 = arith.constant 0 : i32
      %dma_start3A_183 = arith.constant 3 : i32
      %dma_start3A_184 = arith.constant 0 : i32
      %dma_start3A_185 = arith.constant 0 : i32
      %dma_start3A_186 = tpu.memref_slice %arg6[%dma_start3A_182, %dma_start3A_183, %dma_start3A_184, %dma_start3A_185] : memref<2x4x200x64xf32, #tpu.memory_space<vmem>> -> memref<1x1x128x64xf32, #tpu.memory_space<vmem>>
      %dma_start3A_187 = tpu.memref_squeeze %dma_start3A_186 : memref<1x1x128x64xf32, #tpu.memory_space<vmem>> -> memref<128x64xf32, #tpu.memory_space<vmem>>
      %dma_start3A_188 = arith.constant 0 : i32
      %dma_start3A_189 = tpu.memref_slice %arg5[%dma_start3A_180, %dma_start3A_181, %dma_start3A_188] : memref<2x4x200xi32, #tpu.memory_space<vmem>> -> memref<1x1x128xi32, #tpu.memory_space<vmem>>
      %dma_start3A_190 = tpu.memref_squeeze %dma_start3A_189 : memref<1x1x128xi32, #tpu.memory_space<vmem>> -> memref<128xi32, #tpu.memory_space<vmem>>
      %dma_start3A_191 = arith.constant 0 : i32
      %dma_start3A_192 = arith.constant 0 : i32
      %dma_start3A_193 = tpu.memref_slice %arg3[%dma_start3A_191, %dma_start3A_192] : memref<1000000x64xf32, #tpu.memory_space<hbm>> -> memref<1000000x64xf32, #tpu.memory_space<hbm>>
      tpu.enqueue_indirect_dma source(%dma_start3A_193 : memref<1000000x64xf32, #tpu.memory_space<hbm>>) target(%dma_start3A_187 : memref<128x64xf32, #tpu.memory_space<vmem>>) offsets(%dma_start3A_190 : memref<128xi32, #tpu.memory_space<vmem>>) semaphore(%arg8 : memref<!tpu.dma_semaphore, #tpu.memory_space<semaphore_mem>>)
      %dma_start3A_194 = arith.constant 0 : i32
      %dma_start3A_195 = arith.constant 3 : i32
      %dma_start3A_196 = arith.constant 0 : i32
      %dma_start3A_197 = arith.constant 3 : i32
      %dma_start3A_198 = arith.constant 128 : i32
      %dma_start3A_199 = arith.constant 0 : i32
      %dma_start3A_200 = tpu.memref_slice %arg6[%dma_start3A_196, %dma_start3A_197, %dma_start3A_198, %dma_start3A_199] : memref<2x4x200x64xf32, #tpu.memory_space<vmem>> -> memref<1x1x72x64xf32, #tpu.memory_space<vmem>>
      %dma_start3A_201 = tpu.memref_squeeze %dma_start3A_200 : memref<1x1x72x64xf32, #tpu.memory_space<vmem>> -> memref<72x64xf32, #tpu.memory_space<vmem>>
      %dma_start3A_202 = arith.constant 128 : i32
      %dma_start3A_203 = tpu.memref_slice %arg5[%dma_start3A_194, %dma_start3A_195, %dma_start3A_202] : memref<2x4x200xi32, #tpu.memory_space<vmem>> -> memref<1x1x72xi32, #tpu.memory_space<vmem>>
      %dma_start3A_204 = tpu.memref_squeeze %dma_start3A_203 : memref<1x1x72xi32, #tpu.memory_space<vmem>> -> memref<72xi32, #tpu.memory_space<vmem>>
      %dma_start3A_205 = arith.constant 0 : i32
      %dma_start3A_206 = arith.constant 0 : i32
      %dma_start3A_207 = tpu.memref_slice %arg3[%dma_start3A_205, %dma_start3A_206] : memref<1000000x64xf32, #tpu.memory_space<hbm>> -> memref<1000000x64xf32, #tpu.memory_space<hbm>>
      tpu.enqueue_indirect_dma source(%dma_start3A_207 : memref<1000000x64xf32, #tpu.memory_space<hbm>>) target(%dma_start3A_201 : memref<72x64xf32, #tpu.memory_space<vmem>>) offsets(%dma_start3A_204 : memref<72xi32, #tpu.memory_space<vmem>>) semaphore(%arg8 : memref<!tpu.dma_semaphore, #tpu.memory_space<semaphore_mem>>)
      %dma_wait3A_208 = arith.constant 0 : i32
      %dma_wait3A_209 = arith.constant 0 : i32
      %dma_wait3A_210 = arith.constant 0 : i32
      %dma_wait3A_211 = arith.constant 0 : i32
      %dma_wait3A_212 = arith.constant 0 : i32
      %dma_wait3A_213 = tpu.memref_slice %arg6[%dma_wait3A_209, %dma_wait3A_210, %dma_wait3A_211, %dma_wait3A_212] : memref<2x4x200x64xf32, #tpu.memory_space<vmem>> -> memref<1x1x128x64xf32, #tpu.memory_space<vmem>>
      %dma_wait3A_214 = tpu.memref_squeeze %dma_wait3A_213 : memref<1x1x128x64xf32, #tpu.memory_space<vmem>> -> memref<128x64xf32, #tpu.memory_space<vmem>>
      %dma_wait3A_215 = arith.constant 0 : i32
      %dma_wait3A_216 = arith.constant 0 : i32
      %dma_wait3A_217 = tpu.memref_slice %arg4[%dma_wait3A_208, %dma_wait3A_215, %dma_wait3A_216] : memref<4096x200x64xf32, #tpu.memory_space<hbm>> -> memref<1x128x64xf32, #tpu.memory_space<hbm>>
      %dma_wait3A_218 = tpu.memref_squeeze %dma_wait3A_217 : memref<1x128x64xf32, #tpu.memory_space<hbm>> -> memref<128x64xf32, #tpu.memory_space<hbm>>
      %dma_wait3A_219 = arith.constant 0 : i32
      %dma_wait3A_220 = arith.constant 0 : i32
      %dma_wait3A_221 = tpu.memref_slice %arg6[%dma_wait3A_209, %dma_wait3A_210, %dma_wait3A_219, %dma_wait3A_220] : memref<2x4x200x64xf32, #tpu.memory_space<vmem>> -> memref<1x1x128x64xf32, #tpu.memory_space<vmem>>
      %dma_wait3A_222 = tpu.memref_squeeze %dma_wait3A_221 : memref<1x1x128x64xf32, #tpu.memory_space<vmem>> -> memref<128x64xf32, #tpu.memory_space<vmem>>
      %dma_wait3A_223 = arith.constant 0 : i32
      %dma_wait3A_224 = arith.constant 0 : i32
      %dma_wait3A_225 = tpu.memref_slice %arg4[%dma_wait3A_208, %dma_wait3A_223, %dma_wait3A_224] : memref<4096x200x64xf32, #tpu.memory_space<hbm>> -> memref<1x128x64xf32, #tpu.memory_space<hbm>>
      %dma_wait3A_226 = tpu.memref_squeeze %dma_wait3A_225 : memref<1x128x64xf32, #tpu.memory_space<hbm>> -> memref<128x64xf32, #tpu.memory_space<hbm>>
      tpu.wait_dma2 semaphore(%arg8 : memref<!tpu.dma_semaphore, #tpu.memory_space<semaphore_mem>>) src(%dma_wait3A_226 : memref<128x64xf32, #tpu.memory_space<hbm>>) dst(%dma_wait3A_222 : memref<128x64xf32, #tpu.memory_space<vmem>>)
      %dma_wait3A_227 = arith.constant 0 : i32
      %dma_wait3A_228 = arith.constant 0 : i32
      %dma_wait3A_229 = arith.constant 0 : i32
      %dma_wait3A_230 = arith.constant 128 : i32
      %dma_wait3A_231 = arith.constant 0 : i32
      %dma_wait3A_232 = tpu.memref_slice %arg6[%dma_wait3A_228, %dma_wait3A_229, %dma_wait3A_230, %dma_wait3A_231] : memref<2x4x200x64xf32, #tpu.memory_space<vmem>> -> memref<1x1x72x64xf32, #tpu.memory_space<vmem>>
      %dma_wait3A_233 = tpu.memref_squeeze %dma_wait3A_232 : memref<1x1x72x64xf32, #tpu.memory_space<vmem>> -> memref<72x64xf32, #tpu.memory_space<vmem>>
      %dma_wait3A_234 = arith.constant 128 : i32
      %dma_wait3A_235 = arith.constant 0 : i32
      %dma_wait3A_236 = tpu.memref_slice %arg4[%dma_wait3A_227, %dma_wait3A_234, %dma_wait3A_235] : memref<4096x200x64xf32, #tpu.memory_space<hbm>> -> memref<1x72x64xf32, #tpu.memory_space<hbm>>
      %dma_wait3A_237 = tpu.memref_squeeze %dma_wait3A_236 : memref<1x72x64xf32, #tpu.memory_space<hbm>> -> memref<72x64xf32, #tpu.memory_space<hbm>>
      %dma_wait3A_238 = arith.constant 128 : i32
      %dma_wait3A_239 = arith.constant 0 : i32
      %dma_wait3A_240 = tpu.memref_slice %arg6[%dma_wait3A_228, %dma_wait3A_229, %dma_wait3A_238, %dma_wait3A_239] : memref<2x4x200x64xf32, #tpu.memory_space<vmem>> -> memref<1x1x72x64xf32, #tpu.memory_space<vmem>>
      %dma_wait3A_241 = tpu.memref_squeeze %dma_wait3A_240 : memref<1x1x72x64xf32, #tpu.memory_space<vmem>> -> memref<72x64xf32, #tpu.memory_space<vmem>>
      %dma_wait3A_242 = arith.constant 128 : i32
      %dma_wait3A_243 = arith.constant 0 : i32
      %dma_wait3A_244 = tpu.memref_slice %arg4[%dma_wait3A_227, %dma_wait3A_242, %dma_wait3A_243] : memref<4096x200x64xf32, #tpu.memory_space<hbm>> -> memref<1x72x64xf32, #tpu.memory_space<hbm>>
      %dma_wait3A_245 = tpu.memref_squeeze %dma_wait3A_244 : memref<1x72x64xf32, #tpu.memory_space<hbm>> -> memref<72x64xf32, #tpu.memory_space<hbm>>
      tpu.wait_dma2 semaphore(%arg8 : memref<!tpu.dma_semaphore, #tpu.memory_space<semaphore_mem>>) src(%dma_wait3A_245 : memref<72x64xf32, #tpu.memory_space<hbm>>) dst(%dma_wait3A_241 : memref<72x64xf32, #tpu.memory_space<vmem>>)
      %dma_wait3A_246 = arith.constant 0 : i32
      %dma_wait3A_247 = arith.constant 0 : i32
      %dma_wait3A_248 = arith.constant 1 : i32
      %dma_wait3A_249 = arith.constant 0 : i32
      %dma_wait3A_250 = arith.constant 0 : i32
      %dma_wait3A_251 = tpu.memref_slice %arg6[%dma_wait3A_247, %dma_wait3A_248, %dma_wait3A_249, %dma_wait3A_250] : memref<2x4x200x64xf32, #tpu.memory_space<vmem>> -> memref<1x1x128x64xf32, #tpu.memory_space<vmem>>
      %dma_wait3A_252 = tpu.memref_squeeze %dma_wait3A_251 : memref<1x1x128x64xf32, #tpu.memory_space<vmem>> -> memref<128x64xf32, #tpu.memory_space<vmem>>
      %dma_wait3A_253 = arith.constant 0 : i32
      %dma_wait3A_254 = arith.constant 0 : i32
      %dma_wait3A_255 = tpu.memref_slice %arg4[%dma_wait3A_246, %dma_wait3A_253, %dma_wait3A_254] : memref<4096x200x64xf32, #tpu.memory_space<hbm>> -> memref<1x128x64xf32, #tpu.memory_space<hbm>>
      %dma_wait3A_256 = tpu.memref_squeeze %dma_wait3A_255 : memref<1x128x64xf32, #tpu.memory_space<hbm>> -> memref<128x64xf32, #tpu.memory_space<hbm>>
      %dma_wait3A_257 = arith.constant 0 : i32
      %dma_wait3A_258 = arith.constant 0 : i32
      %dma_wait3A_259 = tpu.memref_slice %arg6[%dma_wait3A_247, %dma_wait3A_248, %dma_wait3A_257, %dma_wait3A_258] : memref<2x4x200x64xf32, #tpu.memory_space<vmem>> -> memref<1x1x128x64xf32, #tpu.memory_space<vmem>>
      %dma_wait3A_260 = tpu.memref_squeeze %dma_wait3A_259 : memref<1x1x128x64xf32, #tpu.memory_space<vmem>> -> memref<128x64xf32, #tpu.memory_space<vmem>>
      %dma_wait3A_261 = arith.constant 0 : i32
      %dma_wait3A_262 = arith.constant 0 : i32
      %dma_wait3A_263 = tpu.memref_slice %arg4[%dma_wait3A_246, %dma_wait3A_261, %dma_wait3A_262] : memref<4096x200x64xf32, #tpu.memory_space<hbm>> -> memref<1x128x64xf32, #tpu.memory_space<hbm>>
      %dma_wait3A_264 = tpu.memref_squeeze %dma_wait3A_263 : memref<1x128x64xf32, #tpu.memory_space<hbm>> -> memref<128x64xf32, #tpu.memory_space<hbm>>
      tpu.wait_dma2 semaphore(%arg8 : memref<!tpu.dma_semaphore, #tpu.memory_space<semaphore_mem>>) src(%dma_wait3A_264 : memref<128x64xf32, #tpu.memory_space<hbm>>) dst(%dma_wait3A_260 : memref<128x64xf32, #tpu.memory_space<vmem>>)
      %dma_wait3A_265 = arith.constant 0 : i32
      %dma_wait3A_266 = arith.constant 0 : i32
      %dma_wait3A_267 = arith.constant 1 : i32
      %dma_wait3A_268 = arith.constant 128 : i32
      %dma_wait3A_269 = arith.constant 0 : i32
      %dma_wait3A_270 = tpu.memref_slice %arg6[%dma_wait3A_266, %dma_wait3A_267, %dma_wait3A_268, %dma_wait3A_269] : memref<2x4x200x64xf32, #tpu.memory_space<vmem>> -> memref<1x1x72x64xf32, #tpu.memory_space<vmem>>
      %dma_wait3A_271 = tpu.memref_squeeze %dma_wait3A_270 : memref<1x1x72x64xf32, #tpu.memory_space<vmem>> -> memref<72x64xf32, #tpu.memory_space<vmem>>
      %dma_wait3A_272 = arith.constant 128 : i32
      %dma_wait3A_273 = arith.constant 0 : i32
      %dma_wait3A_274 = tpu.memref_slice %arg4[%dma_wait3A_265, %dma_wait3A_272, %dma_wait3A_273] : memref<4096x200x64xf32, #tpu.memory_space<hbm>> -> memref<1x72x64xf32, #tpu.memory_space<hbm>>
      %dma_wait3A_275 = tpu.memref_squeeze %dma_wait3A_274 : memref<1x72x64xf32, #tpu.memory_space<hbm>> -> memref<72x64xf32, #tpu.memory_space<hbm>>
      %dma_wait3A_276 = arith.constant 128 : i32
      %dma_wait3A_277 = arith.constant 0 : i32
      %dma_wait3A_278 = tpu.memref_slice %arg6[%dma_wait3A_266, %dma_wait3A_267, %dma_wait3A_276, %dma_wait3A_277] : memref<2x4x200x64xf32, #tpu.memory_space<vmem>> -> memref<1x1x72x64xf32, #tpu.memory_space<vmem>>
      %dma_wait3A_279 = tpu.memref_squeeze %dma_wait3A_278 : memref<1x1x72x64xf32, #tpu.memory_space<vmem>> -> memref<72x64xf32, #tpu.memory_space<vmem>>
      %dma_wait3A_280 = arith.constant 128 : i32
      %dma_wait3A_281 = arith.constant 0 : i32
      %dma_wait3A_282 = tpu.memref_slice %arg4[%dma_wait3A_265, %dma_wait3A_280, %dma_wait3A_281] : memref<4096x200x64xf32, #tpu.memory_space<hbm>> -> memref<1x72x64xf32, #tpu.memory_space<hbm>>
      %dma_wait3A_283 = tpu.memref_squeeze %dma_wait3A_282 : memref<1x72x64xf32, #tpu.memory_space<hbm>> -> memref<72x64xf32, #tpu.memory_space<hbm>>
      tpu.wait_dma2 semaphore(%arg8 : memref<!tpu.dma_semaphore, #tpu.memory_space<semaphore_mem>>) src(%dma_wait3A_283 : memref<72x64xf32, #tpu.memory_space<hbm>>) dst(%dma_wait3A_279 : memref<72x64xf32, #tpu.memory_space<vmem>>)
      %dma_wait3A_284 = arith.constant 0 : i32
      %dma_wait3A_285 = arith.constant 0 : i32
      %dma_wait3A_286 = arith.constant 2 : i32
      %dma_wait3A_287 = arith.constant 0 : i32
      %dma_wait3A_288 = arith.constant 0 : i32
      %dma_wait3A_289 = tpu.memref_slice %arg6[%dma_wait3A_285, %dma_wait3A_286, %dma_wait3A_287, %dma_wait3A_288] : memref<2x4x200x64xf32, #tpu.memory_space<vmem>> -> memref<1x1x128x64xf32, #tpu.memory_space<vmem>>
      %dma_wait3A_290 = tpu.memref_squeeze %dma_wait3A_289 : memref<1x1x128x64xf32, #tpu.memory_space<vmem>> -> memref<128x64xf32, #tpu.memory_space<vmem>>
      %dma_wait3A_291 = arith.constant 0 : i32
      %dma_wait3A_292 = arith.constant 0 : i32
      %dma_wait3A_293 = tpu.memref_slice %arg4[%dma_wait3A_284, %dma_wait3A_291, %dma_wait3A_292] : memref<4096x200x64xf32, #tpu.memory_space<hbm>> -> memref<1x128x64xf32, #tpu.memory_space<hbm>>
      %dma_wait3A_294 = tpu.memref_squeeze %dma_wait3A_293 : memref<1x128x64xf32, #tpu.memory_space<hbm>> -> memref<128x64xf32, #tpu.memory_space<hbm>>
      %dma_wait3A_295 = arith.constant 0 : i32
      %dma_wait3A_296 = arith.constant 0 : i32
      %dma_wait3A_297 = tpu.memref_slice %arg6[%dma_wait3A_285, %dma_wait3A_286, %dma_wait3A_295, %dma_wait3A_296] : memref<2x4x200x64xf32, #tpu.memory_space<vmem>> -> memref<1x1x128x64xf32, #tpu.memory_space<vmem>>
      %dma_wait3A_298 = tpu.memref_squeeze %dma_wait3A_297 : memref<1x1x128x64xf32, #tpu.memory_space<vmem>> -> memref<128x64xf32, #tpu.memory_space<vmem>>
      %dma_wait3A_299 = arith.constant 0 : i32
      %dma_wait3A_300 = arith.constant 0 : i32
      %dma_wait3A_301 = tpu.memref_slice %arg4[%dma_wait3A_284, %dma_wait3A_299, %dma_wait3A_300] : memref<4096x200x64xf32, #tpu.memory_space<hbm>> -> memref<1x128x64xf32, #tpu.memory_space<hbm>>
      %dma_wait3A_302 = tpu.memref_squeeze %dma_wait3A_301 : memref<1x128x64xf32, #tpu.memory_space<hbm>> -> memref<128x64xf32, #tpu.memory_space<hbm>>
      tpu.wait_dma2 semaphore(%arg8 : memref<!tpu.dma_semaphore, #tpu.memory_space<semaphore_mem>>) src(%dma_wait3A_302 : memref<128x64xf32, #tpu.memory_space<hbm>>) dst(%dma_wait3A_298 : memref<128x64xf32, #tpu.memory_space<vmem>>)
      %dma_wait3A_303 = arith.constant 0 : i32
      %dma_wait3A_304 = arith.constant 0 : i32
      %dma_wait3A_305 = arith.constant 2 : i32
      %dma_wait3A_306 = arith.constant 128 : i32
      %dma_wait3A_307 = arith.constant 0 : i32
      %dma_wait3A_308 = tpu.memref_slice %arg6[%dma_wait3A_304, %dma_wait3A_305, %dma_wait3A_306, %dma_wait3A_307] : memref<2x4x200x64xf32, #tpu.memory_space<vmem>> -> memref<1x1x72x64xf32, #tpu.memory_space<vmem>>
      %dma_wait3A_309 = tpu.memref_squeeze %dma_wait3A_308 : memref<1x1x72x64xf32, #tpu.memory_space<vmem>> -> memref<72x64xf32, #tpu.memory_space<vmem>>
      %dma_wait3A_310 = arith.constant 128 : i32
      %dma_wait3A_311 = arith.constant 0 : i32
      %dma_wait3A_312 = tpu.memref_slice %arg4[%dma_wait3A_303, %dma_wait3A_310, %dma_wait3A_311] : memref<4096x200x64xf32, #tpu.memory_space<hbm>> -> memref<1x72x64xf32, #tpu.memory_space<hbm>>
      %dma_wait3A_313 = tpu.memref_squeeze %dma_wait3A_312 : memref<1x72x64xf32, #tpu.memory_space<hbm>> -> memref<72x64xf32, #tpu.memory_space<hbm>>
      %dma_wait3A_314 = arith.constant 128 : i32
      %dma_wait3A_315 = arith.constant 0 : i32
      %dma_wait3A_316 = tpu.memref_slice %arg6[%dma_wait3A_304, %dma_wait3A_305, %dma_wait3A_314, %dma_wait3A_315] : memref<2x4x200x64xf32, #tpu.memory_space<vmem>> -> memref<1x1x72x64xf32, #tpu.memory_space<vmem>>
      %dma_wait3A_317 = tpu.memref_squeeze %dma_wait3A_316 : memref<1x1x72x64xf32, #tpu.memory_space<vmem>> -> memref<72x64xf32, #tpu.memory_space<vmem>>
      %dma_wait3A_318 = arith.constant 128 : i32
      %dma_wait3A_319 = arith.constant 0 : i32
      %dma_wait3A_320 = tpu.memref_slice %arg4[%dma_wait3A_303, %dma_wait3A_318, %dma_wait3A_319] : memref<4096x200x64xf32, #tpu.memory_space<hbm>> -> memref<1x72x64xf32, #tpu.memory_space<hbm>>
      %dma_wait3A_321 = tpu.memref_squeeze %dma_wait3A_320 : memref<1x72x64xf32, #tpu.memory_space<hbm>> -> memref<72x64xf32, #tpu.memory_space<hbm>>
      tpu.wait_dma2 semaphore(%arg8 : memref<!tpu.dma_semaphore, #tpu.memory_space<semaphore_mem>>) src(%dma_wait3A_321 : memref<72x64xf32, #tpu.memory_space<hbm>>) dst(%dma_wait3A_317 : memref<72x64xf32, #tpu.memory_space<vmem>>)
      %dma_wait3A_322 = arith.constant 0 : i32
      %dma_wait3A_323 = arith.constant 0 : i32
      %dma_wait3A_324 = arith.constant 3 : i32
      %dma_wait3A_325 = arith.constant 0 : i32
      %dma_wait3A_326 = arith.constant 0 : i32
      %dma_wait3A_327 = tpu.memref_slice %arg6[%dma_wait3A_323, %dma_wait3A_324, %dma_wait3A_325, %dma_wait3A_326] : memref<2x4x200x64xf32, #tpu.memory_space<vmem>> -> memref<1x1x128x64xf32, #tpu.memory_space<vmem>>
      %dma_wait3A_328 = tpu.memref_squeeze %dma_wait3A_327 : memref<1x1x128x64xf32, #tpu.memory_space<vmem>> -> memref<128x64xf32, #tpu.memory_space<vmem>>
      %dma_wait3A_329 = arith.constant 0 : i32
      %dma_wait3A_330 = arith.constant 0 : i32
      %dma_wait3A_331 = tpu.memref_slice %arg4[%dma_wait3A_322, %dma_wait3A_329, %dma_wait3A_330] : memref<4096x200x64xf32, #tpu.memory_space<hbm>> -> memref<1x128x64xf32, #tpu.memory_space<hbm>>
      %dma_wait3A_332 = tpu.memref_squeeze %dma_wait3A_331 : memref<1x128x64xf32, #tpu.memory_space<hbm>> -> memref<128x64xf32, #tpu.memory_space<hbm>>
      %dma_wait3A_333 = arith.constant 0 : i32
      %dma_wait3A_334 = arith.constant 0 : i32
      %dma_wait3A_335 = tpu.memref_slice %arg6[%dma_wait3A_323, %dma_wait3A_324, %dma_wait3A_333, %dma_wait3A_334] : memref<2x4x200x64xf32, #tpu.memory_space<vmem>> -> memref<1x1x128x64xf32, #tpu.memory_space<vmem>>
      %dma_wait3A_336 = tpu.memref_squeeze %dma_wait3A_335 : memref<1x1x128x64xf32, #tpu.memory_space<vmem>> -> memref<128x64xf32, #tpu.memory_space<vmem>>
      %dma_wait3A_337 = arith.constant 0 : i32
      %dma_wait3A_338 = arith.constant 0 : i32
      %dma_wait3A_339 = tpu.memref_slice %arg4[%dma_wait3A_322, %dma_wait3A_337, %dma_wait3A_338] : memref<4096x200x64xf32, #tpu.memory_space<hbm>> -> memref<1x128x64xf32, #tpu.memory_space<hbm>>
      %dma_wait3A_340 = tpu.memref_squeeze %dma_wait3A_339 : memref<1x128x64xf32, #tpu.memory_space<hbm>> -> memref<128x64xf32, #tpu.memory_space<hbm>>
      tpu.wait_dma2 semaphore(%arg8 : memref<!tpu.dma_semaphore, #tpu.memory_space<semaphore_mem>>) src(%dma_wait3A_340 : memref<128x64xf32, #tpu.memory_space<hbm>>) dst(%dma_wait3A_336 : memref<128x64xf32, #tpu.memory_space<vmem>>)
      %dma_wait3A_341 = arith.constant 0 : i32
      %dma_wait3A_342 = arith.constant 0 : i32
      %dma_wait3A_343 = arith.constant 3 : i32
      %dma_wait3A_344 = arith.constant 128 : i32
      %dma_wait3A_345 = arith.constant 0 : i32
      %dma_wait3A_346 = tpu.memref_slice %arg6[%dma_wait3A_342, %dma_wait3A_343, %dma_wait3A_344, %dma_wait3A_345] : memref<2x4x200x64xf32, #tpu.memory_space<vmem>> -> memref<1x1x72x64xf32, #tpu.memory_space<vmem>>
      %dma_wait3A_347 = tpu.memref_squeeze %dma_wait3A_346 : memref<1x1x72x64xf32, #tpu.memory_space<vmem>> -> memref<72x64xf32, #tpu.memory_space<vmem>>
      %dma_wait3A_348 = arith.constant 128 : i32
      %dma_wait3A_349 = arith.constant 0 : i32
      %dma_wait3A_350 = tpu.memref_slice %arg4[%dma_wait3A_341, %dma_wait3A_348, %dma_wait3A_349] : memref<4096x200x64xf32, #tpu.memory_space<hbm>> -> memref<1x72x64xf32, #tpu.memory_space<hbm>>
      %dma_wait3A_351 = tpu.memref_squeeze %dma_wait3A_350 : memref<1x72x64xf32, #tpu.memory_space<hbm>> -> memref<72x64xf32, #tpu.memory_space<hbm>>
      %dma_wait3A_352 = arith.constant 128 : i32
      %dma_wait3A_353 = arith.constant 0 : i32
      %dma_wait3A_354 = tpu.memref_slice %arg6[%dma_wait3A_342, %dma_wait3A_343, %dma_wait3A_352, %dma_wait3A_353] : memref<2x4x200x64xf32, #tpu.memory_space<vmem>> -> memref<1x1x72x64xf32, #tpu.memory_space<vmem>>
      %dma_wait3A_355 = tpu.memref_squeeze %dma_wait3A_354 : memref<1x1x72x64xf32, #tpu.memory_space<vmem>> -> memref<72x64xf32, #tpu.memory_space<vmem>>
      %dma_wait3A_356 = arith.constant 128 : i32
      %dma_wait3A_357 = arith.constant 0 : i32
      %dma_wait3A_358 = tpu.memref_slice %arg4[%dma_wait3A_341, %dma_wait3A_356, %dma_wait3A_357] : memref<4096x200x64xf32, #tpu.memory_space<hbm>> -> memref<1x72x64xf32, #tpu.memory_space<hbm>>
      %dma_wait3A_359 = tpu.memref_squeeze %dma_wait3A_358 : memref<1x72x64xf32, #tpu.memory_space<hbm>> -> memref<72x64xf32, #tpu.memory_space<hbm>>
      tpu.wait_dma2 semaphore(%arg8 : memref<!tpu.dma_semaphore, #tpu.memory_space<semaphore_mem>>) src(%dma_wait3A_359 : memref<72x64xf32, #tpu.memory_space<hbm>>) dst(%dma_wait3A_355 : memref<72x64xf32, #tpu.memory_space<vmem>>)
      %mul3A_360 = arith.constant 4 : i32
      %mul3A_361 = arith.muli %add3A_78, %mul3A_360 : i32
      %add3A_362 = arith.addi %mul3A_2, %mul3A_361 : i32
      %dma_start3A_363 = arith.constant 0 : i32
      %dma_start3A_364 = arith.constant 0 : i32
      %dma_start3A_365 = arith.constant 0 : i32
      %dma_start3A_366 = arith.constant 0 : i32
      %dma_start3A_367 = tpu.memref_slice %arg6[%dma_start3A_363, %dma_start3A_364, %dma_start3A_365, %dma_start3A_366] : memref<2x4x200x64xf32, #tpu.memory_space<vmem>> -> memref<1x4x200x64xf32, #tpu.memory_space<vmem>>
      %dma_start3A_368 = tpu.memref_squeeze %dma_start3A_367 : memref<1x4x200x64xf32, #tpu.memory_space<vmem>> -> memref<4x200x64xf32, #tpu.memory_space<vmem>>
      %dma_start3A_369 = arith.constant 0 : i32
      %dma_start3A_370 = arith.constant 0 : i32
      %dma_start3A_371 = tpu.memref_slice %arg4[%add3A_362, %dma_start3A_369, %dma_start3A_370] : memref<4096x200x64xf32, #tpu.memory_space<hbm>> -> memref<4x200x64xf32, #tpu.memory_space<hbm>>
      %dma_start3A_372 = arith.constant 0 : i32
      %dma_start3A_373 = arith.constant 0 : i32
      %dma_start3A_374 = tpu.memref_slice %arg4[%add3A_362, %dma_start3A_372, %dma_start3A_373] : memref<4096x200x64xf32, #tpu.memory_space<hbm>> -> memref<4x200x64xf32, #tpu.memory_space<hbm>>
      %dma_start3A_375 = arith.constant 0 : i32
      %dma_start3A_376 = arith.constant 0 : i32
      %dma_start3A_377 = arith.constant 0 : i32
      %dma_start3A_378 = tpu.memref_slice %arg6[%dma_start3A_363, %dma_start3A_375, %dma_start3A_376, %dma_start3A_377] : memref<2x4x200x64xf32, #tpu.memory_space<vmem>> -> memref<1x4x200x64xf32, #tpu.memory_space<vmem>>
      %dma_start3A_379 = tpu.memref_squeeze %dma_start3A_378 : memref<1x4x200x64xf32, #tpu.memory_space<vmem>> -> memref<4x200x64xf32, #tpu.memory_space<vmem>>
      tpu.enqueue_dma source(%dma_start3A_379 : memref<4x200x64xf32, #tpu.memory_space<vmem>>) target(%dma_start3A_374 : memref<4x200x64xf32, #tpu.memory_space<hbm>>) target_semaphore(%arg9 : memref<!tpu.dma_semaphore, #tpu.memory_space<semaphore_mem>>)
      %add3A_380 = arith.constant 2 : i32
      %add3A_381 = arith.addi %add3A_78, %add3A_380 : i32
      %lt3A = arith.constant 32 : i32
      %lt3A_382 = arith.cmpi slt, %add3A_381, %lt3A : i32
      %convert_element_type3A_383 = arith.extui %lt3A_382 : i1 to i32
      %cond3A_384 = arith.constant 0 : i32
      %cond3A_385 = arith.cmpi ne, %convert_element_type3A_383, %cond3A_384 : i32
      scf.if %cond3A_385 {
        %add3A_701 = arith.constant 2 : i32
        %add3A_702 = arith.addi %add3A_78, %add3A_701 : i32
        %mul3A_703 = arith.constant 4 : i32
        %mul3A_704 = arith.muli %add3A_702, %mul3A_703 : i32
        %add3A_705 = arith.addi %mul3A_2, %mul3A_704 : i32
        %dma_start3A_706 = arith.constant 0 : i32
        %dma_start3A_707 = arith.constant 0 : i32
        %dma_start3A_708 = arith.constant 0 : i32
        %dma_start3A_709 = tpu.memref_slice %arg5[%dma_start3A_706, %dma_start3A_707, %dma_start3A_708] : memref<2x4x200xi32, #tpu.memory_space<vmem>> -> memref<1x4x200xi32, #tpu.memory_space<vmem>>
        %dma_start3A_710 = tpu.memref_squeeze %dma_start3A_709 : memref<1x4x200xi32, #tpu.memory_space<vmem>> -> memref<4x200xi32, #tpu.memory_space<vmem>>
        %dma_start3A_711 = arith.constant 0 : i32
        %dma_start3A_712 = tpu.memref_slice %arg2[%add3A_705, %dma_start3A_711] : memref<4096x200xi32, #tpu.memory_space<hbm>> -> memref<4x200xi32, #tpu.memory_space<hbm>>
        %dma_start3A_713 = arith.constant 0 : i32
        %dma_start3A_714 = arith.constant 0 : i32
        %dma_start3A_715 = tpu.memref_slice %arg5[%dma_start3A_706, %dma_start3A_713, %dma_start3A_714] : memref<2x4x200xi32, #tpu.memory_space<vmem>> -> memref<1x4x200xi32, #tpu.memory_space<vmem>>
        %dma_start3A_716 = tpu.memref_squeeze %dma_start3A_715 : memref<1x4x200xi32, #tpu.memory_space<vmem>> -> memref<4x200xi32, #tpu.memory_space<vmem>>
        %dma_start3A_717 = arith.constant 0 : i32
        %dma_start3A_718 = tpu.memref_slice %arg2[%add3A_705, %dma_start3A_717] : memref<4096x200xi32, #tpu.memory_space<hbm>> -> memref<4x200xi32, #tpu.memory_space<hbm>>
        tpu.enqueue_dma source(%dma_start3A_718 : memref<4x200xi32, #tpu.memory_space<hbm>>) target(%dma_start3A_716 : memref<4x200xi32, #tpu.memory_space<vmem>>) target_semaphore(%arg7 : memref<!tpu.dma_semaphore, #tpu.memory_space<semaphore_mem>>)
      } else {
      }
      %mul3A_386 = arith.constant 2 : i32
      %mul3A_387 = arith.muli %scan3A_74, %mul3A_386 : i32
      %add3A_388 = arith.constant 1 : i32
      %add3A_389 = arith.addi %mul3A_387, %add3A_388 : i32
      %ge3A_390 = arith.constant 2 : i32
      %ge3A_391 = arith.cmpi sge, %add3A_389, %ge3A_390 : i32
      %convert_element_type3A_392 = arith.extui %ge3A_391 : i1 to i32
      %cond3A_393 = arith.constant 0 : i32
      %cond3A_394 = arith.cmpi ne, %convert_element_type3A_392, %cond3A_393 : i32
      scf.if %cond3A_394 {
        %dma_wait3A_701 = arith.constant 1 : i32
        %dma_wait3A_702 = arith.constant 0 : i32
        %dma_wait3A_703 = arith.constant 0 : i32
        %dma_wait3A_704 = arith.constant 0 : i32
        %dma_wait3A_705 = tpu.memref_slice %arg6[%dma_wait3A_701, %dma_wait3A_702, %dma_wait3A_703, %dma_wait3A_704] : memref<2x4x200x64xf32, #tpu.memory_space<vmem>> -> memref<1x4x200x64xf32, #tpu.memory_space<vmem>>
        %dma_wait3A_706 = tpu.memref_squeeze %dma_wait3A_705 : memref<1x4x200x64xf32, #tpu.memory_space<vmem>> -> memref<4x200x64xf32, #tpu.memory_space<vmem>>
        %dma_wait3A_707 = arith.constant 0 : i32
        %dma_wait3A_708 = arith.constant 0 : i32
        %dma_wait3A_709 = arith.constant 0 : i32
        %dma_wait3A_710 = tpu.memref_slice %arg4[%dma_wait3A_707, %dma_wait3A_708, %dma_wait3A_709] : memref<4096x200x64xf32, #tpu.memory_space<hbm>> -> memref<4x200x64xf32, #tpu.memory_space<hbm>>
        %dma_wait3A_711 = arith.constant 0 : i32
        %dma_wait3A_712 = arith.constant 0 : i32
        %dma_wait3A_713 = arith.constant 0 : i32
        %dma_wait3A_714 = tpu.memref_slice %arg4[%dma_wait3A_711, %dma_wait3A_712, %dma_wait3A_713] : memref<4096x200x64xf32, #tpu.memory_space<hbm>> -> memref<4x200x64xf32, #tpu.memory_space<hbm>>
        %dma_wait3A_715 = arith.constant 0 : i32
        %dma_wait3A_716 = arith.constant 0 : i32
        %dma_wait3A_717 = arith.constant 0 : i32
        %dma_wait3A_718 = tpu.memref_slice %arg6[%dma_wait3A_701, %dma_wait3A_715, %dma_wait3A_716, %dma_wait3A_717] : memref<2x4x200x64xf32, #tpu.memory_space<vmem>> -> memref<1x4x200x64xf32, #tpu.memory_space<vmem>>
        %dma_wait3A_719 = tpu.memref_squeeze %dma_wait3A_718 : memref<1x4x200x64xf32, #tpu.memory_space<vmem>> -> memref<4x200x64xf32, #tpu.memory_space<vmem>>
        tpu.wait_dma2 semaphore(%arg9 : memref<!tpu.dma_semaphore, #tpu.memory_space<semaphore_mem>>) src(%dma_wait3A_719 : memref<4x200x64xf32, #tpu.memory_space<vmem>>) dst(%dma_wait3A_714 : memref<4x200x64xf32, #tpu.memory_space<hbm>>)
      } else {
      }
      %dma_wait3A_395 = arith.constant 1 : i32
      %dma_wait3A_396 = arith.constant 0 : i32
      %dma_wait3A_397 = arith.constant 0 : i32
      %dma_wait3A_398 = tpu.memref_slice %arg5[%dma_wait3A_395, %dma_wait3A_396, %dma_wait3A_397] : memref<2x4x200xi32, #tpu.memory_space<vmem>> -> memref<1x4x200xi32, #tpu.memory_space<vmem>>
      %dma_wait3A_399 = tpu.memref_squeeze %dma_wait3A_398 : memref<1x4x200xi32, #tpu.memory_space<vmem>> -> memref<4x200xi32, #tpu.memory_space<vmem>>
      %dma_wait3A_400 = arith.constant 0 : i32
      %dma_wait3A_401 = arith.constant 0 : i32
      %dma_wait3A_402 = tpu.memref_slice %arg2[%dma_wait3A_400, %dma_wait3A_401] : memref<4096x200xi32, #tpu.memory_space<hbm>> -> memref<4x200xi32, #tpu.memory_space<hbm>>
      %dma_wait3A_403 = arith.constant 0 : i32
      %dma_wait3A_404 = arith.constant 0 : i32
      %dma_wait3A_405 = tpu.memref_slice %arg5[%dma_wait3A_395, %dma_wait3A_403, %dma_wait3A_404] : memref<2x4x200xi32, #tpu.memory_space<vmem>> -> memref<1x4x200xi32, #tpu.memory_space<vmem>>
      %dma_wait3A_406 = tpu.memref_squeeze %dma_wait3A_405 : memref<1x4x200xi32, #tpu.memory_space<vmem>> -> memref<4x200xi32, #tpu.memory_space<vmem>>
      %dma_wait3A_407 = arith.constant 0 : i32
      %dma_wait3A_408 = arith.constant 0 : i32
      %dma_wait3A_409 = tpu.memref_slice %arg2[%dma_wait3A_407, %dma_wait3A_408] : memref<4096x200xi32, #tpu.memory_space<hbm>> -> memref<4x200xi32, #tpu.memory_space<hbm>>
      tpu.wait_dma2 semaphore(%arg7 : memref<!tpu.dma_semaphore, #tpu.memory_space<semaphore_mem>>) src(%dma_wait3A_409 : memref<4x200xi32, #tpu.memory_space<hbm>>) dst(%dma_wait3A_406 : memref<4x200xi32, #tpu.memory_space<vmem>>)
      %dma_start3A_410 = arith.constant 1 : i32
      %dma_start3A_411 = arith.constant 0 : i32
      %dma_start3A_412 = arith.constant 1 : i32
      %dma_start3A_413 = arith.constant 0 : i32
      %dma_start3A_414 = arith.constant 0 : i32
      %dma_start3A_415 = arith.constant 0 : i32
      %dma_start3A_416 = tpu.memref_slice %arg6[%dma_start3A_412, %dma_start3A_413, %dma_start3A_414, %dma_start3A_415] : memref<2x4x200x64xf32, #tpu.memory_space<vmem>> -> memref<1x1x128x64xf32, #tpu.memory_space<vmem>>
      %dma_start3A_417 = tpu.memref_squeeze %dma_start3A_416 : memref<1x1x128x64xf32, #tpu.memory_space<vmem>> -> memref<128x64xf32, #tpu.memory_space<vmem>>
      %dma_start3A_418 = arith.constant 0 : i32
      %dma_start3A_419 = tpu.memref_slice %arg5[%dma_start3A_410, %dma_start3A_411, %dma_start3A_418] : memref<2x4x200xi32, #tpu.memory_space<vmem>> -> memref<1x1x128xi32, #tpu.memory_space<vmem>>
      %dma_start3A_420 = tpu.memref_squeeze %dma_start3A_419 : memref<1x1x128xi32, #tpu.memory_space<vmem>> -> memref<128xi32, #tpu.memory_space<vmem>>
      %dma_start3A_421 = arith.constant 0 : i32
      %dma_start3A_422 = arith.constant 0 : i32
      %dma_start3A_423 = tpu.memref_slice %arg3[%dma_start3A_421, %dma_start3A_422] : memref<1000000x64xf32, #tpu.memory_space<hbm>> -> memref<1000000x64xf32, #tpu.memory_space<hbm>>
      tpu.enqueue_indirect_dma source(%dma_start3A_423 : memref<1000000x64xf32, #tpu.memory_space<hbm>>) target(%dma_start3A_417 : memref<128x64xf32, #tpu.memory_space<vmem>>) offsets(%dma_start3A_420 : memref<128xi32, #tpu.memory_space<vmem>>) semaphore(%arg8 : memref<!tpu.dma_semaphore, #tpu.memory_space<semaphore_mem>>)
      %dma_start3A_424 = arith.constant 1 : i32
      %dma_start3A_425 = arith.constant 0 : i32
      %dma_start3A_426 = arith.constant 1 : i32
      %dma_start3A_427 = arith.constant 0 : i32
      %dma_start3A_428 = arith.constant 128 : i32
      %dma_start3A_429 = arith.constant 0 : i32
      %dma_start3A_430 = tpu.memref_slice %arg6[%dma_start3A_426, %dma_start3A_427, %dma_start3A_428, %dma_start3A_429] : memref<2x4x200x64xf32, #tpu.memory_space<vmem>> -> memref<1x1x72x64xf32, #tpu.memory_space<vmem>>
      %dma_start3A_431 = tpu.memref_squeeze %dma_start3A_430 : memref<1x1x72x64xf32, #tpu.memory_space<vmem>> -> memref<72x64xf32, #tpu.memory_space<vmem>>
      %dma_start3A_432 = arith.constant 128 : i32
      %dma_start3A_433 = tpu.memref_slice %arg5[%dma_start3A_424, %dma_start3A_425, %dma_start3A_432] : memref<2x4x200xi32, #tpu.memory_space<vmem>> -> memref<1x1x72xi32, #tpu.memory_space<vmem>>
      %dma_start3A_434 = tpu.memref_squeeze %dma_start3A_433 : memref<1x1x72xi32, #tpu.memory_space<vmem>> -> memref<72xi32, #tpu.memory_space<vmem>>
      %dma_start3A_435 = arith.constant 0 : i32
      %dma_start3A_436 = arith.constant 0 : i32
      %dma_start3A_437 = tpu.memref_slice %arg3[%dma_start3A_435, %dma_start3A_436] : memref<1000000x64xf32, #tpu.memory_space<hbm>> -> memref<1000000x64xf32, #tpu.memory_space<hbm>>
      tpu.enqueue_indirect_dma source(%dma_start3A_437 : memref<1000000x64xf32, #tpu.memory_space<hbm>>) target(%dma_start3A_431 : memref<72x64xf32, #tpu.memory_space<vmem>>) offsets(%dma_start3A_434 : memref<72xi32, #tpu.memory_space<vmem>>) semaphore(%arg8 : memref<!tpu.dma_semaphore, #tpu.memory_space<semaphore_mem>>)
      %dma_start3A_438 = arith.constant 1 : i32
      %dma_start3A_439 = arith.constant 1 : i32
      %dma_start3A_440 = arith.constant 1 : i32
      %dma_start3A_441 = arith.constant 1 : i32
      %dma_start3A_442 = arith.constant 0 : i32
      %dma_start3A_443 = arith.constant 0 : i32
      %dma_start3A_444 = tpu.memref_slice %arg6[%dma_start3A_440, %dma_start3A_441, %dma_start3A_442, %dma_start3A_443] : memref<2x4x200x64xf32, #tpu.memory_space<vmem>> -> memref<1x1x128x64xf32, #tpu.memory_space<vmem>>
      %dma_start3A_445 = tpu.memref_squeeze %dma_start3A_444 : memref<1x1x128x64xf32, #tpu.memory_space<vmem>> -> memref<128x64xf32, #tpu.memory_space<vmem>>
      %dma_start3A_446 = arith.constant 0 : i32
      %dma_start3A_447 = tpu.memref_slice %arg5[%dma_start3A_438, %dma_start3A_439, %dma_start3A_446] : memref<2x4x200xi32, #tpu.memory_space<vmem>> -> memref<1x1x128xi32, #tpu.memory_space<vmem>>
      %dma_start3A_448 = tpu.memref_squeeze %dma_start3A_447 : memref<1x1x128xi32, #tpu.memory_space<vmem>> -> memref<128xi32, #tpu.memory_space<vmem>>
      %dma_start3A_449 = arith.constant 0 : i32
      %dma_start3A_450 = arith.constant 0 : i32
      %dma_start3A_451 = tpu.memref_slice %arg3[%dma_start3A_449, %dma_start3A_450] : memref<1000000x64xf32, #tpu.memory_space<hbm>> -> memref<1000000x64xf32, #tpu.memory_space<hbm>>
      tpu.enqueue_indirect_dma source(%dma_start3A_451 : memref<1000000x64xf32, #tpu.memory_space<hbm>>) target(%dma_start3A_445 : memref<128x64xf32, #tpu.memory_space<vmem>>) offsets(%dma_start3A_448 : memref<128xi32, #tpu.memory_space<vmem>>) semaphore(%arg8 : memref<!tpu.dma_semaphore, #tpu.memory_space<semaphore_mem>>)
      %dma_start3A_452 = arith.constant 1 : i32
      %dma_start3A_453 = arith.constant 1 : i32
      %dma_start3A_454 = arith.constant 1 : i32
      %dma_start3A_455 = arith.constant 1 : i32
      %dma_start3A_456 = arith.constant 128 : i32
      %dma_start3A_457 = arith.constant 0 : i32
      %dma_start3A_458 = tpu.memref_slice %arg6[%dma_start3A_454, %dma_start3A_455, %dma_start3A_456, %dma_start3A_457] : memref<2x4x200x64xf32, #tpu.memory_space<vmem>> -> memref<1x1x72x64xf32, #tpu.memory_space<vmem>>
      %dma_start3A_459 = tpu.memref_squeeze %dma_start3A_458 : memref<1x1x72x64xf32, #tpu.memory_space<vmem>> -> memref<72x64xf32, #tpu.memory_space<vmem>>
      %dma_start3A_460 = arith.constant 128 : i32
      %dma_start3A_461 = tpu.memref_slice %arg5[%dma_start3A_452, %dma_start3A_453, %dma_start3A_460] : memref<2x4x200xi32, #tpu.memory_space<vmem>> -> memref<1x1x72xi32, #tpu.memory_space<vmem>>
      %dma_start3A_462 = tpu.memref_squeeze %dma_start3A_461 : memref<1x1x72xi32, #tpu.memory_space<vmem>> -> memref<72xi32, #tpu.memory_space<vmem>>
      %dma_start3A_463 = arith.constant 0 : i32
      %dma_start3A_464 = arith.constant 0 : i32
      %dma_start3A_465 = tpu.memref_slice %arg3[%dma_start3A_463, %dma_start3A_464] : memref<1000000x64xf32, #tpu.memory_space<hbm>> -> memref<1000000x64xf32, #tpu.memory_space<hbm>>
      tpu.enqueue_indirect_dma source(%dma_start3A_465 : memref<1000000x64xf32, #tpu.memory_space<hbm>>) target(%dma_start3A_459 : memref<72x64xf32, #tpu.memory_space<vmem>>) offsets(%dma_start3A_462 : memref<72xi32, #tpu.memory_space<vmem>>) semaphore(%arg8 : memref<!tpu.dma_semaphore, #tpu.memory_space<semaphore_mem>>)
      %dma_start3A_466 = arith.constant 1 : i32
      %dma_start3A_467 = arith.constant 2 : i32
      %dma_start3A_468 = arith.constant 1 : i32
      %dma_start3A_469 = arith.constant 2 : i32
      %dma_start3A_470 = arith.constant 0 : i32
      %dma_start3A_471 = arith.constant 0 : i32
      %dma_start3A_472 = tpu.memref_slice %arg6[%dma_start3A_468, %dma_start3A_469, %dma_start3A_470, %dma_start3A_471] : memref<2x4x200x64xf32, #tpu.memory_space<vmem>> -> memref<1x1x128x64xf32, #tpu.memory_space<vmem>>
      %dma_start3A_473 = tpu.memref_squeeze %dma_start3A_472 : memref<1x1x128x64xf32, #tpu.memory_space<vmem>> -> memref<128x64xf32, #tpu.memory_space<vmem>>
      %dma_start3A_474 = arith.constant 0 : i32
      %dma_start3A_475 = tpu.memref_slice %arg5[%dma_start3A_466, %dma_start3A_467, %dma_start3A_474] : memref<2x4x200xi32, #tpu.memory_space<vmem>> -> memref<1x1x128xi32, #tpu.memory_space<vmem>>
      %dma_start3A_476 = tpu.memref_squeeze %dma_start3A_475 : memref<1x1x128xi32, #tpu.memory_space<vmem>> -> memref<128xi32, #tpu.memory_space<vmem>>
      %dma_start3A_477 = arith.constant 0 : i32
      %dma_start3A_478 = arith.constant 0 : i32
      %dma_start3A_479 = tpu.memref_slice %arg3[%dma_start3A_477, %dma_start3A_478] : memref<1000000x64xf32, #tpu.memory_space<hbm>> -> memref<1000000x64xf32, #tpu.memory_space<hbm>>
      tpu.enqueue_indirect_dma source(%dma_start3A_479 : memref<1000000x64xf32, #tpu.memory_space<hbm>>) target(%dma_start3A_473 : memref<128x64xf32, #tpu.memory_space<vmem>>) offsets(%dma_start3A_476 : memref<128xi32, #tpu.memory_space<vmem>>) semaphore(%arg8 : memref<!tpu.dma_semaphore, #tpu.memory_space<semaphore_mem>>)
      %dma_start3A_480 = arith.constant 1 : i32
      %dma_start3A_481 = arith.constant 2 : i32
      %dma_start3A_482 = arith.constant 1 : i32
      %dma_start3A_483 = arith.constant 2 : i32
      %dma_start3A_484 = arith.constant 128 : i32
      %dma_start3A_485 = arith.constant 0 : i32
      %dma_start3A_486 = tpu.memref_slice %arg6[%dma_start3A_482, %dma_start3A_483, %dma_start3A_484, %dma_start3A_485] : memref<2x4x200x64xf32, #tpu.memory_space<vmem>> -> memref<1x1x72x64xf32, #tpu.memory_space<vmem>>
      %dma_start3A_487 = tpu.memref_squeeze %dma_start3A_486 : memref<1x1x72x64xf32, #tpu.memory_space<vmem>> -> memref<72x64xf32, #tpu.memory_space<vmem>>
      %dma_start3A_488 = arith.constant 128 : i32
      %dma_start3A_489 = tpu.memref_slice %arg5[%dma_start3A_480, %dma_start3A_481, %dma_start3A_488] : memref<2x4x200xi32, #tpu.memory_space<vmem>> -> memref<1x1x72xi32, #tpu.memory_space<vmem>>
      %dma_start3A_490 = tpu.memref_squeeze %dma_start3A_489 : memref<1x1x72xi32, #tpu.memory_space<vmem>> -> memref<72xi32, #tpu.memory_space<vmem>>
      %dma_start3A_491 = arith.constant 0 : i32
      %dma_start3A_492 = arith.constant 0 : i32
      %dma_start3A_493 = tpu.memref_slice %arg3[%dma_start3A_491, %dma_start3A_492] : memref<1000000x64xf32, #tpu.memory_space<hbm>> -> memref<1000000x64xf32, #tpu.memory_space<hbm>>
      tpu.enqueue_indirect_dma source(%dma_start3A_493 : memref<1000000x64xf32, #tpu.memory_space<hbm>>) target(%dma_start3A_487 : memref<72x64xf32, #tpu.memory_space<vmem>>) offsets(%dma_start3A_490 : memref<72xi32, #tpu.memory_space<vmem>>) semaphore(%arg8 : memref<!tpu.dma_semaphore, #tpu.memory_space<semaphore_mem>>)
      %dma_start3A_494 = arith.constant 1 : i32
      %dma_start3A_495 = arith.constant 3 : i32
      %dma_start3A_496 = arith.constant 1 : i32
      %dma_start3A_497 = arith.constant 3 : i32
      %dma_start3A_498 = arith.constant 0 : i32
      %dma_start3A_499 = arith.constant 0 : i32
      %dma_start3A_500 = tpu.memref_slice %arg6[%dma_start3A_496, %dma_start3A_497, %dma_start3A_498, %dma_start3A_499] : memref<2x4x200x64xf32, #tpu.memory_space<vmem>> -> memref<1x1x128x64xf32, #tpu.memory_space<vmem>>
      %dma_start3A_501 = tpu.memref_squeeze %dma_start3A_500 : memref<1x1x128x64xf32, #tpu.memory_space<vmem>> -> memref<128x64xf32, #tpu.memory_space<vmem>>
      %dma_start3A_502 = arith.constant 0 : i32
      %dma_start3A_503 = tpu.memref_slice %arg5[%dma_start3A_494, %dma_start3A_495, %dma_start3A_502] : memref<2x4x200xi32, #tpu.memory_space<vmem>> -> memref<1x1x128xi32, #tpu.memory_space<vmem>>
      %dma_start3A_504 = tpu.memref_squeeze %dma_start3A_503 : memref<1x1x128xi32, #tpu.memory_space<vmem>> -> memref<128xi32, #tpu.memory_space<vmem>>
      %dma_start3A_505 = arith.constant 0 : i32
      %dma_start3A_506 = arith.constant 0 : i32
      %dma_start3A_507 = tpu.memref_slice %arg3[%dma_start3A_505, %dma_start3A_506] : memref<1000000x64xf32, #tpu.memory_space<hbm>> -> memref<1000000x64xf32, #tpu.memory_space<hbm>>
      tpu.enqueue_indirect_dma source(%dma_start3A_507 : memref<1000000x64xf32, #tpu.memory_space<hbm>>) target(%dma_start3A_501 : memref<128x64xf32, #tpu.memory_space<vmem>>) offsets(%dma_start3A_504 : memref<128xi32, #tpu.memory_space<vmem>>) semaphore(%arg8 : memref<!tpu.dma_semaphore, #tpu.memory_space<semaphore_mem>>)
      %dma_start3A_508 = arith.constant 1 : i32
      %dma_start3A_509 = arith.constant 3 : i32
      %dma_start3A_510 = arith.constant 1 : i32
      %dma_start3A_511 = arith.constant 3 : i32
      %dma_start3A_512 = arith.constant 128 : i32
      %dma_start3A_513 = arith.constant 0 : i32
      %dma_start3A_514 = tpu.memref_slice %arg6[%dma_start3A_510, %dma_start3A_511, %dma_start3A_512, %dma_start3A_513] : memref<2x4x200x64xf32, #tpu.memory_space<vmem>> -> memref<1x1x72x64xf32, #tpu.memory_space<vmem>>
      %dma_start3A_515 = tpu.memref_squeeze %dma_start3A_514 : memref<1x1x72x64xf32, #tpu.memory_space<vmem>> -> memref<72x64xf32, #tpu.memory_space<vmem>>
      %dma_start3A_516 = arith.constant 128 : i32
      %dma_start3A_517 = tpu.memref_slice %arg5[%dma_start3A_508, %dma_start3A_509, %dma_start3A_516] : memref<2x4x200xi32, #tpu.memory_space<vmem>> -> memref<1x1x72xi32, #tpu.memory_space<vmem>>
      %dma_start3A_518 = tpu.memref_squeeze %dma_start3A_517 : memref<1x1x72xi32, #tpu.memory_space<vmem>> -> memref<72xi32, #tpu.memory_space<vmem>>
      %dma_start3A_519 = arith.constant 0 : i32
      %dma_start3A_520 = arith.constant 0 : i32
      %dma_start3A_521 = tpu.memref_slice %arg3[%dma_start3A_519, %dma_start3A_520] : memref<1000000x64xf32, #tpu.memory_space<hbm>> -> memref<1000000x64xf32, #tpu.memory_space<hbm>>
      tpu.enqueue_indirect_dma source(%dma_start3A_521 : memref<1000000x64xf32, #tpu.memory_space<hbm>>) target(%dma_start3A_515 : memref<72x64xf32, #tpu.memory_space<vmem>>) offsets(%dma_start3A_518 : memref<72xi32, #tpu.memory_space<vmem>>) semaphore(%arg8 : memref<!tpu.dma_semaphore, #tpu.memory_space<semaphore_mem>>)
      %dma_wait3A_522 = arith.constant 0 : i32
      %dma_wait3A_523 = arith.constant 1 : i32
      %dma_wait3A_524 = arith.constant 0 : i32
      %dma_wait3A_525 = arith.constant 0 : i32
      %dma_wait3A_526 = arith.constant 0 : i32
      %dma_wait3A_527 = tpu.memref_slice %arg6[%dma_wait3A_523, %dma_wait3A_524, %dma_wait3A_525, %dma_wait3A_526] : memref<2x4x200x64xf32, #tpu.memory_space<vmem>> -> memref<1x1x128x64xf32, #tpu.memory_space<vmem>>
      %dma_wait3A_528 = tpu.memref_squeeze %dma_wait3A_527 : memref<1x1x128x64xf32, #tpu.memory_space<vmem>> -> memref<128x64xf32, #tpu.memory_space<vmem>>
      %dma_wait3A_529 = arith.constant 0 : i32
      %dma_wait3A_530 = arith.constant 0 : i32
      %dma_wait3A_531 = tpu.memref_slice %arg4[%dma_wait3A_522, %dma_wait3A_529, %dma_wait3A_530] : memref<4096x200x64xf32, #tpu.memory_space<hbm>> -> memref<1x128x64xf32, #tpu.memory_space<hbm>>
      %dma_wait3A_532 = tpu.memref_squeeze %dma_wait3A_531 : memref<1x128x64xf32, #tpu.memory_space<hbm>> -> memref<128x64xf32, #tpu.memory_space<hbm>>
      %dma_wait3A_533 = arith.constant 0 : i32
      %dma_wait3A_534 = arith.constant 0 : i32
      %dma_wait3A_535 = tpu.memref_slice %arg6[%dma_wait3A_523, %dma_wait3A_524, %dma_wait3A_533, %dma_wait3A_534] : memref<2x4x200x64xf32, #tpu.memory_space<vmem>> -> memref<1x1x128x64xf32, #tpu.memory_space<vmem>>
      %dma_wait3A_536 = tpu.memref_squeeze %dma_wait3A_535 : memref<1x1x128x64xf32, #tpu.memory_space<vmem>> -> memref<128x64xf32, #tpu.memory_space<vmem>>
      %dma_wait3A_537 = arith.constant 0 : i32
      %dma_wait3A_538 = arith.constant 0 : i32
      %dma_wait3A_539 = tpu.memref_slice %arg4[%dma_wait3A_522, %dma_wait3A_537, %dma_wait3A_538] : memref<4096x200x64xf32, #tpu.memory_space<hbm>> -> memref<1x128x64xf32, #tpu.memory_space<hbm>>
      %dma_wait3A_540 = tpu.memref_squeeze %dma_wait3A_539 : memref<1x128x64xf32, #tpu.memory_space<hbm>> -> memref<128x64xf32, #tpu.memory_space<hbm>>
      tpu.wait_dma2 semaphore(%arg8 : memref<!tpu.dma_semaphore, #tpu.memory_space<semaphore_mem>>) src(%dma_wait3A_540 : memref<128x64xf32, #tpu.memory_space<hbm>>) dst(%dma_wait3A_536 : memref<128x64xf32, #tpu.memory_space<vmem>>)
      %dma_wait3A_541 = arith.constant 0 : i32
      %dma_wait3A_542 = arith.constant 1 : i32
      %dma_wait3A_543 = arith.constant 0 : i32
      %dma_wait3A_544 = arith.constant 128 : i32
      %dma_wait3A_545 = arith.constant 0 : i32
      %dma_wait3A_546 = tpu.memref_slice %arg6[%dma_wait3A_542, %dma_wait3A_543, %dma_wait3A_544, %dma_wait3A_545] : memref<2x4x200x64xf32, #tpu.memory_space<vmem>> -> memref<1x1x72x64xf32, #tpu.memory_space<vmem>>
      %dma_wait3A_547 = tpu.memref_squeeze %dma_wait3A_546 : memref<1x1x72x64xf32, #tpu.memory_space<vmem>> -> memref<72x64xf32, #tpu.memory_space<vmem>>
      %dma_wait3A_548 = arith.constant 128 : i32
      %dma_wait3A_549 = arith.constant 0 : i32
      %dma_wait3A_550 = tpu.memref_slice %arg4[%dma_wait3A_541, %dma_wait3A_548, %dma_wait3A_549] : memref<4096x200x64xf32, #tpu.memory_space<hbm>> -> memref<1x72x64xf32, #tpu.memory_space<hbm>>
      %dma_wait3A_551 = tpu.memref_squeeze %dma_wait3A_550 : memref<1x72x64xf32, #tpu.memory_space<hbm>> -> memref<72x64xf32, #tpu.memory_space<hbm>>
      %dma_wait3A_552 = arith.constant 128 : i32
      %dma_wait3A_553 = arith.constant 0 : i32
      %dma_wait3A_554 = tpu.memref_slice %arg6[%dma_wait3A_542, %dma_wait3A_543, %dma_wait3A_552, %dma_wait3A_553] : memref<2x4x200x64xf32, #tpu.memory_space<vmem>> -> memref<1x1x72x64xf32, #tpu.memory_space<vmem>>
      %dma_wait3A_555 = tpu.memref_squeeze %dma_wait3A_554 : memref<1x1x72x64xf32, #tpu.memory_space<vmem>> -> memref<72x64xf32, #tpu.memory_space<vmem>>
      %dma_wait3A_556 = arith.constant 128 : i32
      %dma_wait3A_557 = arith.constant 0 : i32
      %dma_wait3A_558 = tpu.memref_slice %arg4[%dma_wait3A_541, %dma_wait3A_556, %dma_wait3A_557] : memref<4096x200x64xf32, #tpu.memory_space<hbm>> -> memref<1x72x64xf32, #tpu.memory_space<hbm>>
      %dma_wait3A_559 = tpu.memref_squeeze %dma_wait3A_558 : memref<1x72x64xf32, #tpu.memory_space<hbm>> -> memref<72x64xf32, #tpu.memory_space<hbm>>
      tpu.wait_dma2 semaphore(%arg8 : memref<!tpu.dma_semaphore, #tpu.memory_space<semaphore_mem>>) src(%dma_wait3A_559 : memref<72x64xf32, #tpu.memory_space<hbm>>) dst(%dma_wait3A_555 : memref<72x64xf32, #tpu.memory_space<vmem>>)
      %dma_wait3A_560 = arith.constant 0 : i32
      %dma_wait3A_561 = arith.constant 1 : i32
      %dma_wait3A_562 = arith.constant 1 : i32
      %dma_wait3A_563 = arith.constant 0 : i32
      %dma_wait3A_564 = arith.constant 0 : i32
      %dma_wait3A_565 = tpu.memref_slice %arg6[%dma_wait3A_561, %dma_wait3A_562, %dma_wait3A_563, %dma_wait3A_564] : memref<2x4x200x64xf32, #tpu.memory_space<vmem>> -> memref<1x1x128x64xf32, #tpu.memory_space<vmem>>
      %dma_wait3A_566 = tpu.memref_squeeze %dma_wait3A_565 : memref<1x1x128x64xf32, #tpu.memory_space<vmem>> -> memref<128x64xf32, #tpu.memory_space<vmem>>
      %dma_wait3A_567 = arith.constant 0 : i32
      %dma_wait3A_568 = arith.constant 0 : i32
      %dma_wait3A_569 = tpu.memref_slice %arg4[%dma_wait3A_560, %dma_wait3A_567, %dma_wait3A_568] : memref<4096x200x64xf32, #tpu.memory_space<hbm>> -> memref<1x128x64xf32, #tpu.memory_space<hbm>>
      %dma_wait3A_570 = tpu.memref_squeeze %dma_wait3A_569 : memref<1x128x64xf32, #tpu.memory_space<hbm>> -> memref<128x64xf32, #tpu.memory_space<hbm>>
      %dma_wait3A_571 = arith.constant 0 : i32
      %dma_wait3A_572 = arith.constant 0 : i32
      %dma_wait3A_573 = tpu.memref_slice %arg6[%dma_wait3A_561, %dma_wait3A_562, %dma_wait3A_571, %dma_wait3A_572] : memref<2x4x200x64xf32, #tpu.memory_space<vmem>> -> memref<1x1x128x64xf32, #tpu.memory_space<vmem>>
      %dma_wait3A_574 = tpu.memref_squeeze %dma_wait3A_573 : memref<1x1x128x64xf32, #tpu.memory_space<vmem>> -> memref<128x64xf32, #tpu.memory_space<vmem>>
      %dma_wait3A_575 = arith.constant 0 : i32
      %dma_wait3A_576 = arith.constant 0 : i32
      %dma_wait3A_577 = tpu.memref_slice %arg4[%dma_wait3A_560, %dma_wait3A_575, %dma_wait3A_576] : memref<4096x200x64xf32, #tpu.memory_space<hbm>> -> memref<1x128x64xf32, #tpu.memory_space<hbm>>
      %dma_wait3A_578 = tpu.memref_squeeze %dma_wait3A_577 : memref<1x128x64xf32, #tpu.memory_space<hbm>> -> memref<128x64xf32, #tpu.memory_space<hbm>>
      tpu.wait_dma2 semaphore(%arg8 : memref<!tpu.dma_semaphore, #tpu.memory_space<semaphore_mem>>) src(%dma_wait3A_578 : memref<128x64xf32, #tpu.memory_space<hbm>>) dst(%dma_wait3A_574 : memref<128x64xf32, #tpu.memory_space<vmem>>)
      %dma_wait3A_579 = arith.constant 0 : i32
      %dma_wait3A_580 = arith.constant 1 : i32
      %dma_wait3A_581 = arith.constant 1 : i32
      %dma_wait3A_582 = arith.constant 128 : i32
      %dma_wait3A_583 = arith.constant 0 : i32
      %dma_wait3A_584 = tpu.memref_slice %arg6[%dma_wait3A_580, %dma_wait3A_581, %dma_wait3A_582, %dma_wait3A_583] : memref<2x4x200x64xf32, #tpu.memory_space<vmem>> -> memref<1x1x72x64xf32, #tpu.memory_space<vmem>>
      %dma_wait3A_585 = tpu.memref_squeeze %dma_wait3A_584 : memref<1x1x72x64xf32, #tpu.memory_space<vmem>> -> memref<72x64xf32, #tpu.memory_space<vmem>>
      %dma_wait3A_586 = arith.constant 128 : i32
      %dma_wait3A_587 = arith.constant 0 : i32
      %dma_wait3A_588 = tpu.memref_slice %arg4[%dma_wait3A_579, %dma_wait3A_586, %dma_wait3A_587] : memref<4096x200x64xf32, #tpu.memory_space<hbm>> -> memref<1x72x64xf32, #tpu.memory_space<hbm>>
      %dma_wait3A_589 = tpu.memref_squeeze %dma_wait3A_588 : memref<1x72x64xf32, #tpu.memory_space<hbm>> -> memref<72x64xf32, #tpu.memory_space<hbm>>
      %dma_wait3A_590 = arith.constant 128 : i32
      %dma_wait3A_591 = arith.constant 0 : i32
      %dma_wait3A_592 = tpu.memref_slice %arg6[%dma_wait3A_580, %dma_wait3A_581, %dma_wait3A_590, %dma_wait3A_591] : memref<2x4x200x64xf32, #tpu.memory_space<vmem>> -> memref<1x1x72x64xf32, #tpu.memory_space<vmem>>
      %dma_wait3A_593 = tpu.memref_squeeze %dma_wait3A_592 : memref<1x1x72x64xf32, #tpu.memory_space<vmem>> -> memref<72x64xf32, #tpu.memory_space<vmem>>
      %dma_wait3A_594 = arith.constant 128 : i32
      %dma_wait3A_595 = arith.constant 0 : i32
      %dma_wait3A_596 = tpu.memref_slice %arg4[%dma_wait3A_579, %dma_wait3A_594, %dma_wait3A_595] : memref<4096x200x64xf32, #tpu.memory_space<hbm>> -> memref<1x72x64xf32, #tpu.memory_space<hbm>>
      %dma_wait3A_597 = tpu.memref_squeeze %dma_wait3A_596 : memref<1x72x64xf32, #tpu.memory_space<hbm>> -> memref<72x64xf32, #tpu.memory_space<hbm>>
      tpu.wait_dma2 semaphore(%arg8 : memref<!tpu.dma_semaphore, #tpu.memory_space<semaphore_mem>>) src(%dma_wait3A_597 : memref<72x64xf32, #tpu.memory_space<hbm>>) dst(%dma_wait3A_593 : memref<72x64xf32, #tpu.memory_space<vmem>>)
      %dma_wait3A_598 = arith.constant 0 : i32
      %dma_wait3A_599 = arith.constant 1 : i32
      %dma_wait3A_600 = arith.constant 2 : i32
      %dma_wait3A_601 = arith.constant 0 : i32
      %dma_wait3A_602 = arith.constant 0 : i32
      %dma_wait3A_603 = tpu.memref_slice %arg6[%dma_wait3A_599, %dma_wait3A_600, %dma_wait3A_601, %dma_wait3A_602] : memref<2x4x200x64xf32, #tpu.memory_space<vmem>> -> memref<1x1x128x64xf32, #tpu.memory_space<vmem>>
      %dma_wait3A_604 = tpu.memref_squeeze %dma_wait3A_603 : memref<1x1x128x64xf32, #tpu.memory_space<vmem>> -> memref<128x64xf32, #tpu.memory_space<vmem>>
      %dma_wait3A_605 = arith.constant 0 : i32
      %dma_wait3A_606 = arith.constant 0 : i32
      %dma_wait3A_607 = tpu.memref_slice %arg4[%dma_wait3A_598, %dma_wait3A_605, %dma_wait3A_606] : memref<4096x200x64xf32, #tpu.memory_space<hbm>> -> memref<1x128x64xf32, #tpu.memory_space<hbm>>
      %dma_wait3A_608 = tpu.memref_squeeze %dma_wait3A_607 : memref<1x128x64xf32, #tpu.memory_space<hbm>> -> memref<128x64xf32, #tpu.memory_space<hbm>>
      %dma_wait3A_609 = arith.constant 0 : i32
      %dma_wait3A_610 = arith.constant 0 : i32
      %dma_wait3A_611 = tpu.memref_slice %arg6[%dma_wait3A_599, %dma_wait3A_600, %dma_wait3A_609, %dma_wait3A_610] : memref<2x4x200x64xf32, #tpu.memory_space<vmem>> -> memref<1x1x128x64xf32, #tpu.memory_space<vmem>>
      %dma_wait3A_612 = tpu.memref_squeeze %dma_wait3A_611 : memref<1x1x128x64xf32, #tpu.memory_space<vmem>> -> memref<128x64xf32, #tpu.memory_space<vmem>>
      %dma_wait3A_613 = arith.constant 0 : i32
      %dma_wait3A_614 = arith.constant 0 : i32
      %dma_wait3A_615 = tpu.memref_slice %arg4[%dma_wait3A_598, %dma_wait3A_613, %dma_wait3A_614] : memref<4096x200x64xf32, #tpu.memory_space<hbm>> -> memref<1x128x64xf32, #tpu.memory_space<hbm>>
      %dma_wait3A_616 = tpu.memref_squeeze %dma_wait3A_615 : memref<1x128x64xf32, #tpu.memory_space<hbm>> -> memref<128x64xf32, #tpu.memory_space<hbm>>
      tpu.wait_dma2 semaphore(%arg8 : memref<!tpu.dma_semaphore, #tpu.memory_space<semaphore_mem>>) src(%dma_wait3A_616 : memref<128x64xf32, #tpu.memory_space<hbm>>) dst(%dma_wait3A_612 : memref<128x64xf32, #tpu.memory_space<vmem>>)
      %dma_wait3A_617 = arith.constant 0 : i32
      %dma_wait3A_618 = arith.constant 1 : i32
      %dma_wait3A_619 = arith.constant 2 : i32
      %dma_wait3A_620 = arith.constant 128 : i32
      %dma_wait3A_621 = arith.constant 0 : i32
      %dma_wait3A_622 = tpu.memref_slice %arg6[%dma_wait3A_618, %dma_wait3A_619, %dma_wait3A_620, %dma_wait3A_621] : memref<2x4x200x64xf32, #tpu.memory_space<vmem>> -> memref<1x1x72x64xf32, #tpu.memory_space<vmem>>
      %dma_wait3A_623 = tpu.memref_squeeze %dma_wait3A_622 : memref<1x1x72x64xf32, #tpu.memory_space<vmem>> -> memref<72x64xf32, #tpu.memory_space<vmem>>
      %dma_wait3A_624 = arith.constant 128 : i32
      %dma_wait3A_625 = arith.constant 0 : i32
      %dma_wait3A_626 = tpu.memref_slice %arg4[%dma_wait3A_617, %dma_wait3A_624, %dma_wait3A_625] : memref<4096x200x64xf32, #tpu.memory_space<hbm>> -> memref<1x72x64xf32, #tpu.memory_space<hbm>>
      %dma_wait3A_627 = tpu.memref_squeeze %dma_wait3A_626 : memref<1x72x64xf32, #tpu.memory_space<hbm>> -> memref<72x64xf32, #tpu.memory_space<hbm>>
      %dma_wait3A_628 = arith.constant 128 : i32
      %dma_wait3A_629 = arith.constant 0 : i32
      %dma_wait3A_630 = tpu.memref_slice %arg6[%dma_wait3A_618, %dma_wait3A_619, %dma_wait3A_628, %dma_wait3A_629] : memref<2x4x200x64xf32, #tpu.memory_space<vmem>> -> memref<1x1x72x64xf32, #tpu.memory_space<vmem>>
      %dma_wait3A_631 = tpu.memref_squeeze %dma_wait3A_630 : memref<1x1x72x64xf32, #tpu.memory_space<vmem>> -> memref<72x64xf32, #tpu.memory_space<vmem>>
      %dma_wait3A_632 = arith.constant 128 : i32
      %dma_wait3A_633 = arith.constant 0 : i32
      %dma_wait3A_634 = tpu.memref_slice %arg4[%dma_wait3A_617, %dma_wait3A_632, %dma_wait3A_633] : memref<4096x200x64xf32, #tpu.memory_space<hbm>> -> memref<1x72x64xf32, #tpu.memory_space<hbm>>
      %dma_wait3A_635 = tpu.memref_squeeze %dma_wait3A_634 : memref<1x72x64xf32, #tpu.memory_space<hbm>> -> memref<72x64xf32, #tpu.memory_space<hbm>>
      tpu.wait_dma2 semaphore(%arg8 : memref<!tpu.dma_semaphore, #tpu.memory_space<semaphore_mem>>) src(%dma_wait3A_635 : memref<72x64xf32, #tpu.memory_space<hbm>>) dst(%dma_wait3A_631 : memref<72x64xf32, #tpu.memory_space<vmem>>)
      %dma_wait3A_636 = arith.constant 0 : i32
      %dma_wait3A_637 = arith.constant 1 : i32
      %dma_wait3A_638 = arith.constant 3 : i32
      %dma_wait3A_639 = arith.constant 0 : i32
      %dma_wait3A_640 = arith.constant 0 : i32
      %dma_wait3A_641 = tpu.memref_slice %arg6[%dma_wait3A_637, %dma_wait3A_638, %dma_wait3A_639, %dma_wait3A_640] : memref<2x4x200x64xf32, #tpu.memory_space<vmem>> -> memref<1x1x128x64xf32, #tpu.memory_space<vmem>>
      %dma_wait3A_642 = tpu.memref_squeeze %dma_wait3A_641 : memref<1x1x128x64xf32, #tpu.memory_space<vmem>> -> memref<128x64xf32, #tpu.memory_space<vmem>>
      %dma_wait3A_643 = arith.constant 0 : i32
      %dma_wait3A_644 = arith.constant 0 : i32
      %dma_wait3A_645 = tpu.memref_slice %arg4[%dma_wait3A_636, %dma_wait3A_643, %dma_wait3A_644] : memref<4096x200x64xf32, #tpu.memory_space<hbm>> -> memref<1x128x64xf32, #tpu.memory_space<hbm>>
      %dma_wait3A_646 = tpu.memref_squeeze %dma_wait3A_645 : memref<1x128x64xf32, #tpu.memory_space<hbm>> -> memref<128x64xf32, #tpu.memory_space<hbm>>
      %dma_wait3A_647 = arith.constant 0 : i32
      %dma_wait3A_648 = arith.constant 0 : i32
      %dma_wait3A_649 = tpu.memref_slice %arg6[%dma_wait3A_637, %dma_wait3A_638, %dma_wait3A_647, %dma_wait3A_648] : memref<2x4x200x64xf32, #tpu.memory_space<vmem>> -> memref<1x1x128x64xf32, #tpu.memory_space<vmem>>
      %dma_wait3A_650 = tpu.memref_squeeze %dma_wait3A_649 : memref<1x1x128x64xf32, #tpu.memory_space<vmem>> -> memref<128x64xf32, #tpu.memory_space<vmem>>
      %dma_wait3A_651 = arith.constant 0 : i32
      %dma_wait3A_652 = arith.constant 0 : i32
      %dma_wait3A_653 = tpu.memref_slice %arg4[%dma_wait3A_636, %dma_wait3A_651, %dma_wait3A_652] : memref<4096x200x64xf32, #tpu.memory_space<hbm>> -> memref<1x128x64xf32, #tpu.memory_space<hbm>>
      %dma_wait3A_654 = tpu.memref_squeeze %dma_wait3A_653 : memref<1x128x64xf32, #tpu.memory_space<hbm>> -> memref<128x64xf32, #tpu.memory_space<hbm>>
      tpu.wait_dma2 semaphore(%arg8 : memref<!tpu.dma_semaphore, #tpu.memory_space<semaphore_mem>>) src(%dma_wait3A_654 : memref<128x64xf32, #tpu.memory_space<hbm>>) dst(%dma_wait3A_650 : memref<128x64xf32, #tpu.memory_space<vmem>>)
      %dma_wait3A_655 = arith.constant 0 : i32
      %dma_wait3A_656 = arith.constant 1 : i32
      %dma_wait3A_657 = arith.constant 3 : i32
      %dma_wait3A_658 = arith.constant 128 : i32
      %dma_wait3A_659 = arith.constant 0 : i32
      %dma_wait3A_660 = tpu.memref_slice %arg6[%dma_wait3A_656, %dma_wait3A_657, %dma_wait3A_658, %dma_wait3A_659] : memref<2x4x200x64xf32, #tpu.memory_space<vmem>> -> memref<1x1x72x64xf32, #tpu.memory_space<vmem>>
      %dma_wait3A_661 = tpu.memref_squeeze %dma_wait3A_660 : memref<1x1x72x64xf32, #tpu.memory_space<vmem>> -> memref<72x64xf32, #tpu.memory_space<vmem>>
      %dma_wait3A_662 = arith.constant 128 : i32
      %dma_wait3A_663 = arith.constant 0 : i32
      %dma_wait3A_664 = tpu.memref_slice %arg4[%dma_wait3A_655, %dma_wait3A_662, %dma_wait3A_663] : memref<4096x200x64xf32, #tpu.memory_space<hbm>> -> memref<1x72x64xf32, #tpu.memory_space<hbm>>
      %dma_wait3A_665 = tpu.memref_squeeze %dma_wait3A_664 : memref<1x72x64xf32, #tpu.memory_space<hbm>> -> memref<72x64xf32, #tpu.memory_space<hbm>>
      %dma_wait3A_666 = arith.constant 128 : i32
      %dma_wait3A_667 = arith.constant 0 : i32
      %dma_wait3A_668 = tpu.memref_slice %arg6[%dma_wait3A_656, %dma_wait3A_657, %dma_wait3A_666, %dma_wait3A_667] : memref<2x4x200x64xf32, #tpu.memory_space<vmem>> -> memref<1x1x72x64xf32, #tpu.memory_space<vmem>>
      %dma_wait3A_669 = tpu.memref_squeeze %dma_wait3A_668 : memref<1x1x72x64xf32, #tpu.memory_space<vmem>> -> memref<72x64xf32, #tpu.memory_space<vmem>>
      %dma_wait3A_670 = arith.constant 128 : i32
      %dma_wait3A_671 = arith.constant 0 : i32
      %dma_wait3A_672 = tpu.memref_slice %arg4[%dma_wait3A_655, %dma_wait3A_670, %dma_wait3A_671] : memref<4096x200x64xf32, #tpu.memory_space<hbm>> -> memref<1x72x64xf32, #tpu.memory_space<hbm>>
      %dma_wait3A_673 = tpu.memref_squeeze %dma_wait3A_672 : memref<1x72x64xf32, #tpu.memory_space<hbm>> -> memref<72x64xf32, #tpu.memory_space<hbm>>
      tpu.wait_dma2 semaphore(%arg8 : memref<!tpu.dma_semaphore, #tpu.memory_space<semaphore_mem>>) src(%dma_wait3A_673 : memref<72x64xf32, #tpu.memory_space<hbm>>) dst(%dma_wait3A_669 : memref<72x64xf32, #tpu.memory_space<vmem>>)
      %mul3A_674 = arith.constant 4 : i32
      %mul3A_675 = arith.muli %add3A_389, %mul3A_674 : i32
      %add3A_676 = arith.addi %mul3A_2, %mul3A_675 : i32
      %dma_start3A_677 = arith.constant 1 : i32
      %dma_start3A_678 = arith.constant 0 : i32
      %dma_start3A_679 = arith.constant 0 : i32
      %dma_start3A_680 = arith.constant 0 : i32
      %dma_start3A_681 = tpu.memref_slice %arg6[%dma_start3A_677, %dma_start3A_678, %dma_start3A_679, %dma_start3A_680] : memref<2x4x200x64xf32, #tpu.memory_space<vmem>> -> memref<1x4x200x64xf32, #tpu.memory_space<vmem>>
      %dma_start3A_682 = tpu.memref_squeeze %dma_start3A_681 : memref<1x4x200x64xf32, #tpu.memory_space<vmem>> -> memref<4x200x64xf32, #tpu.memory_space<vmem>>
      %dma_start3A_683 = arith.constant 0 : i32
      %dma_start3A_684 = arith.constant 0 : i32
      %dma_start3A_685 = tpu.memref_slice %arg4[%add3A_676, %dma_start3A_683, %dma_start3A_684] : memref<4096x200x64xf32, #tpu.memory_space<hbm>> -> memref<4x200x64xf32, #tpu.memory_space<hbm>>
      %dma_start3A_686 = arith.constant 0 : i32
      %dma_start3A_687 = arith.constant 0 : i32
      %dma_start3A_688 = tpu.memref_slice %arg4[%add3A_676, %dma_start3A_686, %dma_start3A_687] : memref<4096x200x64xf32, #tpu.memory_space<hbm>> -> memref<4x200x64xf32, #tpu.memory_space<hbm>>
      %dma_start3A_689 = arith.constant 0 : i32
      %dma_start3A_690 = arith.constant 0 : i32
      %dma_start3A_691 = arith.constant 0 : i32
      %dma_start3A_692 = tpu.memref_slice %arg6[%dma_start3A_677, %dma_start3A_689, %dma_start3A_690, %dma_start3A_691] : memref<2x4x200x64xf32, #tpu.memory_space<vmem>> -> memref<1x4x200x64xf32, #tpu.memory_space<vmem>>
      %dma_start3A_693 = tpu.memref_squeeze %dma_start3A_692 : memref<1x4x200x64xf32, #tpu.memory_space<vmem>> -> memref<4x200x64xf32, #tpu.memory_space<vmem>>
      tpu.enqueue_dma source(%dma_start3A_693 : memref<4x200x64xf32, #tpu.memory_space<vmem>>) target(%dma_start3A_688 : memref<4x200x64xf32, #tpu.memory_space<hbm>>) target_semaphore(%arg9 : memref<!tpu.dma_semaphore, #tpu.memory_space<semaphore_mem>>)
      %add3A_694 = arith.constant 2 : i32
      %add3A_695 = arith.addi %add3A_389, %add3A_694 : i32
      %lt3A_696 = arith.constant 32 : i32
      %lt3A_697 = arith.cmpi slt, %add3A_695, %lt3A_696 : i32
      %convert_element_type3A_698 = arith.extui %lt3A_697 : i1 to i32
      %cond3A_699 = arith.constant 0 : i32
      %cond3A_700 = arith.cmpi ne, %convert_element_type3A_698, %cond3A_699 : i32
      scf.if %cond3A_700 {
        %add3A_701 = arith.constant 2 : i32
        %add3A_702 = arith.addi %add3A_389, %add3A_701 : i32
        %mul3A_703 = arith.constant 4 : i32
        %mul3A_704 = arith.muli %add3A_702, %mul3A_703 : i32
        %add3A_705 = arith.addi %mul3A_2, %mul3A_704 : i32
        %dma_start3A_706 = arith.constant 1 : i32
        %dma_start3A_707 = arith.constant 0 : i32
        %dma_start3A_708 = arith.constant 0 : i32
        %dma_start3A_709 = tpu.memref_slice %arg5[%dma_start3A_706, %dma_start3A_707, %dma_start3A_708] : memref<2x4x200xi32, #tpu.memory_space<vmem>> -> memref<1x4x200xi32, #tpu.memory_space<vmem>>
        %dma_start3A_710 = tpu.memref_squeeze %dma_start3A_709 : memref<1x4x200xi32, #tpu.memory_space<vmem>> -> memref<4x200xi32, #tpu.memory_space<vmem>>
        %dma_start3A_711 = arith.constant 0 : i32
        %dma_start3A_712 = tpu.memref_slice %arg2[%add3A_705, %dma_start3A_711] : memref<4096x200xi32, #tpu.memory_space<hbm>> -> memref<4x200xi32, #tpu.memory_space<hbm>>
        %dma_start3A_713 = arith.constant 0 : i32
        %dma_start3A_714 = arith.constant 0 : i32
        %dma_start3A_715 = tpu.memref_slice %arg5[%dma_start3A_706, %dma_start3A_713, %dma_start3A_714] : memref<2x4x200xi32, #tpu.memory_space<vmem>> -> memref<1x4x200xi32, #tpu.memory_space<vmem>>
        %dma_start3A_716 = tpu.memref_squeeze %dma_start3A_715 : memref<1x4x200xi32, #tpu.memory_space<vmem>> -> memref<4x200xi32, #tpu.memory_space<vmem>>
        %dma_start3A_717 = arith.constant 0 : i32
        %dma_start3A_718 = tpu.memref_slice %arg2[%add3A_705, %dma_start3A_717] : memref<4096x200xi32, #tpu.memory_space<hbm>> -> memref<4x200xi32, #tpu.memory_space<hbm>>
        tpu.enqueue_dma source(%dma_start3A_718 : memref<4x200xi32, #tpu.memory_space<hbm>>) target(%dma_start3A_716 : memref<4x200xi32, #tpu.memory_space<vmem>>) target_semaphore(%arg7 : memref<!tpu.dma_semaphore, #tpu.memory_space<semaphore_mem>>)
      } else {
      }
    }
    %scan3A_36 = arith.constant 16 : i32
    %dma_wait3A = arith.constant 0 : i32
    %dma_wait3A_37 = arith.constant 0 : i32
    %dma_wait3A_38 = arith.constant 0 : i32
    %dma_wait3A_39 = arith.constant 0 : i32
    %dma_wait3A_40 = tpu.memref_slice %arg6[%dma_wait3A, %dma_wait3A_37, %dma_wait3A_38, %dma_wait3A_39] : memref<2x4x200x64xf32, #tpu.memory_space<vmem>> -> memref<1x4x200x64xf32, #tpu.memory_space<vmem>>
    %dma_wait3A_41 = tpu.memref_squeeze %dma_wait3A_40 : memref<1x4x200x64xf32, #tpu.memory_space<vmem>> -> memref<4x200x64xf32, #tpu.memory_space<vmem>>
    %dma_wait3A_42 = arith.constant 0 : i32
    %dma_wait3A_43 = arith.constant 0 : i32
    %dma_wait3A_44 = arith.constant 0 : i32
    %dma_wait3A_45 = tpu.memref_slice %arg4[%dma_wait3A_42, %dma_wait3A_43, %dma_wait3A_44] : memref<4096x200x64xf32, #tpu.memory_space<hbm>> -> memref<4x200x64xf32, #tpu.memory_space<hbm>>
    %dma_wait3A_46 = arith.constant 0 : i32
    %dma_wait3A_47 = arith.constant 0 : i32
    %dma_wait3A_48 = arith.constant 0 : i32
    %dma_wait3A_49 = tpu.memref_slice %arg4[%dma_wait3A_46, %dma_wait3A_47, %dma_wait3A_48] : memref<4096x200x64xf32, #tpu.memory_space<hbm>> -> memref<4x200x64xf32, #tpu.memory_space<hbm>>
    %dma_wait3A_50 = arith.constant 0 : i32
    %dma_wait3A_51 = arith.constant 0 : i32
    %dma_wait3A_52 = arith.constant 0 : i32
    %dma_wait3A_53 = tpu.memref_slice %arg6[%dma_wait3A, %dma_wait3A_50, %dma_wait3A_51, %dma_wait3A_52] : memref<2x4x200x64xf32, #tpu.memory_space<vmem>> -> memref<1x4x200x64xf32, #tpu.memory_space<vmem>>
    %dma_wait3A_54 = tpu.memref_squeeze %dma_wait3A_53 : memref<1x4x200x64xf32, #tpu.memory_space<vmem>> -> memref<4x200x64xf32, #tpu.memory_space<vmem>>
    tpu.wait_dma2 semaphore(%arg9 : memref<!tpu.dma_semaphore, #tpu.memory_space<semaphore_mem>>) src(%dma_wait3A_54 : memref<4x200x64xf32, #tpu.memory_space<vmem>>) dst(%dma_wait3A_49 : memref<4x200x64xf32, #tpu.memory_space<hbm>>)
    %dma_wait3A_55 = arith.constant 1 : i32
    %dma_wait3A_56 = arith.constant 0 : i32
    %dma_wait3A_57 = arith.constant 0 : i32
    %dma_wait3A_58 = arith.constant 0 : i32
    %dma_wait3A_59 = tpu.memref_slice %arg6[%dma_wait3A_55, %dma_wait3A_56, %dma_wait3A_57, %dma_wait3A_58] : memref<2x4x200x64xf32, #tpu.memory_space<vmem>> -> memref<1x4x200x64xf32, #tpu.memory_space<vmem>>
    %dma_wait3A_60 = tpu.memref_squeeze %dma_wait3A_59 : memref<1x4x200x64xf32, #tpu.memory_space<vmem>> -> memref<4x200x64xf32, #tpu.memory_space<vmem>>
    %dma_wait3A_61 = arith.constant 0 : i32
    %dma_wait3A_62 = arith.constant 0 : i32
    %dma_wait3A_63 = arith.constant 0 : i32
    %dma_wait3A_64 = tpu.memref_slice %arg4[%dma_wait3A_61, %dma_wait3A_62, %dma_wait3A_63] : memref<4096x200x64xf32, #tpu.memory_space<hbm>> -> memref<4x200x64xf32, #tpu.memory_space<hbm>>
    %dma_wait3A_65 = arith.constant 0 : i32
    %dma_wait3A_66 = arith.constant 0 : i32
    %dma_wait3A_67 = arith.constant 0 : i32
    %dma_wait3A_68 = tpu.memref_slice %arg4[%dma_wait3A_65, %dma_wait3A_66, %dma_wait3A_67] : memref<4096x200x64xf32, #tpu.memory_space<hbm>> -> memref<4x200x64xf32, #tpu.memory_space<hbm>>
    %dma_wait3A_69 = arith.constant 0 : i32
    %dma_wait3A_70 = arith.constant 0 : i32
    %dma_wait3A_71 = arith.constant 0 : i32
    %dma_wait3A_72 = tpu.memref_slice %arg6[%dma_wait3A_55, %dma_wait3A_69, %dma_wait3A_70, %dma_wait3A_71] : memref<2x4x200x64xf32, #tpu.memory_space<vmem>> -> memref<1x4x200x64xf32, #tpu.memory_space<vmem>>
    %dma_wait3A_73 = tpu.memref_squeeze %dma_wait3A_72 : memref<1x4x200x64xf32, #tpu.memory_space<vmem>> -> memref<4x200x64xf32, #tpu.memory_space<vmem>>
    tpu.wait_dma2 semaphore(%arg9 : memref<!tpu.dma_semaphore, #tpu.memory_space<semaphore_mem>>) src(%dma_wait3A_73 : memref<4x200x64xf32, #tpu.memory_space<vmem>>) dst(%dma_wait3A_68 : memref<4x200x64xf32, #tpu.memory_space<hbm>>)
    return
  }
}

</mosaic_0001>

<sc_bundles>
// kernel: kernel.4.cloned.1.call-start
scs
__scs_entry_jumppad:
0x0: {  	(pc) =	sbr.rel $0x88, $3  }
0x1: {  	(tag) =	ssettag $0x0;
	lr =	simm.s32 $0x1  }
0x2: {  	[smem:$0x3F9F] =	sst lr;
	_ =	strace $0xD0000000  }
0x3: {  	_ = 	snop  }
0x4: {  	_ = 	snop  }
0x5: {  	_ = 	snop  }
0x6: {  	_ = 	snop  }
0x7: {  	_ = 	snop  }
__scs_overlays_trampoline_lowered:
0x8: {  	[smem:$0x3FAE] =	sst s0  }
0x9: {  	[smem:$0x3FAF] =	sst s1  }
0xa: {  	[smem:$0x3FB0] =	sst s2  }
0xb: {  	[smem:$0x3FB1] =	sst s3  }
0xc: {  	[smem:$0x3FB2] =	sst s4  }
0xd: {  	[smem:$0x3FB3] =	sst s5  }
0xe: {  	[smem:$0x3FB4] =	sst s6  }
0xf: {  	[smem:$0x3FB5] =	sst s7  }
0x10: {  	[smem:$0x3FB6] =	sst s8  }
0x11: {  	[smem:$0x3FB7] =	sst s9;
	s0 =	simm.s32 @!p0 $0x0  }
0x12: {  	s1 =	sld [smem:$0x3F9D];
	s0 =	simm.s32 @p0 $0x1  }
0x13: {  	[smem:$0x3FB8] =	sst s0;
	s0 =	simm.s32 @!p1 $0x0  }
0x14: {  	s2 =	sld [smem:$0x3F9C];
	s0 =	simm.s32 @p1 $0x1  }
0x15: {  	[smem:$0x3FB9] =	sst s0;
	s0 =	simm.s32 @!p2 $0x0  }
0x16: {  	s3 =	sld [smem:$0x3FDB];
	s0 =	simm.s32 @p2 $0x1  }
0x17: {  	s4 =	simm.s32 $0x1BF5;
	[smem:$0x3FBB] =	sst s0  }
0x18: {  	s0 =	sld [smem:$0x3F9E];
	_ =	swait.ge [sflag:s4], $0x0  }
0x19: {  	s7 =	sld [smem:$0x3F9F]  }
0x1a: {  	s8 =	sadd.s32 $0xFFFFE003, lr  }
0x1b: {  	s9 =	sadd.s32 $0xFFFFFEF7, lr;
	s5 =	simm.s32 $0xFFFFFFFF;
	p2 =	slt.u32 s8, $0xFFFFF086  }
0x1c: {  	p1 =	slt.u32 s9, $0xF7A;
	s5 =	simm.s32 @!p2 $0x0  }
0x1d: {  	s5 =	simm.s32 @p1 $0x1;
	p0 =	seq.s32 s7, s2  }
0x1e: {  	s7 =	smul.u32 @!p0 $0xF7A, s2;
	p2 =	seq.s32 @!p0 s5, $0x0  }
0x1f: {  	s9 =	smul.u32 $0xF7A, s1;
	s8 =	simm.s32 @!p0 $0x1BF5;
	p2 =	por !p2, p0  }
0x20: {  	[sflag:s8] =	ssyncset.s32 @!p0 $0xFFFFF086;
	s6 =	sadd.s32 @!p0 s3, s7;
	s7 =	simm.s32 @!p0 $0x108  }
0x21: {  	s3 =	sadd.s32 s3, s9;
	s6 =	sadd.s32 @!p0 $0x88, s6;
	s7 =	simm.s32 @p2 $0x1082  }
0x22: {  	[simem:s7], [sflag:s8] =	dma.local @!p0 [hbm:s6], $0xF7A  }
0x23: {  	s9 =	sor.u32 $0xD0000000, s2;
	s6 =	simm.s32 $0x108;
	_ =	swait.ge @!p0 [sflag:s8], $0x0  }
0x24: {  	s3 =	sadd.s32 $0x88, s3;
	s6 =	simm.s32 @!p1 $0x1082;
	[sflag:s4] =	ssyncset.s32 $0xFFFFF086  }
0x25: {  	[simem:s6], [sflag:s4] =	dma.local [hbm:s3], $0xF7A  }
0x26: {  	[smem:$0x3F9F] =	sst s1;
	(tag) =	ssettag s2;
	_ =	strace s9  }
0x27: {  	s1 =	sld [smem:$0x3FAF]  }
0x28: {  	s2 =	sld [smem:$0x3FB0]  }
0x29: {  	s4 =	sld [smem:$0x3FB2]  }
0x2a: {  	p0 =	seq.s32 s5, $0x0;
	s5 =	sld [smem:$0x3FB3]  }
0x2b: {  	s6 =	sld [smem:$0x3FB4]  }
0x2c: {  	s7 =	sld [smem:$0x3FB5]  }
0x2d: {  	s3 =	simm.s32 $0x108;
	s8 =	sld [smem:$0x3FB6]  }
0x2e: {  	s3 =	simm.s32 @!p0 $0x1082;
	s9 =	sld [smem:$0x3FB7]  }
0x2f: {  	lr =	sadd.s32 s0, s3;
	s0 =	sld [smem:$0x3FAE]  }
0x30: {  	s3 =	sld [smem:$0x3FB1]  }
0x31: {  	[smem:$0x3FBA] =	sst s10  }
0x32: {  	s10 =	sld [smem:$0x3FB8];
	_ =	sdelay $0x3  }
0x33: {  	p0 =	seq.s32 s10, $0x1;
	s10 =	sld [smem:$0x3FBA];
	_ =	sdelay $0x3  }
0x34: {  	[smem:$0x3FBA] =	sst s10  }
0x35: {  	s10 =	sld [smem:$0x3FB9];
	_ =	sdelay $0x3  }
0x36: {  	p1 =	seq.s32 s10, $0x1;
	s10 =	sld [smem:$0x3FBA];
	_ =	sdelay $0x3  }
0x37: {  	[smem:$0x3FBA] =	sst s10  }
0x38: {  	s10 =	sld [smem:$0x3FBB]  }
0x39: {  	_ = 	snop;
	(pc) =	sbr.ind lr, $3  }
0x3a: {  	_ = 	snop  }
0x3b: {  	_ = 	snop  }
0x3c: {  	p2 =	seq.s32 s10, $0x1;
	s10 =	sld [smem:$0x3FBA]  }
0x3d: {  	_ =	shalt  }
0x3e: {  	_ =	shalt  }
0x3f: {  	_ =	shalt  }
0x40: {  	_ =	shalt  }
0x41: {  	_ =	shalt  }
0x42: {  	_ =	shalt  }
0x43: {  	_ =	shalt  }
0x44: {  	_ =	shalt  }
0x45: {  	_ =	shalt  }
0x46: {  	_ =	shalt  }
0x47: {  	_ =	shalt  }
0x48: {  	_ =	shalt  }
0x49: {  	_ =	shalt  }
0x4a: {  	_ =	shalt  }
0x4b: {  	_ =	shalt  }
0x4c: {  	_ =	shalt  }
0x4d: {  	_ =	shalt  }
0x4e: {  	_ =	shalt  }
0x4f: {  	_ =	shalt  }
0x50: {  	_ =	shalt  }
0x51: {  	_ =	shalt  }
0x52: {  	_ =	shalt  }
0x53: {  	_ =	shalt  }
0x54: {  	_ =	shalt  }
0x55: {  	_ =	shalt  }
0x56: {  	_ =	shalt  }
0x57: {  	_ =	shalt  }
0x58: {  	_ =	shalt  }
0x59: {  	_ =	shalt  }
0x5a: {  	_ =	shalt  }
0x5b: {  	_ =	shalt  }
0x5c: {  	_ =	shalt  }
0x5d: {  	_ =	shalt  }
0x5e: {  	_ =	shalt  }
0x5f: {  	_ =	shalt  }
0x60: {  	_ =	shalt  }
0x61: {  	_ =	shalt  }
0x62: {  	_ =	shalt  }
0x63: {  	_ =	shalt  }
0x64: {  	_ =	shalt  }
0x65: {  	_ =	shalt  }
0x66: {  	_ =	shalt  }
0x67: {  	_ =	shalt  }
0x68: {  	_ =	shalt  }
0x69: {  	_ =	shalt  }
0x6a: {  	_ =	shalt  }
0x6b: {  	_ =	shalt  }
0x6c: {  	_ =	shalt  }
0x6d: {  	_ =	shalt  }
0x6e: {  	_ =	shalt  }
0x6f: {  	_ =	shalt  }
0x70: {  	_ =	shalt  }
0x71: {  	_ =	shalt  }
0x72: {  	_ =	shalt  }
0x73: {  	_ =	shalt  }
0x74: {  	_ =	shalt  }
0x75: {  	_ =	shalt  }
0x76: {  	_ =	shalt  }
0x77: {  	_ =	shalt  }
0x78: {  	_ =	shalt  }
0x79: {  	_ =	shalt  }
0x7a: {  	_ =	shalt  }
0x7b: {  	_ =	shalt  }
0x7c: {  	_ =	shalt  }
0x7d: {  	_ =	shalt  }
0x7e: {  	_ =	shalt  }
0x7f: {  	_ =	shalt  }
0x80: {  	_ =	shalt  }
0x81: {  	_ =	shalt  }
0x82: {  	_ =	shalt  }
0x83: {  	_ =	shalt  }
0x84: {  	_ =	shalt  }
0x85: {  	_ =	shalt  }
0x86: {  	_ =	shalt  }
0x87: {  	_ =	shalt  }
.Lfunc_end0:
.L_simem_size_0:
called_computation.1_lowered:
.L_overlay_start_0:
0x88: {  	s2 =	sld [smem:$0x3FD9]  }
0x89: {  	s3 =	sld [smem:$0x3FFE];
	_ =	sdelay $0x1  }
0x8a: {  	s1 =	srdreg.scid  }
0x8b: {  	s0 =	sand.u32 $0x1, s1  }
0x8c: {  	s16 =	sshll.u32 s0, $0xA;
	s2 =	sadd.s32 s3, s2  }
0x8d: {  	s2 =	sadd.s32 s2, s16  }
0x8e: {  	[smem:$0x3FC6] =	sst s2  }
0x8f: {  	_ = 	snop  }
0x90: {  	(tm) =	ssettm $0x1  }
0x91: {  	s17 =	sld [smem:$0x3FFB];
	_ =	sdelay $0x3  }
0x92: {  	_ =	strace s17  }
0x93: {  	s2 =	sld [smem:$0x3FFC];
	_ =	sdelay $0x3  }
0x94: {  	_ =	strace s2  }
0x95: {  	s2 =	sld [smem:$0x3FFD];
	_ =	sdelay $0x3  }
0x96: {  	_ =	strace s2  }
0x97: {  	_ =	strace $0x8FFFFFFF  }
0x98: {  	s18 =	sld [smem:$0x3FDB];
	_ =	sdelay $0x1  }
0x99: {  	s19 =	simm.s32 $_scs_section_size  }
0x9a: {  	s4 =	simm.s32 $_size__tile_overlayer_lowered;
	s5 =	simm.s32 $_tile_overlayer_lowered  }
0x9b: {  	s22 =	simm.s32 $0x1BFF;
	s21 =	sshll.u32 s5, $0x1;
	s2 =	sadd.s32 s19, s18  }
0x9c: {  	s6 =	simm.s32 $0x0;
	s20 =	sshll.u32 s4, $0x1;
	s4 =	sadd.s32 s21, s2  }
0x9d: {  	[timem:s6], [sflag:s22] =	dma.local [hbm:s4], s20  }
0x9e: {  	_ =	swait.ge [sflag:s22], s20  }
0x9f: {  	s3 =	ssub.s32 $0x0, s20;
	[sflag:s22] =	ssyncset.done $0x0  }
0xa0: {  	[sflag:s22] =	ssyncadd.s32 s3;
	_ =	sdelay $0x1  }
0xa1: {  	s23 =	simm.s32 $0x1B8B  }
0xa2: {  	_ =	swait.ge [sflag:s23], $0x1  }
0xa3: {  	[sflag:s23] =	ssyncset.done $0x0  }
0xa4: {  	s25 =	simm.s32 $0x1B8E;
	s24 =	sld [smem:$0x3FFE];
	[sflag:s23] =	ssyncadd.s32 $0xFFFFFFFF  }
0xa5: {  	s26 =	simm.s32 $execute0_lowered;
	[smem:$0x3FD2] =	sst s25  }
0xa6: {  	s4 =	sshll.u32 s26, $0x1;
	_ =	strace $0x80000046;
	[dreg:$0x1] =	wrdreg $0xFFFFFFFF  }
0xa7: {  	s28 =	simm.s32 $_size_execute0_lowered;
	s2 =	sadd.s32 s2, s4;
	[dreg:$0x0] =	wrdreg $0x0  }
0xa8: {  	s4 =	sshll.u32 s28, $0x1;
	[dreg:$0x2] =	wrdreg s2  }
0xa9: {  	[dreg:$0x3] =	wrdreg s4  }
0xaa: {  	[dreg:$0x4] =	wrdreg $0xC0  }
0xab: {  	_ =	task [dreg:s6], $0x5FFFF  }
0xac: {  	[dreg:$0x1] =	wrdreg $0xFFFFFFFF  }
0xad: {  	[dreg:$0x0] =	wrdreg $0x60  }
0xae: {  	[dreg:$0x2] =	wrdreg s24  }
0xaf: {  	[dreg:$0x3] =	wrdreg $0x9  }
0xb0: {  	_ =	task.clear_ibuf [dreg:s6], $0x4FFFF;
	_ =	strace $0x90000046  }
0xb1: {  	s29 =	simm.s32 $0x9;
	_ =	strace $0x80000048  }
0xb2: {  	_ =	swait.ge [sflag:s29], $0x1  }
0xb3: {  	[sflag:s29] =	ssyncadd.s32 $0xFFFFFFFF  }
0xb4: {  	_ =	strace $0x90000048  }
0xb5: {  	_ =	sfence  }
0xb6: {  	s30 =	sld [smem:$0x0];
	_ =	sdelay $0x2  }
0xb7: {  	s31 =	sshll.u32 s1, $0xD;
	s1 =	sshrl.u32 s1, $0x2  }
0xb8: {  	s3 =	sand.u32 $0x4000, s31;
	s1 =	sadd.s32 s1, s30  }
0xb9: {  	s0 =	sor.u32 s3, s0;
	s1 =	sshll.u32 s1, $0x11  }
0xba: {  	s0 =	sor.u32 s1, s0  }
0xbb: {  	s0 =	sadd.s32 $0x8F2B, s0  }
0xbc: {  	[sflag:s0] =	ssyncadd.remote.s32 $0x1  }
0xbd: {  	_ =	sfence.sel $0xFFFF  }
0xbe: {  	[dreg:$0x0] =	wrdreg $0xFFFFFFFF;
	(pc) =	sbr.abs _section_cstart, $3  }
0xbf: {  	[dreg:$0x1] =	wrdreg $0xFFFFFFFF  }
0xc0: {  	_ =	task.clear_ibuf [dreg:s6], $0x2FFFF;
	_ =	strace $0x9FFFFFFF  }
0xc1: {  	(tm) =	ssettm $0x7FFFFFFF  }
tec
execute0_lowered:
.L_overlay_start_1:
0x0: {  	(tag) =	ssettag $0x1  }
0x1: {  	s1 =	srdreg.scid;
	s0 =	stileid.u32  }
0x2: {  	s5 =	rddreg [dreg:$0x0];
	s2 =	simm.s32 $0x0;
	s11 =	simm.s32 $0xA000  }
0x3: {  	s12 =	simm.s32 $0x1;
	s13 =	simm.s32 $0x14000;
	s14 =	simm.s32 $0x19000  }
0x4: {  	s15 =	simm.s32 $0x2;
	s6 =	sand.u32 $0x1, s1;
	s3 =	sshll.u32 s0, $0x1  }
0x5: {  	s16 =	simm.s32 $0x0;
	s1 =	rddreg [dreg:$0x1];
	s3 =	sor.u32 s6, s3  }
0x6: {  	[smem:$0x7FF] =	sst s2;
	s4 =	sadd.s32 $0xE00, s5;
	s7 =	smul.u32 $0xA000, s3  }
.Ltmp0:
0x7: {  	s5 =	sadd.s32 $0xF43200, s5;
	s6 =	ssub.s32 $0x2, s6;
	(pc) =	sbr.rel .LBB2_1-.Ltmp0, $4  }
0x8: {  	v0 =	vlaneseq.u32;
	_ =	strace $0x80000047;
	s8 =	sshrl.u32 s6, $0x1;
	s9 =	smul.u32 $0x1400, s3  }
0x9: {  	v1 =	vor.u32 $0x10, v0;
	p0 =	sgt.u32 s3, $0x14;
	s10 =	ssub.s32 s6, s8;
	s7 =	sshrl.u32 s7, $0x3  }
0xa: {  	v2 =	vor.u32 $0x20, v0;
	v3 =	vor.u32 $0x30, v0;
	v4 =	vor.u32 $0x40, v0;
	s8 =	sor.u32 $0x40, s3;
	s6 =	sadd.s32 s4, s9;
	s7 =	sadd.s32 s4, s7  }
0xb: {  	v5 =	vor.u32 $0x50, v0;
	v6 =	vor.u32 $0x60, v0;
	v7 =	vor.u32 $0x70, v0;
	s9 =	sor.u32 $0x60, s3;
	s10 =	smax.u32 s10, $0x1;
	s7 =	sadd.s32 $0x28000, s7  }
.LBB2_10:
0xc: {  	s16 =	sadd.s32 $0x1, s16  }
0xd: {  	_ =	swait.ge [sflag:s15], $0x5000;
	p1 =	sne.s32 s16, s10  }
.Ltmp1:
0xe: {  	[sflag:s15] =	ssyncset.done $0x0;
	(pc) =	sbr.rel @!p1 .LBB2_11-.Ltmp1, $4  }
0xf: {  	s17 =	simm.s32 @!p0 $0x2;
	[sflag:s15] =	ssyncadd.s32 $0xFFFFB000  }
0x10: {  	_ =	swait.ge @!p0 [sflag:s17], $0x5000  }
0x11: {  	[sflag:s17] =	ssyncset.done @!p0 $0x0  }
0x12: {  	[sflag:s17] =	ssyncadd.s32 @!p0 $0xFFFFB000  }
.LBB2_1:
0x13: {  	[tilespmem:s2], [sflag:$0x1] =	stream.linear.gather [hbm4b:s6+s2], $0xA000, $0x38;
	[tilespmem:$0x1E000] =	vst v63  }
0x14: {  	s17 =	simm.s32 $0x0  }
0x15: {  	[tilespmem:s11], [sflag:$0x1] =	stream.linear.gather [hbm4b:s7+s2], $0xA000, $0x38;
	[tilespmem:$0x1E000] =	vst v63  }
.LBB2_2:
0x16: {  	p1 =	seq.s32 s17, $0x0  }
0x17: {  	s18 =	simm.s32 @!p1 $0x2  }
0x18: {  	s19 =	simm.s32 $0x0;
	_ =	swait.ge @!p1 [sflag:s18], $0x5000  }
0x19: {  	v8 =	vor.u32 s19, v0;
	[sflag:s18] =	ssyncset.done @!p1 $0x0  }
0x1a: {  	[sflag:s18] =	ssyncadd.s32 @!p1 $0xFFFFB000  }
0x1b: {  	_ =	swait.ge [sflag:s12], $0xA000  }
0x1c: {  	[sflag:s12] =	ssyncset.done $0x0  }
0x1d: {  	s21 =	simm.s32 $0x0;
	[sflag:s12] =	ssyncadd.s32 $0xFFFF6000  }
0x1e: {  	v9 =	vor.u32 s21, v0;
	v8 =	vld.idx.msk [tilespmem:v8+s2+$0x0], $0xffff  }
0x1f: {  	v10 =	vor.u32 s19, v1;
	_ =	sdelay $0x3  }
0x20: {  	[tilespmem:v9+s13+$0x0] =	vst.idx.msk $0xffff, v8  }
0x21: {  	v9 =	vor.u32 s21, v1;
	v8 =	vld.idx.msk [tilespmem:v10+s2+$0x0], $0xffff  }
0x22: {  	v10 =	vor.u32 s19, v2;
	_ =	sdelay $0x3  }
0x23: {  	[tilespmem:v9+s13+$0x0] =	vst.idx.msk $0xffff, v8  }
0x24: {  	v9 =	vor.u32 s21, v2;
	v8 =	vld.idx.msk [tilespmem:v10+s2+$0x0], $0xffff  }
0x25: {  	v10 =	vor.u32 s19, v3;
	_ =	sdelay $0x3  }
0x26: {  	[tilespmem:v9+s13+$0x0] =	vst.idx.msk $0xffff, v8  }
0x27: {  	s22 =	simm.s32 $0x80;
	v9 =	vor.u32 s21, v3;
	v8 =	vld.idx.msk [tilespmem:v10+s2+$0x0], $0xffff  }
0x28: {  	v10 =	vor.u32 s22, v0;
	_ =	sdelay $0x3  }
0x29: {  	[tilespmem:v9+s13+$0x0] =	vst.idx.msk $0xffff, v8  }
0x2a: {  	v9 =	vor.u32 s21, v4;
	v8 =	vld.idx.msk [tilespmem:v10+s2+$0x0], $0xffff  }
0x2b: {  	v10 =	vor.u32 s22, v1;
	_ =	sdelay $0x3  }
0x2c: {  	[tilespmem:v9+s13+$0x0] =	vst.idx.msk $0xffff, v8  }
0x2d: {  	v9 =	vor.u32 s21, v5;
	v8 =	vld.idx.msk [tilespmem:v10+s2+$0x0], $0xffff  }
0x2e: {  	v10 =	vor.u32 s22, v2;
	_ =	sdelay $0x3  }
0x2f: {  	[tilespmem:v9+s13+$0x0] =	vst.idx.msk $0xffff, v8  }
0x30: {  	v9 =	vor.u32 s21, v6;
	v8 =	vld.idx.msk [tilespmem:v10+s2+$0x0], $0xffff  }
0x31: {  	v10 =	vor.u32 s22, v3;
	_ =	sdelay $0x3  }
0x32: {  	[tilespmem:v9+s13+$0x0] =	vst.idx.msk $0xffff, v8  }
0x33: {  	s23 =	simm.s32 $0x100;
	v9 =	vor.u32 s21, v7;
	v8 =	vld.idx.msk [tilespmem:v10+s2+$0x0], $0xffff  }
0x34: {  	v10 =	vor.u32 s23, v0;
	_ =	sdelay $0x3  }
0x35: {  	s24 =	simm.s32 $0x80;
	[tilespmem:v9+s13+$0x0] =	vst.idx.msk $0xffff, v8  }
0x36: {  	v9 =	vor.u32 s24, v0;
	v8 =	vld.idx.msk [tilespmem:v10+s2+$0x0], $0xffff  }
0x37: {  	v10 =	vor.u32 s23, v1;
	_ =	sdelay $0x3  }
0x38: {  	[tilespmem:v9+s13+$0x0] =	vst.idx.msk $0xffff, v8  }
0x39: {  	v9 =	vor.u32 s24, v1;
	v8 =	vld.idx.msk [tilespmem:v10+s2+$0x0], $0xffff  }
0x3a: {  	v10 =	vor.u32 s23, v2;
	_ =	sdelay $0x3  }
0x3b: {  	[tilespmem:v9+s13+$0x0] =	vst.idx.msk $0xffff, v8  }
0x3c: {  	v9 =	vor.u32 s24, v2;
	v8 =	vld.idx.msk [tilespmem:v10+s2+$0x0], $0xffff  }
0x3d: {  	v10 =	vor.u32 s23, v3;
	_ =	sdelay $0x3  }
0x3e: {  	[tilespmem:v9+s13+$0x0] =	vst.idx.msk $0xffff, v8  }
0x3f: {  	s25 =	simm.s32 $0x180;
	v9 =	vor.u32 s24, v3;
	v8 =	vld.idx.msk [tilespmem:v10+s2+$0x0], $0xffff  }
0x40: {  	v10 =	vor.u32 s25, v0;
	_ =	sdelay $0x3  }
0x41: {  	[tilespmem:v9+s13+$0x0] =	vst.idx.msk $0xffff, v8  }
0x42: {  	v9 =	vor.u32 s24, v4;
	v8 =	vld.idx.msk [tilespmem:v10+s2+$0x0], $0xffff  }
0x43: {  	v10 =	vor.u32 s25, v1;
	_ =	sdelay $0x3  }
0x44: {  	[tilespmem:v9+s13+$0x0] =	vst.idx.msk $0xffff, v8  }
0x45: {  	v9 =	vor.u32 s24, v5;
	v8 =	vld.idx.msk [tilespmem:v10+s2+$0x0], $0xffff  }
0x46: {  	v10 =	vor.u32 s25, v2;
	_ =	sdelay $0x3  }
0x47: {  	[tilespmem:v9+s13+$0x0] =	vst.idx.msk $0xffff, v8  }
0x48: {  	v9 =	vor.u32 s24, v6;
	v8 =	vld.idx.msk [tilespmem:v10+s2+$0x0], $0xffff  }
0x49: {  	v10 =	vor.u32 s25, v3;
	_ =	sdelay $0x3  }
0x4a: {  	[tilespmem:v9+s13+$0x0] =	vst.idx.msk $0xffff, v8  }
0x4b: {  	s26 =	simm.s32 $0x200;
	v9 =	vor.u32 s24, v7;
	v8 =	vld.idx.msk [tilespmem:v10+s2+$0x0], $0xffff  }
0x4c: {  	v10 =	vor.u32 s26, v0;
	_ =	sdelay $0x3  }
0x4d: {  	s28 =	simm.s32 $0x100;
	[tilespmem:v9+s13+$0x0] =	vst.idx.msk $0xffff, v8  }
0x4e: {  	v9 =	vor.u32 s28, v0;
	v8 =	vld.idx.msk [tilespmem:v10+s2+$0x0], $0xffff  }
0x4f: {  	v10 =	vor.u32 s26, v1;
	_ =	sdelay $0x3  }
0x50: {  	[tilespmem:v9+s13+$0x0] =	vst.idx.msk $0xffff, v8  }
0x51: {  	v9 =	vor.u32 s28, v1;
	v8 =	vld.idx.msk [tilespmem:v10+s2+$0x0], $0xffff  }
0x52: {  	v10 =	vor.u32 s26, v2;
	_ =	sdelay $0x3  }
0x53: {  	[tilespmem:v9+s13+$0x0] =	vst.idx.msk $0xffff, v8  }
0x54: {  	v9 =	vor.u32 s28, v2;
	v8 =	vld.idx.msk [tilespmem:v10+s2+$0x0], $0xffff  }
0x55: {  	v10 =	vor.u32 s26, v3;
	_ =	sdelay $0x3  }
0x56: {  	[tilespmem:v9+s13+$0x0] =	vst.idx.msk $0xffff, v8  }
0x57: {  	s29 =	simm.s32 $0x280;
	v9 =	vor.u32 s28, v3;
	v8 =	vld.idx.msk [tilespmem:v10+s2+$0x0], $0xffff  }
0x58: {  	v10 =	vor.u32 s29, v0;
	_ =	sdelay $0x3  }
0x59: {  	[tilespmem:v9+s13+$0x0] =	vst.idx.msk $0xffff, v8  }
0x5a: {  	v9 =	vor.u32 s28, v4;
	v8 =	vld.idx.msk [tilespmem:v10+s2+$0x0], $0xffff  }
0x5b: {  	v10 =	vor.u32 s29, v1;
	_ =	sdelay $0x3  }
0x5c: {  	[tilespmem:v9+s13+$0x0] =	vst.idx.msk $0xffff, v8  }
0x5d: {  	v9 =	vor.u32 s28, v5;
	v8 =	vld.idx.msk [tilespmem:v10+s2+$0x0], $0xffff  }
0x5e: {  	v10 =	vor.u32 s29, v2;
	_ =	sdelay $0x3  }
0x5f: {  	[tilespmem:v9+s13+$0x0] =	vst.idx.msk $0xffff, v8  }
0x60: {  	v9 =	vor.u32 s28, v6;
	v8 =	vld.idx.msk [tilespmem:v10+s2+$0x0], $0xffff  }
0x61: {  	v10 =	vor.u32 s29, v3;
	_ =	sdelay $0x3  }
0x62: {  	[tilespmem:v9+s13+$0x0] =	vst.idx.msk $0xffff, v8  }
0x63: {  	s30 =	simm.s32 $0x300;
	v9 =	vor.u32 s28, v7;
	v8 =	vld.idx.msk [tilespmem:v10+s2+$0x0], $0xffff  }
0x64: {  	v10 =	vor.u32 s30, v0;
	_ =	sdelay $0x3  }
0x65: {  	s23 =	simm.s32 $0x180;
	[tilespmem:v9+s13+$0x0] =	vst.idx.msk $0xffff, v8  }
0x66: {  	v9 =	vor.u32 s23, v0;
	v8 =	vld.idx.msk [tilespmem:v10+s2+$0x0], $0xffff  }
0x67: {  	v10 =	vor.u32 s30, v1;
	_ =	sdelay $0x3  }
0x68: {  	[tilespmem:v9+s13+$0x0] =	vst.idx.msk $0xffff, v8  }
0x69: {  	v9 =	vor.u32 s23, v1;
	v8 =	vld.idx.msk [tilespmem:v10+s2+$0x0], $0xffff  }
0x6a: {  	v10 =	vor.u32 s30, v2;
	_ =	sdelay $0x3  }
0x6b: {  	[tilespmem:v9+s13+$0x0] =	vst.idx.msk $0xffff, v8  }
0x6c: {  	v9 =	vor.u32 s23, v2;
	v8 =	vld.idx.msk [tilespmem:v10+s2+$0x0], $0xffff  }
0x6d: {  	v10 =	vor.u32 s30, v3;
	_ =	sdelay $0x3  }
0x6e: {  	[tilespmem:v9+s13+$0x0] =	vst.idx.msk $0xffff, v8  }
0x6f: {  	s31 =	simm.s32 $0x380;
	v9 =	vor.u32 s23, v3;
	v8 =	vld.idx.msk [tilespmem:v10+s2+$0x0], $0xffff  }
0x70: {  	v10 =	vor.u32 s31, v0;
	_ =	sdelay $0x3  }
0x71: {  	[tilespmem:v9+s13+$0x0] =	vst.idx.msk $0xffff, v8  }
0x72: {  	v9 =	vor.u32 s23, v4;
	v8 =	vld.idx.msk [tilespmem:v10+s2+$0x0], $0xffff  }
0x73: {  	v10 =	vor.u32 s31, v1;
	_ =	sdelay $0x3  }
0x74: {  	[tilespmem:v9+s13+$0x0] =	vst.idx.msk $0xffff, v8  }
0x75: {  	v9 =	vor.u32 s23, v5;
	v8 =	vld.idx.msk [tilespmem:v10+s2+$0x0], $0xffff  }
0x76: {  	v10 =	vor.u32 s31, v2;
	_ =	sdelay $0x3  }
0x77: {  	[tilespmem:v9+s13+$0x0] =	vst.idx.msk $0xffff, v8  }
0x78: {  	v9 =	vor.u32 s23, v6;
	v8 =	vld.idx.msk [tilespmem:v10+s2+$0x0], $0xffff  }
0x79: {  	v10 =	vor.u32 s31, v3;
	_ =	sdelay $0x3  }
0x7a: {  	s20 =	simm.s32 $0x400;
	s18 =	sshll.u32 s17, $0x6;
	[tilespmem:v9+s13+$0x0] =	vst.idx.msk $0xffff, v8  }
0x7b: {  	s19 =	sor.u32 s3, s18;
	s22 =	simm.s32 $0x10;
	s21 =	simm.s32 $0x3;
	v9 =	vor.u32 s23, v7;
	v8 =	vld.idx.msk [tilespmem:v10+s2+$0x0], $0xffff  }
.LBB2_3:
0x7c: {  	p1 =	sne.s32 s22, $0x138;
	v10 =	vor.u32 s20, v0;
	_ =	sdelay $0x2  }
0x7d: {  	s21 =	sadd.s32 $0x4, s21  }
0x7e: {  	s23 =	sshll.u32 s21, $0x7;
	[tilespmem:v9+s13+$0x0] =	vst.idx.msk $0xffff, v8  }
0x7f: {  	s24 =	sadd.s32 $0xFFFFFE80, s23;
	v8 =	vld.idx.msk [tilespmem:v10+s2+$0x0], $0xffff  }
0x80: {  	v9 =	vor.u32 s24, v0  }
0x81: {  	v10 =	vor.u32 s20, v1;
	_ =	sdelay $0x3  }
0x82: {  	[tilespmem:v9+s13+$0x0] =	vst.idx.msk $0xffff, v8  }
0x83: {  	v8 =	vld.idx.msk [tilespmem:v10+s2+$0x0], $0xffff  }
0x84: {  	v9 =	vor.u32 s24, v1  }
0x85: {  	v10 =	vor.u32 s20, v2;
	_ =	sdelay $0x3  }
0x86: {  	[tilespmem:v9+s13+$0x0] =	vst.idx.msk $0xffff, v8  }
0x87: {  	v8 =	vld.idx.msk [tilespmem:v10+s2+$0x0], $0xffff  }
0x88: {  	v9 =	vor.u32 s24, v2  }
0x89: {  	v10 =	vor.u32 s20, v3;
	_ =	sdelay $0x3  }
0x8a: {  	[tilespmem:v9+s13+$0x0] =	vst.idx.msk $0xffff, v8  }
0x8b: {  	v8 =	vld.idx.msk [tilespmem:v10+s2+$0x0], $0xffff  }
0x8c: {  	s25 =	sadd.s32 $0x80, s20;
	v9 =	vor.u32 s24, v3  }
0x8d: {  	v10 =	vor.u32 s25, v0;
	_ =	sdelay $0x3  }
0x8e: {  	[tilespmem:v9+s13+$0x0] =	vst.idx.msk $0xffff, v8  }
0x8f: {  	v8 =	vld.idx.msk [tilespmem:v10+s2+$0x0], $0xffff  }
0x90: {  	v9 =	vor.u32 s24, v4  }
0x91: {  	v10 =	vor.u32 s25, v1;
	_ =	sdelay $0x3  }
0x92: {  	[tilespmem:v9+s13+$0x0] =	vst.idx.msk $0xffff, v8  }
0x93: {  	v8 =	vld.idx.msk [tilespmem:v10+s2+$0x0], $0xffff  }
0x94: {  	v9 =	vor.u32 s24, v5  }
0x95: {  	v10 =	vor.u32 s25, v2;
	_ =	sdelay $0x3  }
0x96: {  	[tilespmem:v9+s13+$0x0] =	vst.idx.msk $0xffff, v8  }
0x97: {  	v8 =	vld.idx.msk [tilespmem:v10+s2+$0x0], $0xffff  }
0x98: {  	v9 =	vor.u32 s24, v6  }
0x99: {  	v10 =	vor.u32 s25, v3;
	_ =	sdelay $0x3  }
0x9a: {  	[tilespmem:v9+s13+$0x0] =	vst.idx.msk $0xffff, v8  }
0x9b: {  	v8 =	vld.idx.msk [tilespmem:v10+s2+$0x0], $0xffff  }
0x9c: {  	s25 =	sadd.s32 $0x100, s20;
	v9 =	vor.u32 s24, v7  }
0x9d: {  	v10 =	vor.u32 s25, v0;
	_ =	sdelay $0x3  }
0x9e: {  	[tilespmem:v9+s13+$0x0] =	vst.idx.msk $0xffff, v8  }
0x9f: {  	s24 =	sadd.s32 $0xFFFFFF00, s23;
	v8 =	vld.idx.msk [tilespmem:v10+s2+$0x0], $0xffff  }
0xa0: {  	v9 =	vor.u32 s24, v0  }
0xa1: {  	v10 =	vor.u32 s25, v1;
	_ =	sdelay $0x3  }
0xa2: {  	[tilespmem:v9+s13+$0x0] =	vst.idx.msk $0xffff, v8  }
0xa3: {  	v8 =	vld.idx.msk [tilespmem:v10+s2+$0x0], $0xffff  }
0xa4: {  	v9 =	vor.u32 s24, v1  }
0xa5: {  	v10 =	vor.u32 s25, v2;
	_ =	sdelay $0x3  }
0xa6: {  	[tilespmem:v9+s13+$0x0] =	vst.idx.msk $0xffff, v8  }
0xa7: {  	v8 =	vld.idx.msk [tilespmem:v10+s2+$0x0], $0xffff  }
0xa8: {  	v9 =	vor.u32 s24, v2  }
0xa9: {  	v10 =	vor.u32 s25, v3;
	_ =	sdelay $0x3  }
0xaa: {  	[tilespmem:v9+s13+$0x0] =	vst.idx.msk $0xffff, v8  }
0xab: {  	v8 =	vld.idx.msk [tilespmem:v10+s2+$0x0], $0xffff  }
0xac: {  	s25 =	sadd.s32 $0x180, s20;
	v9 =	vor.u32 s24, v3  }
0xad: {  	v10 =	vor.u32 s25, v0;
	_ =	sdelay $0x3  }
0xae: {  	[tilespmem:v9+s13+$0x0] =	vst.idx.msk $0xffff, v8  }
0xaf: {  	v8 =	vld.idx.msk [tilespmem:v10+s2+$0x0], $0xffff  }
0xb0: {  	v9 =	vor.u32 s24, v4  }
0xb1: {  	v10 =	vor.u32 s25, v1;
	_ =	sdelay $0x3  }
0xb2: {  	[tilespmem:v9+s13+$0x0] =	vst.idx.msk $0xffff, v8  }
0xb3: {  	v8 =	vld.idx.msk [tilespmem:v10+s2+$0x0], $0xffff  }
0xb4: {  	v9 =	vor.u32 s24, v5  }
0xb5: {  	v10 =	vor.u32 s25, v2;
	_ =	sdelay $0x3  }
0xb6: {  	[tilespmem:v9+s13+$0x0] =	vst.idx.msk $0xffff, v8  }
0xb7: {  	v8 =	vld.idx.msk [tilespmem:v10+s2+$0x0], $0xffff  }
0xb8: {  	v9 =	vor.u32 s24, v6  }
0xb9: {  	v10 =	vor.u32 s25, v3;
	_ =	sdelay $0x3  }
0xba: {  	[tilespmem:v9+s13+$0x0] =	vst.idx.msk $0xffff, v8  }
0xbb: {  	v8 =	vld.idx.msk [tilespmem:v10+s2+$0x0], $0xffff  }
0xbc: {  	s25 =	sadd.s32 $0x200, s20;
	v9 =	vor.u32 s24, v7  }
0xbd: {  	v10 =	vor.u32 s25, v0;
	_ =	sdelay $0x3  }
0xbe: {  	[tilespmem:v9+s13+$0x0] =	vst.idx.msk $0xffff, v8  }
0xbf: {  	s24 =	sadd.s32 $0xFFFFFF80, s23;
	v8 =	vld.idx.msk [tilespmem:v10+s2+$0x0], $0xffff  }
0xc0: {  	v9 =	vor.u32 s24, v0  }
0xc1: {  	v10 =	vor.u32 s25, v1;
	_ =	sdelay $0x3  }
0xc2: {  	[tilespmem:v9+s13+$0x0] =	vst.idx.msk $0xffff, v8  }
0xc3: {  	v8 =	vld.idx.msk [tilespmem:v10+s2+$0x0], $0xffff  }
0xc4: {  	v9 =	vor.u32 s24, v1  }
0xc5: {  	v10 =	vor.u32 s25, v2;
	_ =	sdelay $0x3  }
0xc6: {  	[tilespmem:v9+s13+$0x0] =	vst.idx.msk $0xffff, v8  }
0xc7: {  	v8 =	vld.idx.msk [tilespmem:v10+s2+$0x0], $0xffff  }
0xc8: {  	v9 =	vor.u32 s24, v2  }
0xc9: {  	v10 =	vor.u32 s25, v3;
	_ =	sdelay $0x3  }
0xca: {  	[tilespmem:v9+s13+$0x0] =	vst.idx.msk $0xffff, v8  }
0xcb: {  	v8 =	vld.idx.msk [tilespmem:v10+s2+$0x0], $0xffff  }
0xcc: {  	s25 =	sadd.s32 $0x280, s20;
	v9 =	vor.u32 s24, v3  }
0xcd: {  	v10 =	vor.u32 s25, v0;
	_ =	sdelay $0x3  }
0xce: {  	[tilespmem:v9+s13+$0x0] =	vst.idx.msk $0xffff, v8  }
0xcf: {  	v8 =	vld.idx.msk [tilespmem:v10+s2+$0x0], $0xffff  }
0xd0: {  	v9 =	vor.u32 s24, v4  }
0xd1: {  	v10 =	vor.u32 s25, v1;
	_ =	sdelay $0x3  }
0xd2: {  	[tilespmem:v9+s13+$0x0] =	vst.idx.msk $0xffff, v8  }
0xd3: {  	v8 =	vld.idx.msk [tilespmem:v10+s2+$0x0], $0xffff  }
0xd4: {  	v9 =	vor.u32 s24, v5  }
0xd5: {  	v10 =	vor.u32 s25, v2;
	_ =	sdelay $0x3  }
0xd6: {  	[tilespmem:v9+s13+$0x0] =	vst.idx.msk $0xffff, v8  }
0xd7: {  	v8 =	vld.idx.msk [tilespmem:v10+s2+$0x0], $0xffff  }
0xd8: {  	v9 =	vor.u32 s24, v6  }
0xd9: {  	v10 =	vor.u32 s25, v3;
	_ =	sdelay $0x3  }
0xda: {  	[tilespmem:v9+s13+$0x0] =	vst.idx.msk $0xffff, v8  }
0xdb: {  	v8 =	vld.idx.msk [tilespmem:v10+s2+$0x0], $0xffff  }
0xdc: {  	v9 =	vor.u32 s24, v7;
	s24 =	sadd.s32 $0x300, s20  }
0xdd: {  	v10 =	vor.u32 s24, v0;
	_ =	sdelay $0x3  }
0xde: {  	[tilespmem:v9+s13+$0x0] =	vst.idx.msk $0xffff, v8  }
0xdf: {  	v8 =	vld.idx.msk [tilespmem:v10+s2+$0x0], $0xffff  }
0xe0: {  	v9 =	vor.u32 s23, v0  }
0xe1: {  	v10 =	vor.u32 s24, v1;
	_ =	sdelay $0x3  }
0xe2: {  	[tilespmem:v9+s13+$0x0] =	vst.idx.msk $0xffff, v8  }
0xe3: {  	v8 =	vld.idx.msk [tilespmem:v10+s2+$0x0], $0xffff  }
0xe4: {  	v9 =	vor.u32 s23, v1  }
0xe5: {  	v10 =	vor.u32 s24, v2;
	_ =	sdelay $0x3  }
0xe6: {  	[tilespmem:v9+s13+$0x0] =	vst.idx.msk $0xffff, v8  }
0xe7: {  	v8 =	vld.idx.msk [tilespmem:v10+s2+$0x0], $0xffff  }
0xe8: {  	v9 =	vor.u32 s23, v2  }
0xe9: {  	v10 =	vor.u32 s24, v3;
	_ =	sdelay $0x3  }
0xea: {  	[tilespmem:v9+s13+$0x0] =	vst.idx.msk $0xffff, v8  }
0xeb: {  	v8 =	vld.idx.msk [tilespmem:v10+s2+$0x0], $0xffff  }
0xec: {  	s20 =	sadd.s32 $0x380, s20;
	v9 =	vor.u32 s23, v3  }
0xed: {  	v10 =	vor.u32 s20, v0;
	_ =	sdelay $0x3  }
0xee: {  	[tilespmem:v9+s13+$0x0] =	vst.idx.msk $0xffff, v8  }
0xef: {  	v8 =	vld.idx.msk [tilespmem:v10+s2+$0x0], $0xffff  }
0xf0: {  	v9 =	vor.u32 s23, v4  }
0xf1: {  	v10 =	vor.u32 s20, v1;
	_ =	sdelay $0x3  }
0xf2: {  	[tilespmem:v9+s13+$0x0] =	vst.idx.msk $0xffff, v8  }
0xf3: {  	v8 =	vld.idx.msk [tilespmem:v10+s2+$0x0], $0xffff  }
0xf4: {  	v9 =	vor.u32 s23, v5  }
0xf5: {  	v10 =	vor.u32 s20, v2;
	_ =	sdelay $0x3  }
0xf6: {  	[tilespmem:v9+s13+$0x0] =	vst.idx.msk $0xffff, v8  }
0xf7: {  	v8 =	vld.idx.msk [tilespmem:v10+s2+$0x0], $0xffff  }
0xf8: {  	v9 =	vor.u32 s23, v6  }
0xf9: {  	v10 =	vor.u32 s20, v3;
	_ =	sdelay $0x1  }
.Ltmp2:
0xfa: {  	(pc) =	sbr.rel @p1 .LBB2_3-.Ltmp2, $4  }
0xfb: {  	_ = 	snop  }
0xfc: {  	[tilespmem:v9+s13+$0x0] =	vst.idx.msk $0xffff, v8  }
0xfd: {  	v8 =	vld.idx.msk [tilespmem:v10+s2+$0x0], $0xffff  }
0xfe: {  	s20 =	sshll.u32 s22, $0x7;
	s22 =	sadd.s32 $0x8, s22;
	v9 =	vor.u32 s23, v7  }
0xff: {  	v10 =	vor.u32 s20, v0;
	_ =	sdelay $0x1  }
0x100: {  	s21 =	sadd.s32 $0x4, s21  }
0x101: {  	s21 =	sshll.u32 s21, $0x7  }
0x102: {  	s22 =	sadd.s32 $0xFFFFFE80, s21;
	[tilespmem:v9+s13+$0x0] =	vst.idx.msk $0xffff, v8  }
0x103: {  	v53 =	vor.u32 s22, v0;
	v8 =	vld.idx.msk [tilespmem:v10+s2+$0x0], $0xffff  }
0x104: {  	v54 =	vor.u32 s20, v1;
	_ =	sdelay $0x3  }
0x105: {  	[tilespmem:v53+s13+$0x0] =	vst.idx.msk $0xffff, v8  }
0x106: {  	v55 =	vor.u32 s22, v1;
	v8 =	vld.idx.msk [tilespmem:v54+s2+$0x0], $0xffff  }
0x107: {  	v56 =	vor.u32 s20, v2;
	_ =	sdelay $0x3  }
0x108: {  	[tilespmem:v55+s13+$0x0] =	vst.idx.msk $0xffff, v8  }
0x109: {  	v57 =	vor.u32 s22, v2;
	v8 =	vld.idx.msk [tilespmem:v56+s2+$0x0], $0xffff  }
0x10a: {  	v58 =	vor.u32 s20, v3;
	_ =	sdelay $0x3  }
0x10b: {  	[tilespmem:v57+s13+$0x0] =	vst.idx.msk $0xffff, v8  }
0x10c: {  	s23 =	sadd.s32 $0x80, s20;
	v59 =	vor.u32 s22, v3;
	v8 =	vld.idx.msk [tilespmem:v58+s2+$0x0], $0xffff  }
0x10d: {  	v60 =	vor.u32 s23, v0;
	_ =	sdelay $0x3  }
0x10e: {  	[tilespmem:v59+s13+$0x0] =	vst.idx.msk $0xffff, v8  }
0x10f: {  	v61 =	vor.u32 s22, v4;
	v8 =	vld.idx.msk [tilespmem:v60+s2+$0x0], $0xffff  }
0x110: {  	v62 =	vor.u32 s23, v1;
	_ =	sdelay $0x3  }
0x111: {  	[tilespmem:v61+s13+$0x0] =	vst.idx.msk $0xffff, v8  }
0x112: {  	v63 =	vor.u32 s22, v5;
	v8 =	vld.idx.msk [tilespmem:v62+s2+$0x0], $0xffff  }
0x113: {  	v12 =	vor.u32 s23, v2;
	_ =	sdelay $0x3  }
0x114: {  	[tilespmem:v63+s13+$0x0] =	vst.idx.msk $0xffff, v8  }
0x115: {  	v13 =	vor.u32 s22, v6;
	v8 =	vld.idx.msk [tilespmem:v12+s2+$0x0], $0xffff  }
0x116: {  	v14 =	vor.u32 s23, v3;
	_ =	sdelay $0x3  }
0x117: {  	[tilespmem:v13+s13+$0x0] =	vst.idx.msk $0xffff, v8  }
0x118: {  	s30 =	sadd.s32 $0x100, s20;
	v15 =	vor.u32 s22, v7;
	v8 =	vld.idx.msk [tilespmem:v14+s2+$0x0], $0xffff  }
0x119: {  	v16 =	vor.u32 s30, v0;
	_ =	sdelay $0x3  }
0x11a: {  	s31 =	sadd.s32 $0xFFFFFF00, s21;
	[tilespmem:v15+s13+$0x0] =	vst.idx.msk $0xffff, v8  }
0x11b: {  	v17 =	vor.u32 s31, v0;
	v8 =	vld.idx.msk [tilespmem:v16+s2+$0x0], $0xffff  }
0x11c: {  	v18 =	vor.u32 s30, v1;
	_ =	sdelay $0x3  }
0x11d: {  	[tilespmem:v17+s13+$0x0] =	vst.idx.msk $0xffff, v8  }
0x11e: {  	v19 =	vor.u32 s31, v1;
	v8 =	vld.idx.msk [tilespmem:v18+s2+$0x0], $0xffff  }
0x11f: {  	v20 =	vor.u32 s30, v2;
	_ =	sdelay $0x3  }
0x120: {  	[tilespmem:v19+s13+$0x0] =	vst.idx.msk $0xffff, v8  }
0x121: {  	v21 =	vor.u32 s31, v2;
	v8 =	vld.idx.msk [tilespmem:v20+s2+$0x0], $0xffff  }
0x122: {  	v22 =	vor.u32 s30, v3;
	_ =	sdelay $0x3  }
0x123: {  	[tilespmem:v21+s13+$0x0] =	vst.idx.msk $0xffff, v8  }
0x124: {  	s24 =	sadd.s32 $0x180, s20;
	v23 =	vor.u32 s31, v3;
	v8 =	vld.idx.msk [tilespmem:v22+s2+$0x0], $0xffff  }
0x125: {  	v24 =	vor.u32 s24, v0;
	_ =	sdelay $0x3  }
0x126: {  	[tilespmem:v23+s13+$0x0] =	vst.idx.msk $0xffff, v8  }
0x127: {  	v25 =	vor.u32 s31, v4;
	v8 =	vld.idx.msk [tilespmem:v24+s2+$0x0], $0xffff  }
0x128: {  	v26 =	vor.u32 s24, v1;
	_ =	sdelay $0x3  }
0x129: {  	[tilespmem:v25+s13+$0x0] =	vst.idx.msk $0xffff, v8  }
0x12a: {  	v27 =	vor.u32 s31, v5;
	v8 =	vld.idx.msk [tilespmem:v26+s2+$0x0], $0xffff  }
0x12b: {  	v28 =	vor.u32 s24, v2;
	_ =	sdelay $0x3  }
0x12c: {  	[tilespmem:v27+s13+$0x0] =	vst.idx.msk $0xffff, v8  }
0x12d: {  	v29 =	vor.u32 s31, v6;
	v8 =	vld.idx.msk [tilespmem:v28+s2+$0x0], $0xffff  }
0x12e: {  	v30 =	vor.u32 s24, v3;
	_ =	sdelay $0x3  }
0x12f: {  	[tilespmem:v29+s13+$0x0] =	vst.idx.msk $0xffff, v8  }
0x130: {  	s25 =	sadd.s32 $0x200, s20;
	v31 =	vor.u32 s31, v7;
	v8 =	vld.idx.msk [tilespmem:v30+s2+$0x0], $0xffff  }
0x131: {  	v32 =	vor.u32 s25, v0;
	_ =	sdelay $0x3  }
0x132: {  	s26 =	sadd.s32 $0xFFFFFF80, s21;
	[tilespmem:v31+s13+$0x0] =	vst.idx.msk $0xffff, v8  }
0x133: {  	v33 =	vor.u32 s26, v0;
	v8 =	vld.idx.msk [tilespmem:v32+s2+$0x0], $0xffff  }
0x134: {  	v34 =	vor.u32 s25, v1;
	_ =	sdelay $0x3  }
0x135: {  	[tilespmem:v33+s13+$0x0] =	vst.idx.msk $0xffff, v8  }
0x136: {  	v35 =	vor.u32 s26, v1;
	v8 =	vld.idx.msk [tilespmem:v34+s2+$0x0], $0xffff  }
0x137: {  	v36 =	vor.u32 s25, v2;
	_ =	sdelay $0x3  }
0x138: {  	[tilespmem:v35+s13+$0x0] =	vst.idx.msk $0xffff, v8  }
0x139: {  	v37 =	vor.u32 s26, v2;
	v8 =	vld.idx.msk [tilespmem:v36+s2+$0x0], $0xffff  }
0x13a: {  	v38 =	vor.u32 s25, v3;
	_ =	sdelay $0x3  }
0x13b: {  	[tilespmem:v37+s13+$0x0] =	vst.idx.msk $0xffff, v8  }
0x13c: {  	s28 =	sadd.s32 $0x280, s20;
	v39 =	vor.u32 s26, v3;
	v8 =	vld.idx.msk [tilespmem:v38+s2+$0x0], $0xffff  }
0x13d: {  	v40 =	vor.u32 s28, v0;
	_ =	sdelay $0x3  }
0x13e: {  	[tilespmem:v39+s13+$0x0] =	vst.idx.msk $0xffff, v8  }
0x13f: {  	v41 =	vor.u32 s26, v4;
	v8 =	vld.idx.msk [tilespmem:v40+s2+$0x0], $0xffff  }
0x140: {  	v42 =	vor.u32 s28, v1;
	_ =	sdelay $0x3  }
0x141: {  	[tilespmem:v41+s13+$0x0] =	vst.idx.msk $0xffff, v8  }
0x142: {  	v43 =	vor.u32 s26, v5;
	v8 =	vld.idx.msk [tilespmem:v42+s2+$0x0], $0xffff  }
0x143: {  	v44 =	vor.u32 s28, v2;
	_ =	sdelay $0x3  }
0x144: {  	[tilespmem:v43+s13+$0x0] =	vst.idx.msk $0xffff, v8  }
0x145: {  	v45 =	vor.u32 s26, v6;
	v8 =	vld.idx.msk [tilespmem:v44+s2+$0x0], $0xffff  }
0x146: {  	v46 =	vor.u32 s28, v3;
	_ =	sdelay $0x3  }
0x147: {  	[tilespmem:v45+s13+$0x0] =	vst.idx.msk $0xffff, v8  }
0x148: {  	s29 =	sadd.s32 $0x300, s20;
	v47 =	vor.u32 s26, v7;
	v8 =	vld.idx.msk [tilespmem:v46+s2+$0x0], $0xffff  }
0x149: {  	v48 =	vor.u32 s29, v0;
	_ =	sdelay $0x3  }
0x14a: {  	[tilespmem:v47+s13+$0x0] =	vst.idx.msk $0xffff, v8  }
0x14b: {  	v49 =	vor.u32 s21, v0;
	v8 =	vld.idx.msk [tilespmem:v48+s2+$0x0], $0xffff  }
0x14c: {  	v50 =	vor.u32 s29, v1;
	_ =	sdelay $0x3  }
0x14d: {  	[tilespmem:v49+s13+$0x0] =	vst.idx.msk $0xffff, v8  }
0x14e: {  	v51 =	vor.u32 s21, v1;
	v8 =	vld.idx.msk [tilespmem:v50+s2+$0x0], $0xffff  }
0x14f: {  	v52 =	vor.u32 s29, v2;
	_ =	sdelay $0x3  }
0x150: {  	[tilespmem:v51+s13+$0x0] =	vst.idx.msk $0xffff, v8  }
0x151: {  	v53 =	vor.u32 s21, v2;
	v8 =	vld.idx.msk [tilespmem:v52+s2+$0x0], $0xffff  }
0x152: {  	v54 =	vor.u32 s29, v3;
	_ =	sdelay $0x3  }
0x153: {  	[tilespmem:v53+s13+$0x0] =	vst.idx.msk $0xffff, v8  }
0x154: {  	s30 =	sadd.s32 $0x380, s20;
	v55 =	vor.u32 s21, v3;
	v8 =	vld.idx.msk [tilespmem:v54+s2+$0x0], $0xffff  }
0x155: {  	v56 =	vor.u32 s30, v0;
	_ =	sdelay $0x3  }
0x156: {  	[tilespmem:v55+s13+$0x0] =	vst.idx.msk $0xffff, v8  }
0x157: {  	v57 =	vor.u32 s21, v4;
	v8 =	vld.idx.msk [tilespmem:v56+s2+$0x0], $0xffff  }
0x158: {  	v58 =	vor.u32 s30, v1;
	_ =	sdelay $0x3  }
0x159: {  	[tilespmem:v57+s13+$0x0] =	vst.idx.msk $0xffff, v8  }
0x15a: {  	v59 =	vor.u32 s21, v5;
	v8 =	vld.idx.msk [tilespmem:v58+s2+$0x0], $0xffff  }
0x15b: {  	v60 =	vor.u32 s30, v2;
	_ =	sdelay $0x3  }
0x15c: {  	[tilespmem:v59+s13+$0x0] =	vst.idx.msk $0xffff, v8  }
0x15d: {  	v61 =	vor.u32 s21, v6;
	v8 =	vld.idx.msk [tilespmem:v60+s2+$0x0], $0xffff  }
0x15e: {  	v62 =	vor.u32 s30, v3;
	_ =	sdelay $0x3  }
0x15f: {  	[tilespmem:v61+s13+$0x0] =	vst.idx.msk $0xffff, v8  }
0x160: {  	v63 =	vor.u32 s21, v7;
	v8 =	vld.idx.msk [tilespmem:v62+s2+$0x0], $0xffff  }
0x161: {  	p1 =	seq.s32 s17, $0x30  }
0x162: {  	s20 =	sadd.s32 @!p1 s8, s18  }
0x163: {  	p2 =	sgt.u32 @!p1 s20, $0xC34;
	s31 =	smul.u32 $0xA00, s19  }
0x164: {  	p2 =	por p2, p1  }
0x165: {  	s20 =	smul.u32 @!p2 $0x1400, s20;
	s21 =	sadd.s32 s5, s31;
	[tilespmem:v63+s13+$0x0] =	vst.idx.msk $0xffff, v8  }
0x166: {  	[hbm4b:s21+s2] =	stream.linear.scatter [tilespmem:s13], [sflag:$0x2], $0x5000, $0x38;
	[tilespmem:$0x1E000] =	vst v63  }
0x167: {  	s20 =	sadd.s32 @!p2 s4, s20;
	s21 =	simm.s32 @!p2 $0x0  }
0x168: {  	[tilespmem:s21], [sflag:$0x1] =	stream.linear.gather @!p2 [hbm4b:s20+s21], $0xA000, $0x38;
	[tilespmem:$0x1E000] =	vst v63  }
0x169: {  	p2 =	seq.s32 @!p1 s17, $0x0  }
0x16a: {  	p2 =	por p1, !p2  }
0x16b: {  	_ =	swait.ge @p2 [sflag:s15], $0x5000  }
0x16c: {  	s19 =	sor.u32 $0x20, s19;
	[sflag:s15] =	ssyncset.done @p2 $0x0  }
0x16d: {  	[sflag:s15] =	ssyncadd.s32 @p2 $0xFFFFB000;
	p2 =	sgt.u32 s19, $0xC34  }
.Ltmp3:
0x16e: {  	_ = 	snop;
	(pc) =	sbr.rel @p2 .LBB2_8-.Ltmp3, $1  }
0x16f: {  	_ =	sdelay $0x3  }
0x170: {  	s20 =	simm.s32 $0x0  }
0x171: {  	v8 =	vor.u32 s20, v0;
	_ =	sdelay $0x1  }
0x172: {  	_ =	swait.ge [sflag:s12], $0xA000  }
0x173: {  	[sflag:s12] =	ssyncset.done $0x0  }
0x174: {  	s21 =	simm.s32 $0x0;
	[sflag:s12] =	ssyncadd.s32 $0xFFFF6000  }
0x175: {  	v9 =	vor.u32 s21, v0;
	v8 =	vld.idx.msk [tilespmem:v8+s11+$0x0], $0xffff  }
0x176: {  	v10 =	vor.u32 s20, v1;
	_ =	sdelay $0x3  }
0x177: {  	[tilespmem:v9+s14+$0x0] =	vst.idx.msk $0xffff, v8  }
0x178: {  	v9 =	vor.u32 s21, v1;
	v8 =	vld.idx.msk [tilespmem:v10+s11+$0x0], $0xffff  }
0x179: {  	v10 =	vor.u32 s20, v2;
	_ =	sdelay $0x3  }
0x17a: {  	[tilespmem:v9+s14+$0x0] =	vst.idx.msk $0xffff, v8  }
0x17b: {  	v9 =	vor.u32 s21, v2;
	v8 =	vld.idx.msk [tilespmem:v10+s11+$0x0], $0xffff  }
0x17c: {  	v10 =	vor.u32 s20, v3;
	_ =	sdelay $0x3  }
0x17d: {  	[tilespmem:v9+s14+$0x0] =	vst.idx.msk $0xffff, v8  }
0x17e: {  	s22 =	simm.s32 $0x80;
	v9 =	vor.u32 s21, v3;
	v8 =	vld.idx.msk [tilespmem:v10+s11+$0x0], $0xffff  }
0x17f: {  	v10 =	vor.u32 s22, v0;
	_ =	sdelay $0x3  }
0x180: {  	[tilespmem:v9+s14+$0x0] =	vst.idx.msk $0xffff, v8  }
0x181: {  	v9 =	vor.u32 s21, v4;
	v8 =	vld.idx.msk [tilespmem:v10+s11+$0x0], $0xffff  }
0x182: {  	v10 =	vor.u32 s22, v1;
	_ =	sdelay $0x3  }
0x183: {  	[tilespmem:v9+s14+$0x0] =	vst.idx.msk $0xffff, v8  }
0x184: {  	v9 =	vor.u32 s21, v5;
	v8 =	vld.idx.msk [tilespmem:v10+s11+$0x0], $0xffff  }
0x185: {  	v10 =	vor.u32 s22, v2;
	_ =	sdelay $0x3  }
0x186: {  	[tilespmem:v9+s14+$0x0] =	vst.idx.msk $0xffff, v8  }
0x187: {  	v9 =	vor.u32 s21, v6;
	v8 =	vld.idx.msk [tilespmem:v10+s11+$0x0], $0xffff  }
0x188: {  	v10 =	vor.u32 s22, v3;
	_ =	sdelay $0x3  }
0x189: {  	[tilespmem:v9+s14+$0x0] =	vst.idx.msk $0xffff, v8  }
0x18a: {  	s23 =	simm.s32 $0x100;
	v9 =	vor.u32 s21, v7;
	v8 =	vld.idx.msk [tilespmem:v10+s11+$0x0], $0xffff  }
0x18b: {  	v10 =	vor.u32 s23, v0;
	_ =	sdelay $0x3  }
0x18c: {  	s24 =	simm.s32 $0x80;
	[tilespmem:v9+s14+$0x0] =	vst.idx.msk $0xffff, v8  }
0x18d: {  	v9 =	vor.u32 s24, v0;
	v8 =	vld.idx.msk [tilespmem:v10+s11+$0x0], $0xffff  }
0x18e: {  	v10 =	vor.u32 s23, v1;
	_ =	sdelay $0x3  }
0x18f: {  	[tilespmem:v9+s14+$0x0] =	vst.idx.msk $0xffff, v8  }
0x190: {  	v9 =	vor.u32 s24, v1;
	v8 =	vld.idx.msk [tilespmem:v10+s11+$0x0], $0xffff  }
0x191: {  	v10 =	vor.u32 s23, v2;
	_ =	sdelay $0x3  }
0x192: {  	[tilespmem:v9+s14+$0x0] =	vst.idx.msk $0xffff, v8  }
0x193: {  	v9 =	vor.u32 s24, v2;
	v8 =	vld.idx.msk [tilespmem:v10+s11+$0x0], $0xffff  }
0x194: {  	v10 =	vor.u32 s23, v3;
	_ =	sdelay $0x3  }
0x195: {  	[tilespmem:v9+s14+$0x0] =	vst.idx.msk $0xffff, v8  }
0x196: {  	s25 =	simm.s32 $0x180;
	v9 =	vor.u32 s24, v3;
	v8 =	vld.idx.msk [tilespmem:v10+s11+$0x0], $0xffff  }
0x197: {  	v10 =	vor.u32 s25, v0;
	_ =	sdelay $0x3  }
0x198: {  	[tilespmem:v9+s14+$0x0] =	vst.idx.msk $0xffff, v8  }
0x199: {  	v9 =	vor.u32 s24, v4;
	v8 =	vld.idx.msk [tilespmem:v10+s11+$0x0], $0xffff  }
0x19a: {  	v10 =	vor.u32 s25, v1;
	_ =	sdelay $0x3  }
0x19b: {  	[tilespmem:v9+s14+$0x0] =	vst.idx.msk $0xffff, v8  }
0x19c: {  	v9 =	vor.u32 s24, v5;
	v8 =	vld.idx.msk [tilespmem:v10+s11+$0x0], $0xffff  }
0x19d: {  	v10 =	vor.u32 s25, v2;
	_ =	sdelay $0x3  }
0x19e: {  	[tilespmem:v9+s14+$0x0] =	vst.idx.msk $0xffff, v8  }
0x19f: {  	v9 =	vor.u32 s24, v6;
	v8 =	vld.idx.msk [tilespmem:v10+s11+$0x0], $0xffff  }
0x1a0: {  	v10 =	vor.u32 s25, v3;
	_ =	sdelay $0x3  }
0x1a1: {  	[tilespmem:v9+s14+$0x0] =	vst.idx.msk $0xffff, v8  }
0x1a2: {  	s26 =	simm.s32 $0x200;
	v9 =	vor.u32 s24, v7;
	v8 =	vld.idx.msk [tilespmem:v10+s11+$0x0], $0xffff  }
0x1a3: {  	v10 =	vor.u32 s26, v0;
	_ =	sdelay $0x3  }
0x1a4: {  	s28 =	simm.s32 $0x100;
	[tilespmem:v9+s14+$0x0] =	vst.idx.msk $0xffff, v8  }
0x1a5: {  	v9 =	vor.u32 s28, v0;
	v8 =	vld.idx.msk [tilespmem:v10+s11+$0x0], $0xffff  }
0x1a6: {  	v10 =	vor.u32 s26, v1;
	_ =	sdelay $0x3  }
0x1a7: {  	[tilespmem:v9+s14+$0x0] =	vst.idx.msk $0xffff, v8  }
0x1a8: {  	v9 =	vor.u32 s28, v1;
	v8 =	vld.idx.msk [tilespmem:v10+s11+$0x0], $0xffff  }
0x1a9: {  	v10 =	vor.u32 s26, v2;
	_ =	sdelay $0x3  }
0x1aa: {  	[tilespmem:v9+s14+$0x0] =	vst.idx.msk $0xffff, v8  }
0x1ab: {  	v9 =	vor.u32 s28, v2;
	v8 =	vld.idx.msk [tilespmem:v10+s11+$0x0], $0xffff  }
0x1ac: {  	v10 =	vor.u32 s26, v3;
	_ =	sdelay $0x3  }
0x1ad: {  	[tilespmem:v9+s14+$0x0] =	vst.idx.msk $0xffff, v8  }
0x1ae: {  	s29 =	simm.s32 $0x280;
	v9 =	vor.u32 s28, v3;
	v8 =	vld.idx.msk [tilespmem:v10+s11+$0x0], $0xffff  }
0x1af: {  	v10 =	vor.u32 s29, v0;
	_ =	sdelay $0x3  }
0x1b0: {  	[tilespmem:v9+s14+$0x0] =	vst.idx.msk $0xffff, v8  }
0x1b1: {  	v9 =	vor.u32 s28, v4;
	v8 =	vld.idx.msk [tilespmem:v10+s11+$0x0], $0xffff  }
0x1b2: {  	v10 =	vor.u32 s29, v1;
	_ =	sdelay $0x3  }
0x1b3: {  	[tilespmem:v9+s14+$0x0] =	vst.idx.msk $0xffff, v8  }
0x1b4: {  	v9 =	vor.u32 s28, v5;
	v8 =	vld.idx.msk [tilespmem:v10+s11+$0x0], $0xffff  }
0x1b5: {  	v10 =	vor.u32 s29, v2;
	_ =	sdelay $0x3  }
0x1b6: {  	[tilespmem:v9+s14+$0x0] =	vst.idx.msk $0xffff, v8  }
0x1b7: {  	v9 =	vor.u32 s28, v6;
	v8 =	vld.idx.msk [tilespmem:v10+s11+$0x0], $0xffff  }
0x1b8: {  	v10 =	vor.u32 s29, v3;
	_ =	sdelay $0x3  }
0x1b9: {  	[tilespmem:v9+s14+$0x0] =	vst.idx.msk $0xffff, v8  }
0x1ba: {  	s30 =	simm.s32 $0x300;
	v9 =	vor.u32 s28, v7;
	v8 =	vld.idx.msk [tilespmem:v10+s11+$0x0], $0xffff  }
0x1bb: {  	v10 =	vor.u32 s30, v0;
	_ =	sdelay $0x3  }
0x1bc: {  	s23 =	simm.s32 $0x180;
	[tilespmem:v9+s14+$0x0] =	vst.idx.msk $0xffff, v8  }
0x1bd: {  	v9 =	vor.u32 s23, v0;
	v8 =	vld.idx.msk [tilespmem:v10+s11+$0x0], $0xffff  }
0x1be: {  	v10 =	vor.u32 s30, v1;
	_ =	sdelay $0x3  }
0x1bf: {  	[tilespmem:v9+s14+$0x0] =	vst.idx.msk $0xffff, v8  }
0x1c0: {  	v9 =	vor.u32 s23, v1;
	v8 =	vld.idx.msk [tilespmem:v10+s11+$0x0], $0xffff  }
0x1c1: {  	v10 =	vor.u32 s30, v2;
	_ =	sdelay $0x3  }
0x1c2: {  	[tilespmem:v9+s14+$0x0] =	vst.idx.msk $0xffff, v8  }
0x1c3: {  	v9 =	vor.u32 s23, v2;
	v8 =	vld.idx.msk [tilespmem:v10+s11+$0x0], $0xffff  }
0x1c4: {  	v10 =	vor.u32 s30, v3;
	_ =	sdelay $0x3  }
0x1c5: {  	[tilespmem:v9+s14+$0x0] =	vst.idx.msk $0xffff, v8  }
0x1c6: {  	s31 =	simm.s32 $0x380;
	v9 =	vor.u32 s23, v3;
	v8 =	vld.idx.msk [tilespmem:v10+s11+$0x0], $0xffff  }
0x1c7: {  	v10 =	vor.u32 s31, v0;
	_ =	sdelay $0x3  }
0x1c8: {  	[tilespmem:v9+s14+$0x0] =	vst.idx.msk $0xffff, v8  }
0x1c9: {  	v9 =	vor.u32 s23, v4;
	v8 =	vld.idx.msk [tilespmem:v10+s11+$0x0], $0xffff  }
0x1ca: {  	v10 =	vor.u32 s31, v1;
	_ =	sdelay $0x3  }
0x1cb: {  	[tilespmem:v9+s14+$0x0] =	vst.idx.msk $0xffff, v8  }
0x1cc: {  	v9 =	vor.u32 s23, v5;
	v8 =	vld.idx.msk [tilespmem:v10+s11+$0x0], $0xffff  }
0x1cd: {  	v10 =	vor.u32 s31, v2;
	_ =	sdelay $0x3  }
0x1ce: {  	[tilespmem:v9+s14+$0x0] =	vst.idx.msk $0xffff, v8  }
0x1cf: {  	v9 =	vor.u32 s23, v6;
	v8 =	vld.idx.msk [tilespmem:v10+s11+$0x0], $0xffff  }
0x1d0: {  	v10 =	vor.u32 s31, v3;
	_ =	sdelay $0x3  }
0x1d1: {  	[tilespmem:v9+s14+$0x0] =	vst.idx.msk $0xffff, v8  }
0x1d2: {  	s20 =	simm.s32 $0x400;
	s22 =	simm.s32 $0x10;
	s21 =	simm.s32 $0x3;
	v9 =	vor.u32 s23, v7;
	v8 =	vld.idx.msk [tilespmem:v10+s11+$0x0], $0xffff  }
.LBB2_6:
0x1d3: {  	p2 =	sne.s32 s22, $0x138;
	v10 =	vor.u32 s20, v0;
	_ =	sdelay $0x2  }
0x1d4: {  	s21 =	sadd.s32 $0x4, s21  }
0x1d5: {  	s23 =	sshll.u32 s21, $0x7;
	[tilespmem:v9+s14+$0x0] =	vst.idx.msk $0xffff, v8  }
0x1d6: {  	s24 =	sadd.s32 $0xFFFFFE80, s23;
	v8 =	vld.idx.msk [tilespmem:v10+s11+$0x0], $0xffff  }
0x1d7: {  	v9 =	vor.u32 s24, v0  }
0x1d8: {  	v10 =	vor.u32 s20, v1;
	_ =	sdelay $0x3  }
0x1d9: {  	[tilespmem:v9+s14+$0x0] =	vst.idx.msk $0xffff, v8  }
0x1da: {  	v8 =	vld.idx.msk [tilespmem:v10+s11+$0x0], $0xffff  }
0x1db: {  	v9 =	vor.u32 s24, v1  }
0x1dc: {  	v10 =	vor.u32 s20, v2;
	_ =	sdelay $0x3  }
0x1dd: {  	[tilespmem:v9+s14+$0x0] =	vst.idx.msk $0xffff, v8  }
0x1de: {  	v8 =	vld.idx.msk [tilespmem:v10+s11+$0x0], $0xffff  }
0x1df: {  	v9 =	vor.u32 s24, v2  }
0x1e0: {  	v10 =	vor.u32 s20, v3;
	_ =	sdelay $0x3  }
0x1e1: {  	[tilespmem:v9+s14+$0x0] =	vst.idx.msk $0xffff, v8  }
0x1e2: {  	v8 =	vld.idx.msk [tilespmem:v10+s11+$0x0], $0xffff  }
0x1e3: {  	s25 =	sadd.s32 $0x80, s20;
	v9 =	vor.u32 s24, v3  }
0x1e4: {  	v10 =	vor.u32 s25, v0;
	_ =	sdelay $0x3  }
0x1e5: {  	[tilespmem:v9+s14+$0x0] =	vst.idx.msk $0xffff, v8  }
0x1e6: {  	v8 =	vld.idx.msk [tilespmem:v10+s11+$0x0], $0xffff  }
0x1e7: {  	v9 =	vor.u32 s24, v4  }
0x1e8: {  	v10 =	vor.u32 s25, v1;
	_ =	sdelay $0x3  }
0x1e9: {  	[tilespmem:v9+s14+$0x0] =	vst.idx.msk $0xffff, v8  }
0x1ea: {  	v8 =	vld.idx.msk [tilespmem:v10+s11+$0x0], $0xffff  }
0x1eb: {  	v9 =	vor.u32 s24, v5  }
0x1ec: {  	v10 =	vor.u32 s25, v2;
	_ =	sdelay $0x3  }
0x1ed: {  	[tilespmem:v9+s14+$0x0] =	vst.idx.msk $0xffff, v8  }
0x1ee: {  	v8 =	vld.idx.msk [tilespmem:v10+s11+$0x0], $0xffff  }
0x1ef: {  	v9 =	vor.u32 s24, v6  }
0x1f0: {  	v10 =	vor.u32 s25, v3;
	_ =	sdelay $0x3  }
0x1f1: {  	[tilespmem:v9+s14+$0x0] =	vst.idx.msk $0xffff, v8  }
0x1f2: {  	v8 =	vld.idx.msk [tilespmem:v10+s11+$0x0], $0xffff  }
0x1f3: {  	s25 =	sadd.s32 $0x100, s20;
	v9 =	vor.u32 s24, v7  }
0x1f4: {  	v10 =	vor.u32 s25, v0;
	_ =	sdelay $0x3  }
0x1f5: {  	[tilespmem:v9+s14+$0x0] =	vst.idx.msk $0xffff, v8  }
0x1f6: {  	s24 =	sadd.s32 $0xFFFFFF00, s23;
	v8 =	vld.idx.msk [tilespmem:v10+s11+$0x0], $0xffff  }
0x1f7: {  	v9 =	vor.u32 s24, v0  }
0x1f8: {  	v10 =	vor.u32 s25, v1;
	_ =	sdelay $0x3  }
0x1f9: {  	[tilespmem:v9+s14+$0x0] =	vst.idx.msk $0xffff, v8  }
0x1fa: {  	v8 =	vld.idx.msk [tilespmem:v10+s11+$0x0], $0xffff  }
0x1fb: {  	v9 =	vor.u32 s24, v1  }
0x1fc: {  	v10 =	vor.u32 s25, v2;
	_ =	sdelay $0x3  }
0x1fd: {  	[tilespmem:v9+s14+$0x0] =	vst.idx.msk $0xffff, v8  }
0x1fe: {  	v8 =	vld.idx.msk [tilespmem:v10+s11+$0x0], $0xffff  }
0x1ff: {  	v9 =	vor.u32 s24, v2  }
0x200: {  	v10 =	vor.u32 s25, v3;
	_ =	sdelay $0x3  }
0x201: {  	[tilespmem:v9+s14+$0x0] =	vst.idx.msk $0xffff, v8  }
0x202: {  	v8 =	vld.idx.msk [tilespmem:v10+s11+$0x0], $0xffff  }
0x203: {  	s25 =	sadd.s32 $0x180, s20;
	v9 =	vor.u32 s24, v3  }
0x204: {  	v10 =	vor.u32 s25, v0;
	_ =	sdelay $0x3  }
0x205: {  	[tilespmem:v9+s14+$0x0] =	vst.idx.msk $0xffff, v8  }
0x206: {  	v8 =	vld.idx.msk [tilespmem:v10+s11+$0x0], $0xffff  }
0x207: {  	v9 =	vor.u32 s24, v4  }
0x208: {  	v10 =	vor.u32 s25, v1;
	_ =	sdelay $0x3  }
0x209: {  	[tilespmem:v9+s14+$0x0] =	vst.idx.msk $0xffff, v8  }
0x20a: {  	v8 =	vld.idx.msk [tilespmem:v10+s11+$0x0], $0xffff  }
0x20b: {  	v9 =	vor.u32 s24, v5  }
0x20c: {  	v10 =	vor.u32 s25, v2;
	_ =	sdelay $0x3  }
0x20d: {  	[tilespmem:v9+s14+$0x0] =	vst.idx.msk $0xffff, v8  }
0x20e: {  	v8 =	vld.idx.msk [tilespmem:v10+s11+$0x0], $0xffff  }
0x20f: {  	v9 =	vor.u32 s24, v6  }
0x210: {  	v10 =	vor.u32 s25, v3;
	_ =	sdelay $0x3  }
0x211: {  	[tilespmem:v9+s14+$0x0] =	vst.idx.msk $0xffff, v8  }
0x212: {  	v8 =	vld.idx.msk [tilespmem:v10+s11+$0x0], $0xffff  }
0x213: {  	s25 =	sadd.s32 $0x200, s20;
	v9 =	vor.u32 s24, v7  }
0x214: {  	v10 =	vor.u32 s25, v0;
	_ =	sdelay $0x3  }
0x215: {  	[tilespmem:v9+s14+$0x0] =	vst.idx.msk $0xffff, v8  }
0x216: {  	s24 =	sadd.s32 $0xFFFFFF80, s23;
	v8 =	vld.idx.msk [tilespmem:v10+s11+$0x0], $0xffff  }
0x217: {  	v9 =	vor.u32 s24, v0  }
0x218: {  	v10 =	vor.u32 s25, v1;
	_ =	sdelay $0x3  }
0x219: {  	[tilespmem:v9+s14+$0x0] =	vst.idx.msk $0xffff, v8  }
0x21a: {  	v8 =	vld.idx.msk [tilespmem:v10+s11+$0x0], $0xffff  }
0x21b: {  	v9 =	vor.u32 s24, v1  }
0x21c: {  	v10 =	vor.u32 s25, v2;
	_ =	sdelay $0x3  }
0x21d: {  	[tilespmem:v9+s14+$0x0] =	vst.idx.msk $0xffff, v8  }
0x21e: {  	v8 =	vld.idx.msk [tilespmem:v10+s11+$0x0], $0xffff  }
0x21f: {  	v9 =	vor.u32 s24, v2  }
0x220: {  	v10 =	vor.u32 s25, v3;
	_ =	sdelay $0x3  }
0x221: {  	[tilespmem:v9+s14+$0x0] =	vst.idx.msk $0xffff, v8  }
0x222: {  	v8 =	vld.idx.msk [tilespmem:v10+s11+$0x0], $0xffff  }
0x223: {  	s25 =	sadd.s32 $0x280, s20;
	v9 =	vor.u32 s24, v3  }
0x224: {  	v10 =	vor.u32 s25, v0;
	_ =	sdelay $0x3  }
0x225: {  	[tilespmem:v9+s14+$0x0] =	vst.idx.msk $0xffff, v8  }
0x226: {  	v8 =	vld.idx.msk [tilespmem:v10+s11+$0x0], $0xffff  }
0x227: {  	v9 =	vor.u32 s24, v4  }
0x228: {  	v10 =	vor.u32 s25, v1;
	_ =	sdelay $0x3  }
0x229: {  	[tilespmem:v9+s14+$0x0] =	vst.idx.msk $0xffff, v8  }
0x22a: {  	v8 =	vld.idx.msk [tilespmem:v10+s11+$0x0], $0xffff  }
0x22b: {  	v9 =	vor.u32 s24, v5  }
0x22c: {  	v10 =	vor.u32 s25, v2;
	_ =	sdelay $0x3  }
0x22d: {  	[tilespmem:v9+s14+$0x0] =	vst.idx.msk $0xffff, v8  }
0x22e: {  	v8 =	vld.idx.msk [tilespmem:v10+s11+$0x0], $0xffff  }
0x22f: {  	v9 =	vor.u32 s24, v6  }
0x230: {  	v10 =	vor.u32 s25, v3;
	_ =	sdelay $0x3  }
0x231: {  	[tilespmem:v9+s14+$0x0] =	vst.idx.msk $0xffff, v8  }
0x232: {  	v8 =	vld.idx.msk [tilespmem:v10+s11+$0x0], $0xffff  }
0x233: {  	v9 =	vor.u32 s24, v7;
	s24 =	sadd.s32 $0x300, s20  }
0x234: {  	v10 =	vor.u32 s24, v0;
	_ =	sdelay $0x3  }
0x235: {  	[tilespmem:v9+s14+$0x0] =	vst.idx.msk $0xffff, v8  }
0x236: {  	v8 =	vld.idx.msk [tilespmem:v10+s11+$0x0], $0xffff  }
0x237: {  	v9 =	vor.u32 s23, v0  }
0x238: {  	v10 =	vor.u32 s24, v1;
	_ =	sdelay $0x3  }
0x239: {  	[tilespmem:v9+s14+$0x0] =	vst.idx.msk $0xffff, v8  }
0x23a: {  	v8 =	vld.idx.msk [tilespmem:v10+s11+$0x0], $0xffff  }
0x23b: {  	v9 =	vor.u32 s23, v1  }
0x23c: {  	v10 =	vor.u32 s24, v2;
	_ =	sdelay $0x3  }
0x23d: {  	[tilespmem:v9+s14+$0x0] =	vst.idx.msk $0xffff, v8  }
0x23e: {  	v8 =	vld.idx.msk [tilespmem:v10+s11+$0x0], $0xffff  }
0x23f: {  	v9 =	vor.u32 s23, v2  }
0x240: {  	v10 =	vor.u32 s24, v3;
	_ =	sdelay $0x3  }
0x241: {  	[tilespmem:v9+s14+$0x0] =	vst.idx.msk $0xffff, v8  }
0x242: {  	v8 =	vld.idx.msk [tilespmem:v10+s11+$0x0], $0xffff  }
0x243: {  	s20 =	sadd.s32 $0x380, s20;
	v9 =	vor.u32 s23, v3  }
0x244: {  	v10 =	vor.u32 s20, v0;
	_ =	sdelay $0x3  }
0x245: {  	[tilespmem:v9+s14+$0x0] =	vst.idx.msk $0xffff, v8  }
0x246: {  	v8 =	vld.idx.msk [tilespmem:v10+s11+$0x0], $0xffff  }
0x247: {  	v9 =	vor.u32 s23, v4  }
0x248: {  	v10 =	vor.u32 s20, v1;
	_ =	sdelay $0x3  }
0x249: {  	[tilespmem:v9+s14+$0x0] =	vst.idx.msk $0xffff, v8  }
0x24a: {  	v8 =	vld.idx.msk [tilespmem:v10+s11+$0x0], $0xffff  }
0x24b: {  	v9 =	vor.u32 s23, v5  }
0x24c: {  	v10 =	vor.u32 s20, v2;
	_ =	sdelay $0x3  }
0x24d: {  	[tilespmem:v9+s14+$0x0] =	vst.idx.msk $0xffff, v8  }
0x24e: {  	v8 =	vld.idx.msk [tilespmem:v10+s11+$0x0], $0xffff  }
0x24f: {  	v9 =	vor.u32 s23, v6  }
0x250: {  	v10 =	vor.u32 s20, v3;
	_ =	sdelay $0x1  }
.Ltmp4:
0x251: {  	(pc) =	sbr.rel @p2 .LBB2_6-.Ltmp4, $4  }
0x252: {  	_ = 	snop  }
0x253: {  	[tilespmem:v9+s14+$0x0] =	vst.idx.msk $0xffff, v8  }
0x254: {  	v8 =	vld.idx.msk [tilespmem:v10+s11+$0x0], $0xffff  }
0x255: {  	s20 =	sshll.u32 s22, $0x7;
	s22 =	sadd.s32 $0x8, s22;
	v9 =	vor.u32 s23, v7  }
0x256: {  	v10 =	vor.u32 s20, v0;
	_ =	sdelay $0x1  }
0x257: {  	s21 =	sadd.s32 $0x4, s21  }
0x258: {  	s21 =	sshll.u32 s21, $0x7  }
0x259: {  	s22 =	sadd.s32 $0xFFFFFE80, s21;
	[tilespmem:v9+s14+$0x0] =	vst.idx.msk $0xffff, v8  }
0x25a: {  	v53 =	vor.u32 s22, v0;
	v8 =	vld.idx.msk [tilespmem:v10+s11+$0x0], $0xffff  }
0x25b: {  	v54 =	vor.u32 s20, v1;
	_ =	sdelay $0x3  }
0x25c: {  	[tilespmem:v53+s14+$0x0] =	vst.idx.msk $0xffff, v8  }
0x25d: {  	v55 =	vor.u32 s22, v1;
	v8 =	vld.idx.msk [tilespmem:v54+s11+$0x0], $0xffff  }
0x25e: {  	v56 =	vor.u32 s20, v2;
	_ =	sdelay $0x3  }
0x25f: {  	[tilespmem:v55+s14+$0x0] =	vst.idx.msk $0xffff, v8  }
0x260: {  	v57 =	vor.u32 s22, v2;
	v8 =	vld.idx.msk [tilespmem:v56+s11+$0x0], $0xffff  }
0x261: {  	v58 =	vor.u32 s20, v3;
	_ =	sdelay $0x3  }
0x262: {  	[tilespmem:v57+s14+$0x0] =	vst.idx.msk $0xffff, v8  }
0x263: {  	s23 =	sadd.s32 $0x80, s20;
	v59 =	vor.u32 s22, v3;
	v8 =	vld.idx.msk [tilespmem:v58+s11+$0x0], $0xffff  }
0x264: {  	v60 =	vor.u32 s23, v0;
	_ =	sdelay $0x3  }
0x265: {  	[tilespmem:v59+s14+$0x0] =	vst.idx.msk $0xffff, v8  }
0x266: {  	v61 =	vor.u32 s22, v4;
	v8 =	vld.idx.msk [tilespmem:v60+s11+$0x0], $0xffff  }
0x267: {  	v62 =	vor.u32 s23, v1;
	_ =	sdelay $0x3  }
0x268: {  	[tilespmem:v61+s14+$0x0] =	vst.idx.msk $0xffff, v8  }
0x269: {  	v63 =	vor.u32 s22, v5;
	v8 =	vld.idx.msk [tilespmem:v62+s11+$0x0], $0xffff  }
0x26a: {  	v12 =	vor.u32 s23, v2;
	_ =	sdelay $0x3  }
0x26b: {  	[tilespmem:v63+s14+$0x0] =	vst.idx.msk $0xffff, v8  }
0x26c: {  	v13 =	vor.u32 s22, v6;
	v8 =	vld.idx.msk [tilespmem:v12+s11+$0x0], $0xffff  }
0x26d: {  	v14 =	vor.u32 s23, v3;
	_ =	sdelay $0x3  }
0x26e: {  	[tilespmem:v13+s14+$0x0] =	vst.idx.msk $0xffff, v8  }
0x26f: {  	s23 =	sadd.s32 $0x100, s20;
	v15 =	vor.u32 s22, v7;
	v8 =	vld.idx.msk [tilespmem:v14+s11+$0x0], $0xffff  }
0x270: {  	v16 =	vor.u32 s23, v0;
	_ =	sdelay $0x3  }
0x271: {  	s24 =	sadd.s32 $0xFFFFFF00, s21;
	[tilespmem:v15+s14+$0x0] =	vst.idx.msk $0xffff, v8  }
0x272: {  	v17 =	vor.u32 s24, v0;
	v8 =	vld.idx.msk [tilespmem:v16+s11+$0x0], $0xffff  }
0x273: {  	v18 =	vor.u32 s23, v1;
	_ =	sdelay $0x3  }
0x274: {  	[tilespmem:v17+s14+$0x0] =	vst.idx.msk $0xffff, v8  }
0x275: {  	v19 =	vor.u32 s24, v1;
	v8 =	vld.idx.msk [tilespmem:v18+s11+$0x0], $0xffff  }
0x276: {  	v20 =	vor.u32 s23, v2;
	_ =	sdelay $0x3  }
0x277: {  	[tilespmem:v19+s14+$0x0] =	vst.idx.msk $0xffff, v8  }
0x278: {  	v21 =	vor.u32 s24, v2;
	v8 =	vld.idx.msk [tilespmem:v20+s11+$0x0], $0xffff  }
0x279: {  	v22 =	vor.u32 s23, v3;
	_ =	sdelay $0x3  }
0x27a: {  	[tilespmem:v21+s14+$0x0] =	vst.idx.msk $0xffff, v8  }
0x27b: {  	s25 =	sadd.s32 $0x180, s20;
	v23 =	vor.u32 s24, v3;
	v8 =	vld.idx.msk [tilespmem:v22+s11+$0x0], $0xffff  }
0x27c: {  	v24 =	vor.u32 s25, v0;
	_ =	sdelay $0x3  }
0x27d: {  	[tilespmem:v23+s14+$0x0] =	vst.idx.msk $0xffff, v8  }
0x27e: {  	v25 =	vor.u32 s24, v4;
	v8 =	vld.idx.msk [tilespmem:v24+s11+$0x0], $0xffff  }
0x27f: {  	v26 =	vor.u32 s25, v1;
	_ =	sdelay $0x3  }
0x280: {  	[tilespmem:v25+s14+$0x0] =	vst.idx.msk $0xffff, v8  }
0x281: {  	v27 =	vor.u32 s24, v5;
	v8 =	vld.idx.msk [tilespmem:v26+s11+$0x0], $0xffff  }
0x282: {  	v28 =	vor.u32 s25, v2;
	_ =	sdelay $0x3  }
0x283: {  	[tilespmem:v27+s14+$0x0] =	vst.idx.msk $0xffff, v8  }
0x284: {  	v29 =	vor.u32 s24, v6;
	v8 =	vld.idx.msk [tilespmem:v28+s11+$0x0], $0xffff  }
0x285: {  	v30 =	vor.u32 s25, v3;
	_ =	sdelay $0x3  }
0x286: {  	[tilespmem:v29+s14+$0x0] =	vst.idx.msk $0xffff, v8  }
0x287: {  	s26 =	sadd.s32 $0x200, s20;
	v31 =	vor.u32 s24, v7;
	v8 =	vld.idx.msk [tilespmem:v30+s11+$0x0], $0xffff  }
0x288: {  	v32 =	vor.u32 s26, v0;
	_ =	sdelay $0x3  }
0x289: {  	s28 =	sadd.s32 $0xFFFFFF80, s21;
	[tilespmem:v31+s14+$0x0] =	vst.idx.msk $0xffff, v8  }
0x28a: {  	v33 =	vor.u32 s28, v0;
	v8 =	vld.idx.msk [tilespmem:v32+s11+$0x0], $0xffff  }
0x28b: {  	v34 =	vor.u32 s26, v1;
	_ =	sdelay $0x3  }
0x28c: {  	[tilespmem:v33+s14+$0x0] =	vst.idx.msk $0xffff, v8  }
0x28d: {  	v35 =	vor.u32 s28, v1;
	v8 =	vld.idx.msk [tilespmem:v34+s11+$0x0], $0xffff  }
0x28e: {  	v36 =	vor.u32 s26, v2;
	_ =	sdelay $0x3  }
0x28f: {  	[tilespmem:v35+s14+$0x0] =	vst.idx.msk $0xffff, v8  }
0x290: {  	v37 =	vor.u32 s28, v2;
	v8 =	vld.idx.msk [tilespmem:v36+s11+$0x0], $0xffff  }
0x291: {  	v38 =	vor.u32 s26, v3;
	_ =	sdelay $0x3  }
0x292: {  	[tilespmem:v37+s14+$0x0] =	vst.idx.msk $0xffff, v8  }
0x293: {  	s29 =	sadd.s32 $0x280, s20;
	v39 =	vor.u32 s28, v3;
	v8 =	vld.idx.msk [tilespmem:v38+s11+$0x0], $0xffff  }
0x294: {  	v40 =	vor.u32 s29, v0;
	_ =	sdelay $0x3  }
0x295: {  	[tilespmem:v39+s14+$0x0] =	vst.idx.msk $0xffff, v8  }
0x296: {  	v41 =	vor.u32 s28, v4;
	v8 =	vld.idx.msk [tilespmem:v40+s11+$0x0], $0xffff  }
0x297: {  	v42 =	vor.u32 s29, v1;
	_ =	sdelay $0x3  }
0x298: {  	[tilespmem:v41+s14+$0x0] =	vst.idx.msk $0xffff, v8  }
0x299: {  	v43 =	vor.u32 s28, v5;
	v8 =	vld.idx.msk [tilespmem:v42+s11+$0x0], $0xffff  }
0x29a: {  	v44 =	vor.u32 s29, v2;
	_ =	sdelay $0x3  }
0x29b: {  	[tilespmem:v43+s14+$0x0] =	vst.idx.msk $0xffff, v8  }
0x29c: {  	v45 =	vor.u32 s28, v6;
	v8 =	vld.idx.msk [tilespmem:v44+s11+$0x0], $0xffff  }
0x29d: {  	v46 =	vor.u32 s29, v3;
	_ =	sdelay $0x3  }
0x29e: {  	[tilespmem:v45+s14+$0x0] =	vst.idx.msk $0xffff, v8  }
0x29f: {  	s30 =	sadd.s32 $0x300, s20;
	v47 =	vor.u32 s28, v7;
	v8 =	vld.idx.msk [tilespmem:v46+s11+$0x0], $0xffff  }
0x2a0: {  	v48 =	vor.u32 s30, v0;
	_ =	sdelay $0x3  }
0x2a1: {  	[tilespmem:v47+s14+$0x0] =	vst.idx.msk $0xffff, v8  }
0x2a2: {  	v49 =	vor.u32 s21, v0;
	v8 =	vld.idx.msk [tilespmem:v48+s11+$0x0], $0xffff  }
0x2a3: {  	v50 =	vor.u32 s30, v1;
	_ =	sdelay $0x3  }
0x2a4: {  	[tilespmem:v49+s14+$0x0] =	vst.idx.msk $0xffff, v8  }
0x2a5: {  	v51 =	vor.u32 s21, v1;
	v8 =	vld.idx.msk [tilespmem:v50+s11+$0x0], $0xffff  }
0x2a6: {  	v52 =	vor.u32 s30, v2;
	_ =	sdelay $0x3  }
0x2a7: {  	[tilespmem:v51+s14+$0x0] =	vst.idx.msk $0xffff, v8  }
0x2a8: {  	v53 =	vor.u32 s21, v2;
	v8 =	vld.idx.msk [tilespmem:v52+s11+$0x0], $0xffff  }
0x2a9: {  	v54 =	vor.u32 s30, v3;
	_ =	sdelay $0x3  }
0x2aa: {  	[tilespmem:v53+s14+$0x0] =	vst.idx.msk $0xffff, v8  }
0x2ab: {  	s31 =	sadd.s32 $0x380, s20;
	v55 =	vor.u32 s21, v3;
	v8 =	vld.idx.msk [tilespmem:v54+s11+$0x0], $0xffff  }
0x2ac: {  	v56 =	vor.u32 s31, v0;
	_ =	sdelay $0x3  }
0x2ad: {  	[tilespmem:v55+s14+$0x0] =	vst.idx.msk $0xffff, v8  }
0x2ae: {  	v57 =	vor.u32 s21, v4;
	v8 =	vld.idx.msk [tilespmem:v56+s11+$0x0], $0xffff  }
0x2af: {  	v58 =	vor.u32 s31, v1;
	_ =	sdelay $0x3  }
0x2b0: {  	[tilespmem:v57+s14+$0x0] =	vst.idx.msk $0xffff, v8  }
0x2b1: {  	v59 =	vor.u32 s21, v5;
	v8 =	vld.idx.msk [tilespmem:v58+s11+$0x0], $0xffff  }
0x2b2: {  	v60 =	vor.u32 s31, v2;
	_ =	sdelay $0x3  }
0x2b3: {  	[tilespmem:v59+s14+$0x0] =	vst.idx.msk $0xffff, v8  }
0x2b4: {  	v61 =	vor.u32 s21, v6;
	v8 =	vld.idx.msk [tilespmem:v60+s11+$0x0], $0xffff  }
0x2b5: {  	v62 =	vor.u32 s31, v3;
	_ =	sdelay $0x3  }
0x2b6: {  	[tilespmem:v61+s14+$0x0] =	vst.idx.msk $0xffff, v8  }
0x2b7: {  	v63 =	vor.u32 s21, v7;
	v8 =	vld.idx.msk [tilespmem:v62+s11+$0x0], $0xffff;
	_ =	sdelay $0x2  }
0x2b8: {  	s19 =	smul.u32 $0xA00, s19;
	_ =	sdelay $0x1  }
0x2b9: {  	s19 =	sadd.s32 s5, s19;
	[tilespmem:v63+s14+$0x0] =	vst.idx.msk $0xffff, v8  }
0x2ba: {  	[hbm4b:s19+s2] =	stream.linear.scatter [tilespmem:s14], [sflag:$0x2], $0x5000, $0x38;
	[tilespmem:$0x1E000] =	vst v63  }
.LBB2_8:
.Ltmp5:
0x2bb: {  	(pc) =	sbr.rel @p1 .LBB2_10-.Ltmp5, $1  }
0x2bc: {  	_ =	sdelay $0x3  }
0x2bd: {  	s18 =	sadd.s32 s9, s18  }
.Ltmp6:
0x2be: {  	p1 =	sgt.u32 s18, $0xC34;
	(pc) =	sbr.rel .LBB2_2-.Ltmp6, $4  }
0x2bf: {  	s18 =	smul.u32 @!p1 $0x1400, s18  }
0x2c0: {  	s17 =	sadd.s32 $0x1, s17  }
0x2c1: {  	s19 =	simm.s32 @!p1 $0x0;
	s20 =	simm.s32 @!p1 $0xA000;
	s18 =	sadd.s32 @!p1 s4, s18  }
0x2c2: {  	[tilespmem:s20], [sflag:$0x1] =	stream.linear.gather @!p1 [hbm4b:s18+s19], $0xA000, $0x38;
	[tilespmem:$0x1E000] =	vst v63  }
.LBB2_11:
0x2c3: {  	_ =	sfence.sel $0x180000  }
0x2c4: {  	[bflag:$0x0] =	sbarrier.arrive $0xFFFF  }
0x2c5: {  	p0 =	sne.s32 s0, $0x0;
	_ =	strace $0x90000047  }
0x2c6: {  	s0 =	sadd.s32 @!p0 $0x100000, s1;
	[bflag:$0x2] =	sbarrier.arrive $0xFFFF  }
0x2c7: {  	[sflag:s0] =	ssyncadd.tile.s32 @!p0 $0x1;
	_ =	shalt  }
.Lfunc_end2:
_tile_overlayer_lowered:
.L_overlay_start_2:
0x2c8: {  	(tag) =	ssettag $0x2  }
0x2c9: {  	s0 =	rddreg [dreg:$0x0];
	s2 =	stileid.u32  }
0x2ca: {  	s1 =	rddreg [dreg:$0x1];
	p0 =	sne.s32 s2, $0x0  }
0x2cb: {  	s3 =	rddreg [dreg:$0x2];
	[bflag:$0x3] =	sbarrier.arrive $0xFFFF;
	s2 =	simm.s32 @!p0 $0x1C03  }
0x2cc: {  	[timem:s3], [sflag:s2] =	dma.local @!p0 [hbm:s0], s1  }
0x2cd: {  	s0 =	simm.s32 @!p0 $0x3  }
0x2ce: {  	_ =	swait.ge @!p0 [sflag:s0], s1  }
0x2cf: {  	s1 =	ssub.s32 @!p0 $0x0, s1;
	[sflag:s0] =	ssyncset.done @!p0 $0x0  }
0x2d0: {  	[sflag:s0] =	ssyncadd.s32 @!p0 s1  }
0x2d1: {  	[bflag:$0x3] =	sbarrier.arrive $0xFFFF  }
0x2d2: {  	_ =	shalt  }

// kernel: kernel.7.cloned.1.call-start
scs
__scs_entry_jumppad:
0x0: {  	(pc) =	sbr.rel $0x88, $3  }
0x1: {  	(tag) =	ssettag $0x0;
	lr =	simm.s32 $0x1  }
0x2: {  	[smem:$0x3F9F] =	sst lr;
	_ =	strace $0xD0000000  }
0x3: {  	_ = 	snop  }
0x4: {  	_ = 	snop  }
0x5: {  	_ = 	snop  }
0x6: {  	_ = 	snop  }
0x7: {  	_ = 	snop  }
__scs_overlays_trampoline_lowered:
0x8: {  	[smem:$0x3FAE] =	sst s0  }
0x9: {  	[smem:$0x3FAF] =	sst s1  }
0xa: {  	[smem:$0x3FB0] =	sst s2  }
0xb: {  	[smem:$0x3FB1] =	sst s3  }
0xc: {  	[smem:$0x3FB2] =	sst s4  }
0xd: {  	[smem:$0x3FB3] =	sst s5  }
0xe: {  	[smem:$0x3FB4] =	sst s6  }
0xf: {  	[smem:$0x3FB5] =	sst s7  }
0x10: {  	[smem:$0x3FB6] =	sst s8  }
0x11: {  	[smem:$0x3FB7] =	sst s9;
	s0 =	simm.s32 @!p0 $0x0  }
0x12: {  	s1 =	sld [smem:$0x3F9D];
	s0 =	simm.s32 @p0 $0x1  }
0x13: {  	[smem:$0x3FB8] =	sst s0;
	s0 =	simm.s32 @!p1 $0x0  }
0x14: {  	s2 =	sld [smem:$0x3F9C];
	s0 =	simm.s32 @p1 $0x1  }
0x15: {  	[smem:$0x3FB9] =	sst s0;
	s0 =	simm.s32 @!p2 $0x0  }
0x16: {  	s3 =	sld [smem:$0x3FDB];
	s0 =	simm.s32 @p2 $0x1  }
0x17: {  	s4 =	simm.s32 $0x1BF5;
	[smem:$0x3FBB] =	sst s0  }
0x18: {  	s0 =	sld [smem:$0x3F9E];
	_ =	swait.ge [sflag:s4], $0x0  }
0x19: {  	s7 =	sld [smem:$0x3F9F]  }
0x1a: {  	s8 =	sadd.s32 $0xFFFFE003, lr  }
0x1b: {  	s9 =	sadd.s32 $0xFFFFFEF7, lr;
	s5 =	simm.s32 $0xFFFFFFFF;
	p2 =	slt.u32 s8, $0xFFFFF086  }
0x1c: {  	p1 =	slt.u32 s9, $0xF7A;
	s5 =	simm.s32 @!p2 $0x0  }
0x1d: {  	s5 =	simm.s32 @p1 $0x1;
	p0 =	seq.s32 s7, s2  }
0x1e: {  	s7 =	smul.u32 @!p0 $0xF7A, s2;
	p2 =	seq.s32 @!p0 s5, $0x0  }
0x1f: {  	s9 =	smul.u32 $0xF7A, s1;
	s8 =	simm.s32 @!p0 $0x1BF5;
	p2 =	por !p2, p0  }
0x20: {  	[sflag:s8] =	ssyncset.s32 @!p0 $0xFFFFF086;
	s6 =	sadd.s32 @!p0 s3, s7;
	s7 =	simm.s32 @!p0 $0x108  }
0x21: {  	s3 =	sadd.s32 s3, s9;
	s6 =	sadd.s32 @!p0 $0x88, s6;
	s7 =	simm.s32 @p2 $0x1082  }
0x22: {  	[simem:s7], [sflag:s8] =	dma.local @!p0 [hbm:s6], $0xF7A  }
0x23: {  	s9 =	sor.u32 $0xD0000000, s2;
	s6 =	simm.s32 $0x108;
	_ =	swait.ge @!p0 [sflag:s8], $0x0  }
0x24: {  	s3 =	sadd.s32 $0x88, s3;
	s6 =	simm.s32 @!p1 $0x1082;
	[sflag:s4] =	ssyncset.s32 $0xFFFFF086  }
0x25: {  	[simem:s6], [sflag:s4] =	dma.local [hbm:s3], $0xF7A  }
0x26: {  	[smem:$0x3F9F] =	sst s1;
	(tag) =	ssettag s2;
	_ =	strace s9  }
0x27: {  	s1 =	sld [smem:$0x3FAF]  }
0x28: {  	s2 =	sld [smem:$0x3FB0]  }
0x29: {  	s4 =	sld [smem:$0x3FB2]  }
0x2a: {  	p0 =	seq.s32 s5, $0x0;
	s5 =	sld [smem:$0x3FB3]  }
0x2b: {  	s6 =	sld [smem:$0x3FB4]  }
0x2c: {  	s7 =	sld [smem:$0x3FB5]  }
0x2d: {  	s3 =	simm.s32 $0x108;
	s8 =	sld [smem:$0x3FB6]  }
0x2e: {  	s3 =	simm.s32 @!p0 $0x1082;
	s9 =	sld [smem:$0x3FB7]  }
0x2f: {  	lr =	sadd.s32 s0, s3;
	s0 =	sld [smem:$0x3FAE]  }
0x30: {  	s3 =	sld [smem:$0x3FB1]  }
0x31: {  	[smem:$0x3FBA] =	sst s10  }
0x32: {  	s10 =	sld [smem:$0x3FB8];
	_ =	sdelay $0x3  }
0x33: {  	p0 =	seq.s32 s10, $0x1;
	s10 =	sld [smem:$0x3FBA];
	_ =	sdelay $0x3  }
0x34: {  	[smem:$0x3FBA] =	sst s10  }
0x35: {  	s10 =	sld [smem:$0x3FB9];
	_ =	sdelay $0x3  }
0x36: {  	p1 =	seq.s32 s10, $0x1;
	s10 =	sld [smem:$0x3FBA];
	_ =	sdelay $0x3  }
0x37: {  	[smem:$0x3FBA] =	sst s10  }
0x38: {  	s10 =	sld [smem:$0x3FBB]  }
0x39: {  	_ = 	snop;
	(pc) =	sbr.ind lr, $3  }
0x3a: {  	_ = 	snop  }
0x3b: {  	_ = 	snop  }
0x3c: {  	p2 =	seq.s32 s10, $0x1;
	s10 =	sld [smem:$0x3FBA]  }
0x3d: {  	_ =	shalt  }
0x3e: {  	_ =	shalt  }
0x3f: {  	_ =	shalt  }
0x40: {  	_ =	shalt  }
0x41: {  	_ =	shalt  }
0x42: {  	_ =	shalt  }
0x43: {  	_ =	shalt  }
0x44: {  	_ =	shalt  }
0x45: {  	_ =	shalt  }
0x46: {  	_ =	shalt  }
0x47: {  	_ =	shalt  }
0x48: {  	_ =	shalt  }
0x49: {  	_ =	shalt  }
0x4a: {  	_ =	shalt  }
0x4b: {  	_ =	shalt  }
0x4c: {  	_ =	shalt  }
0x4d: {  	_ =	shalt  }
0x4e: {  	_ =	shalt  }
0x4f: {  	_ =	shalt  }
0x50: {  	_ =	shalt  }
0x51: {  	_ =	shalt  }
0x52: {  	_ =	shalt  }
0x53: {  	_ =	shalt  }
0x54: {  	_ =	shalt  }
0x55: {  	_ =	shalt  }
0x56: {  	_ =	shalt  }
0x57: {  	_ =	shalt  }
0x58: {  	_ =	shalt  }
0x59: {  	_ =	shalt  }
0x5a: {  	_ =	shalt  }
0x5b: {  	_ =	shalt  }
0x5c: {  	_ =	shalt  }
0x5d: {  	_ =	shalt  }
0x5e: {  	_ =	shalt  }
0x5f: {  	_ =	shalt  }
0x60: {  	_ =	shalt  }
0x61: {  	_ =	shalt  }
0x62: {  	_ =	shalt  }
0x63: {  	_ =	shalt  }
0x64: {  	_ =	shalt  }
0x65: {  	_ =	shalt  }
0x66: {  	_ =	shalt  }
0x67: {  	_ =	shalt  }
0x68: {  	_ =	shalt  }
0x69: {  	_ =	shalt  }
0x6a: {  	_ =	shalt  }
0x6b: {  	_ =	shalt  }
0x6c: {  	_ =	shalt  }
0x6d: {  	_ =	shalt  }
0x6e: {  	_ =	shalt  }
0x6f: {  	_ =	shalt  }
0x70: {  	_ =	shalt  }
0x71: {  	_ =	shalt  }
0x72: {  	_ =	shalt  }
0x73: {  	_ =	shalt  }
0x74: {  	_ =	shalt  }
0x75: {  	_ =	shalt  }
0x76: {  	_ =	shalt  }
0x77: {  	_ =	shalt  }
0x78: {  	_ =	shalt  }
0x79: {  	_ =	shalt  }
0x7a: {  	_ =	shalt  }
0x7b: {  	_ =	shalt  }
0x7c: {  	_ =	shalt  }
0x7d: {  	_ =	shalt  }
0x7e: {  	_ =	shalt  }
0x7f: {  	_ =	shalt  }
0x80: {  	_ =	shalt  }
0x81: {  	_ =	shalt  }
0x82: {  	_ =	shalt  }
0x83: {  	_ =	shalt  }
0x84: {  	_ =	shalt  }
0x85: {  	_ =	shalt  }
0x86: {  	_ =	shalt  }
0x87: {  	_ =	shalt  }
.Lfunc_end0:
.L_simem_size_0:
called_computation.2_lowered:
.L_overlay_start_0:
0x88: {  	s2 =	sld [smem:$0x3FD9]  }
0x89: {  	s3 =	sld [smem:$0x3FFE];
	_ =	sdelay $0x1  }
0x8a: {  	s1 =	srdreg.scid  }
0x8b: {  	s0 =	sand.u32 $0x1, s1  }
0x8c: {  	s17 =	sshll.u32 s0, $0xA;
	s2 =	sadd.s32 s3, s2  }
0x8d: {  	s2 =	sadd.s32 s2, s17  }
0x8e: {  	[smem:$0x3FC6] =	sst s2  }
0x8f: {  	_ = 	snop  }
0x90: {  	s2 =	sld [smem:$0x3FD0];
	(tm) =	ssettm $0x1  }
0x91: {  	s18 =	sld [smem:$0x3FFB];
	_ =	sdelay $0x3  }
0x92: {  	_ =	strace s18  }
0x93: {  	s3 =	sld [smem:$0x3FFC];
	_ =	sdelay $0x3  }
0x94: {  	_ =	strace s3  }
0x95: {  	s3 =	sld [smem:$0x3FFD];
	_ =	sdelay $0x3  }
0x96: {  	_ =	strace s3  }
0x97: {  	_ =	strace $0x8FFFFFFF  }
0x98: {  	s19 =	sld [smem:$0x3FDB];
	_ =	sdelay $0x1  }
0x99: {  	s4 =	simm.s32 $_scs_section_size  }
0x9a: {  	s5 =	simm.s32 $_size__tile_overlayer_lowered;
	s6 =	simm.s32 $_tile_overlayer_lowered  }
0x9b: {  	s22 =	simm.s32 $0x1BFF;
	s21 =	sshll.u32 s6, $0x1;
	s3 =	sadd.s32 s4, s19  }
0x9c: {  	s7 =	simm.s32 $0x0;
	s20 =	sshll.u32 s5, $0x1;
	s5 =	sadd.s32 s21, s3  }
0x9d: {  	[timem:s7], [sflag:s22] =	dma.local [hbm:s5], s20  }
0x9e: {  	_ =	swait.ge [sflag:s22], s20  }
0x9f: {  	s4 =	ssub.s32 $0x0, s20;
	[sflag:s22] =	ssyncset.done $0x0  }
0xa0: {  	[sflag:s22] =	ssyncadd.s32 s4;
	_ =	sdelay $0x1  }
0xa1: {  	s23 =	simm.s32 $0x1B8B  }
0xa2: {  	_ =	swait.ge [sflag:s23], $0x1  }
0xa3: {  	[sflag:s23] =	ssyncset.done $0x0  }
0xa4: {  	s25 =	simm.s32 $0x1B8E;
	s24 =	sld [smem:$0x3FFE];
	[sflag:s23] =	ssyncadd.s32 $0xFFFFFFFF  }
0xa5: {  	s26 =	simm.s32 $execute0_lowered;
	[smem:$0x3FD2] =	sst s25  }
0xa6: {  	s5 =	sshll.u32 s26, $0x1;
	_ =	strace $0x80000049;
	[dreg:$0x1] =	wrdreg $0xFFFFFFFF  }
0xa7: {  	s28 =	simm.s32 $_size_execute0_lowered;
	s3 =	sadd.s32 s3, s5;
	[dreg:$0x0] =	wrdreg $0x0  }
0xa8: {  	s5 =	sshll.u32 s28, $0x1;
	[dreg:$0x2] =	wrdreg s3  }
0xa9: {  	[dreg:$0x3] =	wrdreg s5  }
0xaa: {  	[dreg:$0x4] =	wrdreg $0xC0  }
0xab: {  	_ =	task [dreg:s7], $0x5FFFF  }
0xac: {  	[dreg:$0x1] =	wrdreg $0xFFFFFFFF  }
0xad: {  	[dreg:$0x0] =	wrdreg $0x60  }
0xae: {  	[dreg:$0x2] =	wrdreg s24  }
0xaf: {  	[dreg:$0x3] =	wrdreg s2  }
0xb0: {  	[dreg:$0x4] =	wrdreg $0x9  }
0xb1: {  	_ =	task.clear_ibuf [dreg:s7], $0x5FFFF;
	_ =	strace $0x90000049  }
0xb2: {  	s29 =	simm.s32 $0x9;
	_ =	strace $0x8000004B  }
0xb3: {  	_ =	swait.ge [sflag:s29], $0x1  }
0xb4: {  	[sflag:s29] =	ssyncadd.s32 $0xFFFFFFFF  }
0xb5: {  	_ =	strace $0x9000004B  }
0xb6: {  	_ =	sfence  }
0xb7: {  	s30 =	sld [smem:$0x0];
	_ =	sdelay $0x2  }
0xb8: {  	s31 =	sshll.u32 s1, $0xD;
	s1 =	sshrl.u32 s1, $0x2  }
0xb9: {  	s3 =	sand.u32 $0x4000, s31;
	s1 =	sadd.s32 s1, s30  }
0xba: {  	s0 =	sor.u32 s3, s0;
	s1 =	sshll.u32 s1, $0x11  }
0xbb: {  	s0 =	sor.u32 s1, s0  }
0xbc: {  	s0 =	sadd.s32 $0x8F2B, s0  }
0xbd: {  	[sflag:s0] =	ssyncadd.remote.s32 $0x1  }
0xbe: {  	_ =	sfence.sel $0xFFFF  }
0xbf: {  	[dreg:$0x0] =	wrdreg $0xFFFFFFFF;
	(pc) =	sbr.abs _section_cstart, $3  }
0xc0: {  	[dreg:$0x1] =	wrdreg $0xFFFFFFFF  }
0xc1: {  	_ =	task.clear_ibuf [dreg:s7], $0x2FFFF;
	_ =	strace $0x9FFFFFFF  }
0xc2: {  	(tm) =	ssettm $0x7FFFFFFF  }
0xc3: {  	_ =	shalt  }
tec
execute0_lowered:
.L_overlay_start_1:
0x0: {  	(tag) =	ssettag $0x1  }
0x1: {  	s0 =	srdreg.scid;
	s1 =	rddreg [dreg:$0x0]  }
0x2: {  	s10 =	stileid.u32;
	s4 =	rddreg [dreg:$0x1]  }
0x3: {  	s2 =	simm.s32 $0x0;
	s11 =	simm.s32 $0x80;
	s12 =	simm.s32 $0x640  }
0x4: {  	s13 =	simm.s32 $0x48;
	s28 =	simm.s32 $0x2;
	s29 =	simm.s32 $0xCE40  }
0x5: {  	s30 =	simm.s32 $0x3A0;
	s31 =	simm.s32 $0xEE40;
	s14 =	simm.s32 $0x530  }
0x6: {  	s15 =	simm.s32 $0x15240;
	s16 =	simm.s32 $0x578;
	s17 =	simm.s32 $0x16440  }
0x7: {  	s18 =	simm.s32 $0x5F8;
	s19 =	simm.s32 $0x18440;
	s20 =	simm.s32 $0x3  }
0x8: {  	s22 =	simm.s32 $0x0;
	s0 =	sand.u32 $0x1, s0;
	s6 =	smul.u32 $0x1900, s10  }
0x9: {  	s3 =	sshll.u32 s10, $0x8;
	[smem:$0x7FF] =	sst s2;
	s10 =	smul.u32 $0x64000, s10  }
0xa: {  	s7 =	sadd.s32 $0x16E4400, s1;
	s5 =	sshll.u32 s0, $0x7;
	s9 =	smul.u32 $0xC80, s0  }
0xb: {  	_ =	strace $0x8000004A;
	s8 =	ssub.s32 $0x2, s0;
	s0 =	smul.u32 $0x32000, s0  }
0xc: {  	s3 =	sor.u32 s5, s3;
	s25 =	sshrl.u32 s8, $0x1;
	s26 =	sadd.s32 s6, s7  }
0xd: {  	s4 =	sadd.s32 s10, s4;
	s10 =	simm.s32 $0x1;
	s6 =	simm.s32 $0x12040  }
0xe: {  	s5 =	smul.u32 $0x19, s3;
	s3 =	sadd.s32 $0xF43200, s1;
	s1 =	ssub.s32 s8, s25  }
0xf: {  	s0 =	sadd.s32 s0, s4;
	s25 =	simm.s32 $0x2D8;
	s4 =	simm.s32 $0x4B0  }
.Ltmp0:
0x10: {  	s8 =	simm.s32 $0x13240;
	s1 =	smax.u32 s1, $0x1;
	(pc) =	sbr.rel .LBB2_1-.Ltmp0, $4  }
0x11: {  	[dreg:$0x6] =	wrdreg s0;
	s0 =	simm.s32 $0x10040;
	s5 =	sadd.s32 s7, s5  }
0x12: {  	[dreg:$0x5] =	wrdreg s1;
	s7 =	sadd.s32 s9, s26;
	s9 =	simm.s32 $0x320  }
0x13: {  	s26 =	simm.s32 $0xBC40;
	[dreg:$0x3] =	wrdreg s5;
	s5 =	sadd.s32 $0x64, s5  }
0x14: {  	s1 =	simm.s32 $0x3E8;
	[dreg:$0x4] =	wrdreg s5;
	s5 =	simm.s32 $0x468  }
.LBB2_4:
0x15: {  	_ =	swait.ge [sflag:s20], $0xC800  }
0x16: {  	[sflag:s20] =	ssyncset.done $0x0  }
0x17: {  	[sflag:s20] =	ssyncadd.s32 $0xFFFF3800  }
0x18: {  	_ =	swait.ge [sflag:s20], $0xC800  }
0x19: {  	s22 =	rddreg [dreg:$0x7]  }
0x1a: {  	s21 =	rddreg [dreg:$0x5];
	s22 =	sadd.s32 $0x1, s22  }
0x1b: {  	p0 =	sne.s32 s22, s21  }
.Ltmp1:
0x1c: {  	_ = 	snop;
	(pc) =	sbr.rel @!p0 .LBB2_5-.Ltmp1, $3  }
0x1d: {  	_ =	sdelay $0x1  }
0x1e: {  	[sflag:s20] =	ssyncset.done $0x0  }
0x1f: {  	[sflag:s20] =	ssyncadd.s32 $0xFFFF3800  }
.LBB2_1:
0x20: {  	[dreg:$0x7] =	wrdreg s22  }
0x21: {  	s21 =	rddreg [dreg:$0x3]  }
0x22: {  	s24 =	rddreg [dreg:$0x4]  }
0x23: {  	[tilespmem:s2], [sflag:$0x1] =	stream.linear.gather [hbm4b:s21+s2], $0x320, $0x38;
	[tilespmem:$0x19640] =	vst v63  }
0x24: {  	s22 =	simm.s32 $0x0;
	s21 =	rddreg [dreg:$0x6]  }
0x25: {  	[tilespmem:s9], [sflag:$0x1] =	stream.linear.gather [hbm4b:s24+s2], $0x320, $0x38;
	[tilespmem:$0x19640] =	vst v63  }
.LBB2_2:
0x26: {  	p0 =	seq.s32 s22, $0x0  }
0x27: {  	s23 =	simm.s32 @!p0 $0x3  }
0x28: {  	_ =	swait.ge @!p0 [sflag:s23], $0xC800  }
0x29: {  	[sflag:s23] =	ssyncset.done @!p0 $0x0  }
0x2a: {  	[sflag:s23] =	ssyncadd.s32 @!p0 $0xFFFF3800  }
0x2b: {  	_ =	swait.ge [sflag:s10], $0x320  }
0x2c: {  	[sflag:s10] =	ssyncset.done $0x0  }
0x2d: {  	[sflag:s10] =	ssyncadd.s32 $0xFFFFFCE0  }
0x2e: {  	[tilespmem:s12], [sflag:$0x2] =	stream.indirect.gather [hbm4b:s3+s11], $0x40, s2, s11, $0xb8;
	[tilespmem:$0x19640] =	vst v63  }
0x2f: {  	s24 =	simm.s32 $0x2640  }
0x30: {  	[tilespmem:s24], [sflag:$0x2] =	stream.indirect.gather [hbm4b:s3+s13], $0x40, s11, s13, $0xb8;
	[tilespmem:$0x19640] =	vst v63  }
0x31: {  	s23 =	simm.s32 $0xC8;
	s24 =	simm.s32 $0x3840  }
0x32: {  	[tilespmem:s24], [sflag:$0x2] =	stream.indirect.gather [hbm4b:s3+s11], $0x40, s23, s11, $0xb8;
	[tilespmem:$0x19640] =	vst v63  }
0x33: {  	s23 =	simm.s32 $0x148;
	s24 =	simm.s32 $0x5840  }
0x34: {  	[tilespmem:s24], [sflag:$0x2] =	stream.indirect.gather [hbm4b:s3+s13], $0x40, s23, s13, $0xb8;
	[tilespmem:$0x19640] =	vst v63  }
0x35: {  	s23 =	simm.s32 $0x190;
	s24 =	simm.s32 $0x6A40  }
0x36: {  	[tilespmem:s24], [sflag:$0x2] =	stream.indirect.gather [hbm4b:s3+s11], $0x40, s23, s11, $0xb8;
	[tilespmem:$0x19640] =	vst v63  }
0x37: {  	s23 =	simm.s32 $0x210;
	s24 =	simm.s32 $0x8A40  }
0x38: {  	[tilespmem:s24], [sflag:$0x2] =	stream.indirect.gather [hbm4b:s3+s13], $0x40, s23, s13, $0xb8;
	[tilespmem:$0x19640] =	vst v63  }
0x39: {  	s23 =	simm.s32 $0x258;
	s24 =	simm.s32 $0x9C40  }
0x3a: {  	[tilespmem:s24], [sflag:$0x2] =	stream.indirect.gather [hbm4b:s3+s11], $0x40, s23, s11, $0xb8;
	[tilespmem:$0x19640] =	vst v63  }
0x3b: {  	_ = 	snop  }
0x3c: {  	[tilespmem:s26], [sflag:$0x2] =	stream.indirect.gather [hbm4b:s3+s13], $0x40, s25, s13, $0xb8;
	[tilespmem:$0x19640] =	vst v63  }
0x3d: {  	_ =	swait.ge [sflag:s28], $0x2000  }
0x3e: {  	[sflag:s28] =	ssyncset.done $0x0  }
0x3f: {  	[sflag:s28] =	ssyncadd.s32 $0xFFFFE000  }
0x40: {  	_ =	swait.ge [sflag:s28], $0x1200  }
0x41: {  	[sflag:s28] =	ssyncset.done $0x0  }
0x42: {  	[sflag:s28] =	ssyncadd.s32 $0xFFFFEE00  }
0x43: {  	_ =	swait.ge [sflag:s28], $0x2000  }
0x44: {  	[sflag:s28] =	ssyncset.done $0x0  }
0x45: {  	[sflag:s28] =	ssyncadd.s32 $0xFFFFE000  }
0x46: {  	_ =	swait.ge [sflag:s28], $0x1200  }
0x47: {  	[sflag:s28] =	ssyncset.done $0x0  }
0x48: {  	[sflag:s28] =	ssyncadd.s32 $0xFFFFEE00  }
0x49: {  	_ =	swait.ge [sflag:s28], $0x2000  }
0x4a: {  	[sflag:s28] =	ssyncset.done $0x0  }
0x4b: {  	[sflag:s28] =	ssyncadd.s32 $0xFFFFE000  }
0x4c: {  	_ =	swait.ge [sflag:s28], $0x1200  }
0x4d: {  	[sflag:s28] =	ssyncset.done $0x0  }
0x4e: {  	[sflag:s28] =	ssyncadd.s32 $0xFFFFEE00  }
0x4f: {  	_ =	swait.ge [sflag:s28], $0x2000  }
0x50: {  	[sflag:s28] =	ssyncset.done $0x0  }
0x51: {  	[sflag:s28] =	ssyncadd.s32 $0xFFFFE000  }
0x52: {  	_ =	swait.ge [sflag:s28], $0x1200  }
0x53: {  	p0 =	seq.s32 s22, $0xBB8;
	[sflag:s28] =	ssyncset.done $0x0  }
0x54: {  	p1 =	seq.s32 @!p0 s22, $0x0;
	s23 =	sadd.s32 @!p0 s22, s7;
	[sflag:s28] =	ssyncadd.s32 $0xFFFFEE00  }
0x55: {  	[hbm4b:s21+s2] =	stream.linear.scatter [tilespmem:s12], [sflag:$0x3], $0xC800, $0x38;
	[tilespmem:$0x19640] =	vst v63  }
0x56: {  	p1 =	por p0, !p1;
	s24 =	simm.s32 @!p0 $0x0;
	s23 =	sadd.s32 @!p0 $0xC8, s23  }
0x57: {  	[tilespmem:s24], [sflag:$0x1] =	stream.linear.gather @!p0 [hbm4b:s23+s24], $0x320, $0x38;
	[tilespmem:$0x19640] =	vst v63  }
0x58: {  	_ =	swait.ge @p1 [sflag:s20], $0xC800  }
0x59: {  	[sflag:s20] =	ssyncset.done @p1 $0x0  }
0x5a: {  	[sflag:s20] =	ssyncadd.s32 @p1 $0xFFFF3800  }
0x5b: {  	_ =	swait.ge [sflag:s10], $0x320  }
0x5c: {  	[sflag:s10] =	ssyncset.done $0x0  }
0x5d: {  	[sflag:s10] =	ssyncadd.s32 $0xFFFFFCE0  }
0x5e: {  	[tilespmem:s29], [sflag:$0x2] =	stream.indirect.gather [hbm4b:s3+s11], $0x40, s9, s11, $0xb8;
	[tilespmem:$0x19640] =	vst v63  }
0x5f: {  	_ = 	snop  }
0x60: {  	[tilespmem:s31], [sflag:$0x2] =	stream.indirect.gather [hbm4b:s3+s13], $0x40, s30, s13, $0xb8;
	[tilespmem:$0x19640] =	vst v63  }
0x61: {  	_ = 	snop  }
0x62: {  	[tilespmem:s0], [sflag:$0x2] =	stream.indirect.gather [hbm4b:s3+s11], $0x40, s1, s11, $0xb8;
	[tilespmem:$0x19640] =	vst v63  }
0x63: {  	_ = 	snop  }
0x64: {  	[tilespmem:s6], [sflag:$0x2] =	stream.indirect.gather [hbm4b:s3+s13], $0x40, s5, s13, $0xb8;
	[tilespmem:$0x19640] =	vst v63  }
0x65: {  	_ = 	snop  }
0x66: {  	[tilespmem:s8], [sflag:$0x2] =	stream.indirect.gather [hbm4b:s3+s11], $0x40, s4, s11, $0xb8;
	[tilespmem:$0x19640] =	vst v63  }
0x67: {  	_ = 	snop  }
0x68: {  	[tilespmem:s15], [sflag:$0x2] =	stream.indirect.gather [hbm4b:s3+s13], $0x40, s14, s13, $0xb8;
	[tilespmem:$0x19640] =	vst v63  }
0x69: {  	_ = 	snop  }
0x6a: {  	[tilespmem:s17], [sflag:$0x2] =	stream.indirect.gather [hbm4b:s3+s11], $0x40, s16, s11, $0xb8;
	[tilespmem:$0x19640] =	vst v63  }
0x6b: {  	_ = 	snop  }
0x6c: {  	[tilespmem:s19], [sflag:$0x2] =	stream.indirect.gather [hbm4b:s3+s13], $0x40, s18, s13, $0xb8;
	[tilespmem:$0x19640] =	vst v63  }
0x6d: {  	_ =	swait.ge [sflag:s28], $0x2000  }
0x6e: {  	[sflag:s28] =	ssyncset.done $0x0  }
0x6f: {  	[sflag:s28] =	ssyncadd.s32 $0xFFFFE000  }
0x70: {  	_ =	swait.ge [sflag:s28], $0x1200  }
0x71: {  	[sflag:s28] =	ssyncset.done $0x0  }
0x72: {  	[sflag:s28] =	ssyncadd.s32 $0xFFFFEE00  }
0x73: {  	_ =	swait.ge [sflag:s28], $0x2000  }
0x74: {  	[sflag:s28] =	ssyncset.done $0x0  }
0x75: {  	[sflag:s28] =	ssyncadd.s32 $0xFFFFE000  }
0x76: {  	_ =	swait.ge [sflag:s28], $0x1200  }
0x77: {  	[sflag:s28] =	ssyncset.done $0x0  }
0x78: {  	[sflag:s28] =	ssyncadd.s32 $0xFFFFEE00  }
0x79: {  	_ =	swait.ge [sflag:s28], $0x2000  }
0x7a: {  	[sflag:s28] =	ssyncset.done $0x0  }
0x7b: {  	[sflag:s28] =	ssyncadd.s32 $0xFFFFE000  }
0x7c: {  	_ =	swait.ge [sflag:s28], $0x1200  }
0x7d: {  	[sflag:s28] =	ssyncset.done $0x0  }
0x7e: {  	[sflag:s28] =	ssyncadd.s32 $0xFFFFEE00  }
0x7f: {  	_ =	swait.ge [sflag:s28], $0x2000  }
0x80: {  	[sflag:s28] =	ssyncset.done $0x0  }
.Ltmp2:
0x81: {  	[sflag:s28] =	ssyncadd.s32 $0xFFFFE000;
	(pc) =	sbr.rel @p0 .LBB2_4-.Ltmp2, $4  }
0x82: {  	_ =	swait.ge [sflag:s28], $0x1200  }
0x83: {  	[sflag:s28] =	ssyncset.done $0x0  }
0x84: {  	s24 =	sadd.s32 $0x1900, s21;
	[sflag:s28] =	ssyncadd.s32 $0xFFFFEE00  }
0x85: {  	[hbm4b:s24+s2] =	stream.linear.scatter [tilespmem:s29], [sflag:$0x3], $0xC800, $0x38;
	[tilespmem:$0x19640] =	vst v63  }
.Ltmp3:
0x86: {  	(pc) =	sbr.rel .LBB2_2-.Ltmp3, $4  }
0x87: {  	_ = 	snop  }
0x88: {  	s23 =	sadd.s32 s22, s7  }
0x89: {  	s22 =	sadd.s32 $0xC8, s22;
	s21 =	sadd.s32 $0x3200, s21;
	s23 =	sadd.s32 $0x12C, s23  }
0x8a: {  	[tilespmem:s9], [sflag:$0x1] =	stream.linear.gather [hbm4b:s23+s2], $0x320, $0x38;
	[tilespmem:$0x19640] =	vst v63  }
.LBB2_5:
0x8b: {  	_ =	sfence.sel $0x180000  }
0x8c: {  	[bflag:$0x0] =	sbarrier.arrive $0xFFFF  }
0x8d: {  	_ =	strace $0x9000004A  }
0x8e: {  	s0 =	stileid.u32;
	[bflag:$0x2] =	sbarrier.arrive $0xFFFF  }
0x8f: {  	p0 =	sne.s32 s0, $0x0;
	s0 =	rddreg [dreg:$0x2]  }
0x90: {  	s0 =	sadd.s32 @!p0 $0x100000, s0  }
0x91: {  	[sflag:s0] =	ssyncadd.tile.s32 @!p0 $0x1;
	_ =	shalt  }
.Lfunc_end2:
_tile_overlayer_lowered:
.L_overlay_start_2:
0x92: {  	(tag) =	ssettag $0x2  }
0x93: {  	s0 =	rddreg [dreg:$0x0];
	s2 =	stileid.u32  }
0x94: {  	s1 =	rddreg [dreg:$0x1];
	p0 =	sne.s32 s2, $0x0  }
0x95: {  	s3 =	rddreg [dreg:$0x2];
	[bflag:$0x3] =	sbarrier.arrive $0xFFFF;
	s2 =	simm.s32 @!p0 $0x1C04  }
0x96: {  	[timem:s3], [sflag:s2] =	dma.local @!p0 [hbm:s0], s1  }
0x97: {  	s0 =	simm.s32 @!p0 $0x4  }
0x98: {  	_ =	swait.ge @!p0 [sflag:s0], s1  }
0x99: {  	s1 =	ssub.s32 @!p0 $0x0, s1;
	[sflag:s0] =	ssyncset.done @!p0 $0x0  }
0x9a: {  	[sflag:s0] =	ssyncadd.s32 @!p0 s1  }
0x9b: {  	[bflag:$0x3] =	sbarrier.arrive $0xFFFF  }
0x9c: {  	_ =	shalt  }

// kernel: sparse-core-data-format-call.cloned.1.call-start
scs
called_computation_lowered:
.L_overlay_start_0:
0x0: {  	s2 =	sld [smem:$0x3FD9]  }
0x1: {  	s3 =	sld [smem:$0x3FFE];
	_ =	sdelay $0x1  }
0x2: {  	s1 =	srdreg.scid  }
0x3: {  	s0 =	sand.u32 $0x1, s1  }
0x4: {  	s18 =	sshll.u32 s0, $0xA;
	s2 =	sadd.s32 s3, s2  }
0x5: {  	s2 =	sadd.s32 s2, s18  }
0x6: {  	[smem:$0x3FC6] =	sst s2  }
0x7: {  	_ = 	snop  }
0x8: {  	s2 =	sld [smem:$0x3FD0];
	(tm) =	ssettm $0x1  }
0x9: {  	s19 =	sld [smem:$0x3FFB];
	_ =	sdelay $0x3  }
0xa: {  	_ =	strace s19  }
0xb: {  	s3 =	sld [smem:$0x3FFC];
	_ =	sdelay $0x3  }
0xc: {  	_ =	strace s3  }
0xd: {  	s3 =	sld [smem:$0x3FFD];
	_ =	sdelay $0x3  }
0xe: {  	_ =	strace s3  }
0xf: {  	_ =	strace $0x8FFFFFFF  }
0x10: {  	s20 =	sld [smem:$0x3FDB];
	_ =	sdelay $0x1  }
0x11: {  	s4 =	simm.s32 $_scs_section_size  }
0x12: {  	s5 =	simm.s32 $_size__tile_overlayer_lowered;
	s6 =	simm.s32 $_tile_overlayer_lowered  }
0x13: {  	s23 =	simm.s32 $0x1BFF;
	s22 =	sshll.u32 s6, $0x1;
	s3 =	sadd.s32 s4, s20  }
0x14: {  	s7 =	simm.s32 $0x0;
	s21 =	sshll.u32 s5, $0x1;
	s5 =	sadd.s32 s22, s3  }
0x15: {  	[timem:s7], [sflag:s23] =	dma.local [hbm:s5], s21  }
0x16: {  	_ =	swait.ge [sflag:s23], s21  }
0x17: {  	s4 =	ssub.s32 $0x0, s21;
	[sflag:s23] =	ssyncset.done $0x0  }
0x18: {  	[sflag:s23] =	ssyncadd.s32 s4;
	_ =	sdelay $0x1  }
0x19: {  	s24 =	simm.s32 $0x1B8B  }
0x1a: {  	_ =	swait.ge [sflag:s24], $0x1  }
0x1b: {  	[sflag:s24] =	ssyncset.done $0x0  }
0x1c: {  	s26 =	simm.s32 $0x1B8E;
	s25 =	sld [smem:$0x3FFE];
	[sflag:s24] =	ssyncadd.s32 $0xFFFFFFFF  }
0x1d: {  	s27 =	simm.s32 $execute0_lowered;
	[smem:$0x3FD2] =	sst s26  }
0x1e: {  	s5 =	sshll.u32 s27, $0x1;
	_ =	strace $0x8000004C;
	[dreg:$0x1] =	wrdreg $0xFFFFFFFF  }
0x1f: {  	s28 =	simm.s32 $_size_execute0_lowered;
	s3 =	sadd.s32 s3, s5;
	[dreg:$0x0] =	wrdreg $0x0  }
0x20: {  	s5 =	sshll.u32 s28, $0x1;
	[dreg:$0x2] =	wrdreg s3  }
0x21: {  	[dreg:$0x3] =	wrdreg s5  }
0x22: {  	[dreg:$0x4] =	wrdreg $0xC0  }
0x23: {  	_ =	task [dreg:s7], $0x5FFFF  }
0x24: {  	[dreg:$0x1] =	wrdreg $0xFFFFFFFF  }
0x25: {  	[dreg:$0x0] =	wrdreg $0x60  }
0x26: {  	[dreg:$0x2] =	wrdreg s25  }
0x27: {  	[dreg:$0x3] =	wrdreg s2  }
0x28: {  	[dreg:$0x4] =	wrdreg $0x9  }
0x29: {  	_ =	task.clear_ibuf [dreg:s7], $0x5FFFF;
	_ =	strace $0x9000004C  }
0x2a: {  	s29 =	simm.s32 $0x9;
	_ =	strace $0x8000004E  }
0x2b: {  	_ =	swait.ge [sflag:s29], $0x1  }
0x2c: {  	[sflag:s29] =	ssyncadd.s32 $0xFFFFFFFF  }
0x2d: {  	_ =	strace $0x9000004E  }
0x2e: {  	_ =	sfence  }
0x2f: {  	s30 =	sld [smem:$0x0];
	_ =	sdelay $0x2  }
0x30: {  	s31 =	sshll.u32 s1, $0xD;
	s1 =	sshrl.u32 s1, $0x2  }
0x31: {  	s3 =	sand.u32 $0x4000, s31;
	s1 =	sadd.s32 s1, s30  }
0x32: {  	s0 =	sor.u32 s3, s0;
	s1 =	sshll.u32 s1, $0x11  }
0x33: {  	s0 =	sor.u32 s1, s0  }
0x34: {  	s0 =	sadd.s32 $0x8F2B, s0  }
0x35: {  	[sflag:s0] =	ssyncadd.remote.s32 $0x1  }
0x36: {  	_ =	sfence.sel $0xFFFF  }
0x37: {  	[dreg:$0x0] =	wrdreg $0xFFFFFFFF;
	(pc) =	sbr.abs _section_cstart, $3  }
0x38: {  	[dreg:$0x1] =	wrdreg $0xFFFFFFFF  }
0x39: {  	_ =	task.clear_ibuf [dreg:s7], $0x2FFFF;
	_ =	strace $0x9FFFFFFF  }
0x3a: {  	(tm) =	ssettm $0x7FFFFFFF  }
0x3b: {  	_ =	shalt  }
tec
execute0_lowered:
.L_overlay_start_1:
0x0: {  	(tag) =	ssettag $0x1  }
0x1: {  	s0 =	srdreg.scid  }
0x2: {  	s1 =	sshll.u32 s0, $0x4  }
0x3: {  	s0 =	stileid.u32;
	s1 =	sand.u32 $0x10, s1  }
0x4: {  	s1 =	sor.u32 s0, s1  }
0x5: {  	s6 =	rddreg [dreg:$0x0];
	s4 =	simm.s32 $0x1;
	s2 =	sshll.u32 s1, $0x7  }
0x6: {  	s7 =	simm.s32 $0x2;
	s12 =	simm.s32 $0x0;
	s1 =	ssub.s32 $0x1000, s2  }
0x7: {  	s8 =	simm.s32 $0x8000;
	s13 =	simm.s32 $0x0;
	s3 =	sand.u32 $0xF80, s1  }
0x8: {  	s9 =	simm.s32 $0x0;
	s5 =	sshrl.u32 s1, $0xC;
	p0 =	sne.s32 s3, $0x0  }
.Ltmp0:
0x9: {  	s1 =	rddreg [dreg:$0x2];
	s4 =	simm.s32 @!p0 $0x0;
	(pc) =	sbr.rel .LBB1_1-.Ltmp0, $4  }
0xa: {  	s11 =	simm.s32 $0x0;
	s3 =	rddreg [dreg:$0x1];
	s5 =	sadd.s32 s4, s5  }
0xb: {  	_ =	strace $0x8000004D;
	s4 =	simm.s32 $0x1;
	s5 =	smul.u32 $0xC8, s5  }
0xc: {  	s6 =	sadd.s32 $0xE00, s6;
	s10 =	smov.u32 s2;
	[sflag:s4] =	ssyncpa.u1 $0x0  }
0xd: {  	p0 =	por $0x0, $0x0;
	[sflag:s7] =	ssyncpa.u1 $0x0;
	s7 =	sor.u32 $0x1, s5  }
.LBB1_4:
0xe: {  	s16 =	sshll.u32 s13, $0x3;
	s17 =	sand.u32 $0x78, s13  }
0xf: {  	s30 =	sand.u32 $0x7E00, s13;
	s12 =	sshll.u32 s12, $0xF;
	s16 =	sand.u32 $0xC00, s16  }
0x10: {  	[tilespmem:s15+$0x810 ss:$0x81] =	vst.msk $0xffff, v2;
	s31 =	sand.u32 $0x7, s13;
	s16 =	sor.u32 s17, s16;
	s17 =	sadd.s32 s3, s30  }
0x11: {  	[tilespmem:s15+$0x1020 ss:$0x81] =	vst.msk $0xffff, v0;
	s13 =	sshll.u32 s31, $0x12;
	s12 =	sadd.s32 s12, s17;
	s16 =	sshrl.u32 s16, $0x3  }
0x12: {  	[tilespmem:s15+$0x0 ss:$0x81] =	vst.msk $0xffff, v1;
	s13 =	sor.u32 $0x400, s13;
	s12 =	sadd.s32 s16, s12  }
0x13: {  	[hbm4b:s12+s13] =	stream.strided.scatter [tilespmem:s14], [sflag:$0x2], $0x2000, s8, s13, $0x20;
	[tilespmem:$0x8080] =	vst v63  }
.LBB1_5:
0x14: {  	s14 =	sadd.s32 $0x1, s9  }
0x15: {  	s12 =	sadd.s32 $0x1000, s10;
	s16 =	smov.u32 s10;
	p2 =	sgt.s32 s14, $0xC7  }
0x16: {  	s16 =	smov.u32 @p2 s12  }
0x17: {  	s14 =	simm.s32 @p2 $0x0;
	p2 =	sgt.s32 s16, $0xFFF  }
0x18: {  	s16 =	smov.u32 @p2 s2;
	p2 =	sne.s32 s11, s7  }
.Ltmp1:
0x19: {  	p1 =	slt.u32 s11, $0x2;
	(pc) =	sbr.rel @!p2 .LBB1_6-.Ltmp1, $4  }
0x1a: {  	s15 =	simm.s32 @!p1 $0x2  }
0x1b: {  	s13 =	smov.u32 s10;
	p0 =	por !p0, !p0;
	_ =	swait.ge @!p1 [sflag:s15], $0x2000  }
0x1c: {  	s12 =	smov.u32 s9;
	[sflag:s15] =	ssyncset.done @!p1 $0x0;
	s9 =	smov.u32 s14  }
0x1d: {  	s11 =	sadd.s32 $0x1, s11;
	[sflag:s15] =	ssyncadd.s32 @!p1 $0xFFFFE000;
	s10 =	smov.u32 s16  }
.LBB1_1:
0x1e: {  	p1 =	sge.u32 s11, s5  }
0x1f: {  	s14 =	sand.u32 @!p1 $0x1FFFFFF, s9  }
0x20: {  	s15 =	smulhi.u32 @!p1 $0x147AE15, s14;
	_ =	sdelay $0x1  }
0x21: {  	s15 =	smul.u32 @!p1 $0xC8, s15  }
0x22: {  	s16 =	sxor.u32 @!p1 $0xFFFFFFFF, s11;
	s17 =	smul.u32 @!p1 $0xC80, s10  }
0x23: {  	s31 =	sadd.s32 $0xFFFFFFFF, s11;
	s16 =	sshll.u32 @!p1 s16, $0xD;
	s14 =	ssub.s32 @!p1 s14, s15  }
0x24: {  	s15 =	sand.u32 @!p1 $0x2000, s16;
	s16 =	sadd.s32 @!p1 s6, s17;
	s14 =	sshll.u32 @!p1 s14, $0x4  }
0x25: {  	s17 =	simm.s32 @!p1 $0x6400;
	s14 =	sadd.s32 @!p1 s14, s16;
	s16 =	simm.s32 @!p1 $0x40  }
0x26: {  	[tilespmem:s15], [sflag:$0x1] =	stream.strided.gather @!p1 [hbm4b:s14+s16], $0x2000, s17, s16, $0x38;
	[tilespmem:$0x8080] =	vst v63  }
0x27: {  	p1 =	sge.u32 s31, s5  }
.Ltmp2:
0x28: {  	_ = 	snop;
	(pc) =	sbr.rel @p1 .LBB1_5-.Ltmp2, $1  }
0x29: {  	_ =	sdelay $0x3  }
0x2a: {  	s14 =	simm.s32 $0x1  }
0x2b: {  	_ =	swait.ge [sflag:s4], $0x2000;
	s14 =	simm.s32 @!p0 $0x0  }
0x2c: {  	[sflag:s4] =	ssyncset.done $0x0;
	s15 =	sshll.u32 s14, $0xD  }
0x2d: {  	[sflag:s4] =	ssyncadd.s32 $0xFFFFE000;
	s18 =	sor.u32 $0x20, s15  }
0x2e: {  	s14 =	smul.u32 $0x8100, s14;
	v3 =	vld [tilespmem:s18+$0x10]  }
0x2f: {  	s30 =	sand.u32 $0x1, s11;
	v2 =	vld [tilespmem:s18+$0xFFFFFFF0]  }
0x30: {  	s15 =	smul.u32 $0x8100, s30;
	s14 =	sshrl.u32 s14, $0x2;
	v0 =	vld [tilespmem:s18+$0x0]  }
0x31: {  	v1 =	vld [tilespmem:s18+$0xFFFFFFE0];
	s16 =	sor.u32 $0x4000, s14  }
0x32: {  	s31 =	sshrl.u32 s15, $0x2;
	s15 =	sadd.s32 $0x0, s16  }
0x33: {  	s17 =	simm.s32 $0x4;
	s18 =	sadd.s32 $0x40, s18;
	s14 =	sor.u32 $0x4000, s31;
	[tilespmem:s15+$0x1830 ss:$0x81] =	vst.msk $0xffff, v3  }
.LBB1_3:
0x34: {  	v3 =	vld [tilespmem:s18+$0x10];
	p1 =	sne.s32 s17, $0x1FC;
	[tilespmem:s15+$0x810 ss:$0x81] =	vst.msk $0xffff, v2;
	s19 =	smov.u32 s17;
	s17 =	sadd.s32 $0x4, s17  }
.Ltmp3:
0x35: {  	v2 =	vld [tilespmem:s18+$0xFFFFFFF0];
	[tilespmem:s15+$0x1020 ss:$0x81] =	vst.msk $0xffff, v0;
	(pc) =	sbr.rel @p1 .LBB1_3-.Ltmp3, $4  }
0x36: {  	v0 =	vld [tilespmem:s18+$0x0];
	[tilespmem:s15+$0x0 ss:$0x81] =	vst.msk $0xffff, v1  }
0x37: {  	s15 =	sshra.s32 s19, $0x2;
	v1 =	vld [tilespmem:s18+$0xFFFFFFE0]  }
0x38: {  	s15 =	sadd.s32 s15, s16  }
0x39: {  	s18 =	sadd.s32 $0x40, s18;
	[tilespmem:s15+$0x1830 ss:$0x81] =	vst.msk $0xffff, v3  }
.Ltmp4:
0x3a: {  	_ = 	snop;
	(pc) =	sbr.rel .LBB1_4-.Ltmp4, $1  }
0x3b: {  	_ =	sdelay $0x3  }
.LBB1_6:
0x3c: {  	_ =	sfence.sel $0x180000  }
0x3d: {  	s2 =	simm.s32 $0x1;
	[bflag:$0x0] =	sbarrier.arrive $0xFFFF  }
0x3e: {  	s31 =	simm.s32 $0x2;
	[sflag:s2] =	ssyncpa.u1 $0x1  }
0x3f: {  	[sflag:s31] =	ssyncpa.u1 $0x1  }
0x40: {  	p0 =	sne.s32 s0, $0x0;
	_ =	strace $0x9000004D  }
0x41: {  	s0 =	sadd.s32 @!p0 $0x100000, s1;
	[bflag:$0x2] =	sbarrier.arrive $0xFFFF  }
0x42: {  	[sflag:s0] =	ssyncadd.tile.s32 @!p0 $0x1;
	_ =	shalt  }
.Lfunc_end1:
_tile_overlayer_lowered:
.L_overlay_start_2:
0x43: {  	(tag) =	ssettag $0x2  }
0x44: {  	s0 =	rddreg [dreg:$0x0];
	s2 =	stileid.u32  }
0x45: {  	s1 =	rddreg [dreg:$0x1];
	p0 =	sne.s32 s2, $0x0  }
0x46: {  	s3 =	rddreg [dreg:$0x2];
	[bflag:$0x3] =	sbarrier.arrive $0xFFFF;
	s2 =	simm.s32 @!p0 $0x1C01  }
0x47: {  	[timem:s3], [sflag:s2] =	dma.local @!p0 [hbm:s0], s1  }
0x48: {  	s0 =	simm.s32 @!p0 $0x1  }
0x49: {  	_ =	swait.ge @!p0 [sflag:s0], s1  }
0x4a: {  	s1 =	ssub.s32 @!p0 $0x0, s1;
	[sflag:s0] =	ssyncset.done @!p0 $0x0  }
0x4b: {  	[sflag:s0] =	ssyncadd.s32 @!p0 s1  }
0x4c: {  	[bflag:$0x3] =	sbarrier.arrive $0xFFFF  }
0x4d: {  	_ =	shalt  }

</sc_bundles>
